<compile_context>
chip_gen: v7x
topology: tpu7x:2x2x1
jax: 0.10.2.dev20260603
libtpu: 0.0.44.dev20260713+nightly
codegen_flags: <defaults>
</compile_context>

<pallas_src>
import functools

import jax
import jax.numpy as jnp
from jax import lax
from jax.experimental import pallas as pl
from jax.experimental.pallas import tpu as pltpu
from jax.experimental.pallas import tpu_sc as plsc

ROWS = 64
VOCAB = 100000
NUM_CORES = 2
NUM_SUBCORES = 16
NUM_GROUPS = 8
GROUP_ROWS = ROWS // NUM_GROUPS
NUM_SLABS = 8
CHUNK_W = 3200
MAIN_COLS = 99968
LAST_OFF = MAIN_COLS - CHUNK_W
CHUNKS_PER_SLAB = 4
CHUNK_VREGS = CHUNK_W // 16
TAIL_W = 128
TAIL_VREGS = TAIL_W // 16
SC_GROUPS = 4
TC_ROW0 = SC_GROUPS * GROUP_ROWS
TC_ROWS = ROWS - TC_ROW0
TC_BLOCK_ROWS = 8

_mesh = plsc.VectorSubcoreMesh(
    core_axis_name="c", subcore_axis_name="s"
)


@functools.partial(
    pl.kernel,
    out_type=jax.ShapeDtypeStruct((SC_GROUPS, GROUP_ROWS, 128), jnp.int32),
    mesh=_mesh,
    scratch_types=[
        pltpu.VMEM((GROUP_ROWS, CHUNK_W), jnp.float32),
        pltpu.VMEM((GROUP_ROWS, CHUNK_W), jnp.float32),
        pltpu.VMEM((GROUP_ROWS, TAIL_W), jnp.float32),
        pltpu.VMEM((GROUP_ROWS, 128), jnp.float32),
        pltpu.VMEM((GROUP_ROWS, 128), jnp.int32),
        [pltpu.VMEM((GROUP_ROWS, 128), jnp.float32)] * NUM_SLABS,
        [pltpu.VMEM((GROUP_ROWS, 128), jnp.int32)] * NUM_SLABS,
        pltpu.VMEM_SHARED((NUM_SUBCORES, GROUP_ROWS, 128), jnp.float32),
        pltpu.VMEM_SHARED((NUM_SUBCORES, GROUP_ROWS, 128), jnp.int32),
        pltpu.SemaphoreType.DMA,
        pltpu.SemaphoreType.DMA,
        pltpu.SemaphoreType.DMA,
    ],
)
def _argmax_sc(
    x_hbm,
    tail_hbm,
    out_hbm,
    buf0,
    buf1,
    tailbuf,
    resv,
    resi,
    mrgv,
    mrgi,
    shv,
    shi,
    sem0,
    sem1,
    sem2,
):
  core = lax.axis_index("c")
  tile = lax.axis_index("s")
  group = core * (SC_GROUPS // NUM_CORES) + tile // NUM_SLABS
  slab = tile % NUM_SLABS
  active = tile < NUM_SLABS * (SC_GROUPS // NUM_CORES)
  row0 = group * GROUP_ROWS
  lane = lax.iota(jnp.int32, 16)

  def chunk_off(k):
    return jnp.minimum((slab + NUM_SLABS * k) * CHUNK_W, LAST_OFF)

  def chunk_src(k):
    return x_hbm.at[pl.ds(row0, GROUP_ROWS), pl.ds(chunk_off(k), CHUNK_W)]

  bufs = (buf0, buf1)
  sems = (sem0, sem1)

  def _scan_and_publish():
    tail_copy = pltpu.async_copy(
        tail_hbm.at[pl.ds(row0, GROUP_ROWS), :], tailbuf, sem2
    )
    copies = [None, None]
    copies[0] = pltpu.async_copy(chunk_src(0), bufs[0], sems[0])

    accs_v = [
        jnp.full((16,), -jnp.inf, jnp.float32) for _ in range(GROUP_ROWS)
    ]
    accs_i = [jnp.zeros((16,), jnp.int32) for _ in range(GROUP_ROWS)]
    for k in range(CHUNKS_PER_SLAB):
      if k + 1 < CHUNKS_PER_SLAB:
        copies[(k + 1) % 2] = pltpu.async_copy(
            chunk_src(k + 1), bufs[(k + 1) % 2], sems[(k + 1) % 2]
        )
      copies[k % 2].wait()
      base = chunk_off(k) + lane

      @plsc.parallel_loop(
          0, CHUNK_VREGS, unroll=2, carry=tuple(accs_v) + tuple(accs_i)
      )
      def carry(i, c, buf=bufs[k % 2], base=base):
        vs = list(c[:GROUP_ROWS])
        idxs = list(c[GROUP_ROWS:])
        idx = base + i * 16
        for r in range(GROUP_ROWS):
          v = buf[r, pl.ds(i * 16, 16)]
          m = v > vs[r]
          vs[r] = jnp.where(m, v, vs[r])
          idxs[r] = jnp.where(m, idx, idxs[r])
        return tuple(vs) + tuple(idxs)

      accs_v = list(carry[:GROUP_ROWS])
      accs_i = list(carry[GROUP_ROWS:])
    acc = tuple(accs_v) + tuple(accs_i)

    tail_copy.wait()

    def tail_body(i, c):
      vs = list(c[:GROUP_ROWS])
      idxs = list(c[GROUP_ROWS:])
      idx = lane + MAIN_COLS + i * 16
      for r in range(GROUP_ROWS):
        v = tailbuf[r, pl.ds(i * 16, 16)]
        m = v > vs[r]
        vs[r] = jnp.where(m, v, vs[r])
        idxs[r] = jnp.where(m, idx, idxs[r])
      return tuple(vs) + tuple(idxs)

    acc = lax.fori_loop(0, TAIL_VREGS, tail_body, acc)

    for r in range(GROUP_ROWS):
      resv[r, pl.ds(0, 16)] = acc[r]
      resi[r, pl.ds(0, 16)] = acc[GROUP_ROWS + r]
    pltpu.sync_copy(resv, shv.at[tile])
    pltpu.sync_copy(resi, shi.at[tile])

  pl.when(active)(_scan_and_publish)
  plsc.subcore_barrier()

  @pl.when(active & (slab == 0))
  def _merge():
    for s in range(NUM_SLABS):
      pltpu.sync_copy(shv.at[tile + s], mrgv[s])
      pltpu.sync_copy(shi.at[tile + s], mrgi[s])
    for r in range(GROUP_ROWS):
      cv = mrgv[0][r, pl.ds(0, 16)]
      ci = mrgi[0][r, pl.ds(0, 16)]
      for s in range(1, NUM_SLABS):
        v = mrgv[s][r, pl.ds(0, 16)]
        i = mrgi[s][r, pl.ds(0, 16)]
        take = (v > cv) | ((v == cv) & (i < ci))
        cv = jnp.where(take, v, cv)
        ci = jnp.where(take, i, ci)
      for sh in (8, 4, 2, 1):
        perm = lane ^ sh
        ov = cv.at[perm].get(mode="promise_in_bounds")
        oi = ci.at[perm].get(mode="promise_in_bounds")
        take = (ov > cv) | ((ov == cv) & (oi < ci))
        cv = jnp.where(take, ov, cv)
        ci = jnp.where(take, oi, ci)
      resi[r, pl.ds(0, 16)] = ci
    pltpu.sync_copy(resi, out_hbm.at[group])


def _tc_argmax_body(x_ref, o_ref):
  x = x_ref[...]
  iota = lax.broadcasted_iota(jnp.int32, (TC_BLOCK_ROWS, VOCAB), 1)
  m = jnp.max(x, axis=1, keepdims=True)
  cand = jnp.where(x == m, iota, jnp.int32(2**31 - 1))
  o_ref[...] = jnp.min(cand, axis=1, keepdims=True)


_tc_argmax = pl.pallas_call(
    _tc_argmax_body,
    grid=(TC_ROWS // TC_BLOCK_ROWS,),
    in_specs=[
        pl.BlockSpec(
            (TC_BLOCK_ROWS, VOCAB),
            lambda i: (TC_ROW0 // TC_BLOCK_ROWS + i, 0),
        )
    ],
    out_specs=pl.BlockSpec((TC_BLOCK_ROWS, 1), lambda i: (i, 0)),
    out_shape=jax.ShapeDtypeStruct((TC_ROWS, 1), jnp.int32),
)


def kernel(m_logits):
  tail = jnp.pad(
      m_logits[:, MAIN_COLS:],
      ((0, 0), (0, TAIL_W - (VOCAB - MAIN_COLS))),
      constant_values=-jnp.inf,
  )
  sc_out = _argmax_sc(m_logits, tail)
  tc_out = _tc_argmax(m_logits)
  return jnp.concatenate(
      [sc_out[:, :, 0].reshape(TC_ROW0, 1), tc_out], axis=0
  )

# --- scband reference (transcript-rebuilt; emitter-appended) ---
"""Pipeline reference for scband-greedy-head-90683939487871 (READ-ONLY COPY).

The authoritative reference and input builder live on the scoring server;
editing this copy changes nothing except your own understanding.
"""

import jax, jax.numpy as jnp
import numpy as np


def setup_inputs(seed: int = 0) -> dict:
    key = jax.random.key(seed)
    m_logits = jax.random.normal(key, (64, 100000), dtype=jnp.float32)
    return {"m_logits": m_logits}


def reference(m_logits):
    # torch.topk(m_logits.float(), 1) -> (values, indices); module returns indices
    values, token = jax.lax.top_k(m_logits.astype(jnp.float32), 1)
    return token

if __name__ == "__main__":
    import jax
    _d = setup_inputs()
    print(jax.jit(kernel)(*tuple(_d.values())))

</pallas_src>

<mosaic_0001>
#map = affine_map<(d0, d1) -> (0, 0)>
#map1 = affine_map<(d0, d1) -> (0, 0, 0)>
module attributes {stable_mosaic.version = 14 : i64} {
  func.func @_argmax_sc(%arg0: i32, %arg1: i32, %arg2: memref<64x100000xf32, #tpu.memory_space<hbm>>, %arg3: memref<64x128xf32, #tpu.memory_space<hbm>>, %arg4: memref<4x8x128xi32, #tpu.memory_space<hbm>>, %arg5: memref<8x3200xf32, #tpu.memory_space<vmem>>, %arg6: memref<8x3200xf32, #tpu.memory_space<vmem>>, %arg7: memref<8x128xf32, #tpu.memory_space<vmem>>, %arg8: memref<8x128xf32, #tpu.memory_space<vmem>>, %arg9: memref<8x128xi32, #tpu.memory_space<vmem>>, %arg10: memref<8x128xf32, #tpu.memory_space<vmem>>, %arg11: memref<8x128xf32, #tpu.memory_space<vmem>>, %arg12: memref<8x128xf32, #tpu.memory_space<vmem>>, %arg13: memref<8x128xf32, #tpu.memory_space<vmem>>, %arg14: memref<8x128xf32, #tpu.memory_space<vmem>>, %arg15: memref<8x128xf32, #tpu.memory_space<vmem>>, %arg16: memref<8x128xf32, #tpu.memory_space<vmem>>, %arg17: memref<8x128xf32, #tpu.memory_space<vmem>>, %arg18: memref<8x128xi32, #tpu.memory_space<vmem>>, %arg19: memref<8x128xi32, #tpu.memory_space<vmem>>, %arg20: memref<8x128xi32, #tpu.memory_space<vmem>>, %arg21: memref<8x128xi32, #tpu.memory_space<vmem>>, %arg22: memref<8x128xi32, #tpu.memory_space<vmem>>, %arg23: memref<8x128xi32, #tpu.memory_space<vmem>>, %arg24: memref<8x128xi32, #tpu.memory_space<vmem>>, %arg25: memref<8x128xi32, #tpu.memory_space<vmem>>, %arg26: memref<16x8x128xf32, #tpu.memory_space<vmem_shared>>, %arg27: memref<16x8x128xi32, #tpu.memory_space<vmem_shared>>, %arg28: memref<!tpu.dma_semaphore, #tpu.memory_space<semaphore_mem>>, %arg29: memref<!tpu.dma_semaphore, #tpu.memory_space<semaphore_mem>>, %arg30: memref<!tpu.dma_semaphore, #tpu.memory_space<semaphore_mem>>) attributes {dimension_semantics = [#tpu.dimension_semantics<core_parallel>, #tpu.dimension_semantics<subcore_parallel>], iteration_bounds = array<i64: 2, 16>, scalar_prefetch = 0 : i64, scratch_operands = 26 : i64, tpu.core_type = #tpu.core_type<sc_vector_subcore>, window_params = [{transform_indices = #map}, {transform_indices = #map}, {transform_indices = #map1}]} {
    %mul3A = arith.constant 2 : i32
    %mul3A_0 = arith.muli %arg0, %mul3A : i32
    %jit3A = arith.constant 8 : i32
    %div3A = arith.divsi %arg1, %jit3A : i32
    %sign3A = arith.constant 0 : i32
    %sign3A_1 = arith.cmpi sgt, %arg1, %sign3A : i32
    %sign3A_2 = arith.extui %sign3A_1 : i1 to i32
    %sign3A_3 = arith.constant 0 : i32
    %sign3A_4 = arith.cmpi slt, %arg1, %sign3A_3 : i32
    %sign3A_5 = arith.extui %sign3A_4 : i1 to i32
    %sign3A_6 = arith.subi %sign3A_2, %sign3A_5 : i32
    %sign3A_7 = arith.constant 0 : i32
    %sign3A_8 = arith.cmpi sgt, %jit3A, %sign3A_7 : i32
    %sign3A_9 = arith.extui %sign3A_8 : i1 to i32
    %sign3A_10 = arith.constant 0 : i32
    %sign3A_11 = arith.cmpi slt, %jit3A, %sign3A_10 : i32
    %sign3A_12 = arith.extui %sign3A_11 : i1 to i32
    %sign3A_13 = arith.subi %sign3A_9, %sign3A_12 : i32
    %ne3A = arith.cmpi ne, %sign3A_6, %sign3A_13 : i32
    %rem3A = arith.remsi %arg1, %jit3A : i32
    %ne3A_14 = arith.constant 0 : i32
    %ne3A_15 = arith.cmpi ne, %rem3A, %ne3A_14 : i32
    %and3A = arith.andi %ne3A, %ne3A_15 : i1
    %sub3A = arith.constant 1 : i32
    %sub3A_16 = arith.subi %div3A, %sub3A : i32
    %select_n3A = arith.select %and3A, %sub3A_16, %div3A : i32
    %add3A = arith.addi %mul3A_0, %select_n3A : i32
    %jit3A_17 = arith.constant 8 : i32
    %eq3A = arith.constant 0 : i32
    %eq3A_18 = arith.cmpi eq, %jit3A_17, %eq3A : i32
    %jit3A_19 = arith.constant 1 : i32
    %select_n3A_20 = arith.select %eq3A_18, %jit3A_19, %jit3A_17 : i32
    %rem3A_21 = arith.remsi %arg1, %select_n3A_20 : i32
    %ne3A_22 = arith.constant 0 : i32
    %ne3A_23 = arith.cmpi ne, %rem3A_21, %ne3A_22 : i32
    %lt3A = arith.constant 0 : i32
    %lt3A_24 = arith.cmpi slt, %rem3A_21, %lt3A : i32
    %lt3A_25 = arith.constant 0 : i32
    %lt3A_26 = arith.cmpi slt, %select_n3A_20, %lt3A_25 : i32
    %ne3A_27 = arith.xori %lt3A_24, %lt3A_26 : i1
    %and3A_28 = arith.andi %ne3A_27, %ne3A_23 : i1
    %add3A_29 = arith.addi %rem3A_21, %select_n3A_20 : i32
    %select_n3A_30 = arith.select %and3A_28, %add3A_29, %rem3A_21 : i32
    %lt3A_31 = arith.constant 16 : i32
    %lt3A_32 = arith.cmpi slt, %arg1, %lt3A_31 : i32
    %mul3A_33 = arith.constant 8 : i32
    %mul3A_34 = arith.muli %add3A, %mul3A_33 : i32
    %iota3A = tpu.iota {dimensions = array<i32: 0>} : vector<16xi32>
    %convert_element_type3A = arith.extui %lt3A_32 : i1 to i32
    %cond3A = arith.constant 0 : i32
    %cond3A_35 = arith.cmpi ne, %convert_element_type3A, %cond3A : i32
    scf.if %cond3A_35 {
      %dma_start3A = arith.constant 0 : i32
      %dma_start3A_42 = tpu.memref_slice %arg3[%mul3A_34, %dma_start3A] : memref<64x128xf32, #tpu.memory_space<hbm>> -> memref<8x128xf32, #tpu.memory_space<hbm>>
      %dma_start3A_43 = arith.constant 0 : i32
      %dma_start3A_44 = tpu.memref_slice %arg3[%mul3A_34, %dma_start3A_43] : memref<64x128xf32, #tpu.memory_space<hbm>> -> memref<8x128xf32, #tpu.memory_space<hbm>>
      tpu.enqueue_dma source(%dma_start3A_44 : memref<8x128xf32, #tpu.memory_space<hbm>>) target(%arg7 : memref<8x128xf32, #tpu.memory_space<vmem>>) target_semaphore(%arg30 : memref<!tpu.dma_semaphore, #tpu.memory_space<semaphore_mem>>)
      %add3A_45 = arith.constant 0 : i32
      %add3A_46 = arith.addi %select_n3A_30, %add3A_45 : i32
      %mul3A_47 = arith.constant 3200 : i32
      %mul3A_48 = arith.muli %add3A_46, %mul3A_47 : i32
      %min3A = arith.constant 96768 : i32
      %min3A_49 = arith.minsi %mul3A_48, %min3A : i32
      %dma_start3A_50 = tpu.memref_slice %arg2[%mul3A_34, %min3A_49] : memref<64x100000xf32, #tpu.memory_space<hbm>> -> memref<8x3200xf32, #tpu.memory_space<hbm>>
      %dma_start3A_51 = tpu.memref_slice %arg2[%mul3A_34, %min3A_49] : memref<64x100000xf32, #tpu.memory_space<hbm>> -> memref<8x3200xf32, #tpu.memory_space<hbm>>
      tpu.enqueue_dma source(%dma_start3A_51 : memref<8x3200xf32, #tpu.memory_space<hbm>>) target(%arg5 : memref<8x3200xf32, #tpu.memory_space<vmem>>) target_semaphore(%arg28 : memref<!tpu.dma_semaphore, #tpu.memory_space<semaphore_mem>>)
      %broadcast_in_dim3A = arith.constant 0xFF800000 : f32
      %broadcast_in_dim3A_52 = vector.broadcast %broadcast_in_dim3A : f32 to vector<16xf32>
      %broadcast_in_dim3A_53 = arith.constant 0xFF800000 : f32
      %broadcast_in_dim3A_54 = vector.broadcast %broadcast_in_dim3A_53 : f32 to vector<16xf32>
      %broadcast_in_dim3A_55 = arith.constant 0xFF800000 : f32
      %broadcast_in_dim3A_56 = vector.broadcast %broadcast_in_dim3A_55 : f32 to vector<16xf32>
      %broadcast_in_dim3A_57 = arith.constant 0xFF800000 : f32
      %broadcast_in_dim3A_58 = vector.broadcast %broadcast_in_dim3A_57 : f32 to vector<16xf32>
      %broadcast_in_dim3A_59 = arith.constant 0xFF800000 : f32
      %broadcast_in_dim3A_60 = vector.broadcast %broadcast_in_dim3A_59 : f32 to vector<16xf32>
      %broadcast_in_dim3A_61 = arith.constant 0xFF800000 : f32
      %broadcast_in_dim3A_62 = vector.broadcast %broadcast_in_dim3A_61 : f32 to vector<16xf32>
      %broadcast_in_dim3A_63 = arith.constant 0xFF800000 : f32
      %broadcast_in_dim3A_64 = vector.broadcast %broadcast_in_dim3A_63 : f32 to vector<16xf32>
      %broadcast_in_dim3A_65 = arith.constant 0xFF800000 : f32
      %broadcast_in_dim3A_66 = vector.broadcast %broadcast_in_dim3A_65 : f32 to vector<16xf32>
      %broadcast_in_dim3A_67 = arith.constant 0 : i32
      %broadcast_in_dim3A_68 = vector.broadcast %broadcast_in_dim3A_67 : i32 to vector<16xi32>
      %broadcast_in_dim3A_69 = arith.constant 0 : i32
      %broadcast_in_dim3A_70 = vector.broadcast %broadcast_in_dim3A_69 : i32 to vector<16xi32>
      %broadcast_in_dim3A_71 = arith.constant 0 : i32
      %broadcast_in_dim3A_72 = vector.broadcast %broadcast_in_dim3A_71 : i32 to vector<16xi32>
      %broadcast_in_dim3A_73 = arith.constant 0 : i32
      %broadcast_in_dim3A_74 = vector.broadcast %broadcast_in_dim3A_73 : i32 to vector<16xi32>
      %broadcast_in_dim3A_75 = arith.constant 0 : i32
      %broadcast_in_dim3A_76 = vector.broadcast %broadcast_in_dim3A_75 : i32 to vector<16xi32>
      %broadcast_in_dim3A_77 = arith.constant 0 : i32
      %broadcast_in_dim3A_78 = vector.broadcast %broadcast_in_dim3A_77 : i32 to vector<16xi32>
      %broadcast_in_dim3A_79 = arith.constant 0 : i32
      %broadcast_in_dim3A_80 = vector.broadcast %broadcast_in_dim3A_79 : i32 to vector<16xi32>
      %broadcast_in_dim3A_81 = arith.constant 0 : i32
      %broadcast_in_dim3A_82 = vector.broadcast %broadcast_in_dim3A_81 : i32 to vector<16xi32>
      %add3A_83 = arith.constant 8 : i32
      %add3A_84 = arith.addi %select_n3A_30, %add3A_83 : i32
      %mul3A_85 = arith.constant 3200 : i32
      %mul3A_86 = arith.muli %add3A_84, %mul3A_85 : i32
      %min3A_87 = arith.constant 96768 : i32
      %min3A_88 = arith.minsi %mul3A_86, %min3A_87 : i32
      %dma_start3A_89 = tpu.memref_slice %arg2[%mul3A_34, %min3A_88] : memref<64x100000xf32, #tpu.memory_space<hbm>> -> memref<8x3200xf32, #tpu.memory_space<hbm>>
      %dma_start3A_90 = tpu.memref_slice %arg2[%mul3A_34, %min3A_88] : memref<64x100000xf32, #tpu.memory_space<hbm>> -> memref<8x3200xf32, #tpu.memory_space<hbm>>
      tpu.enqueue_dma source(%dma_start3A_90 : memref<8x3200xf32, #tpu.memory_space<hbm>>) target(%arg6 : memref<8x3200xf32, #tpu.memory_space<vmem>>) target_semaphore(%arg29 : memref<!tpu.dma_semaphore, #tpu.memory_space<semaphore_mem>>)
      %dma_wait3A = tpu.memref_slice %arg2[%mul3A_34, %min3A_49] : memref<64x100000xf32, #tpu.memory_space<hbm>> -> memref<8x3200xf32, #tpu.memory_space<hbm>>
      %dma_wait3A_91 = tpu.memref_slice %arg2[%mul3A_34, %min3A_49] : memref<64x100000xf32, #tpu.memory_space<hbm>> -> memref<8x3200xf32, #tpu.memory_space<hbm>>
      tpu.wait_dma2 semaphore(%arg28 : memref<!tpu.dma_semaphore, #tpu.memory_space<semaphore_mem>>) src(%dma_wait3A_91 : memref<8x3200xf32, #tpu.memory_space<hbm>>) dst(%arg5 : memref<8x3200xf32, #tpu.memory_space<vmem>>)
      %add3A_92 = arith.constant 0 : i32
      %add3A_93 = arith.addi %select_n3A_30, %add3A_92 : i32
      %mul3A_94 = arith.constant 3200 : i32
      %mul3A_95 = arith.muli %add3A_93, %mul3A_94 : i32
      %min3A_96 = arith.constant 96768 : i32
      %min3A_97 = arith.minsi %mul3A_95, %min3A_96 : i32
      %add3A_98 = vector.broadcast %min3A_97 : i32 to vector<16xi32>
      %add3A_99 = arith.addi %add3A_98, %iota3A : vector<16xi32>
      %parallel_loop3A = arith.constant 0 : i32
      %parallel_loop3A_100 = arith.constant 200 : i32
      %parallel_loop3A_101 = arith.constant 1 : i32
      %parallel_loop3A_102:16 = scf.for %parallel_loop3A_265 = %parallel_loop3A to %parallel_loop3A_100 step %parallel_loop3A_101 iter_args(%parallel_loop3A_266 = %broadcast_in_dim3A_52, %parallel_loop3A_267 = %broadcast_in_dim3A_54, %parallel_loop3A_268 = %broadcast_in_dim3A_56, %parallel_loop3A_269 = %broadcast_in_dim3A_58, %parallel_loop3A_270 = %broadcast_in_dim3A_60, %parallel_loop3A_271 = %broadcast_in_dim3A_62, %parallel_loop3A_272 = %broadcast_in_dim3A_64, %parallel_loop3A_273 = %broadcast_in_dim3A_66, %parallel_loop3A_274 = %broadcast_in_dim3A_68, %parallel_loop3A_275 = %broadcast_in_dim3A_70, %parallel_loop3A_276 = %broadcast_in_dim3A_72, %parallel_loop3A_277 = %broadcast_in_dim3A_74, %parallel_loop3A_278 = %broadcast_in_dim3A_76, %parallel_loop3A_279 = %broadcast_in_dim3A_78, %parallel_loop3A_280 = %broadcast_in_dim3A_80, %parallel_loop3A_281 = %broadcast_in_dim3A_82) -> (vector<16xf32>, vector<16xf32>, vector<16xf32>, vector<16xf32>, vector<16xf32>, vector<16xf32>, vector<16xf32>, vector<16xf32>, vector<16xi32>, vector<16xi32>, vector<16xi32>, vector<16xi32>, vector<16xi32>, vector<16xi32>, vector<16xi32>, vector<16xi32>)  : i32 {
        %parallel_loop3A_282 = arith.constant 16 : i32
        %parallel_loop3A_283 = arith.muli %parallel_loop3A_265, %parallel_loop3A_282 : i32
        %parallel_loop3A_284 = vector.broadcast %parallel_loop3A_283 : i32 to vector<16xi32>
        %parallel_loop3A_285 = arith.addi %add3A_99, %parallel_loop3A_284 : vector<16xi32>
        %parallel_loop3A_286 = arith.constant 16 : i32
        %parallel_loop3A_287 = arith.muli %parallel_loop3A_265, %parallel_loop3A_286 : i32
        %parallel_loop3A_288 = arith.constant 0 : i32
        %parallel_loop3A_289 = arith.index_cast %parallel_loop3A_288 : i32 to index
        %parallel_loop3A_290 = arith.index_cast %parallel_loop3A_287 : i32 to index
        %parallel_loop3A_291 = tpu.vector_load %arg5[%parallel_loop3A_289, %parallel_loop3A_290] {strides = array<i32>} : memref<8x3200xf32, #tpu.memory_space<vmem>>, vector<1x16xf32>,
        %parallel_loop3A_292 = vector.shape_cast %parallel_loop3A_291 : vector<1x16xf32> to vector<16xf32>
        %parallel_loop3A_293 = arith.cmpf ogt, %parallel_loop3A_292, %parallel_loop3A_266 : vector<16xf32>
        %parallel_loop3A_294 = arith.select %parallel_loop3A_293, %parallel_loop3A_292, %parallel_loop3A_266 : vector<16xi1>, vector<16xf32>
        %parallel_loop3A_295 = arith.select %parallel_loop3A_293, %parallel_loop3A_285, %parallel_loop3A_274 : vector<16xi1>, vector<16xi32>
        %parallel_loop3A_296 = arith.constant 16 : i32
        %parallel_loop3A_297 = arith.muli %parallel_loop3A_265, %parallel_loop3A_296 : i32
        %parallel_loop3A_298 = arith.constant 1 : i32
        %parallel_loop3A_299 = arith.index_cast %parallel_loop3A_298 : i32 to index
        %parallel_loop3A_300 = arith.index_cast %parallel_loop3A_297 : i32 to index
        %parallel_loop3A_301 = tpu.vector_load %arg5[%parallel_loop3A_299, %parallel_loop3A_300] {strides = array<i32>} : memref<8x3200xf32, #tpu.memory_space<vmem>>, vector<1x16xf32>,
        %parallel_loop3A_302 = vector.shape_cast %parallel_loop3A_301 : vector<1x16xf32> to vector<16xf32>
        %parallel_loop3A_303 = arith.cmpf ogt, %parallel_loop3A_302, %parallel_loop3A_267 : vector<16xf32>
        %parallel_loop3A_304 = arith.select %parallel_loop3A_303, %parallel_loop3A_302, %parallel_loop3A_267 : vector<16xi1>, vector<16xf32>
        %parallel_loop3A_305 = arith.select %parallel_loop3A_303, %parallel_loop3A_285, %parallel_loop3A_275 : vector<16xi1>, vector<16xi32>
        %parallel_loop3A_306 = arith.constant 16 : i32
        %parallel_loop3A_307 = arith.muli %parallel_loop3A_265, %parallel_loop3A_306 : i32
        %parallel_loop3A_308 = arith.constant 2 : i32
        %parallel_loop3A_309 = arith.index_cast %parallel_loop3A_308 : i32 to index
        %parallel_loop3A_310 = arith.index_cast %parallel_loop3A_307 : i32 to index
        %parallel_loop3A_311 = tpu.vector_load %arg5[%parallel_loop3A_309, %parallel_loop3A_310] {strides = array<i32>} : memref<8x3200xf32, #tpu.memory_space<vmem>>, vector<1x16xf32>,
        %parallel_loop3A_312 = vector.shape_cast %parallel_loop3A_311 : vector<1x16xf32> to vector<16xf32>
        %parallel_loop3A_313 = arith.cmpf ogt, %parallel_loop3A_312, %parallel_loop3A_268 : vector<16xf32>
        %parallel_loop3A_314 = arith.select %parallel_loop3A_313, %parallel_loop3A_312, %parallel_loop3A_268 : vector<16xi1>, vector<16xf32>
        %parallel_loop3A_315 = arith.select %parallel_loop3A_313, %parallel_loop3A_285, %parallel_loop3A_276 : vector<16xi1>, vector<16xi32>
        %parallel_loop3A_316 = arith.constant 16 : i32
        %parallel_loop3A_317 = arith.muli %parallel_loop3A_265, %parallel_loop3A_316 : i32
        %parallel_loop3A_318 = arith.constant 3 : i32
        %parallel_loop3A_319 = arith.index_cast %parallel_loop3A_318 : i32 to index
        %parallel_loop3A_320 = arith.index_cast %parallel_loop3A_317 : i32 to index
        %parallel_loop3A_321 = tpu.vector_load %arg5[%parallel_loop3A_319, %parallel_loop3A_320] {strides = array<i32>} : memref<8x3200xf32, #tpu.memory_space<vmem>>, vector<1x16xf32>,
        %parallel_loop3A_322 = vector.shape_cast %parallel_loop3A_321 : vector<1x16xf32> to vector<16xf32>
        %parallel_loop3A_323 = arith.cmpf ogt, %parallel_loop3A_322, %parallel_loop3A_269 : vector<16xf32>
        %parallel_loop3A_324 = arith.select %parallel_loop3A_323, %parallel_loop3A_322, %parallel_loop3A_269 : vector<16xi1>, vector<16xf32>
        %parallel_loop3A_325 = arith.select %parallel_loop3A_323, %parallel_loop3A_285, %parallel_loop3A_277 : vector<16xi1>, vector<16xi32>
        %parallel_loop3A_326 = arith.constant 16 : i32
        %parallel_loop3A_327 = arith.muli %parallel_loop3A_265, %parallel_loop3A_326 : i32
        %parallel_loop3A_328 = arith.constant 4 : i32
        %parallel_loop3A_329 = arith.index_cast %parallel_loop3A_328 : i32 to index
        %parallel_loop3A_330 = arith.index_cast %parallel_loop3A_327 : i32 to index
        %parallel_loop3A_331 = tpu.vector_load %arg5[%parallel_loop3A_329, %parallel_loop3A_330] {strides = array<i32>} : memref<8x3200xf32, #tpu.memory_space<vmem>>, vector<1x16xf32>,
        %parallel_loop3A_332 = vector.shape_cast %parallel_loop3A_331 : vector<1x16xf32> to vector<16xf32>
        %parallel_loop3A_333 = arith.cmpf ogt, %parallel_loop3A_332, %parallel_loop3A_270 : vector<16xf32>
        %parallel_loop3A_334 = arith.select %parallel_loop3A_333, %parallel_loop3A_332, %parallel_loop3A_270 : vector<16xi1>, vector<16xf32>
        %parallel_loop3A_335 = arith.select %parallel_loop3A_333, %parallel_loop3A_285, %parallel_loop3A_278 : vector<16xi1>, vector<16xi32>
        %parallel_loop3A_336 = arith.constant 16 : i32
        %parallel_loop3A_337 = arith.muli %parallel_loop3A_265, %parallel_loop3A_336 : i32
        %parallel_loop3A_338 = arith.constant 5 : i32
        %parallel_loop3A_339 = arith.index_cast %parallel_loop3A_338 : i32 to index
        %parallel_loop3A_340 = arith.index_cast %parallel_loop3A_337 : i32 to index
        %parallel_loop3A_341 = tpu.vector_load %arg5[%parallel_loop3A_339, %parallel_loop3A_340] {strides = array<i32>} : memref<8x3200xf32, #tpu.memory_space<vmem>>, vector<1x16xf32>,
        %parallel_loop3A_342 = vector.shape_cast %parallel_loop3A_341 : vector<1x16xf32> to vector<16xf32>
        %parallel_loop3A_343 = arith.cmpf ogt, %parallel_loop3A_342, %parallel_loop3A_271 : vector<16xf32>
        %parallel_loop3A_344 = arith.select %parallel_loop3A_343, %parallel_loop3A_342, %parallel_loop3A_271 : vector<16xi1>, vector<16xf32>
        %parallel_loop3A_345 = arith.select %parallel_loop3A_343, %parallel_loop3A_285, %parallel_loop3A_279 : vector<16xi1>, vector<16xi32>
        %parallel_loop3A_346 = arith.constant 16 : i32
        %parallel_loop3A_347 = arith.muli %parallel_loop3A_265, %parallel_loop3A_346 : i32
        %parallel_loop3A_348 = arith.constant 6 : i32
        %parallel_loop3A_349 = arith.index_cast %parallel_loop3A_348 : i32 to index
        %parallel_loop3A_350 = arith.index_cast %parallel_loop3A_347 : i32 to index
        %parallel_loop3A_351 = tpu.vector_load %arg5[%parallel_loop3A_349, %parallel_loop3A_350] {strides = array<i32>} : memref<8x3200xf32, #tpu.memory_space<vmem>>, vector<1x16xf32>,
        %parallel_loop3A_352 = vector.shape_cast %parallel_loop3A_351 : vector<1x16xf32> to vector<16xf32>
        %parallel_loop3A_353 = arith.cmpf ogt, %parallel_loop3A_352, %parallel_loop3A_272 : vector<16xf32>
        %parallel_loop3A_354 = arith.select %parallel_loop3A_353, %parallel_loop3A_352, %parallel_loop3A_272 : vector<16xi1>, vector<16xf32>
        %parallel_loop3A_355 = arith.select %parallel_loop3A_353, %parallel_loop3A_285, %parallel_loop3A_280 : vector<16xi1>, vector<16xi32>
        %parallel_loop3A_356 = arith.constant 16 : i32
        %parallel_loop3A_357 = arith.muli %parallel_loop3A_265, %parallel_loop3A_356 : i32
        %parallel_loop3A_358 = arith.constant 7 : i32
        %parallel_loop3A_359 = arith.index_cast %parallel_loop3A_358 : i32 to index
        %parallel_loop3A_360 = arith.index_cast %parallel_loop3A_357 : i32 to index
        %parallel_loop3A_361 = tpu.vector_load %arg5[%parallel_loop3A_359, %parallel_loop3A_360] {strides = array<i32>} : memref<8x3200xf32, #tpu.memory_space<vmem>>, vector<1x16xf32>,
        %parallel_loop3A_362 = vector.shape_cast %parallel_loop3A_361 : vector<1x16xf32> to vector<16xf32>
        %parallel_loop3A_363 = arith.cmpf ogt, %parallel_loop3A_362, %parallel_loop3A_273 : vector<16xf32>
        %parallel_loop3A_364 = arith.select %parallel_loop3A_363, %parallel_loop3A_362, %parallel_loop3A_273 : vector<16xi1>, vector<16xf32>
        %parallel_loop3A_365 = arith.select %parallel_loop3A_363, %parallel_loop3A_285, %parallel_loop3A_281 : vector<16xi1>, vector<16xi32>
        scf.yield %parallel_loop3A_294, %parallel_loop3A_304, %parallel_loop3A_314, %parallel_loop3A_324, %parallel_loop3A_334, %parallel_loop3A_344, %parallel_loop3A_354, %parallel_loop3A_364, %parallel_loop3A_295, %parallel_loop3A_305, %parallel_loop3A_315, %parallel_loop3A_325, %parallel_loop3A_335, %parallel_loop3A_345, %parallel_loop3A_355, %parallel_loop3A_365 : vector<16xf32>, vector<16xf32>, vector<16xf32>, vector<16xf32>, vector<16xf32>, vector<16xf32>, vector<16xf32>, vector<16xf32>, vector<16xi32>, vector<16xi32>, vector<16xi32>, vector<16xi32>, vector<16xi32>, vector<16xi32>, vector<16xi32>, vector<16xi32>
      } {sc.loop_unroll_factor = 2 : i64, sc.parallel_access}
      %add3A_103 = arith.constant 16 : i32
      %add3A_104 = arith.addi %select_n3A_30, %add3A_103 : i32
      %mul3A_105 = arith.constant 3200 : i32
      %mul3A_106 = arith.muli %add3A_104, %mul3A_105 : i32
      %min3A_107 = arith.constant 96768 : i32
      %min3A_108 = arith.minsi %mul3A_106, %min3A_107 : i32
      %dma_start3A_109 = tpu.memref_slice %arg2[%mul3A_34, %min3A_108] : memref<64x100000xf32, #tpu.memory_space<hbm>> -> memref<8x3200xf32, #tpu.memory_space<hbm>>
      %dma_start3A_110 = tpu.memref_slice %arg2[%mul3A_34, %min3A_108] : memref<64x100000xf32, #tpu.memory_space<hbm>> -> memref<8x3200xf32, #tpu.memory_space<hbm>>
      tpu.enqueue_dma source(%dma_start3A_110 : memref<8x3200xf32, #tpu.memory_space<hbm>>) target(%arg5 : memref<8x3200xf32, #tpu.memory_space<vmem>>) target_semaphore(%arg28 : memref<!tpu.dma_semaphore, #tpu.memory_space<semaphore_mem>>)
      %dma_wait3A_111 = tpu.memref_slice %arg2[%mul3A_34, %min3A_88] : memref<64x100000xf32, #tpu.memory_space<hbm>> -> memref<8x3200xf32, #tpu.memory_space<hbm>>
      %dma_wait3A_112 = tpu.memref_slice %arg2[%mul3A_34, %min3A_88] : memref<64x100000xf32, #tpu.memory_space<hbm>> -> memref<8x3200xf32, #tpu.memory_space<hbm>>
      tpu.wait_dma2 semaphore(%arg29 : memref<!tpu.dma_semaphore, #tpu.memory_space<semaphore_mem>>) src(%dma_wait3A_112 : memref<8x3200xf32, #tpu.memory_space<hbm>>) dst(%arg6 : memref<8x3200xf32, #tpu.memory_space<vmem>>)
      %add3A_113 = arith.constant 8 : i32
      %add3A_114 = arith.addi %select_n3A_30, %add3A_113 : i32
      %mul3A_115 = arith.constant 3200 : i32
      %mul3A_116 = arith.muli %add3A_114, %mul3A_115 : i32
      %min3A_117 = arith.constant 96768 : i32
      %min3A_118 = arith.minsi %mul3A_116, %min3A_117 : i32
      %add3A_119 = vector.broadcast %min3A_118 : i32 to vector<16xi32>
      %add3A_120 = arith.addi %add3A_119, %iota3A : vector<16xi32>
      %parallel_loop3A_121 = arith.constant 0 : i32
      %parallel_loop3A_122 = arith.constant 200 : i32
      %parallel_loop3A_123 = arith.constant 1 : i32
      %parallel_loop3A_124:16 = scf.for %parallel_loop3A_265 = %parallel_loop3A_121 to %parallel_loop3A_122 step %parallel_loop3A_123 iter_args(%parallel_loop3A_266 = %parallel_loop3A_102#0, %parallel_loop3A_267 = %parallel_loop3A_102#1, %parallel_loop3A_268 = %parallel_loop3A_102#2, %parallel_loop3A_269 = %parallel_loop3A_102#3, %parallel_loop3A_270 = %parallel_loop3A_102#4, %parallel_loop3A_271 = %parallel_loop3A_102#5, %parallel_loop3A_272 = %parallel_loop3A_102#6, %parallel_loop3A_273 = %parallel_loop3A_102#7, %parallel_loop3A_274 = %parallel_loop3A_102#8, %parallel_loop3A_275 = %parallel_loop3A_102#9, %parallel_loop3A_276 = %parallel_loop3A_102#10, %parallel_loop3A_277 = %parallel_loop3A_102#11, %parallel_loop3A_278 = %parallel_loop3A_102#12, %parallel_loop3A_279 = %parallel_loop3A_102#13, %parallel_loop3A_280 = %parallel_loop3A_102#14, %parallel_loop3A_281 = %parallel_loop3A_102#15) -> (vector<16xf32>, vector<16xf32>, vector<16xf32>, vector<16xf32>, vector<16xf32>, vector<16xf32>, vector<16xf32>, vector<16xf32>, vector<16xi32>, vector<16xi32>, vector<16xi32>, vector<16xi32>, vector<16xi32>, vector<16xi32>, vector<16xi32>, vector<16xi32>)  : i32 {
        %parallel_loop3A_282 = arith.constant 16 : i32
        %parallel_loop3A_283 = arith.muli %parallel_loop3A_265, %parallel_loop3A_282 : i32
        %parallel_loop3A_284 = vector.broadcast %parallel_loop3A_283 : i32 to vector<16xi32>
        %parallel_loop3A_285 = arith.addi %add3A_120, %parallel_loop3A_284 : vector<16xi32>
        %parallel_loop3A_286 = arith.constant 16 : i32
        %parallel_loop3A_287 = arith.muli %parallel_loop3A_265, %parallel_loop3A_286 : i32
        %parallel_loop3A_288 = arith.constant 0 : i32
        %parallel_loop3A_289 = arith.index_cast %parallel_loop3A_288 : i32 to index
        %parallel_loop3A_290 = arith.index_cast %parallel_loop3A_287 : i32 to index
        %parallel_loop3A_291 = tpu.vector_load %arg6[%parallel_loop3A_289, %parallel_loop3A_290] {strides = array<i32>} : memref<8x3200xf32, #tpu.memory_space<vmem>>, vector<1x16xf32>,
        %parallel_loop3A_292 = vector.shape_cast %parallel_loop3A_291 : vector<1x16xf32> to vector<16xf32>
        %parallel_loop3A_293 = arith.cmpf ogt, %parallel_loop3A_292, %parallel_loop3A_266 : vector<16xf32>
        %parallel_loop3A_294 = arith.select %parallel_loop3A_293, %parallel_loop3A_292, %parallel_loop3A_266 : vector<16xi1>, vector<16xf32>
        %parallel_loop3A_295 = arith.select %parallel_loop3A_293, %parallel_loop3A_285, %parallel_loop3A_274 : vector<16xi1>, vector<16xi32>
        %parallel_loop3A_296 = arith.constant 16 : i32
        %parallel_loop3A_297 = arith.muli %parallel_loop3A_265, %parallel_loop3A_296 : i32
        %parallel_loop3A_298 = arith.constant 1 : i32
        %parallel_loop3A_299 = arith.index_cast %parallel_loop3A_298 : i32 to index
        %parallel_loop3A_300 = arith.index_cast %parallel_loop3A_297 : i32 to index
        %parallel_loop3A_301 = tpu.vector_load %arg6[%parallel_loop3A_299, %parallel_loop3A_300] {strides = array<i32>} : memref<8x3200xf32, #tpu.memory_space<vmem>>, vector<1x16xf32>,
        %parallel_loop3A_302 = vector.shape_cast %parallel_loop3A_301 : vector<1x16xf32> to vector<16xf32>
        %parallel_loop3A_303 = arith.cmpf ogt, %parallel_loop3A_302, %parallel_loop3A_267 : vector<16xf32>
        %parallel_loop3A_304 = arith.select %parallel_loop3A_303, %parallel_loop3A_302, %parallel_loop3A_267 : vector<16xi1>, vector<16xf32>
        %parallel_loop3A_305 = arith.select %parallel_loop3A_303, %parallel_loop3A_285, %parallel_loop3A_275 : vector<16xi1>, vector<16xi32>
        %parallel_loop3A_306 = arith.constant 16 : i32
        %parallel_loop3A_307 = arith.muli %parallel_loop3A_265, %parallel_loop3A_306 : i32
        %parallel_loop3A_308 = arith.constant 2 : i32
        %parallel_loop3A_309 = arith.index_cast %parallel_loop3A_308 : i32 to index
        %parallel_loop3A_310 = arith.index_cast %parallel_loop3A_307 : i32 to index
        %parallel_loop3A_311 = tpu.vector_load %arg6[%parallel_loop3A_309, %parallel_loop3A_310] {strides = array<i32>} : memref<8x3200xf32, #tpu.memory_space<vmem>>, vector<1x16xf32>,
        %parallel_loop3A_312 = vector.shape_cast %parallel_loop3A_311 : vector<1x16xf32> to vector<16xf32>
        %parallel_loop3A_313 = arith.cmpf ogt, %parallel_loop3A_312, %parallel_loop3A_268 : vector<16xf32>
        %parallel_loop3A_314 = arith.select %parallel_loop3A_313, %parallel_loop3A_312, %parallel_loop3A_268 : vector<16xi1>, vector<16xf32>
        %parallel_loop3A_315 = arith.select %parallel_loop3A_313, %parallel_loop3A_285, %parallel_loop3A_276 : vector<16xi1>, vector<16xi32>
        %parallel_loop3A_316 = arith.constant 16 : i32
        %parallel_loop3A_317 = arith.muli %parallel_loop3A_265, %parallel_loop3A_316 : i32
        %parallel_loop3A_318 = arith.constant 3 : i32
        %parallel_loop3A_319 = arith.index_cast %parallel_loop3A_318 : i32 to index
        %parallel_loop3A_320 = arith.index_cast %parallel_loop3A_317 : i32 to index
        %parallel_loop3A_321 = tpu.vector_load %arg6[%parallel_loop3A_319, %parallel_loop3A_320] {strides = array<i32>} : memref<8x3200xf32, #tpu.memory_space<vmem>>, vector<1x16xf32>,
        %parallel_loop3A_322 = vector.shape_cast %parallel_loop3A_321 : vector<1x16xf32> to vector<16xf32>
        %parallel_loop3A_323 = arith.cmpf ogt, %parallel_loop3A_322, %parallel_loop3A_269 : vector<16xf32>
        %parallel_loop3A_324 = arith.select %parallel_loop3A_323, %parallel_loop3A_322, %parallel_loop3A_269 : vector<16xi1>, vector<16xf32>
        %parallel_loop3A_325 = arith.select %parallel_loop3A_323, %parallel_loop3A_285, %parallel_loop3A_277 : vector<16xi1>, vector<16xi32>
        %parallel_loop3A_326 = arith.constant 16 : i32
        %parallel_loop3A_327 = arith.muli %parallel_loop3A_265, %parallel_loop3A_326 : i32
        %parallel_loop3A_328 = arith.constant 4 : i32
        %parallel_loop3A_329 = arith.index_cast %parallel_loop3A_328 : i32 to index
        %parallel_loop3A_330 = arith.index_cast %parallel_loop3A_327 : i32 to index
        %parallel_loop3A_331 = tpu.vector_load %arg6[%parallel_loop3A_329, %parallel_loop3A_330] {strides = array<i32>} : memref<8x3200xf32, #tpu.memory_space<vmem>>, vector<1x16xf32>,
        %parallel_loop3A_332 = vector.shape_cast %parallel_loop3A_331 : vector<1x16xf32> to vector<16xf32>
        %parallel_loop3A_333 = arith.cmpf ogt, %parallel_loop3A_332, %parallel_loop3A_270 : vector<16xf32>
        %parallel_loop3A_334 = arith.select %parallel_loop3A_333, %parallel_loop3A_332, %parallel_loop3A_270 : vector<16xi1>, vector<16xf32>
        %parallel_loop3A_335 = arith.select %parallel_loop3A_333, %parallel_loop3A_285, %parallel_loop3A_278 : vector<16xi1>, vector<16xi32>
        %parallel_loop3A_336 = arith.constant 16 : i32
        %parallel_loop3A_337 = arith.muli %parallel_loop3A_265, %parallel_loop3A_336 : i32
        %parallel_loop3A_338 = arith.constant 5 : i32
        %parallel_loop3A_339 = arith.index_cast %parallel_loop3A_338 : i32 to index
        %parallel_loop3A_340 = arith.index_cast %parallel_loop3A_337 : i32 to index
        %parallel_loop3A_341 = tpu.vector_load %arg6[%parallel_loop3A_339, %parallel_loop3A_340] {strides = array<i32>} : memref<8x3200xf32, #tpu.memory_space<vmem>>, vector<1x16xf32>,
        %parallel_loop3A_342 = vector.shape_cast %parallel_loop3A_341 : vector<1x16xf32> to vector<16xf32>
        %parallel_loop3A_343 = arith.cmpf ogt, %parallel_loop3A_342, %parallel_loop3A_271 : vector<16xf32>
        %parallel_loop3A_344 = arith.select %parallel_loop3A_343, %parallel_loop3A_342, %parallel_loop3A_271 : vector<16xi1>, vector<16xf32>
        %parallel_loop3A_345 = arith.select %parallel_loop3A_343, %parallel_loop3A_285, %parallel_loop3A_279 : vector<16xi1>, vector<16xi32>
        %parallel_loop3A_346 = arith.constant 16 : i32
        %parallel_loop3A_347 = arith.muli %parallel_loop3A_265, %parallel_loop3A_346 : i32
        %parallel_loop3A_348 = arith.constant 6 : i32
        %parallel_loop3A_349 = arith.index_cast %parallel_loop3A_348 : i32 to index
        %parallel_loop3A_350 = arith.index_cast %parallel_loop3A_347 : i32 to index
        %parallel_loop3A_351 = tpu.vector_load %arg6[%parallel_loop3A_349, %parallel_loop3A_350] {strides = array<i32>} : memref<8x3200xf32, #tpu.memory_space<vmem>>, vector<1x16xf32>,
        %parallel_loop3A_352 = vector.shape_cast %parallel_loop3A_351 : vector<1x16xf32> to vector<16xf32>
        %parallel_loop3A_353 = arith.cmpf ogt, %parallel_loop3A_352, %parallel_loop3A_272 : vector<16xf32>
        %parallel_loop3A_354 = arith.select %parallel_loop3A_353, %parallel_loop3A_352, %parallel_loop3A_272 : vector<16xi1>, vector<16xf32>
        %parallel_loop3A_355 = arith.select %parallel_loop3A_353, %parallel_loop3A_285, %parallel_loop3A_280 : vector<16xi1>, vector<16xi32>
        %parallel_loop3A_356 = arith.constant 16 : i32
        %parallel_loop3A_357 = arith.muli %parallel_loop3A_265, %parallel_loop3A_356 : i32
        %parallel_loop3A_358 = arith.constant 7 : i32
        %parallel_loop3A_359 = arith.index_cast %parallel_loop3A_358 : i32 to index
        %parallel_loop3A_360 = arith.index_cast %parallel_loop3A_357 : i32 to index
        %parallel_loop3A_361 = tpu.vector_load %arg6[%parallel_loop3A_359, %parallel_loop3A_360] {strides = array<i32>} : memref<8x3200xf32, #tpu.memory_space<vmem>>, vector<1x16xf32>,
        %parallel_loop3A_362 = vector.shape_cast %parallel_loop3A_361 : vector<1x16xf32> to vector<16xf32>
        %parallel_loop3A_363 = arith.cmpf ogt, %parallel_loop3A_362, %parallel_loop3A_273 : vector<16xf32>
        %parallel_loop3A_364 = arith.select %parallel_loop3A_363, %parallel_loop3A_362, %parallel_loop3A_273 : vector<16xi1>, vector<16xf32>
        %parallel_loop3A_365 = arith.select %parallel_loop3A_363, %parallel_loop3A_285, %parallel_loop3A_281 : vector<16xi1>, vector<16xi32>
        scf.yield %parallel_loop3A_294, %parallel_loop3A_304, %parallel_loop3A_314, %parallel_loop3A_324, %parallel_loop3A_334, %parallel_loop3A_344, %parallel_loop3A_354, %parallel_loop3A_364, %parallel_loop3A_295, %parallel_loop3A_305, %parallel_loop3A_315, %parallel_loop3A_325, %parallel_loop3A_335, %parallel_loop3A_345, %parallel_loop3A_355, %parallel_loop3A_365 : vector<16xf32>, vector<16xf32>, vector<16xf32>, vector<16xf32>, vector<16xf32>, vector<16xf32>, vector<16xf32>, vector<16xf32>, vector<16xi32>, vector<16xi32>, vector<16xi32>, vector<16xi32>, vector<16xi32>, vector<16xi32>, vector<16xi32>, vector<16xi32>
      } {sc.loop_unroll_factor = 2 : i64, sc.parallel_access}
      %add3A_125 = arith.constant 24 : i32
      %add3A_126 = arith.addi %select_n3A_30, %add3A_125 : i32
      %mul3A_127 = arith.constant 3200 : i32
      %mul3A_128 = arith.muli %add3A_126, %mul3A_127 : i32
      %min3A_129 = arith.constant 96768 : i32
      %min3A_130 = arith.minsi %mul3A_128, %min3A_129 : i32
      %dma_start3A_131 = tpu.memref_slice %arg2[%mul3A_34, %min3A_130] : memref<64x100000xf32, #tpu.memory_space<hbm>> -> memref<8x3200xf32, #tpu.memory_space<hbm>>
      %dma_start3A_132 = tpu.memref_slice %arg2[%mul3A_34, %min3A_130] : memref<64x100000xf32, #tpu.memory_space<hbm>> -> memref<8x3200xf32, #tpu.memory_space<hbm>>
      tpu.enqueue_dma source(%dma_start3A_132 : memref<8x3200xf32, #tpu.memory_space<hbm>>) target(%arg6 : memref<8x3200xf32, #tpu.memory_space<vmem>>) target_semaphore(%arg29 : memref<!tpu.dma_semaphore, #tpu.memory_space<semaphore_mem>>)
      %dma_wait3A_133 = tpu.memref_slice %arg2[%mul3A_34, %min3A_108] : memref<64x100000xf32, #tpu.memory_space<hbm>> -> memref<8x3200xf32, #tpu.memory_space<hbm>>
      %dma_wait3A_134 = tpu.memref_slice %arg2[%mul3A_34, %min3A_108] : memref<64x100000xf32, #tpu.memory_space<hbm>> -> memref<8x3200xf32, #tpu.memory_space<hbm>>
      tpu.wait_dma2 semaphore(%arg28 : memref<!tpu.dma_semaphore, #tpu.memory_space<semaphore_mem>>) src(%dma_wait3A_134 : memref<8x3200xf32, #tpu.memory_space<hbm>>) dst(%arg5 : memref<8x3200xf32, #tpu.memory_space<vmem>>)
      %add3A_135 = arith.constant 16 : i32
      %add3A_136 = arith.addi %select_n3A_30, %add3A_135 : i32
      %mul3A_137 = arith.constant 3200 : i32
      %mul3A_138 = arith.muli %add3A_136, %mul3A_137 : i32
      %min3A_139 = arith.constant 96768 : i32
      %min3A_140 = arith.minsi %mul3A_138, %min3A_139 : i32
      %add3A_141 = vector.broadcast %min3A_140 : i32 to vector<16xi32>
      %add3A_142 = arith.addi %add3A_141, %iota3A : vector<16xi32>
      %parallel_loop3A_143 = arith.constant 0 : i32
      %parallel_loop3A_144 = arith.constant 200 : i32
      %parallel_loop3A_145 = arith.constant 1 : i32
      %parallel_loop3A_146:16 = scf.for %parallel_loop3A_265 = %parallel_loop3A_143 to %parallel_loop3A_144 step %parallel_loop3A_145 iter_args(%parallel_loop3A_266 = %parallel_loop3A_124#0, %parallel_loop3A_267 = %parallel_loop3A_124#1, %parallel_loop3A_268 = %parallel_loop3A_124#2, %parallel_loop3A_269 = %parallel_loop3A_124#3, %parallel_loop3A_270 = %parallel_loop3A_124#4, %parallel_loop3A_271 = %parallel_loop3A_124#5, %parallel_loop3A_272 = %parallel_loop3A_124#6, %parallel_loop3A_273 = %parallel_loop3A_124#7, %parallel_loop3A_274 = %parallel_loop3A_124#8, %parallel_loop3A_275 = %parallel_loop3A_124#9, %parallel_loop3A_276 = %parallel_loop3A_124#10, %parallel_loop3A_277 = %parallel_loop3A_124#11, %parallel_loop3A_278 = %parallel_loop3A_124#12, %parallel_loop3A_279 = %parallel_loop3A_124#13, %parallel_loop3A_280 = %parallel_loop3A_124#14, %parallel_loop3A_281 = %parallel_loop3A_124#15) -> (vector<16xf32>, vector<16xf32>, vector<16xf32>, vector<16xf32>, vector<16xf32>, vector<16xf32>, vector<16xf32>, vector<16xf32>, vector<16xi32>, vector<16xi32>, vector<16xi32>, vector<16xi32>, vector<16xi32>, vector<16xi32>, vector<16xi32>, vector<16xi32>)  : i32 {
        %parallel_loop3A_282 = arith.constant 16 : i32
        %parallel_loop3A_283 = arith.muli %parallel_loop3A_265, %parallel_loop3A_282 : i32
        %parallel_loop3A_284 = vector.broadcast %parallel_loop3A_283 : i32 to vector<16xi32>
        %parallel_loop3A_285 = arith.addi %add3A_142, %parallel_loop3A_284 : vector<16xi32>
        %parallel_loop3A_286 = arith.constant 16 : i32
        %parallel_loop3A_287 = arith.muli %parallel_loop3A_265, %parallel_loop3A_286 : i32
        %parallel_loop3A_288 = arith.constant 0 : i32
        %parallel_loop3A_289 = arith.index_cast %parallel_loop3A_288 : i32 to index
        %parallel_loop3A_290 = arith.index_cast %parallel_loop3A_287 : i32 to index
        %parallel_loop3A_291 = tpu.vector_load %arg5[%parallel_loop3A_289, %parallel_loop3A_290] {strides = array<i32>} : memref<8x3200xf32, #tpu.memory_space<vmem>>, vector<1x16xf32>,
        %parallel_loop3A_292 = vector.shape_cast %parallel_loop3A_291 : vector<1x16xf32> to vector<16xf32>
        %parallel_loop3A_293 = arith.cmpf ogt, %parallel_loop3A_292, %parallel_loop3A_266 : vector<16xf32>
        %parallel_loop3A_294 = arith.select %parallel_loop3A_293, %parallel_loop3A_292, %parallel_loop3A_266 : vector<16xi1>, vector<16xf32>
        %parallel_loop3A_295 = arith.select %parallel_loop3A_293, %parallel_loop3A_285, %parallel_loop3A_274 : vector<16xi1>, vector<16xi32>
        %parallel_loop3A_296 = arith.constant 16 : i32
        %parallel_loop3A_297 = arith.muli %parallel_loop3A_265, %parallel_loop3A_296 : i32
        %parallel_loop3A_298 = arith.constant 1 : i32
        %parallel_loop3A_299 = arith.index_cast %parallel_loop3A_298 : i32 to index
        %parallel_loop3A_300 = arith.index_cast %parallel_loop3A_297 : i32 to index
        %parallel_loop3A_301 = tpu.vector_load %arg5[%parallel_loop3A_299, %parallel_loop3A_300] {strides = array<i32>} : memref<8x3200xf32, #tpu.memory_space<vmem>>, vector<1x16xf32>,
        %parallel_loop3A_302 = vector.shape_cast %parallel_loop3A_301 : vector<1x16xf32> to vector<16xf32>
        %parallel_loop3A_303 = arith.cmpf ogt, %parallel_loop3A_302, %parallel_loop3A_267 : vector<16xf32>
        %parallel_loop3A_304 = arith.select %parallel_loop3A_303, %parallel_loop3A_302, %parallel_loop3A_267 : vector<16xi1>, vector<16xf32>
        %parallel_loop3A_305 = arith.select %parallel_loop3A_303, %parallel_loop3A_285, %parallel_loop3A_275 : vector<16xi1>, vector<16xi32>
        %parallel_loop3A_306 = arith.constant 16 : i32
        %parallel_loop3A_307 = arith.muli %parallel_loop3A_265, %parallel_loop3A_306 : i32
        %parallel_loop3A_308 = arith.constant 2 : i32
        %parallel_loop3A_309 = arith.index_cast %parallel_loop3A_308 : i32 to index
        %parallel_loop3A_310 = arith.index_cast %parallel_loop3A_307 : i32 to index
        %parallel_loop3A_311 = tpu.vector_load %arg5[%parallel_loop3A_309, %parallel_loop3A_310] {strides = array<i32>} : memref<8x3200xf32, #tpu.memory_space<vmem>>, vector<1x16xf32>,
        %parallel_loop3A_312 = vector.shape_cast %parallel_loop3A_311 : vector<1x16xf32> to vector<16xf32>
        %parallel_loop3A_313 = arith.cmpf ogt, %parallel_loop3A_312, %parallel_loop3A_268 : vector<16xf32>
        %parallel_loop3A_314 = arith.select %parallel_loop3A_313, %parallel_loop3A_312, %parallel_loop3A_268 : vector<16xi1>, vector<16xf32>
        %parallel_loop3A_315 = arith.select %parallel_loop3A_313, %parallel_loop3A_285, %parallel_loop3A_276 : vector<16xi1>, vector<16xi32>
        %parallel_loop3A_316 = arith.constant 16 : i32
        %parallel_loop3A_317 = arith.muli %parallel_loop3A_265, %parallel_loop3A_316 : i32
        %parallel_loop3A_318 = arith.constant 3 : i32
        %parallel_loop3A_319 = arith.index_cast %parallel_loop3A_318 : i32 to index
        %parallel_loop3A_320 = arith.index_cast %parallel_loop3A_317 : i32 to index
        %parallel_loop3A_321 = tpu.vector_load %arg5[%parallel_loop3A_319, %parallel_loop3A_320] {strides = array<i32>} : memref<8x3200xf32, #tpu.memory_space<vmem>>, vector<1x16xf32>,
        %parallel_loop3A_322 = vector.shape_cast %parallel_loop3A_321 : vector<1x16xf32> to vector<16xf32>
        %parallel_loop3A_323 = arith.cmpf ogt, %parallel_loop3A_322, %parallel_loop3A_269 : vector<16xf32>
        %parallel_loop3A_324 = arith.select %parallel_loop3A_323, %parallel_loop3A_322, %parallel_loop3A_269 : vector<16xi1>, vector<16xf32>
        %parallel_loop3A_325 = arith.select %parallel_loop3A_323, %parallel_loop3A_285, %parallel_loop3A_277 : vector<16xi1>, vector<16xi32>
        %parallel_loop3A_326 = arith.constant 16 : i32
        %parallel_loop3A_327 = arith.muli %parallel_loop3A_265, %parallel_loop3A_326 : i32
        %parallel_loop3A_328 = arith.constant 4 : i32
        %parallel_loop3A_329 = arith.index_cast %parallel_loop3A_328 : i32 to index
        %parallel_loop3A_330 = arith.index_cast %parallel_loop3A_327 : i32 to index
        %parallel_loop3A_331 = tpu.vector_load %arg5[%parallel_loop3A_329, %parallel_loop3A_330] {strides = array<i32>} : memref<8x3200xf32, #tpu.memory_space<vmem>>, vector<1x16xf32>,
        %parallel_loop3A_332 = vector.shape_cast %parallel_loop3A_331 : vector<1x16xf32> to vector<16xf32>
        %parallel_loop3A_333 = arith.cmpf ogt, %parallel_loop3A_332, %parallel_loop3A_270 : vector<16xf32>
        %parallel_loop3A_334 = arith.select %parallel_loop3A_333, %parallel_loop3A_332, %parallel_loop3A_270 : vector<16xi1>, vector<16xf32>
        %parallel_loop3A_335 = arith.select %parallel_loop3A_333, %parallel_loop3A_285, %parallel_loop3A_278 : vector<16xi1>, vector<16xi32>
        %parallel_loop3A_336 = arith.constant 16 : i32
        %parallel_loop3A_337 = arith.muli %parallel_loop3A_265, %parallel_loop3A_336 : i32
        %parallel_loop3A_338 = arith.constant 5 : i32
        %parallel_loop3A_339 = arith.index_cast %parallel_loop3A_338 : i32 to index
        %parallel_loop3A_340 = arith.index_cast %parallel_loop3A_337 : i32 to index
        %parallel_loop3A_341 = tpu.vector_load %arg5[%parallel_loop3A_339, %parallel_loop3A_340] {strides = array<i32>} : memref<8x3200xf32, #tpu.memory_space<vmem>>, vector<1x16xf32>,
        %parallel_loop3A_342 = vector.shape_cast %parallel_loop3A_341 : vector<1x16xf32> to vector<16xf32>
        %parallel_loop3A_343 = arith.cmpf ogt, %parallel_loop3A_342, %parallel_loop3A_271 : vector<16xf32>
        %parallel_loop3A_344 = arith.select %parallel_loop3A_343, %parallel_loop3A_342, %parallel_loop3A_271 : vector<16xi1>, vector<16xf32>
        %parallel_loop3A_345 = arith.select %parallel_loop3A_343, %parallel_loop3A_285, %parallel_loop3A_279 : vector<16xi1>, vector<16xi32>
        %parallel_loop3A_346 = arith.constant 16 : i32
        %parallel_loop3A_347 = arith.muli %parallel_loop3A_265, %parallel_loop3A_346 : i32
        %parallel_loop3A_348 = arith.constant 6 : i32
        %parallel_loop3A_349 = arith.index_cast %parallel_loop3A_348 : i32 to index
        %parallel_loop3A_350 = arith.index_cast %parallel_loop3A_347 : i32 to index
        %parallel_loop3A_351 = tpu.vector_load %arg5[%parallel_loop3A_349, %parallel_loop3A_350] {strides = array<i32>} : memref<8x3200xf32, #tpu.memory_space<vmem>>, vector<1x16xf32>,
        %parallel_loop3A_352 = vector.shape_cast %parallel_loop3A_351 : vector<1x16xf32> to vector<16xf32>
        %parallel_loop3A_353 = arith.cmpf ogt, %parallel_loop3A_352, %parallel_loop3A_272 : vector<16xf32>
        %parallel_loop3A_354 = arith.select %parallel_loop3A_353, %parallel_loop3A_352, %parallel_loop3A_272 : vector<16xi1>, vector<16xf32>
        %parallel_loop3A_355 = arith.select %parallel_loop3A_353, %parallel_loop3A_285, %parallel_loop3A_280 : vector<16xi1>, vector<16xi32>
        %parallel_loop3A_356 = arith.constant 16 : i32
        %parallel_loop3A_357 = arith.muli %parallel_loop3A_265, %parallel_loop3A_356 : i32
        %parallel_loop3A_358 = arith.constant 7 : i32
        %parallel_loop3A_359 = arith.index_cast %parallel_loop3A_358 : i32 to index
        %parallel_loop3A_360 = arith.index_cast %parallel_loop3A_357 : i32 to index
        %parallel_loop3A_361 = tpu.vector_load %arg5[%parallel_loop3A_359, %parallel_loop3A_360] {strides = array<i32>} : memref<8x3200xf32, #tpu.memory_space<vmem>>, vector<1x16xf32>,
        %parallel_loop3A_362 = vector.shape_cast %parallel_loop3A_361 : vector<1x16xf32> to vector<16xf32>
        %parallel_loop3A_363 = arith.cmpf ogt, %parallel_loop3A_362, %parallel_loop3A_273 : vector<16xf32>
        %parallel_loop3A_364 = arith.select %parallel_loop3A_363, %parallel_loop3A_362, %parallel_loop3A_273 : vector<16xi1>, vector<16xf32>
        %parallel_loop3A_365 = arith.select %parallel_loop3A_363, %parallel_loop3A_285, %parallel_loop3A_281 : vector<16xi1>, vector<16xi32>
        scf.yield %parallel_loop3A_294, %parallel_loop3A_304, %parallel_loop3A_314, %parallel_loop3A_324, %parallel_loop3A_334, %parallel_loop3A_344, %parallel_loop3A_354, %parallel_loop3A_364, %parallel_loop3A_295, %parallel_loop3A_305, %parallel_loop3A_315, %parallel_loop3A_325, %parallel_loop3A_335, %parallel_loop3A_345, %parallel_loop3A_355, %parallel_loop3A_365 : vector<16xf32>, vector<16xf32>, vector<16xf32>, vector<16xf32>, vector<16xf32>, vector<16xf32>, vector<16xf32>, vector<16xf32>, vector<16xi32>, vector<16xi32>, vector<16xi32>, vector<16xi32>, vector<16xi32>, vector<16xi32>, vector<16xi32>, vector<16xi32>
      } {sc.loop_unroll_factor = 2 : i64, sc.parallel_access}
      %dma_wait3A_147 = tpu.memref_slice %arg2[%mul3A_34, %min3A_130] : memref<64x100000xf32, #tpu.memory_space<hbm>> -> memref<8x3200xf32, #tpu.memory_space<hbm>>
      %dma_wait3A_148 = tpu.memref_slice %arg2[%mul3A_34, %min3A_130] : memref<64x100000xf32, #tpu.memory_space<hbm>> -> memref<8x3200xf32, #tpu.memory_space<hbm>>
      tpu.wait_dma2 semaphore(%arg29 : memref<!tpu.dma_semaphore, #tpu.memory_space<semaphore_mem>>) src(%dma_wait3A_148 : memref<8x3200xf32, #tpu.memory_space<hbm>>) dst(%arg6 : memref<8x3200xf32, #tpu.memory_space<vmem>>)
      %add3A_149 = arith.constant 24 : i32
      %add3A_150 = arith.addi %select_n3A_30, %add3A_149 : i32
      %mul3A_151 = arith.constant 3200 : i32
      %mul3A_152 = arith.muli %add3A_150, %mul3A_151 : i32
      %min3A_153 = arith.constant 96768 : i32
      %min3A_154 = arith.minsi %mul3A_152, %min3A_153 : i32
      %add3A_155 = vector.broadcast %min3A_154 : i32 to vector<16xi32>
      %add3A_156 = arith.addi %add3A_155, %iota3A : vector<16xi32>
      %parallel_loop3A_157 = arith.constant 0 : i32
      %parallel_loop3A_158 = arith.constant 200 : i32
      %parallel_loop3A_159 = arith.constant 1 : i32
      %parallel_loop3A_160:16 = scf.for %parallel_loop3A_265 = %parallel_loop3A_157 to %parallel_loop3A_158 step %parallel_loop3A_159 iter_args(%parallel_loop3A_266 = %parallel_loop3A_146#0, %parallel_loop3A_267 = %parallel_loop3A_146#1, %parallel_loop3A_268 = %parallel_loop3A_146#2, %parallel_loop3A_269 = %parallel_loop3A_146#3, %parallel_loop3A_270 = %parallel_loop3A_146#4, %parallel_loop3A_271 = %parallel_loop3A_146#5, %parallel_loop3A_272 = %parallel_loop3A_146#6, %parallel_loop3A_273 = %parallel_loop3A_146#7, %parallel_loop3A_274 = %parallel_loop3A_146#8, %parallel_loop3A_275 = %parallel_loop3A_146#9, %parallel_loop3A_276 = %parallel_loop3A_146#10, %parallel_loop3A_277 = %parallel_loop3A_146#11, %parallel_loop3A_278 = %parallel_loop3A_146#12, %parallel_loop3A_279 = %parallel_loop3A_146#13, %parallel_loop3A_280 = %parallel_loop3A_146#14, %parallel_loop3A_281 = %parallel_loop3A_146#15) -> (vector<16xf32>, vector<16xf32>, vector<16xf32>, vector<16xf32>, vector<16xf32>, vector<16xf32>, vector<16xf32>, vector<16xf32>, vector<16xi32>, vector<16xi32>, vector<16xi32>, vector<16xi32>, vector<16xi32>, vector<16xi32>, vector<16xi32>, vector<16xi32>)  : i32 {
        %parallel_loop3A_282 = arith.constant 16 : i32
        %parallel_loop3A_283 = arith.muli %parallel_loop3A_265, %parallel_loop3A_282 : i32
        %parallel_loop3A_284 = vector.broadcast %parallel_loop3A_283 : i32 to vector<16xi32>
        %parallel_loop3A_285 = arith.addi %add3A_156, %parallel_loop3A_284 : vector<16xi32>
        %parallel_loop3A_286 = arith.constant 16 : i32
        %parallel_loop3A_287 = arith.muli %parallel_loop3A_265, %parallel_loop3A_286 : i32
        %parallel_loop3A_288 = arith.constant 0 : i32
        %parallel_loop3A_289 = arith.index_cast %parallel_loop3A_288 : i32 to index
        %parallel_loop3A_290 = arith.index_cast %parallel_loop3A_287 : i32 to index
        %parallel_loop3A_291 = tpu.vector_load %arg6[%parallel_loop3A_289, %parallel_loop3A_290] {strides = array<i32>} : memref<8x3200xf32, #tpu.memory_space<vmem>>, vector<1x16xf32>,
        %parallel_loop3A_292 = vector.shape_cast %parallel_loop3A_291 : vector<1x16xf32> to vector<16xf32>
        %parallel_loop3A_293 = arith.cmpf ogt, %parallel_loop3A_292, %parallel_loop3A_266 : vector<16xf32>
        %parallel_loop3A_294 = arith.select %parallel_loop3A_293, %parallel_loop3A_292, %parallel_loop3A_266 : vector<16xi1>, vector<16xf32>
        %parallel_loop3A_295 = arith.select %parallel_loop3A_293, %parallel_loop3A_285, %parallel_loop3A_274 : vector<16xi1>, vector<16xi32>
        %parallel_loop3A_296 = arith.constant 16 : i32
        %parallel_loop3A_297 = arith.muli %parallel_loop3A_265, %parallel_loop3A_296 : i32
        %parallel_loop3A_298 = arith.constant 1 : i32
        %parallel_loop3A_299 = arith.index_cast %parallel_loop3A_298 : i32 to index
        %parallel_loop3A_300 = arith.index_cast %parallel_loop3A_297 : i32 to index
        %parallel_loop3A_301 = tpu.vector_load %arg6[%parallel_loop3A_299, %parallel_loop3A_300] {strides = array<i32>} : memref<8x3200xf32, #tpu.memory_space<vmem>>, vector<1x16xf32>,
        %parallel_loop3A_302 = vector.shape_cast %parallel_loop3A_301 : vector<1x16xf32> to vector<16xf32>
        %parallel_loop3A_303 = arith.cmpf ogt, %parallel_loop3A_302, %parallel_loop3A_267 : vector<16xf32>
        %parallel_loop3A_304 = arith.select %parallel_loop3A_303, %parallel_loop3A_302, %parallel_loop3A_267 : vector<16xi1>, vector<16xf32>
        %parallel_loop3A_305 = arith.select %parallel_loop3A_303, %parallel_loop3A_285, %parallel_loop3A_275 : vector<16xi1>, vector<16xi32>
        %parallel_loop3A_306 = arith.constant 16 : i32
        %parallel_loop3A_307 = arith.muli %parallel_loop3A_265, %parallel_loop3A_306 : i32
        %parallel_loop3A_308 = arith.constant 2 : i32
        %parallel_loop3A_309 = arith.index_cast %parallel_loop3A_308 : i32 to index
        %parallel_loop3A_310 = arith.index_cast %parallel_loop3A_307 : i32 to index
        %parallel_loop3A_311 = tpu.vector_load %arg6[%parallel_loop3A_309, %parallel_loop3A_310] {strides = array<i32>} : memref<8x3200xf32, #tpu.memory_space<vmem>>, vector<1x16xf32>,
        %parallel_loop3A_312 = vector.shape_cast %parallel_loop3A_311 : vector<1x16xf32> to vector<16xf32>
        %parallel_loop3A_313 = arith.cmpf ogt, %parallel_loop3A_312, %parallel_loop3A_268 : vector<16xf32>
        %parallel_loop3A_314 = arith.select %parallel_loop3A_313, %parallel_loop3A_312, %parallel_loop3A_268 : vector<16xi1>, vector<16xf32>
        %parallel_loop3A_315 = arith.select %parallel_loop3A_313, %parallel_loop3A_285, %parallel_loop3A_276 : vector<16xi1>, vector<16xi32>
        %parallel_loop3A_316 = arith.constant 16 : i32
        %parallel_loop3A_317 = arith.muli %parallel_loop3A_265, %parallel_loop3A_316 : i32
        %parallel_loop3A_318 = arith.constant 3 : i32
        %parallel_loop3A_319 = arith.index_cast %parallel_loop3A_318 : i32 to index
        %parallel_loop3A_320 = arith.index_cast %parallel_loop3A_317 : i32 to index
        %parallel_loop3A_321 = tpu.vector_load %arg6[%parallel_loop3A_319, %parallel_loop3A_320] {strides = array<i32>} : memref<8x3200xf32, #tpu.memory_space<vmem>>, vector<1x16xf32>,
        %parallel_loop3A_322 = vector.shape_cast %parallel_loop3A_321 : vector<1x16xf32> to vector<16xf32>
        %parallel_loop3A_323 = arith.cmpf ogt, %parallel_loop3A_322, %parallel_loop3A_269 : vector<16xf32>
        %parallel_loop3A_324 = arith.select %parallel_loop3A_323, %parallel_loop3A_322, %parallel_loop3A_269 : vector<16xi1>, vector<16xf32>
        %parallel_loop3A_325 = arith.select %parallel_loop3A_323, %parallel_loop3A_285, %parallel_loop3A_277 : vector<16xi1>, vector<16xi32>
        %parallel_loop3A_326 = arith.constant 16 : i32
        %parallel_loop3A_327 = arith.muli %parallel_loop3A_265, %parallel_loop3A_326 : i32
        %parallel_loop3A_328 = arith.constant 4 : i32
        %parallel_loop3A_329 = arith.index_cast %parallel_loop3A_328 : i32 to index
        %parallel_loop3A_330 = arith.index_cast %parallel_loop3A_327 : i32 to index
        %parallel_loop3A_331 = tpu.vector_load %arg6[%parallel_loop3A_329, %parallel_loop3A_330] {strides = array<i32>} : memref<8x3200xf32, #tpu.memory_space<vmem>>, vector<1x16xf32>,
        %parallel_loop3A_332 = vector.shape_cast %parallel_loop3A_331 : vector<1x16xf32> to vector<16xf32>
        %parallel_loop3A_333 = arith.cmpf ogt, %parallel_loop3A_332, %parallel_loop3A_270 : vector<16xf32>
        %parallel_loop3A_334 = arith.select %parallel_loop3A_333, %parallel_loop3A_332, %parallel_loop3A_270 : vector<16xi1>, vector<16xf32>
        %parallel_loop3A_335 = arith.select %parallel_loop3A_333, %parallel_loop3A_285, %parallel_loop3A_278 : vector<16xi1>, vector<16xi32>
        %parallel_loop3A_336 = arith.constant 16 : i32
        %parallel_loop3A_337 = arith.muli %parallel_loop3A_265, %parallel_loop3A_336 : i32
        %parallel_loop3A_338 = arith.constant 5 : i32
        %parallel_loop3A_339 = arith.index_cast %parallel_loop3A_338 : i32 to index
        %parallel_loop3A_340 = arith.index_cast %parallel_loop3A_337 : i32 to index
        %parallel_loop3A_341 = tpu.vector_load %arg6[%parallel_loop3A_339, %parallel_loop3A_340] {strides = array<i32>} : memref<8x3200xf32, #tpu.memory_space<vmem>>, vector<1x16xf32>,
        %parallel_loop3A_342 = vector.shape_cast %parallel_loop3A_341 : vector<1x16xf32> to vector<16xf32>
        %parallel_loop3A_343 = arith.cmpf ogt, %parallel_loop3A_342, %parallel_loop3A_271 : vector<16xf32>
        %parallel_loop3A_344 = arith.select %parallel_loop3A_343, %parallel_loop3A_342, %parallel_loop3A_271 : vector<16xi1>, vector<16xf32>
        %parallel_loop3A_345 = arith.select %parallel_loop3A_343, %parallel_loop3A_285, %parallel_loop3A_279 : vector<16xi1>, vector<16xi32>
        %parallel_loop3A_346 = arith.constant 16 : i32
        %parallel_loop3A_347 = arith.muli %parallel_loop3A_265, %parallel_loop3A_346 : i32
        %parallel_loop3A_348 = arith.constant 6 : i32
        %parallel_loop3A_349 = arith.index_cast %parallel_loop3A_348 : i32 to index
        %parallel_loop3A_350 = arith.index_cast %parallel_loop3A_347 : i32 to index
        %parallel_loop3A_351 = tpu.vector_load %arg6[%parallel_loop3A_349, %parallel_loop3A_350] {strides = array<i32>} : memref<8x3200xf32, #tpu.memory_space<vmem>>, vector<1x16xf32>,
        %parallel_loop3A_352 = vector.shape_cast %parallel_loop3A_351 : vector<1x16xf32> to vector<16xf32>
        %parallel_loop3A_353 = arith.cmpf ogt, %parallel_loop3A_352, %parallel_loop3A_272 : vector<16xf32>
        %parallel_loop3A_354 = arith.select %parallel_loop3A_353, %parallel_loop3A_352, %parallel_loop3A_272 : vector<16xi1>, vector<16xf32>
        %parallel_loop3A_355 = arith.select %parallel_loop3A_353, %parallel_loop3A_285, %parallel_loop3A_280 : vector<16xi1>, vector<16xi32>
        %parallel_loop3A_356 = arith.constant 16 : i32
        %parallel_loop3A_357 = arith.muli %parallel_loop3A_265, %parallel_loop3A_356 : i32
        %parallel_loop3A_358 = arith.constant 7 : i32
        %parallel_loop3A_359 = arith.index_cast %parallel_loop3A_358 : i32 to index
        %parallel_loop3A_360 = arith.index_cast %parallel_loop3A_357 : i32 to index
        %parallel_loop3A_361 = tpu.vector_load %arg6[%parallel_loop3A_359, %parallel_loop3A_360] {strides = array<i32>} : memref<8x3200xf32, #tpu.memory_space<vmem>>, vector<1x16xf32>,
        %parallel_loop3A_362 = vector.shape_cast %parallel_loop3A_361 : vector<1x16xf32> to vector<16xf32>
        %parallel_loop3A_363 = arith.cmpf ogt, %parallel_loop3A_362, %parallel_loop3A_273 : vector<16xf32>
        %parallel_loop3A_364 = arith.select %parallel_loop3A_363, %parallel_loop3A_362, %parallel_loop3A_273 : vector<16xi1>, vector<16xf32>
        %parallel_loop3A_365 = arith.select %parallel_loop3A_363, %parallel_loop3A_285, %parallel_loop3A_281 : vector<16xi1>, vector<16xi32>
        scf.yield %parallel_loop3A_294, %parallel_loop3A_304, %parallel_loop3A_314, %parallel_loop3A_324, %parallel_loop3A_334, %parallel_loop3A_344, %parallel_loop3A_354, %parallel_loop3A_364, %parallel_loop3A_295, %parallel_loop3A_305, %parallel_loop3A_315, %parallel_loop3A_325, %parallel_loop3A_335, %parallel_loop3A_345, %parallel_loop3A_355, %parallel_loop3A_365 : vector<16xf32>, vector<16xf32>, vector<16xf32>, vector<16xf32>, vector<16xf32>, vector<16xf32>, vector<16xf32>, vector<16xf32>, vector<16xi32>, vector<16xi32>, vector<16xi32>, vector<16xi32>, vector<16xi32>, vector<16xi32>, vector<16xi32>, vector<16xi32>
      } {sc.loop_unroll_factor = 2 : i64, sc.parallel_access}
      %dma_wait3A_161 = arith.constant 0 : i32
      %dma_wait3A_162 = tpu.memref_slice %arg3[%mul3A_34, %dma_wait3A_161] : memref<64x128xf32, #tpu.memory_space<hbm>> -> memref<8x128xf32, #tpu.memory_space<hbm>>
      %dma_wait3A_163 = arith.constant 0 : i32
      %dma_wait3A_164 = tpu.memref_slice %arg3[%mul3A_34, %dma_wait3A_163] : memref<64x128xf32, #tpu.memory_space<hbm>> -> memref<8x128xf32, #tpu.memory_space<hbm>>
      tpu.wait_dma2 semaphore(%arg30 : memref<!tpu.dma_semaphore, #tpu.memory_space<semaphore_mem>>) src(%dma_wait3A_164 : memref<8x128xf32, #tpu.memory_space<hbm>>) dst(%arg7 : memref<8x128xf32, #tpu.memory_space<vmem>>)
      %scan3A = arith.constant 0 : i32
      %scan3A_165 = arith.constant 8 : i32
      %scan3A_166 = arith.addi %scan3A, %scan3A_165 : i32
      %scan3A_167 = arith.constant 1 : i32
      %scan3A_168:16 = scf.for %scan3A_265 = %scan3A to %scan3A_166 step %scan3A_167 iter_args(%scan3A_266 = %parallel_loop3A_160#0, %scan3A_267 = %parallel_loop3A_160#1, %scan3A_268 = %parallel_loop3A_160#2, %scan3A_269 = %parallel_loop3A_160#3, %scan3A_270 = %parallel_loop3A_160#4, %scan3A_271 = %parallel_loop3A_160#5, %scan3A_272 = %parallel_loop3A_160#6, %scan3A_273 = %parallel_loop3A_160#7, %scan3A_274 = %parallel_loop3A_160#8, %scan3A_275 = %parallel_loop3A_160#9, %scan3A_276 = %parallel_loop3A_160#10, %scan3A_277 = %parallel_loop3A_160#11, %scan3A_278 = %parallel_loop3A_160#12, %scan3A_279 = %parallel_loop3A_160#13, %scan3A_280 = %parallel_loop3A_160#14, %scan3A_281 = %parallel_loop3A_160#15) -> (vector<16xf32>, vector<16xf32>, vector<16xf32>, vector<16xf32>, vector<16xf32>, vector<16xf32>, vector<16xf32>, vector<16xf32>, vector<16xi32>, vector<16xi32>, vector<16xi32>, vector<16xi32>, vector<16xi32>, vector<16xi32>, vector<16xi32>, vector<16xi32>)  : i32 {
        %add3A_282 = arith.constant 99968 : i32
        %add3A_283 = vector.broadcast %add3A_282 : i32 to vector<16xi32>
        %add3A_284 = arith.addi %iota3A, %add3A_283 : vector<16xi32>
        %mul3A_285 = arith.constant 16 : i32
        %mul3A_286 = arith.muli %scan3A_265, %mul3A_285 : i32
        %add3A_287 = vector.broadcast %mul3A_286 : i32 to vector<16xi32>
        %add3A_288 = arith.addi %add3A_284, %add3A_287 : vector<16xi32>
        %mul3A_289 = arith.constant 16 : i32
        %mul3A_290 = arith.muli %scan3A_265, %mul3A_289 : i32
        %get3A = arith.constant 0 : i32
        %get3A_291 = arith.index_cast %get3A : i32 to index
        %get3A_292 = arith.index_cast %mul3A_290 : i32 to index
        %get3A_293 = tpu.vector_load %arg7[%get3A_291, %get3A_292] {strides = array<i32>} : memref<8x128xf32, #tpu.memory_space<vmem>>, vector<1x16xf32>,
        %get3A_294 = vector.shape_cast %get3A_293 : vector<1x16xf32> to vector<16xf32>
        %gt3A = arith.cmpf ogt, %get3A_294, %scan3A_266 : vector<16xf32>
        %select_n3A_295 = arith.select %gt3A, %get3A_294, %scan3A_266 : vector<16xi1>, vector<16xf32>
        %select_n3A_296 = arith.select %gt3A, %add3A_288, %scan3A_274 : vector<16xi1>, vector<16xi32>
        %mul3A_297 = arith.constant 16 : i32
        %mul3A_298 = arith.muli %scan3A_265, %mul3A_297 : i32
        %get3A_299 = arith.constant 1 : i32
        %get3A_300 = arith.index_cast %get3A_299 : i32 to index
        %get3A_301 = arith.index_cast %mul3A_298 : i32 to index
        %get3A_302 = tpu.vector_load %arg7[%get3A_300, %get3A_301] {strides = array<i32>} : memref<8x128xf32, #tpu.memory_space<vmem>>, vector<1x16xf32>,
        %get3A_303 = vector.shape_cast %get3A_302 : vector<1x16xf32> to vector<16xf32>
        %gt3A_304 = arith.cmpf ogt, %get3A_303, %scan3A_267 : vector<16xf32>
        %select_n3A_305 = arith.select %gt3A_304, %get3A_303, %scan3A_267 : vector<16xi1>, vector<16xf32>
        %select_n3A_306 = arith.select %gt3A_304, %add3A_288, %scan3A_275 : vector<16xi1>, vector<16xi32>
        %mul3A_307 = arith.constant 16 : i32
        %mul3A_308 = arith.muli %scan3A_265, %mul3A_307 : i32
        %get3A_309 = arith.constant 2 : i32
        %get3A_310 = arith.index_cast %get3A_309 : i32 to index
        %get3A_311 = arith.index_cast %mul3A_308 : i32 to index
        %get3A_312 = tpu.vector_load %arg7[%get3A_310, %get3A_311] {strides = array<i32>} : memref<8x128xf32, #tpu.memory_space<vmem>>, vector<1x16xf32>,
        %get3A_313 = vector.shape_cast %get3A_312 : vector<1x16xf32> to vector<16xf32>
        %gt3A_314 = arith.cmpf ogt, %get3A_313, %scan3A_268 : vector<16xf32>
        %select_n3A_315 = arith.select %gt3A_314, %get3A_313, %scan3A_268 : vector<16xi1>, vector<16xf32>
        %select_n3A_316 = arith.select %gt3A_314, %add3A_288, %scan3A_276 : vector<16xi1>, vector<16xi32>
        %mul3A_317 = arith.constant 16 : i32
        %mul3A_318 = arith.muli %scan3A_265, %mul3A_317 : i32
        %get3A_319 = arith.constant 3 : i32
        %get3A_320 = arith.index_cast %get3A_319 : i32 to index
        %get3A_321 = arith.index_cast %mul3A_318 : i32 to index
        %get3A_322 = tpu.vector_load %arg7[%get3A_320, %get3A_321] {strides = array<i32>} : memref<8x128xf32, #tpu.memory_space<vmem>>, vector<1x16xf32>,
        %get3A_323 = vector.shape_cast %get3A_322 : vector<1x16xf32> to vector<16xf32>
        %gt3A_324 = arith.cmpf ogt, %get3A_323, %scan3A_269 : vector<16xf32>
        %select_n3A_325 = arith.select %gt3A_324, %get3A_323, %scan3A_269 : vector<16xi1>, vector<16xf32>
        %select_n3A_326 = arith.select %gt3A_324, %add3A_288, %scan3A_277 : vector<16xi1>, vector<16xi32>
        %mul3A_327 = arith.constant 16 : i32
        %mul3A_328 = arith.muli %scan3A_265, %mul3A_327 : i32
        %get3A_329 = arith.constant 4 : i32
        %get3A_330 = arith.index_cast %get3A_329 : i32 to index
        %get3A_331 = arith.index_cast %mul3A_328 : i32 to index
        %get3A_332 = tpu.vector_load %arg7[%get3A_330, %get3A_331] {strides = array<i32>} : memref<8x128xf32, #tpu.memory_space<vmem>>, vector<1x16xf32>,
        %get3A_333 = vector.shape_cast %get3A_332 : vector<1x16xf32> to vector<16xf32>
        %gt3A_334 = arith.cmpf ogt, %get3A_333, %scan3A_270 : vector<16xf32>
        %select_n3A_335 = arith.select %gt3A_334, %get3A_333, %scan3A_270 : vector<16xi1>, vector<16xf32>
        %select_n3A_336 = arith.select %gt3A_334, %add3A_288, %scan3A_278 : vector<16xi1>, vector<16xi32>
        %mul3A_337 = arith.constant 16 : i32
        %mul3A_338 = arith.muli %scan3A_265, %mul3A_337 : i32
        %get3A_339 = arith.constant 5 : i32
        %get3A_340 = arith.index_cast %get3A_339 : i32 to index
        %get3A_341 = arith.index_cast %mul3A_338 : i32 to index
        %get3A_342 = tpu.vector_load %arg7[%get3A_340, %get3A_341] {strides = array<i32>} : memref<8x128xf32, #tpu.memory_space<vmem>>, vector<1x16xf32>,
        %get3A_343 = vector.shape_cast %get3A_342 : vector<1x16xf32> to vector<16xf32>
        %gt3A_344 = arith.cmpf ogt, %get3A_343, %scan3A_271 : vector<16xf32>
        %select_n3A_345 = arith.select %gt3A_344, %get3A_343, %scan3A_271 : vector<16xi1>, vector<16xf32>
        %select_n3A_346 = arith.select %gt3A_344, %add3A_288, %scan3A_279 : vector<16xi1>, vector<16xi32>
        %mul3A_347 = arith.constant 16 : i32
        %mul3A_348 = arith.muli %scan3A_265, %mul3A_347 : i32
        %get3A_349 = arith.constant 6 : i32
        %get3A_350 = arith.index_cast %get3A_349 : i32 to index
        %get3A_351 = arith.index_cast %mul3A_348 : i32 to index
        %get3A_352 = tpu.vector_load %arg7[%get3A_350, %get3A_351] {strides = array<i32>} : memref<8x128xf32, #tpu.memory_space<vmem>>, vector<1x16xf32>,
        %get3A_353 = vector.shape_cast %get3A_352 : vector<1x16xf32> to vector<16xf32>
        %gt3A_354 = arith.cmpf ogt, %get3A_353, %scan3A_272 : vector<16xf32>
        %select_n3A_355 = arith.select %gt3A_354, %get3A_353, %scan3A_272 : vector<16xi1>, vector<16xf32>
        %select_n3A_356 = arith.select %gt3A_354, %add3A_288, %scan3A_280 : vector<16xi1>, vector<16xi32>
        %mul3A_357 = arith.constant 16 : i32
        %mul3A_358 = arith.muli %scan3A_265, %mul3A_357 : i32
        %get3A_359 = arith.constant 7 : i32
        %get3A_360 = arith.index_cast %get3A_359 : i32 to index
        %get3A_361 = arith.index_cast %mul3A_358 : i32 to index
        %get3A_362 = tpu.vector_load %arg7[%get3A_360, %get3A_361] {strides = array<i32>} : memref<8x128xf32, #tpu.memory_space<vmem>>, vector<1x16xf32>,
        %get3A_363 = vector.shape_cast %get3A_362 : vector<1x16xf32> to vector<16xf32>
        %gt3A_364 = arith.cmpf ogt, %get3A_363, %scan3A_273 : vector<16xf32>
        %select_n3A_365 = arith.select %gt3A_364, %get3A_363, %scan3A_273 : vector<16xi1>, vector<16xf32>
        %select_n3A_366 = arith.select %gt3A_364, %add3A_288, %scan3A_281 : vector<16xi1>, vector<16xi32>
        scf.yield %select_n3A_295, %select_n3A_305, %select_n3A_315, %select_n3A_325, %select_n3A_335, %select_n3A_345, %select_n3A_355, %select_n3A_365, %select_n3A_296, %select_n3A_306, %select_n3A_316, %select_n3A_326, %select_n3A_336, %select_n3A_346, %select_n3A_356, %select_n3A_366 : vector<16xf32>, vector<16xf32>, vector<16xf32>, vector<16xf32>, vector<16xf32>, vector<16xf32>, vector<16xf32>, vector<16xf32>, vector<16xi32>, vector<16xi32>, vector<16xi32>, vector<16xi32>, vector<16xi32>, vector<16xi32>, vector<16xi32>, vector<16xi32>
      }
      %scan3A_169 = arith.constant 8 : i32
      %swap3A = arith.constant 0 : i32
      %swap3A_170 = arith.index_cast %swap3A : i32 to index
      %swap3A_171 = arith.constant 0 : index
      %swap3A_172 = tpu.vector_load %arg8[%swap3A_170, %swap3A_171] {strides = array<i32>} : memref<8x128xf32, #tpu.memory_space<vmem>>, vector<1x16xf32>,
      %swap3A_173 = vector.shape_cast %swap3A_172 : vector<1x16xf32> to vector<16xf32>
      %swap3A_174 = vector.shape_cast %scan3A_168#0 : vector<16xf32> to vector<1x16xf32>
      tpu.vector_store %arg8[%swap3A_170, %swap3A_171], %swap3A_174 {strides = array<i32>} : memref<8x128xf32, #tpu.memory_space<vmem>>, vector<1x16xf32>,
      %swap3A_175 = arith.constant 0 : i32
      %swap3A_176 = arith.index_cast %swap3A_175 : i32 to index
      %swap3A_177 = arith.constant 0 : index
      %swap3A_178 = tpu.vector_load %arg9[%swap3A_176, %swap3A_177] {strides = array<i32>} : memref<8x128xi32, #tpu.memory_space<vmem>>, vector<1x16xi32>,
      %swap3A_179 = vector.shape_cast %swap3A_178 : vector<1x16xi32> to vector<16xi32>
      %swap3A_180 = vector.shape_cast %scan3A_168#8 : vector<16xi32> to vector<1x16xi32>
      tpu.vector_store %arg9[%swap3A_176, %swap3A_177], %swap3A_180 {strides = array<i32>} : memref<8x128xi32, #tpu.memory_space<vmem>>, vector<1x16xi32>,
      %swap3A_181 = arith.constant 1 : i32
      %swap3A_182 = arith.index_cast %swap3A_181 : i32 to index
      %swap3A_183 = arith.constant 0 : index
      %swap3A_184 = tpu.vector_load %arg8[%swap3A_182, %swap3A_183] {strides = array<i32>} : memref<8x128xf32, #tpu.memory_space<vmem>>, vector<1x16xf32>,
      %swap3A_185 = vector.shape_cast %swap3A_184 : vector<1x16xf32> to vector<16xf32>
      %swap3A_186 = vector.shape_cast %scan3A_168#1 : vector<16xf32> to vector<1x16xf32>
      tpu.vector_store %arg8[%swap3A_182, %swap3A_183], %swap3A_186 {strides = array<i32>} : memref<8x128xf32, #tpu.memory_space<vmem>>, vector<1x16xf32>,
      %swap3A_187 = arith.constant 1 : i32
      %swap3A_188 = arith.index_cast %swap3A_187 : i32 to index
      %swap3A_189 = arith.constant 0 : index
      %swap3A_190 = tpu.vector_load %arg9[%swap3A_188, %swap3A_189] {strides = array<i32>} : memref<8x128xi32, #tpu.memory_space<vmem>>, vector<1x16xi32>,
      %swap3A_191 = vector.shape_cast %swap3A_190 : vector<1x16xi32> to vector<16xi32>
      %swap3A_192 = vector.shape_cast %scan3A_168#9 : vector<16xi32> to vector<1x16xi32>
      tpu.vector_store %arg9[%swap3A_188, %swap3A_189], %swap3A_192 {strides = array<i32>} : memref<8x128xi32, #tpu.memory_space<vmem>>, vector<1x16xi32>,
      %swap3A_193 = arith.constant 2 : i32
      %swap3A_194 = arith.index_cast %swap3A_193 : i32 to index
      %swap3A_195 = arith.constant 0 : index
      %swap3A_196 = tpu.vector_load %arg8[%swap3A_194, %swap3A_195] {strides = array<i32>} : memref<8x128xf32, #tpu.memory_space<vmem>>, vector<1x16xf32>,
      %swap3A_197 = vector.shape_cast %swap3A_196 : vector<1x16xf32> to vector<16xf32>
      %swap3A_198 = vector.shape_cast %scan3A_168#2 : vector<16xf32> to vector<1x16xf32>
      tpu.vector_store %arg8[%swap3A_194, %swap3A_195], %swap3A_198 {strides = array<i32>} : memref<8x128xf32, #tpu.memory_space<vmem>>, vector<1x16xf32>,
      %swap3A_199 = arith.constant 2 : i32
      %swap3A_200 = arith.index_cast %swap3A_199 : i32 to index
      %swap3A_201 = arith.constant 0 : index
      %swap3A_202 = tpu.vector_load %arg9[%swap3A_200, %swap3A_201] {strides = array<i32>} : memref<8x128xi32, #tpu.memory_space<vmem>>, vector<1x16xi32>,
      %swap3A_203 = vector.shape_cast %swap3A_202 : vector<1x16xi32> to vector<16xi32>
      %swap3A_204 = vector.shape_cast %scan3A_168#10 : vector<16xi32> to vector<1x16xi32>
      tpu.vector_store %arg9[%swap3A_200, %swap3A_201], %swap3A_204 {strides = array<i32>} : memref<8x128xi32, #tpu.memory_space<vmem>>, vector<1x16xi32>,
      %swap3A_205 = arith.constant 3 : i32
      %swap3A_206 = arith.index_cast %swap3A_205 : i32 to index
      %swap3A_207 = arith.constant 0 : index
      %swap3A_208 = tpu.vector_load %arg8[%swap3A_206, %swap3A_207] {strides = array<i32>} : memref<8x128xf32, #tpu.memory_space<vmem>>, vector<1x16xf32>,
      %swap3A_209 = vector.shape_cast %swap3A_208 : vector<1x16xf32> to vector<16xf32>
      %swap3A_210 = vector.shape_cast %scan3A_168#3 : vector<16xf32> to vector<1x16xf32>
      tpu.vector_store %arg8[%swap3A_206, %swap3A_207], %swap3A_210 {strides = array<i32>} : memref<8x128xf32, #tpu.memory_space<vmem>>, vector<1x16xf32>,
      %swap3A_211 = arith.constant 3 : i32
      %swap3A_212 = arith.index_cast %swap3A_211 : i32 to index
      %swap3A_213 = arith.constant 0 : index
      %swap3A_214 = tpu.vector_load %arg9[%swap3A_212, %swap3A_213] {strides = array<i32>} : memref<8x128xi32, #tpu.memory_space<vmem>>, vector<1x16xi32>,
      %swap3A_215 = vector.shape_cast %swap3A_214 : vector<1x16xi32> to vector<16xi32>
      %swap3A_216 = vector.shape_cast %scan3A_168#11 : vector<16xi32> to vector<1x16xi32>
      tpu.vector_store %arg9[%swap3A_212, %swap3A_213], %swap3A_216 {strides = array<i32>} : memref<8x128xi32, #tpu.memory_space<vmem>>, vector<1x16xi32>,
      %swap3A_217 = arith.constant 4 : i32
      %swap3A_218 = arith.index_cast %swap3A_217 : i32 to index
      %swap3A_219 = arith.constant 0 : index
      %swap3A_220 = tpu.vector_load %arg8[%swap3A_218, %swap3A_219] {strides = array<i32>} : memref<8x128xf32, #tpu.memory_space<vmem>>, vector<1x16xf32>,
      %swap3A_221 = vector.shape_cast %swap3A_220 : vector<1x16xf32> to vector<16xf32>
      %swap3A_222 = vector.shape_cast %scan3A_168#4 : vector<16xf32> to vector<1x16xf32>
      tpu.vector_store %arg8[%swap3A_218, %swap3A_219], %swap3A_222 {strides = array<i32>} : memref<8x128xf32, #tpu.memory_space<vmem>>, vector<1x16xf32>,
      %swap3A_223 = arith.constant 4 : i32
      %swap3A_224 = arith.index_cast %swap3A_223 : i32 to index
      %swap3A_225 = arith.constant 0 : index
      %swap3A_226 = tpu.vector_load %arg9[%swap3A_224, %swap3A_225] {strides = array<i32>} : memref<8x128xi32, #tpu.memory_space<vmem>>, vector<1x16xi32>,
      %swap3A_227 = vector.shape_cast %swap3A_226 : vector<1x16xi32> to vector<16xi32>
      %swap3A_228 = vector.shape_cast %scan3A_168#12 : vector<16xi32> to vector<1x16xi32>
      tpu.vector_store %arg9[%swap3A_224, %swap3A_225], %swap3A_228 {strides = array<i32>} : memref<8x128xi32, #tpu.memory_space<vmem>>, vector<1x16xi32>,
      %swap3A_229 = arith.constant 5 : i32
      %swap3A_230 = arith.index_cast %swap3A_229 : i32 to index
      %swap3A_231 = arith.constant 0 : index
      %swap3A_232 = tpu.vector_load %arg8[%swap3A_230, %swap3A_231] {strides = array<i32>} : memref<8x128xf32, #tpu.memory_space<vmem>>, vector<1x16xf32>,
      %swap3A_233 = vector.shape_cast %swap3A_232 : vector<1x16xf32> to vector<16xf32>
      %swap3A_234 = vector.shape_cast %scan3A_168#5 : vector<16xf32> to vector<1x16xf32>
      tpu.vector_store %arg8[%swap3A_230, %swap3A_231], %swap3A_234 {strides = array<i32>} : memref<8x128xf32, #tpu.memory_space<vmem>>, vector<1x16xf32>,
      %swap3A_235 = arith.constant 5 : i32
      %swap3A_236 = arith.index_cast %swap3A_235 : i32 to index
      %swap3A_237 = arith.constant 0 : index
      %swap3A_238 = tpu.vector_load %arg9[%swap3A_236, %swap3A_237] {strides = array<i32>} : memref<8x128xi32, #tpu.memory_space<vmem>>, vector<1x16xi32>,
      %swap3A_239 = vector.shape_cast %swap3A_238 : vector<1x16xi32> to vector<16xi32>
      %swap3A_240 = vector.shape_cast %scan3A_168#13 : vector<16xi32> to vector<1x16xi32>
      tpu.vector_store %arg9[%swap3A_236, %swap3A_237], %swap3A_240 {strides = array<i32>} : memref<8x128xi32, #tpu.memory_space<vmem>>, vector<1x16xi32>,
      %swap3A_241 = arith.constant 6 : i32
      %swap3A_242 = arith.index_cast %swap3A_241 : i32 to index
      %swap3A_243 = arith.constant 0 : index
      %swap3A_244 = tpu.vector_load %arg8[%swap3A_242, %swap3A_243] {strides = array<i32>} : memref<8x128xf32, #tpu.memory_space<vmem>>, vector<1x16xf32>,
      %swap3A_245 = vector.shape_cast %swap3A_244 : vector<1x16xf32> to vector<16xf32>
      %swap3A_246 = vector.shape_cast %scan3A_168#6 : vector<16xf32> to vector<1x16xf32>
      tpu.vector_store %arg8[%swap3A_242, %swap3A_243], %swap3A_246 {strides = array<i32>} : memref<8x128xf32, #tpu.memory_space<vmem>>, vector<1x16xf32>,
      %swap3A_247 = arith.constant 6 : i32
      %swap3A_248 = arith.index_cast %swap3A_247 : i32 to index
      %swap3A_249 = arith.constant 0 : index
      %swap3A_250 = tpu.vector_load %arg9[%swap3A_248, %swap3A_249] {strides = array<i32>} : memref<8x128xi32, #tpu.memory_space<vmem>>, vector<1x16xi32>,
      %swap3A_251 = vector.shape_cast %swap3A_250 : vector<1x16xi32> to vector<16xi32>
      %swap3A_252 = vector.shape_cast %scan3A_168#14 : vector<16xi32> to vector<1x16xi32>
      tpu.vector_store %arg9[%swap3A_248, %swap3A_249], %swap3A_252 {strides = array<i32>} : memref<8x128xi32, #tpu.memory_space<vmem>>, vector<1x16xi32>,
      %swap3A_253 = arith.constant 7 : i32
      %swap3A_254 = arith.index_cast %swap3A_253 : i32 to index
      %swap3A_255 = arith.constant 0 : index
      %swap3A_256 = tpu.vector_load %arg8[%swap3A_254, %swap3A_255] {strides = array<i32>} : memref<8x128xf32, #tpu.memory_space<vmem>>, vector<1x16xf32>,
      %swap3A_257 = vector.shape_cast %swap3A_256 : vector<1x16xf32> to vector<16xf32>
      %swap3A_258 = vector.shape_cast %scan3A_168#7 : vector<16xf32> to vector<1x16xf32>
      tpu.vector_store %arg8[%swap3A_254, %swap3A_255], %swap3A_258 {strides = array<i32>} : memref<8x128xf32, #tpu.memory_space<vmem>>, vector<1x16xf32>,
      %swap3A_259 = arith.constant 7 : i32
      %swap3A_260 = arith.index_cast %swap3A_259 : i32 to index
      %swap3A_261 = arith.constant 0 : index
      %swap3A_262 = tpu.vector_load %arg9[%swap3A_260, %swap3A_261] {strides = array<i32>} : memref<8x128xi32, #tpu.memory_space<vmem>>, vector<1x16xi32>,
      %swap3A_263 = vector.shape_cast %swap3A_262 : vector<1x16xi32> to vector<16xi32>
      %swap3A_264 = vector.shape_cast %scan3A_168#15 : vector<16xi32> to vector<1x16xi32>
      tpu.vector_store %arg9[%swap3A_260, %swap3A_261], %swap3A_264 {strides = array<i32>} : memref<8x128xi32, #tpu.memory_space<vmem>>, vector<1x16xi32>,
      "tpu.region"() ({
        %run_scoped3A = tpu.sem_alloc : memref<!tpu.dma_semaphore, #tpu.memory_space<semaphore_mem>>
        %dma_start3A_265 = arith.constant 0 : i32
        %dma_start3A_266 = arith.constant 0 : i32
        %dma_start3A_267 = tpu.memref_slice %arg26[%arg1, %dma_start3A_265, %dma_start3A_266] : memref<16x8x128xf32, #tpu.memory_space<vmem_shared>> -> memref<1x8x128xf32, #tpu.memory_space<vmem_shared>>
        %dma_start3A_268 = tpu.memref_squeeze %dma_start3A_267 : memref<1x8x128xf32, #tpu.memory_space<vmem_shared>> -> memref<8x128xf32, #tpu.memory_space<vmem_shared>>
        %dma_start3A_269 = arith.constant 0 : i32
        %dma_start3A_270 = arith.constant 0 : i32
        %dma_start3A_271 = tpu.memref_slice %arg26[%arg1, %dma_start3A_269, %dma_start3A_270] : memref<16x8x128xf32, #tpu.memory_space<vmem_shared>> -> memref<1x8x128xf32, #tpu.memory_space<vmem_shared>>
        %dma_start3A_272 = tpu.memref_squeeze %dma_start3A_271 : memref<1x8x128xf32, #tpu.memory_space<vmem_shared>> -> memref<8x128xf32, #tpu.memory_space<vmem_shared>>
        tpu.enqueue_dma source(%arg8 : memref<8x128xf32, #tpu.memory_space<vmem>>) target(%dma_start3A_272 : memref<8x128xf32, #tpu.memory_space<vmem_shared>>) target_semaphore(%run_scoped3A : memref<!tpu.dma_semaphore, #tpu.memory_space<semaphore_mem>>)
        %dma_wait3A_273 = arith.constant 0 : i32
        %dma_wait3A_274 = arith.constant 0 : i32
        %dma_wait3A_275 = tpu.memref_slice %arg26[%arg1, %dma_wait3A_273, %dma_wait3A_274] : memref<16x8x128xf32, #tpu.memory_space<vmem_shared>> -> memref<1x8x128xf32, #tpu.memory_space<vmem_shared>>
        %dma_wait3A_276 = tpu.memref_squeeze %dma_wait3A_275 : memref<1x8x128xf32, #tpu.memory_space<vmem_shared>> -> memref<8x128xf32, #tpu.memory_space<vmem_shared>>
        %dma_wait3A_277 = arith.constant 0 : i32
        %dma_wait3A_278 = arith.constant 0 : i32
        %dma_wait3A_279 = tpu.memref_slice %arg26[%arg1, %dma_wait3A_277, %dma_wait3A_278] : memref<16x8x128xf32, #tpu.memory_space<vmem_shared>> -> memref<1x8x128xf32, #tpu.memory_space<vmem_shared>>
        %dma_wait3A_280 = tpu.memref_squeeze %dma_wait3A_279 : memref<1x8x128xf32, #tpu.memory_space<vmem_shared>> -> memref<8x128xf32, #tpu.memory_space<vmem_shared>>
        tpu.wait_dma2 semaphore(%run_scoped3A : memref<!tpu.dma_semaphore, #tpu.memory_space<semaphore_mem>>) src(%arg8 : memref<8x128xf32, #tpu.memory_space<vmem>>) dst(%dma_wait3A_280 : memref<8x128xf32, #tpu.memory_space<vmem_shared>>)
        tpu.yield
      }) : () -> ()
      "tpu.region"() ({
        %run_scoped3A = tpu.sem_alloc : memref<!tpu.dma_semaphore, #tpu.memory_space<semaphore_mem>>
        %dma_start3A_265 = arith.constant 0 : i32
        %dma_start3A_266 = arith.constant 0 : i32
        %dma_start3A_267 = tpu.memref_slice %arg27[%arg1, %dma_start3A_265, %dma_start3A_266] : memref<16x8x128xi32, #tpu.memory_space<vmem_shared>> -> memref<1x8x128xi32, #tpu.memory_space<vmem_shared>>
        %dma_start3A_268 = tpu.memref_squeeze %dma_start3A_267 : memref<1x8x128xi32, #tpu.memory_space<vmem_shared>> -> memref<8x128xi32, #tpu.memory_space<vmem_shared>>
        %dma_start3A_269 = arith.constant 0 : i32
        %dma_start3A_270 = arith.constant 0 : i32
        %dma_start3A_271 = tpu.memref_slice %arg27[%arg1, %dma_start3A_269, %dma_start3A_270] : memref<16x8x128xi32, #tpu.memory_space<vmem_shared>> -> memref<1x8x128xi32, #tpu.memory_space<vmem_shared>>
        %dma_start3A_272 = tpu.memref_squeeze %dma_start3A_271 : memref<1x8x128xi32, #tpu.memory_space<vmem_shared>> -> memref<8x128xi32, #tpu.memory_space<vmem_shared>>
        tpu.enqueue_dma source(%arg9 : memref<8x128xi32, #tpu.memory_space<vmem>>) target(%dma_start3A_272 : memref<8x128xi32, #tpu.memory_space<vmem_shared>>) target_semaphore(%run_scoped3A : memref<!tpu.dma_semaphore, #tpu.memory_space<semaphore_mem>>)
        %dma_wait3A_273 = arith.constant 0 : i32
        %dma_wait3A_274 = arith.constant 0 : i32
        %dma_wait3A_275 = tpu.memref_slice %arg27[%arg1, %dma_wait3A_273, %dma_wait3A_274] : memref<16x8x128xi32, #tpu.memory_space<vmem_shared>> -> memref<1x8x128xi32, #tpu.memory_space<vmem_shared>>
        %dma_wait3A_276 = tpu.memref_squeeze %dma_wait3A_275 : memref<1x8x128xi32, #tpu.memory_space<vmem_shared>> -> memref<8x128xi32, #tpu.memory_space<vmem_shared>>
        %dma_wait3A_277 = arith.constant 0 : i32
        %dma_wait3A_278 = arith.constant 0 : i32
        %dma_wait3A_279 = tpu.memref_slice %arg27[%arg1, %dma_wait3A_277, %dma_wait3A_278] : memref<16x8x128xi32, #tpu.memory_space<vmem_shared>> -> memref<1x8x128xi32, #tpu.memory_space<vmem_shared>>
        %dma_wait3A_280 = tpu.memref_squeeze %dma_wait3A_279 : memref<1x8x128xi32, #tpu.memory_space<vmem_shared>> -> memref<8x128xi32, #tpu.memory_space<vmem_shared>>
        tpu.wait_dma2 semaphore(%run_scoped3A : memref<!tpu.dma_semaphore, #tpu.memory_space<semaphore_mem>>) src(%arg9 : memref<8x128xi32, #tpu.memory_space<vmem>>) dst(%dma_wait3A_280 : memref<8x128xi32, #tpu.memory_space<vmem_shared>>)
        tpu.yield
      }) : () -> ()
    } else {
    }
    %barrier3A = arith.constant 0 : index
    tpu.barrier barrier_id(%barrier3A)
    %eq3A_36 = arith.constant 0 : i32
    %eq3A_37 = arith.cmpi eq, %select_n3A_30, %eq3A_36 : i32
    %and3A_38 = arith.andi %lt3A_32, %eq3A_37 : i1
    %convert_element_type3A_39 = arith.extui %and3A_38 : i1 to i32
    %cond3A_40 = arith.constant 0 : i32
    %cond3A_41 = arith.cmpi ne, %convert_element_type3A_39, %cond3A_40 : i32
    scf.if %cond3A_41 {
      %add3A_42 = arith.constant 0 : i32
      %add3A_43 = arith.addi %arg1, %add3A_42 : i32
      "tpu.region"() ({
        %run_scoped3A = tpu.sem_alloc : memref<!tpu.dma_semaphore, #tpu.memory_space<semaphore_mem>>
        %dma_start3A = arith.constant 0 : i32
        %dma_start3A_2107 = arith.constant 0 : i32
        %dma_start3A_2108 = tpu.memref_slice %arg26[%add3A_43, %dma_start3A, %dma_start3A_2107] : memref<16x8x128xf32, #tpu.memory_space<vmem_shared>> -> memref<1x8x128xf32, #tpu.memory_space<vmem_shared>>
        %dma_start3A_2109 = tpu.memref_squeeze %dma_start3A_2108 : memref<1x8x128xf32, #tpu.memory_space<vmem_shared>> -> memref<8x128xf32, #tpu.memory_space<vmem_shared>>
        %dma_start3A_2110 = arith.constant 0 : i32
        %dma_start3A_2111 = arith.constant 0 : i32
        %dma_start3A_2112 = tpu.memref_slice %arg26[%add3A_43, %dma_start3A_2110, %dma_start3A_2111] : memref<16x8x128xf32, #tpu.memory_space<vmem_shared>> -> memref<1x8x128xf32, #tpu.memory_space<vmem_shared>>
        %dma_start3A_2113 = tpu.memref_squeeze %dma_start3A_2112 : memref<1x8x128xf32, #tpu.memory_space<vmem_shared>> -> memref<8x128xf32, #tpu.memory_space<vmem_shared>>
        tpu.enqueue_dma source(%dma_start3A_2113 : memref<8x128xf32, #tpu.memory_space<vmem_shared>>) target(%arg10 : memref<8x128xf32, #tpu.memory_space<vmem>>) target_semaphore(%run_scoped3A : memref<!tpu.dma_semaphore, #tpu.memory_space<semaphore_mem>>)
        %dma_wait3A = arith.constant 0 : i32
        %dma_wait3A_2114 = arith.constant 0 : i32
        %dma_wait3A_2115 = tpu.memref_slice %arg26[%add3A_43, %dma_wait3A, %dma_wait3A_2114] : memref<16x8x128xf32, #tpu.memory_space<vmem_shared>> -> memref<1x8x128xf32, #tpu.memory_space<vmem_shared>>
        %dma_wait3A_2116 = tpu.memref_squeeze %dma_wait3A_2115 : memref<1x8x128xf32, #tpu.memory_space<vmem_shared>> -> memref<8x128xf32, #tpu.memory_space<vmem_shared>>
        %dma_wait3A_2117 = arith.constant 0 : i32
        %dma_wait3A_2118 = arith.constant 0 : i32
        %dma_wait3A_2119 = tpu.memref_slice %arg26[%add3A_43, %dma_wait3A_2117, %dma_wait3A_2118] : memref<16x8x128xf32, #tpu.memory_space<vmem_shared>> -> memref<1x8x128xf32, #tpu.memory_space<vmem_shared>>
        %dma_wait3A_2120 = tpu.memref_squeeze %dma_wait3A_2119 : memref<1x8x128xf32, #tpu.memory_space<vmem_shared>> -> memref<8x128xf32, #tpu.memory_space<vmem_shared>>
        tpu.wait_dma2 semaphore(%run_scoped3A : memref<!tpu.dma_semaphore, #tpu.memory_space<semaphore_mem>>) src(%dma_wait3A_2120 : memref<8x128xf32, #tpu.memory_space<vmem_shared>>) dst(%arg10 : memref<8x128xf32, #tpu.memory_space<vmem>>)
        tpu.yield
      }) : () -> ()
      %add3A_44 = arith.constant 0 : i32
      %add3A_45 = arith.addi %arg1, %add3A_44 : i32
      "tpu.region"() ({
        %run_scoped3A = tpu.sem_alloc : memref<!tpu.dma_semaphore, #tpu.memory_space<semaphore_mem>>
        %dma_start3A = arith.constant 0 : i32
        %dma_start3A_2107 = arith.constant 0 : i32
        %dma_start3A_2108 = tpu.memref_slice %arg27[%add3A_45, %dma_start3A, %dma_start3A_2107] : memref<16x8x128xi32, #tpu.memory_space<vmem_shared>> -> memref<1x8x128xi32, #tpu.memory_space<vmem_shared>>
        %dma_start3A_2109 = tpu.memref_squeeze %dma_start3A_2108 : memref<1x8x128xi32, #tpu.memory_space<vmem_shared>> -> memref<8x128xi32, #tpu.memory_space<vmem_shared>>
        %dma_start3A_2110 = arith.constant 0 : i32
        %dma_start3A_2111 = arith.constant 0 : i32
        %dma_start3A_2112 = tpu.memref_slice %arg27[%add3A_45, %dma_start3A_2110, %dma_start3A_2111] : memref<16x8x128xi32, #tpu.memory_space<vmem_shared>> -> memref<1x8x128xi32, #tpu.memory_space<vmem_shared>>
        %dma_start3A_2113 = tpu.memref_squeeze %dma_start3A_2112 : memref<1x8x128xi32, #tpu.memory_space<vmem_shared>> -> memref<8x128xi32, #tpu.memory_space<vmem_shared>>
        tpu.enqueue_dma source(%dma_start3A_2113 : memref<8x128xi32, #tpu.memory_space<vmem_shared>>) target(%arg18 : memref<8x128xi32, #tpu.memory_space<vmem>>) target_semaphore(%run_scoped3A : memref<!tpu.dma_semaphore, #tpu.memory_space<semaphore_mem>>)
        %dma_wait3A = arith.constant 0 : i32
        %dma_wait3A_2114 = arith.constant 0 : i32
        %dma_wait3A_2115 = tpu.memref_slice %arg27[%add3A_45, %dma_wait3A, %dma_wait3A_2114] : memref<16x8x128xi32, #tpu.memory_space<vmem_shared>> -> memref<1x8x128xi32, #tpu.memory_space<vmem_shared>>
        %dma_wait3A_2116 = tpu.memref_squeeze %dma_wait3A_2115 : memref<1x8x128xi32, #tpu.memory_space<vmem_shared>> -> memref<8x128xi32, #tpu.memory_space<vmem_shared>>
        %dma_wait3A_2117 = arith.constant 0 : i32
        %dma_wait3A_2118 = arith.constant 0 : i32
        %dma_wait3A_2119 = tpu.memref_slice %arg27[%add3A_45, %dma_wait3A_2117, %dma_wait3A_2118] : memref<16x8x128xi32, #tpu.memory_space<vmem_shared>> -> memref<1x8x128xi32, #tpu.memory_space<vmem_shared>>
        %dma_wait3A_2120 = tpu.memref_squeeze %dma_wait3A_2119 : memref<1x8x128xi32, #tpu.memory_space<vmem_shared>> -> memref<8x128xi32, #tpu.memory_space<vmem_shared>>
        tpu.wait_dma2 semaphore(%run_scoped3A : memref<!tpu.dma_semaphore, #tpu.memory_space<semaphore_mem>>) src(%dma_wait3A_2120 : memref<8x128xi32, #tpu.memory_space<vmem_shared>>) dst(%arg18 : memref<8x128xi32, #tpu.memory_space<vmem>>)
        tpu.yield
      }) : () -> ()
      %add3A_46 = arith.constant 1 : i32
      %add3A_47 = arith.addi %arg1, %add3A_46 : i32
      "tpu.region"() ({
        %run_scoped3A = tpu.sem_alloc : memref<!tpu.dma_semaphore, #tpu.memory_space<semaphore_mem>>
        %dma_start3A = arith.constant 0 : i32
        %dma_start3A_2107 = arith.constant 0 : i32
        %dma_start3A_2108 = tpu.memref_slice %arg26[%add3A_47, %dma_start3A, %dma_start3A_2107] : memref<16x8x128xf32, #tpu.memory_space<vmem_shared>> -> memref<1x8x128xf32, #tpu.memory_space<vmem_shared>>
        %dma_start3A_2109 = tpu.memref_squeeze %dma_start3A_2108 : memref<1x8x128xf32, #tpu.memory_space<vmem_shared>> -> memref<8x128xf32, #tpu.memory_space<vmem_shared>>
        %dma_start3A_2110 = arith.constant 0 : i32
        %dma_start3A_2111 = arith.constant 0 : i32
        %dma_start3A_2112 = tpu.memref_slice %arg26[%add3A_47, %dma_start3A_2110, %dma_start3A_2111] : memref<16x8x128xf32, #tpu.memory_space<vmem_shared>> -> memref<1x8x128xf32, #tpu.memory_space<vmem_shared>>
        %dma_start3A_2113 = tpu.memref_squeeze %dma_start3A_2112 : memref<1x8x128xf32, #tpu.memory_space<vmem_shared>> -> memref<8x128xf32, #tpu.memory_space<vmem_shared>>
        tpu.enqueue_dma source(%dma_start3A_2113 : memref<8x128xf32, #tpu.memory_space<vmem_shared>>) target(%arg11 : memref<8x128xf32, #tpu.memory_space<vmem>>) target_semaphore(%run_scoped3A : memref<!tpu.dma_semaphore, #tpu.memory_space<semaphore_mem>>)
        %dma_wait3A = arith.constant 0 : i32
        %dma_wait3A_2114 = arith.constant 0 : i32
        %dma_wait3A_2115 = tpu.memref_slice %arg26[%add3A_47, %dma_wait3A, %dma_wait3A_2114] : memref<16x8x128xf32, #tpu.memory_space<vmem_shared>> -> memref<1x8x128xf32, #tpu.memory_space<vmem_shared>>
        %dma_wait3A_2116 = tpu.memref_squeeze %dma_wait3A_2115 : memref<1x8x128xf32, #tpu.memory_space<vmem_shared>> -> memref<8x128xf32, #tpu.memory_space<vmem_shared>>
        %dma_wait3A_2117 = arith.constant 0 : i32
        %dma_wait3A_2118 = arith.constant 0 : i32
        %dma_wait3A_2119 = tpu.memref_slice %arg26[%add3A_47, %dma_wait3A_2117, %dma_wait3A_2118] : memref<16x8x128xf32, #tpu.memory_space<vmem_shared>> -> memref<1x8x128xf32, #tpu.memory_space<vmem_shared>>
        %dma_wait3A_2120 = tpu.memref_squeeze %dma_wait3A_2119 : memref<1x8x128xf32, #tpu.memory_space<vmem_shared>> -> memref<8x128xf32, #tpu.memory_space<vmem_shared>>
        tpu.wait_dma2 semaphore(%run_scoped3A : memref<!tpu.dma_semaphore, #tpu.memory_space<semaphore_mem>>) src(%dma_wait3A_2120 : memref<8x128xf32, #tpu.memory_space<vmem_shared>>) dst(%arg11 : memref<8x128xf32, #tpu.memory_space<vmem>>)
        tpu.yield
      }) : () -> ()
      %add3A_48 = arith.constant 1 : i32
      %add3A_49 = arith.addi %arg1, %add3A_48 : i32
      "tpu.region"() ({
        %run_scoped3A = tpu.sem_alloc : memref<!tpu.dma_semaphore, #tpu.memory_space<semaphore_mem>>
        %dma_start3A = arith.constant 0 : i32
        %dma_start3A_2107 = arith.constant 0 : i32
        %dma_start3A_2108 = tpu.memref_slice %arg27[%add3A_49, %dma_start3A, %dma_start3A_2107] : memref<16x8x128xi32, #tpu.memory_space<vmem_shared>> -> memref<1x8x128xi32, #tpu.memory_space<vmem_shared>>
        %dma_start3A_2109 = tpu.memref_squeeze %dma_start3A_2108 : memref<1x8x128xi32, #tpu.memory_space<vmem_shared>> -> memref<8x128xi32, #tpu.memory_space<vmem_shared>>
        %dma_start3A_2110 = arith.constant 0 : i32
        %dma_start3A_2111 = arith.constant 0 : i32
        %dma_start3A_2112 = tpu.memref_slice %arg27[%add3A_49, %dma_start3A_2110, %dma_start3A_2111] : memref<16x8x128xi32, #tpu.memory_space<vmem_shared>> -> memref<1x8x128xi32, #tpu.memory_space<vmem_shared>>
        %dma_start3A_2113 = tpu.memref_squeeze %dma_start3A_2112 : memref<1x8x128xi32, #tpu.memory_space<vmem_shared>> -> memref<8x128xi32, #tpu.memory_space<vmem_shared>>
        tpu.enqueue_dma source(%dma_start3A_2113 : memref<8x128xi32, #tpu.memory_space<vmem_shared>>) target(%arg19 : memref<8x128xi32, #tpu.memory_space<vmem>>) target_semaphore(%run_scoped3A : memref<!tpu.dma_semaphore, #tpu.memory_space<semaphore_mem>>)
        %dma_wait3A = arith.constant 0 : i32
        %dma_wait3A_2114 = arith.constant 0 : i32
        %dma_wait3A_2115 = tpu.memref_slice %arg27[%add3A_49, %dma_wait3A, %dma_wait3A_2114] : memref<16x8x128xi32, #tpu.memory_space<vmem_shared>> -> memref<1x8x128xi32, #tpu.memory_space<vmem_shared>>
        %dma_wait3A_2116 = tpu.memref_squeeze %dma_wait3A_2115 : memref<1x8x128xi32, #tpu.memory_space<vmem_shared>> -> memref<8x128xi32, #tpu.memory_space<vmem_shared>>
        %dma_wait3A_2117 = arith.constant 0 : i32
        %dma_wait3A_2118 = arith.constant 0 : i32
        %dma_wait3A_2119 = tpu.memref_slice %arg27[%add3A_49, %dma_wait3A_2117, %dma_wait3A_2118] : memref<16x8x128xi32, #tpu.memory_space<vmem_shared>> -> memref<1x8x128xi32, #tpu.memory_space<vmem_shared>>
        %dma_wait3A_2120 = tpu.memref_squeeze %dma_wait3A_2119 : memref<1x8x128xi32, #tpu.memory_space<vmem_shared>> -> memref<8x128xi32, #tpu.memory_space<vmem_shared>>
        tpu.wait_dma2 semaphore(%run_scoped3A : memref<!tpu.dma_semaphore, #tpu.memory_space<semaphore_mem>>) src(%dma_wait3A_2120 : memref<8x128xi32, #tpu.memory_space<vmem_shared>>) dst(%arg19 : memref<8x128xi32, #tpu.memory_space<vmem>>)
        tpu.yield
      }) : () -> ()
      %add3A_50 = arith.constant 2 : i32
      %add3A_51 = arith.addi %arg1, %add3A_50 : i32
      "tpu.region"() ({
        %run_scoped3A = tpu.sem_alloc : memref<!tpu.dma_semaphore, #tpu.memory_space<semaphore_mem>>
        %dma_start3A = arith.constant 0 : i32
        %dma_start3A_2107 = arith.constant 0 : i32
        %dma_start3A_2108 = tpu.memref_slice %arg26[%add3A_51, %dma_start3A, %dma_start3A_2107] : memref<16x8x128xf32, #tpu.memory_space<vmem_shared>> -> memref<1x8x128xf32, #tpu.memory_space<vmem_shared>>
        %dma_start3A_2109 = tpu.memref_squeeze %dma_start3A_2108 : memref<1x8x128xf32, #tpu.memory_space<vmem_shared>> -> memref<8x128xf32, #tpu.memory_space<vmem_shared>>
        %dma_start3A_2110 = arith.constant 0 : i32
        %dma_start3A_2111 = arith.constant 0 : i32
        %dma_start3A_2112 = tpu.memref_slice %arg26[%add3A_51, %dma_start3A_2110, %dma_start3A_2111] : memref<16x8x128xf32, #tpu.memory_space<vmem_shared>> -> memref<1x8x128xf32, #tpu.memory_space<vmem_shared>>
        %dma_start3A_2113 = tpu.memref_squeeze %dma_start3A_2112 : memref<1x8x128xf32, #tpu.memory_space<vmem_shared>> -> memref<8x128xf32, #tpu.memory_space<vmem_shared>>
        tpu.enqueue_dma source(%dma_start3A_2113 : memref<8x128xf32, #tpu.memory_space<vmem_shared>>) target(%arg12 : memref<8x128xf32, #tpu.memory_space<vmem>>) target_semaphore(%run_scoped3A : memref<!tpu.dma_semaphore, #tpu.memory_space<semaphore_mem>>)
        %dma_wait3A = arith.constant 0 : i32
        %dma_wait3A_2114 = arith.constant 0 : i32
        %dma_wait3A_2115 = tpu.memref_slice %arg26[%add3A_51, %dma_wait3A, %dma_wait3A_2114] : memref<16x8x128xf32, #tpu.memory_space<vmem_shared>> -> memref<1x8x128xf32, #tpu.memory_space<vmem_shared>>
        %dma_wait3A_2116 = tpu.memref_squeeze %dma_wait3A_2115 : memref<1x8x128xf32, #tpu.memory_space<vmem_shared>> -> memref<8x128xf32, #tpu.memory_space<vmem_shared>>
        %dma_wait3A_2117 = arith.constant 0 : i32
        %dma_wait3A_2118 = arith.constant 0 : i32
        %dma_wait3A_2119 = tpu.memref_slice %arg26[%add3A_51, %dma_wait3A_2117, %dma_wait3A_2118] : memref<16x8x128xf32, #tpu.memory_space<vmem_shared>> -> memref<1x8x128xf32, #tpu.memory_space<vmem_shared>>
        %dma_wait3A_2120 = tpu.memref_squeeze %dma_wait3A_2119 : memref<1x8x128xf32, #tpu.memory_space<vmem_shared>> -> memref<8x128xf32, #tpu.memory_space<vmem_shared>>
        tpu.wait_dma2 semaphore(%run_scoped3A : memref<!tpu.dma_semaphore, #tpu.memory_space<semaphore_mem>>) src(%dma_wait3A_2120 : memref<8x128xf32, #tpu.memory_space<vmem_shared>>) dst(%arg12 : memref<8x128xf32, #tpu.memory_space<vmem>>)
        tpu.yield
      }) : () -> ()
      %add3A_52 = arith.constant 2 : i32
      %add3A_53 = arith.addi %arg1, %add3A_52 : i32
      "tpu.region"() ({
        %run_scoped3A = tpu.sem_alloc : memref<!tpu.dma_semaphore, #tpu.memory_space<semaphore_mem>>
        %dma_start3A = arith.constant 0 : i32
        %dma_start3A_2107 = arith.constant 0 : i32
        %dma_start3A_2108 = tpu.memref_slice %arg27[%add3A_53, %dma_start3A, %dma_start3A_2107] : memref<16x8x128xi32, #tpu.memory_space<vmem_shared>> -> memref<1x8x128xi32, #tpu.memory_space<vmem_shared>>
        %dma_start3A_2109 = tpu.memref_squeeze %dma_start3A_2108 : memref<1x8x128xi32, #tpu.memory_space<vmem_shared>> -> memref<8x128xi32, #tpu.memory_space<vmem_shared>>
        %dma_start3A_2110 = arith.constant 0 : i32
        %dma_start3A_2111 = arith.constant 0 : i32
        %dma_start3A_2112 = tpu.memref_slice %arg27[%add3A_53, %dma_start3A_2110, %dma_start3A_2111] : memref<16x8x128xi32, #tpu.memory_space<vmem_shared>> -> memref<1x8x128xi32, #tpu.memory_space<vmem_shared>>
        %dma_start3A_2113 = tpu.memref_squeeze %dma_start3A_2112 : memref<1x8x128xi32, #tpu.memory_space<vmem_shared>> -> memref<8x128xi32, #tpu.memory_space<vmem_shared>>
        tpu.enqueue_dma source(%dma_start3A_2113 : memref<8x128xi32, #tpu.memory_space<vmem_shared>>) target(%arg20 : memref<8x128xi32, #tpu.memory_space<vmem>>) target_semaphore(%run_scoped3A : memref<!tpu.dma_semaphore, #tpu.memory_space<semaphore_mem>>)
        %dma_wait3A = arith.constant 0 : i32
        %dma_wait3A_2114 = arith.constant 0 : i32
        %dma_wait3A_2115 = tpu.memref_slice %arg27[%add3A_53, %dma_wait3A, %dma_wait3A_2114] : memref<16x8x128xi32, #tpu.memory_space<vmem_shared>> -> memref<1x8x128xi32, #tpu.memory_space<vmem_shared>>
        %dma_wait3A_2116 = tpu.memref_squeeze %dma_wait3A_2115 : memref<1x8x128xi32, #tpu.memory_space<vmem_shared>> -> memref<8x128xi32, #tpu.memory_space<vmem_shared>>
        %dma_wait3A_2117 = arith.constant 0 : i32
        %dma_wait3A_2118 = arith.constant 0 : i32
        %dma_wait3A_2119 = tpu.memref_slice %arg27[%add3A_53, %dma_wait3A_2117, %dma_wait3A_2118] : memref<16x8x128xi32, #tpu.memory_space<vmem_shared>> -> memref<1x8x128xi32, #tpu.memory_space<vmem_shared>>
        %dma_wait3A_2120 = tpu.memref_squeeze %dma_wait3A_2119 : memref<1x8x128xi32, #tpu.memory_space<vmem_shared>> -> memref<8x128xi32, #tpu.memory_space<vmem_shared>>
        tpu.wait_dma2 semaphore(%run_scoped3A : memref<!tpu.dma_semaphore, #tpu.memory_space<semaphore_mem>>) src(%dma_wait3A_2120 : memref<8x128xi32, #tpu.memory_space<vmem_shared>>) dst(%arg20 : memref<8x128xi32, #tpu.memory_space<vmem>>)
        tpu.yield
      }) : () -> ()
      %add3A_54 = arith.constant 3 : i32
      %add3A_55 = arith.addi %arg1, %add3A_54 : i32
      "tpu.region"() ({
        %run_scoped3A = tpu.sem_alloc : memref<!tpu.dma_semaphore, #tpu.memory_space<semaphore_mem>>
        %dma_start3A = arith.constant 0 : i32
        %dma_start3A_2107 = arith.constant 0 : i32
        %dma_start3A_2108 = tpu.memref_slice %arg26[%add3A_55, %dma_start3A, %dma_start3A_2107] : memref<16x8x128xf32, #tpu.memory_space<vmem_shared>> -> memref<1x8x128xf32, #tpu.memory_space<vmem_shared>>
        %dma_start3A_2109 = tpu.memref_squeeze %dma_start3A_2108 : memref<1x8x128xf32, #tpu.memory_space<vmem_shared>> -> memref<8x128xf32, #tpu.memory_space<vmem_shared>>
        %dma_start3A_2110 = arith.constant 0 : i32
        %dma_start3A_2111 = arith.constant 0 : i32
        %dma_start3A_2112 = tpu.memref_slice %arg26[%add3A_55, %dma_start3A_2110, %dma_start3A_2111] : memref<16x8x128xf32, #tpu.memory_space<vmem_shared>> -> memref<1x8x128xf32, #tpu.memory_space<vmem_shared>>
        %dma_start3A_2113 = tpu.memref_squeeze %dma_start3A_2112 : memref<1x8x128xf32, #tpu.memory_space<vmem_shared>> -> memref<8x128xf32, #tpu.memory_space<vmem_shared>>
        tpu.enqueue_dma source(%dma_start3A_2113 : memref<8x128xf32, #tpu.memory_space<vmem_shared>>) target(%arg13 : memref<8x128xf32, #tpu.memory_space<vmem>>) target_semaphore(%run_scoped3A : memref<!tpu.dma_semaphore, #tpu.memory_space<semaphore_mem>>)
        %dma_wait3A = arith.constant 0 : i32
        %dma_wait3A_2114 = arith.constant 0 : i32
        %dma_wait3A_2115 = tpu.memref_slice %arg26[%add3A_55, %dma_wait3A, %dma_wait3A_2114] : memref<16x8x128xf32, #tpu.memory_space<vmem_shared>> -> memref<1x8x128xf32, #tpu.memory_space<vmem_shared>>
        %dma_wait3A_2116 = tpu.memref_squeeze %dma_wait3A_2115 : memref<1x8x128xf32, #tpu.memory_space<vmem_shared>> -> memref<8x128xf32, #tpu.memory_space<vmem_shared>>
        %dma_wait3A_2117 = arith.constant 0 : i32
        %dma_wait3A_2118 = arith.constant 0 : i32
        %dma_wait3A_2119 = tpu.memref_slice %arg26[%add3A_55, %dma_wait3A_2117, %dma_wait3A_2118] : memref<16x8x128xf32, #tpu.memory_space<vmem_shared>> -> memref<1x8x128xf32, #tpu.memory_space<vmem_shared>>
        %dma_wait3A_2120 = tpu.memref_squeeze %dma_wait3A_2119 : memref<1x8x128xf32, #tpu.memory_space<vmem_shared>> -> memref<8x128xf32, #tpu.memory_space<vmem_shared>>
        tpu.wait_dma2 semaphore(%run_scoped3A : memref<!tpu.dma_semaphore, #tpu.memory_space<semaphore_mem>>) src(%dma_wait3A_2120 : memref<8x128xf32, #tpu.memory_space<vmem_shared>>) dst(%arg13 : memref<8x128xf32, #tpu.memory_space<vmem>>)
        tpu.yield
      }) : () -> ()
      %add3A_56 = arith.constant 3 : i32
      %add3A_57 = arith.addi %arg1, %add3A_56 : i32
      "tpu.region"() ({
        %run_scoped3A = tpu.sem_alloc : memref<!tpu.dma_semaphore, #tpu.memory_space<semaphore_mem>>
        %dma_start3A = arith.constant 0 : i32
        %dma_start3A_2107 = arith.constant 0 : i32
        %dma_start3A_2108 = tpu.memref_slice %arg27[%add3A_57, %dma_start3A, %dma_start3A_2107] : memref<16x8x128xi32, #tpu.memory_space<vmem_shared>> -> memref<1x8x128xi32, #tpu.memory_space<vmem_shared>>
        %dma_start3A_2109 = tpu.memref_squeeze %dma_start3A_2108 : memref<1x8x128xi32, #tpu.memory_space<vmem_shared>> -> memref<8x128xi32, #tpu.memory_space<vmem_shared>>
        %dma_start3A_2110 = arith.constant 0 : i32
        %dma_start3A_2111 = arith.constant 0 : i32
        %dma_start3A_2112 = tpu.memref_slice %arg27[%add3A_57, %dma_start3A_2110, %dma_start3A_2111] : memref<16x8x128xi32, #tpu.memory_space<vmem_shared>> -> memref<1x8x128xi32, #tpu.memory_space<vmem_shared>>
        %dma_start3A_2113 = tpu.memref_squeeze %dma_start3A_2112 : memref<1x8x128xi32, #tpu.memory_space<vmem_shared>> -> memref<8x128xi32, #tpu.memory_space<vmem_shared>>
        tpu.enqueue_dma source(%dma_start3A_2113 : memref<8x128xi32, #tpu.memory_space<vmem_shared>>) target(%arg21 : memref<8x128xi32, #tpu.memory_space<vmem>>) target_semaphore(%run_scoped3A : memref<!tpu.dma_semaphore, #tpu.memory_space<semaphore_mem>>)
        %dma_wait3A = arith.constant 0 : i32
        %dma_wait3A_2114 = arith.constant 0 : i32
        %dma_wait3A_2115 = tpu.memref_slice %arg27[%add3A_57, %dma_wait3A, %dma_wait3A_2114] : memref<16x8x128xi32, #tpu.memory_space<vmem_shared>> -> memref<1x8x128xi32, #tpu.memory_space<vmem_shared>>
        %dma_wait3A_2116 = tpu.memref_squeeze %dma_wait3A_2115 : memref<1x8x128xi32, #tpu.memory_space<vmem_shared>> -> memref<8x128xi32, #tpu.memory_space<vmem_shared>>
        %dma_wait3A_2117 = arith.constant 0 : i32
        %dma_wait3A_2118 = arith.constant 0 : i32
        %dma_wait3A_2119 = tpu.memref_slice %arg27[%add3A_57, %dma_wait3A_2117, %dma_wait3A_2118] : memref<16x8x128xi32, #tpu.memory_space<vmem_shared>> -> memref<1x8x128xi32, #tpu.memory_space<vmem_shared>>
        %dma_wait3A_2120 = tpu.memref_squeeze %dma_wait3A_2119 : memref<1x8x128xi32, #tpu.memory_space<vmem_shared>> -> memref<8x128xi32, #tpu.memory_space<vmem_shared>>
        tpu.wait_dma2 semaphore(%run_scoped3A : memref<!tpu.dma_semaphore, #tpu.memory_space<semaphore_mem>>) src(%dma_wait3A_2120 : memref<8x128xi32, #tpu.memory_space<vmem_shared>>) dst(%arg21 : memref<8x128xi32, #tpu.memory_space<vmem>>)
        tpu.yield
      }) : () -> ()
      %add3A_58 = arith.constant 4 : i32
      %add3A_59 = arith.addi %arg1, %add3A_58 : i32
      "tpu.region"() ({
        %run_scoped3A = tpu.sem_alloc : memref<!tpu.dma_semaphore, #tpu.memory_space<semaphore_mem>>
        %dma_start3A = arith.constant 0 : i32
        %dma_start3A_2107 = arith.constant 0 : i32
        %dma_start3A_2108 = tpu.memref_slice %arg26[%add3A_59, %dma_start3A, %dma_start3A_2107] : memref<16x8x128xf32, #tpu.memory_space<vmem_shared>> -> memref<1x8x128xf32, #tpu.memory_space<vmem_shared>>
        %dma_start3A_2109 = tpu.memref_squeeze %dma_start3A_2108 : memref<1x8x128xf32, #tpu.memory_space<vmem_shared>> -> memref<8x128xf32, #tpu.memory_space<vmem_shared>>
        %dma_start3A_2110 = arith.constant 0 : i32
        %dma_start3A_2111 = arith.constant 0 : i32
        %dma_start3A_2112 = tpu.memref_slice %arg26[%add3A_59, %dma_start3A_2110, %dma_start3A_2111] : memref<16x8x128xf32, #tpu.memory_space<vmem_shared>> -> memref<1x8x128xf32, #tpu.memory_space<vmem_shared>>
        %dma_start3A_2113 = tpu.memref_squeeze %dma_start3A_2112 : memref<1x8x128xf32, #tpu.memory_space<vmem_shared>> -> memref<8x128xf32, #tpu.memory_space<vmem_shared>>
        tpu.enqueue_dma source(%dma_start3A_2113 : memref<8x128xf32, #tpu.memory_space<vmem_shared>>) target(%arg14 : memref<8x128xf32, #tpu.memory_space<vmem>>) target_semaphore(%run_scoped3A : memref<!tpu.dma_semaphore, #tpu.memory_space<semaphore_mem>>)
        %dma_wait3A = arith.constant 0 : i32
        %dma_wait3A_2114 = arith.constant 0 : i32
        %dma_wait3A_2115 = tpu.memref_slice %arg26[%add3A_59, %dma_wait3A, %dma_wait3A_2114] : memref<16x8x128xf32, #tpu.memory_space<vmem_shared>> -> memref<1x8x128xf32, #tpu.memory_space<vmem_shared>>
        %dma_wait3A_2116 = tpu.memref_squeeze %dma_wait3A_2115 : memref<1x8x128xf32, #tpu.memory_space<vmem_shared>> -> memref<8x128xf32, #tpu.memory_space<vmem_shared>>
        %dma_wait3A_2117 = arith.constant 0 : i32
        %dma_wait3A_2118 = arith.constant 0 : i32
        %dma_wait3A_2119 = tpu.memref_slice %arg26[%add3A_59, %dma_wait3A_2117, %dma_wait3A_2118] : memref<16x8x128xf32, #tpu.memory_space<vmem_shared>> -> memref<1x8x128xf32, #tpu.memory_space<vmem_shared>>
        %dma_wait3A_2120 = tpu.memref_squeeze %dma_wait3A_2119 : memref<1x8x128xf32, #tpu.memory_space<vmem_shared>> -> memref<8x128xf32, #tpu.memory_space<vmem_shared>>
        tpu.wait_dma2 semaphore(%run_scoped3A : memref<!tpu.dma_semaphore, #tpu.memory_space<semaphore_mem>>) src(%dma_wait3A_2120 : memref<8x128xf32, #tpu.memory_space<vmem_shared>>) dst(%arg14 : memref<8x128xf32, #tpu.memory_space<vmem>>)
        tpu.yield
      }) : () -> ()
      %add3A_60 = arith.constant 4 : i32
      %add3A_61 = arith.addi %arg1, %add3A_60 : i32
      "tpu.region"() ({
        %run_scoped3A = tpu.sem_alloc : memref<!tpu.dma_semaphore, #tpu.memory_space<semaphore_mem>>
        %dma_start3A = arith.constant 0 : i32
        %dma_start3A_2107 = arith.constant 0 : i32
        %dma_start3A_2108 = tpu.memref_slice %arg27[%add3A_61, %dma_start3A, %dma_start3A_2107] : memref<16x8x128xi32, #tpu.memory_space<vmem_shared>> -> memref<1x8x128xi32, #tpu.memory_space<vmem_shared>>
        %dma_start3A_2109 = tpu.memref_squeeze %dma_start3A_2108 : memref<1x8x128xi32, #tpu.memory_space<vmem_shared>> -> memref<8x128xi32, #tpu.memory_space<vmem_shared>>
        %dma_start3A_2110 = arith.constant 0 : i32
        %dma_start3A_2111 = arith.constant 0 : i32
        %dma_start3A_2112 = tpu.memref_slice %arg27[%add3A_61, %dma_start3A_2110, %dma_start3A_2111] : memref<16x8x128xi32, #tpu.memory_space<vmem_shared>> -> memref<1x8x128xi32, #tpu.memory_space<vmem_shared>>
        %dma_start3A_2113 = tpu.memref_squeeze %dma_start3A_2112 : memref<1x8x128xi32, #tpu.memory_space<vmem_shared>> -> memref<8x128xi32, #tpu.memory_space<vmem_shared>>
        tpu.enqueue_dma source(%dma_start3A_2113 : memref<8x128xi32, #tpu.memory_space<vmem_shared>>) target(%arg22 : memref<8x128xi32, #tpu.memory_space<vmem>>) target_semaphore(%run_scoped3A : memref<!tpu.dma_semaphore, #tpu.memory_space<semaphore_mem>>)
        %dma_wait3A = arith.constant 0 : i32
        %dma_wait3A_2114 = arith.constant 0 : i32
        %dma_wait3A_2115 = tpu.memref_slice %arg27[%add3A_61, %dma_wait3A, %dma_wait3A_2114] : memref<16x8x128xi32, #tpu.memory_space<vmem_shared>> -> memref<1x8x128xi32, #tpu.memory_space<vmem_shared>>
        %dma_wait3A_2116 = tpu.memref_squeeze %dma_wait3A_2115 : memref<1x8x128xi32, #tpu.memory_space<vmem_shared>> -> memref<8x128xi32, #tpu.memory_space<vmem_shared>>
        %dma_wait3A_2117 = arith.constant 0 : i32
        %dma_wait3A_2118 = arith.constant 0 : i32
        %dma_wait3A_2119 = tpu.memref_slice %arg27[%add3A_61, %dma_wait3A_2117, %dma_wait3A_2118] : memref<16x8x128xi32, #tpu.memory_space<vmem_shared>> -> memref<1x8x128xi32, #tpu.memory_space<vmem_shared>>
        %dma_wait3A_2120 = tpu.memref_squeeze %dma_wait3A_2119 : memref<1x8x128xi32, #tpu.memory_space<vmem_shared>> -> memref<8x128xi32, #tpu.memory_space<vmem_shared>>
        tpu.wait_dma2 semaphore(%run_scoped3A : memref<!tpu.dma_semaphore, #tpu.memory_space<semaphore_mem>>) src(%dma_wait3A_2120 : memref<8x128xi32, #tpu.memory_space<vmem_shared>>) dst(%arg22 : memref<8x128xi32, #tpu.memory_space<vmem>>)
        tpu.yield
      }) : () -> ()
      %add3A_62 = arith.constant 5 : i32
      %add3A_63 = arith.addi %arg1, %add3A_62 : i32
      "tpu.region"() ({
        %run_scoped3A = tpu.sem_alloc : memref<!tpu.dma_semaphore, #tpu.memory_space<semaphore_mem>>
        %dma_start3A = arith.constant 0 : i32
        %dma_start3A_2107 = arith.constant 0 : i32
        %dma_start3A_2108 = tpu.memref_slice %arg26[%add3A_63, %dma_start3A, %dma_start3A_2107] : memref<16x8x128xf32, #tpu.memory_space<vmem_shared>> -> memref<1x8x128xf32, #tpu.memory_space<vmem_shared>>
        %dma_start3A_2109 = tpu.memref_squeeze %dma_start3A_2108 : memref<1x8x128xf32, #tpu.memory_space<vmem_shared>> -> memref<8x128xf32, #tpu.memory_space<vmem_shared>>
        %dma_start3A_2110 = arith.constant 0 : i32
        %dma_start3A_2111 = arith.constant 0 : i32
        %dma_start3A_2112 = tpu.memref_slice %arg26[%add3A_63, %dma_start3A_2110, %dma_start3A_2111] : memref<16x8x128xf32, #tpu.memory_space<vmem_shared>> -> memref<1x8x128xf32, #tpu.memory_space<vmem_shared>>
        %dma_start3A_2113 = tpu.memref_squeeze %dma_start3A_2112 : memref<1x8x128xf32, #tpu.memory_space<vmem_shared>> -> memref<8x128xf32, #tpu.memory_space<vmem_shared>>
        tpu.enqueue_dma source(%dma_start3A_2113 : memref<8x128xf32, #tpu.memory_space<vmem_shared>>) target(%arg15 : memref<8x128xf32, #tpu.memory_space<vmem>>) target_semaphore(%run_scoped3A : memref<!tpu.dma_semaphore, #tpu.memory_space<semaphore_mem>>)
        %dma_wait3A = arith.constant 0 : i32
        %dma_wait3A_2114 = arith.constant 0 : i32
        %dma_wait3A_2115 = tpu.memref_slice %arg26[%add3A_63, %dma_wait3A, %dma_wait3A_2114] : memref<16x8x128xf32, #tpu.memory_space<vmem_shared>> -> memref<1x8x128xf32, #tpu.memory_space<vmem_shared>>
        %dma_wait3A_2116 = tpu.memref_squeeze %dma_wait3A_2115 : memref<1x8x128xf32, #tpu.memory_space<vmem_shared>> -> memref<8x128xf32, #tpu.memory_space<vmem_shared>>
        %dma_wait3A_2117 = arith.constant 0 : i32
        %dma_wait3A_2118 = arith.constant 0 : i32
        %dma_wait3A_2119 = tpu.memref_slice %arg26[%add3A_63, %dma_wait3A_2117, %dma_wait3A_2118] : memref<16x8x128xf32, #tpu.memory_space<vmem_shared>> -> memref<1x8x128xf32, #tpu.memory_space<vmem_shared>>
        %dma_wait3A_2120 = tpu.memref_squeeze %dma_wait3A_2119 : memref<1x8x128xf32, #tpu.memory_space<vmem_shared>> -> memref<8x128xf32, #tpu.memory_space<vmem_shared>>
        tpu.wait_dma2 semaphore(%run_scoped3A : memref<!tpu.dma_semaphore, #tpu.memory_space<semaphore_mem>>) src(%dma_wait3A_2120 : memref<8x128xf32, #tpu.memory_space<vmem_shared>>) dst(%arg15 : memref<8x128xf32, #tpu.memory_space<vmem>>)
        tpu.yield
      }) : () -> ()
      %add3A_64 = arith.constant 5 : i32
      %add3A_65 = arith.addi %arg1, %add3A_64 : i32
      "tpu.region"() ({
        %run_scoped3A = tpu.sem_alloc : memref<!tpu.dma_semaphore, #tpu.memory_space<semaphore_mem>>
        %dma_start3A = arith.constant 0 : i32
        %dma_start3A_2107 = arith.constant 0 : i32
        %dma_start3A_2108 = tpu.memref_slice %arg27[%add3A_65, %dma_start3A, %dma_start3A_2107] : memref<16x8x128xi32, #tpu.memory_space<vmem_shared>> -> memref<1x8x128xi32, #tpu.memory_space<vmem_shared>>
        %dma_start3A_2109 = tpu.memref_squeeze %dma_start3A_2108 : memref<1x8x128xi32, #tpu.memory_space<vmem_shared>> -> memref<8x128xi32, #tpu.memory_space<vmem_shared>>
        %dma_start3A_2110 = arith.constant 0 : i32
        %dma_start3A_2111 = arith.constant 0 : i32
        %dma_start3A_2112 = tpu.memref_slice %arg27[%add3A_65, %dma_start3A_2110, %dma_start3A_2111] : memref<16x8x128xi32, #tpu.memory_space<vmem_shared>> -> memref<1x8x128xi32, #tpu.memory_space<vmem_shared>>
        %dma_start3A_2113 = tpu.memref_squeeze %dma_start3A_2112 : memref<1x8x128xi32, #tpu.memory_space<vmem_shared>> -> memref<8x128xi32, #tpu.memory_space<vmem_shared>>
        tpu.enqueue_dma source(%dma_start3A_2113 : memref<8x128xi32, #tpu.memory_space<vmem_shared>>) target(%arg23 : memref<8x128xi32, #tpu.memory_space<vmem>>) target_semaphore(%run_scoped3A : memref<!tpu.dma_semaphore, #tpu.memory_space<semaphore_mem>>)
        %dma_wait3A = arith.constant 0 : i32
        %dma_wait3A_2114 = arith.constant 0 : i32
        %dma_wait3A_2115 = tpu.memref_slice %arg27[%add3A_65, %dma_wait3A, %dma_wait3A_2114] : memref<16x8x128xi32, #tpu.memory_space<vmem_shared>> -> memref<1x8x128xi32, #tpu.memory_space<vmem_shared>>
        %dma_wait3A_2116 = tpu.memref_squeeze %dma_wait3A_2115 : memref<1x8x128xi32, #tpu.memory_space<vmem_shared>> -> memref<8x128xi32, #tpu.memory_space<vmem_shared>>
        %dma_wait3A_2117 = arith.constant 0 : i32
        %dma_wait3A_2118 = arith.constant 0 : i32
        %dma_wait3A_2119 = tpu.memref_slice %arg27[%add3A_65, %dma_wait3A_2117, %dma_wait3A_2118] : memref<16x8x128xi32, #tpu.memory_space<vmem_shared>> -> memref<1x8x128xi32, #tpu.memory_space<vmem_shared>>
        %dma_wait3A_2120 = tpu.memref_squeeze %dma_wait3A_2119 : memref<1x8x128xi32, #tpu.memory_space<vmem_shared>> -> memref<8x128xi32, #tpu.memory_space<vmem_shared>>
        tpu.wait_dma2 semaphore(%run_scoped3A : memref<!tpu.dma_semaphore, #tpu.memory_space<semaphore_mem>>) src(%dma_wait3A_2120 : memref<8x128xi32, #tpu.memory_space<vmem_shared>>) dst(%arg23 : memref<8x128xi32, #tpu.memory_space<vmem>>)
        tpu.yield
      }) : () -> ()
      %add3A_66 = arith.constant 6 : i32
      %add3A_67 = arith.addi %arg1, %add3A_66 : i32
      "tpu.region"() ({
        %run_scoped3A = tpu.sem_alloc : memref<!tpu.dma_semaphore, #tpu.memory_space<semaphore_mem>>
        %dma_start3A = arith.constant 0 : i32
        %dma_start3A_2107 = arith.constant 0 : i32
        %dma_start3A_2108 = tpu.memref_slice %arg26[%add3A_67, %dma_start3A, %dma_start3A_2107] : memref<16x8x128xf32, #tpu.memory_space<vmem_shared>> -> memref<1x8x128xf32, #tpu.memory_space<vmem_shared>>
        %dma_start3A_2109 = tpu.memref_squeeze %dma_start3A_2108 : memref<1x8x128xf32, #tpu.memory_space<vmem_shared>> -> memref<8x128xf32, #tpu.memory_space<vmem_shared>>
        %dma_start3A_2110 = arith.constant 0 : i32
        %dma_start3A_2111 = arith.constant 0 : i32
        %dma_start3A_2112 = tpu.memref_slice %arg26[%add3A_67, %dma_start3A_2110, %dma_start3A_2111] : memref<16x8x128xf32, #tpu.memory_space<vmem_shared>> -> memref<1x8x128xf32, #tpu.memory_space<vmem_shared>>
        %dma_start3A_2113 = tpu.memref_squeeze %dma_start3A_2112 : memref<1x8x128xf32, #tpu.memory_space<vmem_shared>> -> memref<8x128xf32, #tpu.memory_space<vmem_shared>>
        tpu.enqueue_dma source(%dma_start3A_2113 : memref<8x128xf32, #tpu.memory_space<vmem_shared>>) target(%arg16 : memref<8x128xf32, #tpu.memory_space<vmem>>) target_semaphore(%run_scoped3A : memref<!tpu.dma_semaphore, #tpu.memory_space<semaphore_mem>>)
        %dma_wait3A = arith.constant 0 : i32
        %dma_wait3A_2114 = arith.constant 0 : i32
        %dma_wait3A_2115 = tpu.memref_slice %arg26[%add3A_67, %dma_wait3A, %dma_wait3A_2114] : memref<16x8x128xf32, #tpu.memory_space<vmem_shared>> -> memref<1x8x128xf32, #tpu.memory_space<vmem_shared>>
        %dma_wait3A_2116 = tpu.memref_squeeze %dma_wait3A_2115 : memref<1x8x128xf32, #tpu.memory_space<vmem_shared>> -> memref<8x128xf32, #tpu.memory_space<vmem_shared>>
        %dma_wait3A_2117 = arith.constant 0 : i32
        %dma_wait3A_2118 = arith.constant 0 : i32
        %dma_wait3A_2119 = tpu.memref_slice %arg26[%add3A_67, %dma_wait3A_2117, %dma_wait3A_2118] : memref<16x8x128xf32, #tpu.memory_space<vmem_shared>> -> memref<1x8x128xf32, #tpu.memory_space<vmem_shared>>
        %dma_wait3A_2120 = tpu.memref_squeeze %dma_wait3A_2119 : memref<1x8x128xf32, #tpu.memory_space<vmem_shared>> -> memref<8x128xf32, #tpu.memory_space<vmem_shared>>
        tpu.wait_dma2 semaphore(%run_scoped3A : memref<!tpu.dma_semaphore, #tpu.memory_space<semaphore_mem>>) src(%dma_wait3A_2120 : memref<8x128xf32, #tpu.memory_space<vmem_shared>>) dst(%arg16 : memref<8x128xf32, #tpu.memory_space<vmem>>)
        tpu.yield
      }) : () -> ()
      %add3A_68 = arith.constant 6 : i32
      %add3A_69 = arith.addi %arg1, %add3A_68 : i32
      "tpu.region"() ({
        %run_scoped3A = tpu.sem_alloc : memref<!tpu.dma_semaphore, #tpu.memory_space<semaphore_mem>>
        %dma_start3A = arith.constant 0 : i32
        %dma_start3A_2107 = arith.constant 0 : i32
        %dma_start3A_2108 = tpu.memref_slice %arg27[%add3A_69, %dma_start3A, %dma_start3A_2107] : memref<16x8x128xi32, #tpu.memory_space<vmem_shared>> -> memref<1x8x128xi32, #tpu.memory_space<vmem_shared>>
        %dma_start3A_2109 = tpu.memref_squeeze %dma_start3A_2108 : memref<1x8x128xi32, #tpu.memory_space<vmem_shared>> -> memref<8x128xi32, #tpu.memory_space<vmem_shared>>
        %dma_start3A_2110 = arith.constant 0 : i32
        %dma_start3A_2111 = arith.constant 0 : i32
        %dma_start3A_2112 = tpu.memref_slice %arg27[%add3A_69, %dma_start3A_2110, %dma_start3A_2111] : memref<16x8x128xi32, #tpu.memory_space<vmem_shared>> -> memref<1x8x128xi32, #tpu.memory_space<vmem_shared>>
        %dma_start3A_2113 = tpu.memref_squeeze %dma_start3A_2112 : memref<1x8x128xi32, #tpu.memory_space<vmem_shared>> -> memref<8x128xi32, #tpu.memory_space<vmem_shared>>
        tpu.enqueue_dma source(%dma_start3A_2113 : memref<8x128xi32, #tpu.memory_space<vmem_shared>>) target(%arg24 : memref<8x128xi32, #tpu.memory_space<vmem>>) target_semaphore(%run_scoped3A : memref<!tpu.dma_semaphore, #tpu.memory_space<semaphore_mem>>)
        %dma_wait3A = arith.constant 0 : i32
        %dma_wait3A_2114 = arith.constant 0 : i32
        %dma_wait3A_2115 = tpu.memref_slice %arg27[%add3A_69, %dma_wait3A, %dma_wait3A_2114] : memref<16x8x128xi32, #tpu.memory_space<vmem_shared>> -> memref<1x8x128xi32, #tpu.memory_space<vmem_shared>>
        %dma_wait3A_2116 = tpu.memref_squeeze %dma_wait3A_2115 : memref<1x8x128xi32, #tpu.memory_space<vmem_shared>> -> memref<8x128xi32, #tpu.memory_space<vmem_shared>>
        %dma_wait3A_2117 = arith.constant 0 : i32
        %dma_wait3A_2118 = arith.constant 0 : i32
        %dma_wait3A_2119 = tpu.memref_slice %arg27[%add3A_69, %dma_wait3A_2117, %dma_wait3A_2118] : memref<16x8x128xi32, #tpu.memory_space<vmem_shared>> -> memref<1x8x128xi32, #tpu.memory_space<vmem_shared>>
        %dma_wait3A_2120 = tpu.memref_squeeze %dma_wait3A_2119 : memref<1x8x128xi32, #tpu.memory_space<vmem_shared>> -> memref<8x128xi32, #tpu.memory_space<vmem_shared>>
        tpu.wait_dma2 semaphore(%run_scoped3A : memref<!tpu.dma_semaphore, #tpu.memory_space<semaphore_mem>>) src(%dma_wait3A_2120 : memref<8x128xi32, #tpu.memory_space<vmem_shared>>) dst(%arg24 : memref<8x128xi32, #tpu.memory_space<vmem>>)
        tpu.yield
      }) : () -> ()
      %add3A_70 = arith.constant 7 : i32
      %add3A_71 = arith.addi %arg1, %add3A_70 : i32
      "tpu.region"() ({
        %run_scoped3A = tpu.sem_alloc : memref<!tpu.dma_semaphore, #tpu.memory_space<semaphore_mem>>
        %dma_start3A = arith.constant 0 : i32
        %dma_start3A_2107 = arith.constant 0 : i32
        %dma_start3A_2108 = tpu.memref_slice %arg26[%add3A_71, %dma_start3A, %dma_start3A_2107] : memref<16x8x128xf32, #tpu.memory_space<vmem_shared>> -> memref<1x8x128xf32, #tpu.memory_space<vmem_shared>>
        %dma_start3A_2109 = tpu.memref_squeeze %dma_start3A_2108 : memref<1x8x128xf32, #tpu.memory_space<vmem_shared>> -> memref<8x128xf32, #tpu.memory_space<vmem_shared>>
        %dma_start3A_2110 = arith.constant 0 : i32
        %dma_start3A_2111 = arith.constant 0 : i32
        %dma_start3A_2112 = tpu.memref_slice %arg26[%add3A_71, %dma_start3A_2110, %dma_start3A_2111] : memref<16x8x128xf32, #tpu.memory_space<vmem_shared>> -> memref<1x8x128xf32, #tpu.memory_space<vmem_shared>>
        %dma_start3A_2113 = tpu.memref_squeeze %dma_start3A_2112 : memref<1x8x128xf32, #tpu.memory_space<vmem_shared>> -> memref<8x128xf32, #tpu.memory_space<vmem_shared>>
        tpu.enqueue_dma source(%dma_start3A_2113 : memref<8x128xf32, #tpu.memory_space<vmem_shared>>) target(%arg17 : memref<8x128xf32, #tpu.memory_space<vmem>>) target_semaphore(%run_scoped3A : memref<!tpu.dma_semaphore, #tpu.memory_space<semaphore_mem>>)
        %dma_wait3A = arith.constant 0 : i32
        %dma_wait3A_2114 = arith.constant 0 : i32
        %dma_wait3A_2115 = tpu.memref_slice %arg26[%add3A_71, %dma_wait3A, %dma_wait3A_2114] : memref<16x8x128xf32, #tpu.memory_space<vmem_shared>> -> memref<1x8x128xf32, #tpu.memory_space<vmem_shared>>
        %dma_wait3A_2116 = tpu.memref_squeeze %dma_wait3A_2115 : memref<1x8x128xf32, #tpu.memory_space<vmem_shared>> -> memref<8x128xf32, #tpu.memory_space<vmem_shared>>
        %dma_wait3A_2117 = arith.constant 0 : i32
        %dma_wait3A_2118 = arith.constant 0 : i32
        %dma_wait3A_2119 = tpu.memref_slice %arg26[%add3A_71, %dma_wait3A_2117, %dma_wait3A_2118] : memref<16x8x128xf32, #tpu.memory_space<vmem_shared>> -> memref<1x8x128xf32, #tpu.memory_space<vmem_shared>>
        %dma_wait3A_2120 = tpu.memref_squeeze %dma_wait3A_2119 : memref<1x8x128xf32, #tpu.memory_space<vmem_shared>> -> memref<8x128xf32, #tpu.memory_space<vmem_shared>>
        tpu.wait_dma2 semaphore(%run_scoped3A : memref<!tpu.dma_semaphore, #tpu.memory_space<semaphore_mem>>) src(%dma_wait3A_2120 : memref<8x128xf32, #tpu.memory_space<vmem_shared>>) dst(%arg17 : memref<8x128xf32, #tpu.memory_space<vmem>>)
        tpu.yield
      }) : () -> ()
      %add3A_72 = arith.constant 7 : i32
      %add3A_73 = arith.addi %arg1, %add3A_72 : i32
      "tpu.region"() ({
        %run_scoped3A = tpu.sem_alloc : memref<!tpu.dma_semaphore, #tpu.memory_space<semaphore_mem>>
        %dma_start3A = arith.constant 0 : i32
        %dma_start3A_2107 = arith.constant 0 : i32
        %dma_start3A_2108 = tpu.memref_slice %arg27[%add3A_73, %dma_start3A, %dma_start3A_2107] : memref<16x8x128xi32, #tpu.memory_space<vmem_shared>> -> memref<1x8x128xi32, #tpu.memory_space<vmem_shared>>
        %dma_start3A_2109 = tpu.memref_squeeze %dma_start3A_2108 : memref<1x8x128xi32, #tpu.memory_space<vmem_shared>> -> memref<8x128xi32, #tpu.memory_space<vmem_shared>>
        %dma_start3A_2110 = arith.constant 0 : i32
        %dma_start3A_2111 = arith.constant 0 : i32
        %dma_start3A_2112 = tpu.memref_slice %arg27[%add3A_73, %dma_start3A_2110, %dma_start3A_2111] : memref<16x8x128xi32, #tpu.memory_space<vmem_shared>> -> memref<1x8x128xi32, #tpu.memory_space<vmem_shared>>
        %dma_start3A_2113 = tpu.memref_squeeze %dma_start3A_2112 : memref<1x8x128xi32, #tpu.memory_space<vmem_shared>> -> memref<8x128xi32, #tpu.memory_space<vmem_shared>>
        tpu.enqueue_dma source(%dma_start3A_2113 : memref<8x128xi32, #tpu.memory_space<vmem_shared>>) target(%arg25 : memref<8x128xi32, #tpu.memory_space<vmem>>) target_semaphore(%run_scoped3A : memref<!tpu.dma_semaphore, #tpu.memory_space<semaphore_mem>>)
        %dma_wait3A = arith.constant 0 : i32
        %dma_wait3A_2114 = arith.constant 0 : i32
        %dma_wait3A_2115 = tpu.memref_slice %arg27[%add3A_73, %dma_wait3A, %dma_wait3A_2114] : memref<16x8x128xi32, #tpu.memory_space<vmem_shared>> -> memref<1x8x128xi32, #tpu.memory_space<vmem_shared>>
        %dma_wait3A_2116 = tpu.memref_squeeze %dma_wait3A_2115 : memref<1x8x128xi32, #tpu.memory_space<vmem_shared>> -> memref<8x128xi32, #tpu.memory_space<vmem_shared>>
        %dma_wait3A_2117 = arith.constant 0 : i32
        %dma_wait3A_2118 = arith.constant 0 : i32
        %dma_wait3A_2119 = tpu.memref_slice %arg27[%add3A_73, %dma_wait3A_2117, %dma_wait3A_2118] : memref<16x8x128xi32, #tpu.memory_space<vmem_shared>> -> memref<1x8x128xi32, #tpu.memory_space<vmem_shared>>
        %dma_wait3A_2120 = tpu.memref_squeeze %dma_wait3A_2119 : memref<1x8x128xi32, #tpu.memory_space<vmem_shared>> -> memref<8x128xi32, #tpu.memory_space<vmem_shared>>
        tpu.wait_dma2 semaphore(%run_scoped3A : memref<!tpu.dma_semaphore, #tpu.memory_space<semaphore_mem>>) src(%dma_wait3A_2120 : memref<8x128xi32, #tpu.memory_space<vmem_shared>>) dst(%arg25 : memref<8x128xi32, #tpu.memory_space<vmem>>)
        tpu.yield
      }) : () -> ()
      %get3A = arith.constant 0 : i32
      %get3A_74 = arith.index_cast %get3A : i32 to index
      %get3A_75 = arith.constant 0 : index
      %get3A_76 = tpu.vector_load %arg10[%get3A_74, %get3A_75] {strides = array<i32>} : memref<8x128xf32, #tpu.memory_space<vmem>>, vector<1x16xf32>,
      %get3A_77 = vector.shape_cast %get3A_76 : vector<1x16xf32> to vector<16xf32>
      %get3A_78 = arith.constant 0 : i32
      %get3A_79 = arith.index_cast %get3A_78 : i32 to index
      %get3A_80 = arith.constant 0 : index
      %get3A_81 = tpu.vector_load %arg18[%get3A_79, %get3A_80] {strides = array<i32>} : memref<8x128xi32, #tpu.memory_space<vmem>>, vector<1x16xi32>,
      %get3A_82 = vector.shape_cast %get3A_81 : vector<1x16xi32> to vector<16xi32>
      %get3A_83 = arith.constant 0 : i32
      %get3A_84 = arith.index_cast %get3A_83 : i32 to index
      %get3A_85 = arith.constant 0 : index
      %get3A_86 = tpu.vector_load %arg11[%get3A_84, %get3A_85] {strides = array<i32>} : memref<8x128xf32, #tpu.memory_space<vmem>>, vector<1x16xf32>,
      %get3A_87 = vector.shape_cast %get3A_86 : vector<1x16xf32> to vector<16xf32>
      %get3A_88 = arith.constant 0 : i32
      %get3A_89 = arith.index_cast %get3A_88 : i32 to index
      %get3A_90 = arith.constant 0 : index
      %get3A_91 = tpu.vector_load %arg19[%get3A_89, %get3A_90] {strides = array<i32>} : memref<8x128xi32, #tpu.memory_space<vmem>>, vector<1x16xi32>,
      %get3A_92 = vector.shape_cast %get3A_91 : vector<1x16xi32> to vector<16xi32>
      %gt3A = arith.cmpf ogt, %get3A_87, %get3A_77 : vector<16xf32>
      %eq3A_93 = arith.cmpf oeq, %get3A_87, %get3A_77 : vector<16xf32>
      %lt3A_94 = arith.cmpi slt, %get3A_92, %get3A_82 : vector<16xi32>
      %and3A_95 = arith.andi %eq3A_93, %lt3A_94 : vector<16xi1>
      %or3A = arith.ori %gt3A, %and3A_95 : vector<16xi1>
      %select_n3A_96 = arith.select %or3A, %get3A_87, %get3A_77 : vector<16xi1>, vector<16xf32>
      %select_n3A_97 = arith.select %or3A, %get3A_92, %get3A_82 : vector<16xi1>, vector<16xi32>
      %get3A_98 = arith.constant 0 : i32
      %get3A_99 = arith.index_cast %get3A_98 : i32 to index
      %get3A_100 = arith.constant 0 : index
      %get3A_101 = tpu.vector_load %arg12[%get3A_99, %get3A_100] {strides = array<i32>} : memref<8x128xf32, #tpu.memory_space<vmem>>, vector<1x16xf32>,
      %get3A_102 = vector.shape_cast %get3A_101 : vector<1x16xf32> to vector<16xf32>
      %get3A_103 = arith.constant 0 : i32
      %get3A_104 = arith.index_cast %get3A_103 : i32 to index
      %get3A_105 = arith.constant 0 : index
      %get3A_106 = tpu.vector_load %arg20[%get3A_104, %get3A_105] {strides = array<i32>} : memref<8x128xi32, #tpu.memory_space<vmem>>, vector<1x16xi32>,
      %get3A_107 = vector.shape_cast %get3A_106 : vector<1x16xi32> to vector<16xi32>
      %gt3A_108 = arith.cmpf ogt, %get3A_102, %select_n3A_96 : vector<16xf32>
      %eq3A_109 = arith.cmpf oeq, %get3A_102, %select_n3A_96 : vector<16xf32>
      %lt3A_110 = arith.cmpi slt, %get3A_107, %select_n3A_97 : vector<16xi32>
      %and3A_111 = arith.andi %eq3A_109, %lt3A_110 : vector<16xi1>
      %or3A_112 = arith.ori %gt3A_108, %and3A_111 : vector<16xi1>
      %select_n3A_113 = arith.select %or3A_112, %get3A_102, %select_n3A_96 : vector<16xi1>, vector<16xf32>
      %select_n3A_114 = arith.select %or3A_112, %get3A_107, %select_n3A_97 : vector<16xi1>, vector<16xi32>
      %get3A_115 = arith.constant 0 : i32
      %get3A_116 = arith.index_cast %get3A_115 : i32 to index
      %get3A_117 = arith.constant 0 : index
      %get3A_118 = tpu.vector_load %arg13[%get3A_116, %get3A_117] {strides = array<i32>} : memref<8x128xf32, #tpu.memory_space<vmem>>, vector<1x16xf32>,
      %get3A_119 = vector.shape_cast %get3A_118 : vector<1x16xf32> to vector<16xf32>
      %get3A_120 = arith.constant 0 : i32
      %get3A_121 = arith.index_cast %get3A_120 : i32 to index
      %get3A_122 = arith.constant 0 : index
      %get3A_123 = tpu.vector_load %arg21[%get3A_121, %get3A_122] {strides = array<i32>} : memref<8x128xi32, #tpu.memory_space<vmem>>, vector<1x16xi32>,
      %get3A_124 = vector.shape_cast %get3A_123 : vector<1x16xi32> to vector<16xi32>
      %gt3A_125 = arith.cmpf ogt, %get3A_119, %select_n3A_113 : vector<16xf32>
      %eq3A_126 = arith.cmpf oeq, %get3A_119, %select_n3A_113 : vector<16xf32>
      %lt3A_127 = arith.cmpi slt, %get3A_124, %select_n3A_114 : vector<16xi32>
      %and3A_128 = arith.andi %eq3A_126, %lt3A_127 : vector<16xi1>
      %or3A_129 = arith.ori %gt3A_125, %and3A_128 : vector<16xi1>
      %select_n3A_130 = arith.select %or3A_129, %get3A_119, %select_n3A_113 : vector<16xi1>, vector<16xf32>
      %select_n3A_131 = arith.select %or3A_129, %get3A_124, %select_n3A_114 : vector<16xi1>, vector<16xi32>
      %get3A_132 = arith.constant 0 : i32
      %get3A_133 = arith.index_cast %get3A_132 : i32 to index
      %get3A_134 = arith.constant 0 : index
      %get3A_135 = tpu.vector_load %arg14[%get3A_133, %get3A_134] {strides = array<i32>} : memref<8x128xf32, #tpu.memory_space<vmem>>, vector<1x16xf32>,
      %get3A_136 = vector.shape_cast %get3A_135 : vector<1x16xf32> to vector<16xf32>
      %get3A_137 = arith.constant 0 : i32
      %get3A_138 = arith.index_cast %get3A_137 : i32 to index
      %get3A_139 = arith.constant 0 : index
      %get3A_140 = tpu.vector_load %arg22[%get3A_138, %get3A_139] {strides = array<i32>} : memref<8x128xi32, #tpu.memory_space<vmem>>, vector<1x16xi32>,
      %get3A_141 = vector.shape_cast %get3A_140 : vector<1x16xi32> to vector<16xi32>
      %gt3A_142 = arith.cmpf ogt, %get3A_136, %select_n3A_130 : vector<16xf32>
      %eq3A_143 = arith.cmpf oeq, %get3A_136, %select_n3A_130 : vector<16xf32>
      %lt3A_144 = arith.cmpi slt, %get3A_141, %select_n3A_131 : vector<16xi32>
      %and3A_145 = arith.andi %eq3A_143, %lt3A_144 : vector<16xi1>
      %or3A_146 = arith.ori %gt3A_142, %and3A_145 : vector<16xi1>
      %select_n3A_147 = arith.select %or3A_146, %get3A_136, %select_n3A_130 : vector<16xi1>, vector<16xf32>
      %select_n3A_148 = arith.select %or3A_146, %get3A_141, %select_n3A_131 : vector<16xi1>, vector<16xi32>
      %get3A_149 = arith.constant 0 : i32
      %get3A_150 = arith.index_cast %get3A_149 : i32 to index
      %get3A_151 = arith.constant 0 : index
      %get3A_152 = tpu.vector_load %arg15[%get3A_150, %get3A_151] {strides = array<i32>} : memref<8x128xf32, #tpu.memory_space<vmem>>, vector<1x16xf32>,
      %get3A_153 = vector.shape_cast %get3A_152 : vector<1x16xf32> to vector<16xf32>
      %get3A_154 = arith.constant 0 : i32
      %get3A_155 = arith.index_cast %get3A_154 : i32 to index
      %get3A_156 = arith.constant 0 : index
      %get3A_157 = tpu.vector_load %arg23[%get3A_155, %get3A_156] {strides = array<i32>} : memref<8x128xi32, #tpu.memory_space<vmem>>, vector<1x16xi32>,
      %get3A_158 = vector.shape_cast %get3A_157 : vector<1x16xi32> to vector<16xi32>
      %gt3A_159 = arith.cmpf ogt, %get3A_153, %select_n3A_147 : vector<16xf32>
      %eq3A_160 = arith.cmpf oeq, %get3A_153, %select_n3A_147 : vector<16xf32>
      %lt3A_161 = arith.cmpi slt, %get3A_158, %select_n3A_148 : vector<16xi32>
      %and3A_162 = arith.andi %eq3A_160, %lt3A_161 : vector<16xi1>
      %or3A_163 = arith.ori %gt3A_159, %and3A_162 : vector<16xi1>
      %select_n3A_164 = arith.select %or3A_163, %get3A_153, %select_n3A_147 : vector<16xi1>, vector<16xf32>
      %select_n3A_165 = arith.select %or3A_163, %get3A_158, %select_n3A_148 : vector<16xi1>, vector<16xi32>
      %get3A_166 = arith.constant 0 : i32
      %get3A_167 = arith.index_cast %get3A_166 : i32 to index
      %get3A_168 = arith.constant 0 : index
      %get3A_169 = tpu.vector_load %arg16[%get3A_167, %get3A_168] {strides = array<i32>} : memref<8x128xf32, #tpu.memory_space<vmem>>, vector<1x16xf32>,
      %get3A_170 = vector.shape_cast %get3A_169 : vector<1x16xf32> to vector<16xf32>
      %get3A_171 = arith.constant 0 : i32
      %get3A_172 = arith.index_cast %get3A_171 : i32 to index
      %get3A_173 = arith.constant 0 : index
      %get3A_174 = tpu.vector_load %arg24[%get3A_172, %get3A_173] {strides = array<i32>} : memref<8x128xi32, #tpu.memory_space<vmem>>, vector<1x16xi32>,
      %get3A_175 = vector.shape_cast %get3A_174 : vector<1x16xi32> to vector<16xi32>
      %gt3A_176 = arith.cmpf ogt, %get3A_170, %select_n3A_164 : vector<16xf32>
      %eq3A_177 = arith.cmpf oeq, %get3A_170, %select_n3A_164 : vector<16xf32>
      %lt3A_178 = arith.cmpi slt, %get3A_175, %select_n3A_165 : vector<16xi32>
      %and3A_179 = arith.andi %eq3A_177, %lt3A_178 : vector<16xi1>
      %or3A_180 = arith.ori %gt3A_176, %and3A_179 : vector<16xi1>
      %select_n3A_181 = arith.select %or3A_180, %get3A_170, %select_n3A_164 : vector<16xi1>, vector<16xf32>
      %select_n3A_182 = arith.select %or3A_180, %get3A_175, %select_n3A_165 : vector<16xi1>, vector<16xi32>
      %get3A_183 = arith.constant 0 : i32
      %get3A_184 = arith.index_cast %get3A_183 : i32 to index
      %get3A_185 = arith.constant 0 : index
      %get3A_186 = tpu.vector_load %arg17[%get3A_184, %get3A_185] {strides = array<i32>} : memref<8x128xf32, #tpu.memory_space<vmem>>, vector<1x16xf32>,
      %get3A_187 = vector.shape_cast %get3A_186 : vector<1x16xf32> to vector<16xf32>
      %get3A_188 = arith.constant 0 : i32
      %get3A_189 = arith.index_cast %get3A_188 : i32 to index
      %get3A_190 = arith.constant 0 : index
      %get3A_191 = tpu.vector_load %arg25[%get3A_189, %get3A_190] {strides = array<i32>} : memref<8x128xi32, #tpu.memory_space<vmem>>, vector<1x16xi32>,
      %get3A_192 = vector.shape_cast %get3A_191 : vector<1x16xi32> to vector<16xi32>
      %gt3A_193 = arith.cmpf ogt, %get3A_187, %select_n3A_181 : vector<16xf32>
      %eq3A_194 = arith.cmpf oeq, %get3A_187, %select_n3A_181 : vector<16xf32>
      %lt3A_195 = arith.cmpi slt, %get3A_192, %select_n3A_182 : vector<16xi32>
      %and3A_196 = arith.andi %eq3A_194, %lt3A_195 : vector<16xi1>
      %or3A_197 = arith.ori %gt3A_193, %and3A_196 : vector<16xi1>
      %select_n3A_198 = arith.select %or3A_197, %get3A_187, %select_n3A_181 : vector<16xi1>, vector<16xf32>
      %select_n3A_199 = arith.select %or3A_197, %get3A_192, %select_n3A_182 : vector<16xi1>, vector<16xi32>
      %xor3A = arith.constant 8 : i32
      %xor3A_200 = vector.broadcast %xor3A : i32 to vector<16xi32>
      %xor3A_201 = arith.xori %iota3A, %xor3A_200 : vector<16xi32>
      %lt3A_202 = arith.constant 0 : i32
      %lt3A_203 = vector.broadcast %lt3A_202 : i32 to vector<16xi32>
      %lt3A_204 = arith.cmpi slt, %xor3A_201, %lt3A_203 : vector<16xi32>
      %add3A_205 = arith.constant 16 : i32
      %add3A_206 = vector.broadcast %add3A_205 : i32 to vector<16xi32>
      %add3A_207 = arith.addi %xor3A_201, %add3A_206 : vector<16xi32>
      %select_n3A_208 = arith.select %lt3A_204, %add3A_207, %xor3A_201 : vector<16xi1>, vector<16xi32>
      %broadcast_in_dim3A = vector.shape_cast %select_n3A_208 : vector<16xi32> to vector<16x1xi32>
      %gather3A = vector.shape_cast %broadcast_in_dim3A : vector<16x1xi32> to vector<16xi32>
      %gather3A_209 = tpu.dynamic_gather %select_n3A_198[%gather3A] in [0] : vector<16xf32>, vector<16xi32> -> vector<16xf32>
      %lt3A_210 = arith.constant 0 : i32
      %lt3A_211 = vector.broadcast %lt3A_210 : i32 to vector<16xi32>
      %lt3A_212 = arith.cmpi slt, %xor3A_201, %lt3A_211 : vector<16xi32>
      %add3A_213 = arith.constant 16 : i32
      %add3A_214 = vector.broadcast %add3A_213 : i32 to vector<16xi32>
      %add3A_215 = arith.addi %xor3A_201, %add3A_214 : vector<16xi32>
      %select_n3A_216 = arith.select %lt3A_212, %add3A_215, %xor3A_201 : vector<16xi1>, vector<16xi32>
      %broadcast_in_dim3A_217 = vector.shape_cast %select_n3A_216 : vector<16xi32> to vector<16x1xi32>
      %gather3A_218 = vector.shape_cast %broadcast_in_dim3A_217 : vector<16x1xi32> to vector<16xi32>
      %gather3A_219 = tpu.dynamic_gather %select_n3A_199[%gather3A_218] in [0] : vector<16xi32>, vector<16xi32> -> vector<16xi32>
      %gt3A_220 = arith.cmpf ogt, %gather3A_209, %select_n3A_198 : vector<16xf32>
      %eq3A_221 = arith.cmpf oeq, %gather3A_209, %select_n3A_198 : vector<16xf32>
      %lt3A_222 = arith.cmpi slt, %gather3A_219, %select_n3A_199 : vector<16xi32>
      %and3A_223 = arith.andi %eq3A_221, %lt3A_222 : vector<16xi1>
      %or3A_224 = arith.ori %gt3A_220, %and3A_223 : vector<16xi1>
      %select_n3A_225 = arith.select %or3A_224, %gather3A_209, %select_n3A_198 : vector<16xi1>, vector<16xf32>
      %select_n3A_226 = arith.select %or3A_224, %gather3A_219, %select_n3A_199 : vector<16xi1>, vector<16xi32>
      %xor3A_227 = arith.constant 4 : i32
      %xor3A_228 = vector.broadcast %xor3A_227 : i32 to vector<16xi32>
      %xor3A_229 = arith.xori %iota3A, %xor3A_228 : vector<16xi32>
      %lt3A_230 = arith.constant 0 : i32
      %lt3A_231 = vector.broadcast %lt3A_230 : i32 to vector<16xi32>
      %lt3A_232 = arith.cmpi slt, %xor3A_229, %lt3A_231 : vector<16xi32>
      %add3A_233 = arith.constant 16 : i32
      %add3A_234 = vector.broadcast %add3A_233 : i32 to vector<16xi32>
      %add3A_235 = arith.addi %xor3A_229, %add3A_234 : vector<16xi32>
      %select_n3A_236 = arith.select %lt3A_232, %add3A_235, %xor3A_229 : vector<16xi1>, vector<16xi32>
      %broadcast_in_dim3A_237 = vector.shape_cast %select_n3A_236 : vector<16xi32> to vector<16x1xi32>
      %gather3A_238 = vector.shape_cast %broadcast_in_dim3A_237 : vector<16x1xi32> to vector<16xi32>
      %gather3A_239 = tpu.dynamic_gather %select_n3A_225[%gather3A_238] in [0] : vector<16xf32>, vector<16xi32> -> vector<16xf32>
      %lt3A_240 = arith.constant 0 : i32
      %lt3A_241 = vector.broadcast %lt3A_240 : i32 to vector<16xi32>
      %lt3A_242 = arith.cmpi slt, %xor3A_229, %lt3A_241 : vector<16xi32>
      %add3A_243 = arith.constant 16 : i32
      %add3A_244 = vector.broadcast %add3A_243 : i32 to vector<16xi32>
      %add3A_245 = arith.addi %xor3A_229, %add3A_244 : vector<16xi32>
      %select_n3A_246 = arith.select %lt3A_242, %add3A_245, %xor3A_229 : vector<16xi1>, vector<16xi32>
      %broadcast_in_dim3A_247 = vector.shape_cast %select_n3A_246 : vector<16xi32> to vector<16x1xi32>
      %gather3A_248 = vector.shape_cast %broadcast_in_dim3A_247 : vector<16x1xi32> to vector<16xi32>
      %gather3A_249 = tpu.dynamic_gather %select_n3A_226[%gather3A_248] in [0] : vector<16xi32>, vector<16xi32> -> vector<16xi32>
      %gt3A_250 = arith.cmpf ogt, %gather3A_239, %select_n3A_225 : vector<16xf32>
      %eq3A_251 = arith.cmpf oeq, %gather3A_239, %select_n3A_225 : vector<16xf32>
      %lt3A_252 = arith.cmpi slt, %gather3A_249, %select_n3A_226 : vector<16xi32>
      %and3A_253 = arith.andi %eq3A_251, %lt3A_252 : vector<16xi1>
      %or3A_254 = arith.ori %gt3A_250, %and3A_253 : vector<16xi1>
      %select_n3A_255 = arith.select %or3A_254, %gather3A_239, %select_n3A_225 : vector<16xi1>, vector<16xf32>
      %select_n3A_256 = arith.select %or3A_254, %gather3A_249, %select_n3A_226 : vector<16xi1>, vector<16xi32>
      %xor3A_257 = arith.constant 2 : i32
      %xor3A_258 = vector.broadcast %xor3A_257 : i32 to vector<16xi32>
      %xor3A_259 = arith.xori %iota3A, %xor3A_258 : vector<16xi32>
      %lt3A_260 = arith.constant 0 : i32
      %lt3A_261 = vector.broadcast %lt3A_260 : i32 to vector<16xi32>
      %lt3A_262 = arith.cmpi slt, %xor3A_259, %lt3A_261 : vector<16xi32>
      %add3A_263 = arith.constant 16 : i32
      %add3A_264 = vector.broadcast %add3A_263 : i32 to vector<16xi32>
      %add3A_265 = arith.addi %xor3A_259, %add3A_264 : vector<16xi32>
      %select_n3A_266 = arith.select %lt3A_262, %add3A_265, %xor3A_259 : vector<16xi1>, vector<16xi32>
      %broadcast_in_dim3A_267 = vector.shape_cast %select_n3A_266 : vector<16xi32> to vector<16x1xi32>
      %gather3A_268 = vector.shape_cast %broadcast_in_dim3A_267 : vector<16x1xi32> to vector<16xi32>
      %gather3A_269 = tpu.dynamic_gather %select_n3A_255[%gather3A_268] in [0] : vector<16xf32>, vector<16xi32> -> vector<16xf32>
      %lt3A_270 = arith.constant 0 : i32
      %lt3A_271 = vector.broadcast %lt3A_270 : i32 to vector<16xi32>
      %lt3A_272 = arith.cmpi slt, %xor3A_259, %lt3A_271 : vector<16xi32>
      %add3A_273 = arith.constant 16 : i32
      %add3A_274 = vector.broadcast %add3A_273 : i32 to vector<16xi32>
      %add3A_275 = arith.addi %xor3A_259, %add3A_274 : vector<16xi32>
      %select_n3A_276 = arith.select %lt3A_272, %add3A_275, %xor3A_259 : vector<16xi1>, vector<16xi32>
      %broadcast_in_dim3A_277 = vector.shape_cast %select_n3A_276 : vector<16xi32> to vector<16x1xi32>
      %gather3A_278 = vector.shape_cast %broadcast_in_dim3A_277 : vector<16x1xi32> to vector<16xi32>
      %gather3A_279 = tpu.dynamic_gather %select_n3A_256[%gather3A_278] in [0] : vector<16xi32>, vector<16xi32> -> vector<16xi32>
      %gt3A_280 = arith.cmpf ogt, %gather3A_269, %select_n3A_255 : vector<16xf32>
      %eq3A_281 = arith.cmpf oeq, %gather3A_269, %select_n3A_255 : vector<16xf32>
      %lt3A_282 = arith.cmpi slt, %gather3A_279, %select_n3A_256 : vector<16xi32>
      %and3A_283 = arith.andi %eq3A_281, %lt3A_282 : vector<16xi1>
      %or3A_284 = arith.ori %gt3A_280, %and3A_283 : vector<16xi1>
      %select_n3A_285 = arith.select %or3A_284, %gather3A_269, %select_n3A_255 : vector<16xi1>, vector<16xf32>
      %select_n3A_286 = arith.select %or3A_284, %gather3A_279, %select_n3A_256 : vector<16xi1>, vector<16xi32>
      %xor3A_287 = arith.constant 1 : i32
      %xor3A_288 = vector.broadcast %xor3A_287 : i32 to vector<16xi32>
      %xor3A_289 = arith.xori %iota3A, %xor3A_288 : vector<16xi32>
      %lt3A_290 = arith.constant 0 : i32
      %lt3A_291 = vector.broadcast %lt3A_290 : i32 to vector<16xi32>
      %lt3A_292 = arith.cmpi slt, %xor3A_289, %lt3A_291 : vector<16xi32>
      %add3A_293 = arith.constant 16 : i32
      %add3A_294 = vector.broadcast %add3A_293 : i32 to vector<16xi32>
      %add3A_295 = arith.addi %xor3A_289, %add3A_294 : vector<16xi32>
      %select_n3A_296 = arith.select %lt3A_292, %add3A_295, %xor3A_289 : vector<16xi1>, vector<16xi32>
      %broadcast_in_dim3A_297 = vector.shape_cast %select_n3A_296 : vector<16xi32> to vector<16x1xi32>
      %gather3A_298 = vector.shape_cast %broadcast_in_dim3A_297 : vector<16x1xi32> to vector<16xi32>
      %gather3A_299 = tpu.dynamic_gather %select_n3A_285[%gather3A_298] in [0] : vector<16xf32>, vector<16xi32> -> vector<16xf32>
      %lt3A_300 = arith.constant 0 : i32
      %lt3A_301 = vector.broadcast %lt3A_300 : i32 to vector<16xi32>
      %lt3A_302 = arith.cmpi slt, %xor3A_289, %lt3A_301 : vector<16xi32>
      %add3A_303 = arith.constant 16 : i32
      %add3A_304 = vector.broadcast %add3A_303 : i32 to vector<16xi32>
      %add3A_305 = arith.addi %xor3A_289, %add3A_304 : vector<16xi32>
      %select_n3A_306 = arith.select %lt3A_302, %add3A_305, %xor3A_289 : vector<16xi1>, vector<16xi32>
      %broadcast_in_dim3A_307 = vector.shape_cast %select_n3A_306 : vector<16xi32> to vector<16x1xi32>
      %gather3A_308 = vector.shape_cast %broadcast_in_dim3A_307 : vector<16x1xi32> to vector<16xi32>
      %gather3A_309 = tpu.dynamic_gather %select_n3A_286[%gather3A_308] in [0] : vector<16xi32>, vector<16xi32> -> vector<16xi32>
      %gt3A_310 = arith.cmpf ogt, %gather3A_299, %select_n3A_285 : vector<16xf32>
      %eq3A_311 = arith.cmpf oeq, %gather3A_299, %select_n3A_285 : vector<16xf32>
      %lt3A_312 = arith.cmpi slt, %gather3A_309, %select_n3A_286 : vector<16xi32>
      %and3A_313 = arith.andi %eq3A_311, %lt3A_312 : vector<16xi1>
      %or3A_314 = arith.ori %gt3A_310, %and3A_313 : vector<16xi1>
      %select_n3A_315 = arith.select %or3A_314, %gather3A_299, %select_n3A_285 : vector<16xi1>, vector<16xf32>
      %select_n3A_316 = arith.select %or3A_314, %gather3A_309, %select_n3A_286 : vector<16xi1>, vector<16xi32>
      %swap3A = arith.constant 0 : i32
      %swap3A_317 = arith.index_cast %swap3A : i32 to index
      %swap3A_318 = arith.constant 0 : index
      %swap3A_319 = tpu.vector_load %arg9[%swap3A_317, %swap3A_318] {strides = array<i32>} : memref<8x128xi32, #tpu.memory_space<vmem>>, vector<1x16xi32>,
      %swap3A_320 = vector.shape_cast %swap3A_319 : vector<1x16xi32> to vector<16xi32>
      %swap3A_321 = vector.shape_cast %select_n3A_316 : vector<16xi32> to vector<1x16xi32>
      tpu.vector_store %arg9[%swap3A_317, %swap3A_318], %swap3A_321 {strides = array<i32>} : memref<8x128xi32, #tpu.memory_space<vmem>>, vector<1x16xi32>,
      %get3A_322 = arith.constant 1 : i32
      %get3A_323 = arith.index_cast %get3A_322 : i32 to index
      %get3A_324 = arith.constant 0 : index
      %get3A_325 = tpu.vector_load %arg10[%get3A_323, %get3A_324] {strides = array<i32>} : memref<8x128xf32, #tpu.memory_space<vmem>>, vector<1x16xf32>,
      %get3A_326 = vector.shape_cast %get3A_325 : vector<1x16xf32> to vector<16xf32>
      %get3A_327 = arith.constant 1 : i32
      %get3A_328 = arith.index_cast %get3A_327 : i32 to index
      %get3A_329 = arith.constant 0 : index
      %get3A_330 = tpu.vector_load %arg18[%get3A_328, %get3A_329] {strides = array<i32>} : memref<8x128xi32, #tpu.memory_space<vmem>>, vector<1x16xi32>,
      %get3A_331 = vector.shape_cast %get3A_330 : vector<1x16xi32> to vector<16xi32>
      %get3A_332 = arith.constant 1 : i32
      %get3A_333 = arith.index_cast %get3A_332 : i32 to index
      %get3A_334 = arith.constant 0 : index
      %get3A_335 = tpu.vector_load %arg11[%get3A_333, %get3A_334] {strides = array<i32>} : memref<8x128xf32, #tpu.memory_space<vmem>>, vector<1x16xf32>,
      %get3A_336 = vector.shape_cast %get3A_335 : vector<1x16xf32> to vector<16xf32>
      %get3A_337 = arith.constant 1 : i32
      %get3A_338 = arith.index_cast %get3A_337 : i32 to index
      %get3A_339 = arith.constant 0 : index
      %get3A_340 = tpu.vector_load %arg19[%get3A_338, %get3A_339] {strides = array<i32>} : memref<8x128xi32, #tpu.memory_space<vmem>>, vector<1x16xi32>,
      %get3A_341 = vector.shape_cast %get3A_340 : vector<1x16xi32> to vector<16xi32>
      %gt3A_342 = arith.cmpf ogt, %get3A_336, %get3A_326 : vector<16xf32>
      %eq3A_343 = arith.cmpf oeq, %get3A_336, %get3A_326 : vector<16xf32>
      %lt3A_344 = arith.cmpi slt, %get3A_341, %get3A_331 : vector<16xi32>
      %and3A_345 = arith.andi %eq3A_343, %lt3A_344 : vector<16xi1>
      %or3A_346 = arith.ori %gt3A_342, %and3A_345 : vector<16xi1>
      %select_n3A_347 = arith.select %or3A_346, %get3A_336, %get3A_326 : vector<16xi1>, vector<16xf32>
      %select_n3A_348 = arith.select %or3A_346, %get3A_341, %get3A_331 : vector<16xi1>, vector<16xi32>
      %get3A_349 = arith.constant 1 : i32
      %get3A_350 = arith.index_cast %get3A_349 : i32 to index
      %get3A_351 = arith.constant 0 : index
      %get3A_352 = tpu.vector_load %arg12[%get3A_350, %get3A_351] {strides = array<i32>} : memref<8x128xf32, #tpu.memory_space<vmem>>, vector<1x16xf32>,
      %get3A_353 = vector.shape_cast %get3A_352 : vector<1x16xf32> to vector<16xf32>
      %get3A_354 = arith.constant 1 : i32
      %get3A_355 = arith.index_cast %get3A_354 : i32 to index
      %get3A_356 = arith.constant 0 : index
      %get3A_357 = tpu.vector_load %arg20[%get3A_355, %get3A_356] {strides = array<i32>} : memref<8x128xi32, #tpu.memory_space<vmem>>, vector<1x16xi32>,
      %get3A_358 = vector.shape_cast %get3A_357 : vector<1x16xi32> to vector<16xi32>
      %gt3A_359 = arith.cmpf ogt, %get3A_353, %select_n3A_347 : vector<16xf32>
      %eq3A_360 = arith.cmpf oeq, %get3A_353, %select_n3A_347 : vector<16xf32>
      %lt3A_361 = arith.cmpi slt, %get3A_358, %select_n3A_348 : vector<16xi32>
      %and3A_362 = arith.andi %eq3A_360, %lt3A_361 : vector<16xi1>
      %or3A_363 = arith.ori %gt3A_359, %and3A_362 : vector<16xi1>
      %select_n3A_364 = arith.select %or3A_363, %get3A_353, %select_n3A_347 : vector<16xi1>, vector<16xf32>
      %select_n3A_365 = arith.select %or3A_363, %get3A_358, %select_n3A_348 : vector<16xi1>, vector<16xi32>
      %get3A_366 = arith.constant 1 : i32
      %get3A_367 = arith.index_cast %get3A_366 : i32 to index
      %get3A_368 = arith.constant 0 : index
      %get3A_369 = tpu.vector_load %arg13[%get3A_367, %get3A_368] {strides = array<i32>} : memref<8x128xf32, #tpu.memory_space<vmem>>, vector<1x16xf32>,
      %get3A_370 = vector.shape_cast %get3A_369 : vector<1x16xf32> to vector<16xf32>
      %get3A_371 = arith.constant 1 : i32
      %get3A_372 = arith.index_cast %get3A_371 : i32 to index
      %get3A_373 = arith.constant 0 : index
      %get3A_374 = tpu.vector_load %arg21[%get3A_372, %get3A_373] {strides = array<i32>} : memref<8x128xi32, #tpu.memory_space<vmem>>, vector<1x16xi32>,
      %get3A_375 = vector.shape_cast %get3A_374 : vector<1x16xi32> to vector<16xi32>
      %gt3A_376 = arith.cmpf ogt, %get3A_370, %select_n3A_364 : vector<16xf32>
      %eq3A_377 = arith.cmpf oeq, %get3A_370, %select_n3A_364 : vector<16xf32>
      %lt3A_378 = arith.cmpi slt, %get3A_375, %select_n3A_365 : vector<16xi32>
      %and3A_379 = arith.andi %eq3A_377, %lt3A_378 : vector<16xi1>
      %or3A_380 = arith.ori %gt3A_376, %and3A_379 : vector<16xi1>
      %select_n3A_381 = arith.select %or3A_380, %get3A_370, %select_n3A_364 : vector<16xi1>, vector<16xf32>
      %select_n3A_382 = arith.select %or3A_380, %get3A_375, %select_n3A_365 : vector<16xi1>, vector<16xi32>
      %get3A_383 = arith.constant 1 : i32
      %get3A_384 = arith.index_cast %get3A_383 : i32 to index
      %get3A_385 = arith.constant 0 : index
      %get3A_386 = tpu.vector_load %arg14[%get3A_384, %get3A_385] {strides = array<i32>} : memref<8x128xf32, #tpu.memory_space<vmem>>, vector<1x16xf32>,
      %get3A_387 = vector.shape_cast %get3A_386 : vector<1x16xf32> to vector<16xf32>
      %get3A_388 = arith.constant 1 : i32
      %get3A_389 = arith.index_cast %get3A_388 : i32 to index
      %get3A_390 = arith.constant 0 : index
      %get3A_391 = tpu.vector_load %arg22[%get3A_389, %get3A_390] {strides = array<i32>} : memref<8x128xi32, #tpu.memory_space<vmem>>, vector<1x16xi32>,
      %get3A_392 = vector.shape_cast %get3A_391 : vector<1x16xi32> to vector<16xi32>
      %gt3A_393 = arith.cmpf ogt, %get3A_387, %select_n3A_381 : vector<16xf32>
      %eq3A_394 = arith.cmpf oeq, %get3A_387, %select_n3A_381 : vector<16xf32>
      %lt3A_395 = arith.cmpi slt, %get3A_392, %select_n3A_382 : vector<16xi32>
      %and3A_396 = arith.andi %eq3A_394, %lt3A_395 : vector<16xi1>
      %or3A_397 = arith.ori %gt3A_393, %and3A_396 : vector<16xi1>
      %select_n3A_398 = arith.select %or3A_397, %get3A_387, %select_n3A_381 : vector<16xi1>, vector<16xf32>
      %select_n3A_399 = arith.select %or3A_397, %get3A_392, %select_n3A_382 : vector<16xi1>, vector<16xi32>
      %get3A_400 = arith.constant 1 : i32
      %get3A_401 = arith.index_cast %get3A_400 : i32 to index
      %get3A_402 = arith.constant 0 : index
      %get3A_403 = tpu.vector_load %arg15[%get3A_401, %get3A_402] {strides = array<i32>} : memref<8x128xf32, #tpu.memory_space<vmem>>, vector<1x16xf32>,
      %get3A_404 = vector.shape_cast %get3A_403 : vector<1x16xf32> to vector<16xf32>
      %get3A_405 = arith.constant 1 : i32
      %get3A_406 = arith.index_cast %get3A_405 : i32 to index
      %get3A_407 = arith.constant 0 : index
      %get3A_408 = tpu.vector_load %arg23[%get3A_406, %get3A_407] {strides = array<i32>} : memref<8x128xi32, #tpu.memory_space<vmem>>, vector<1x16xi32>,
      %get3A_409 = vector.shape_cast %get3A_408 : vector<1x16xi32> to vector<16xi32>
      %gt3A_410 = arith.cmpf ogt, %get3A_404, %select_n3A_398 : vector<16xf32>
      %eq3A_411 = arith.cmpf oeq, %get3A_404, %select_n3A_398 : vector<16xf32>
      %lt3A_412 = arith.cmpi slt, %get3A_409, %select_n3A_399 : vector<16xi32>
      %and3A_413 = arith.andi %eq3A_411, %lt3A_412 : vector<16xi1>
      %or3A_414 = arith.ori %gt3A_410, %and3A_413 : vector<16xi1>
      %select_n3A_415 = arith.select %or3A_414, %get3A_404, %select_n3A_398 : vector<16xi1>, vector<16xf32>
      %select_n3A_416 = arith.select %or3A_414, %get3A_409, %select_n3A_399 : vector<16xi1>, vector<16xi32>
      %get3A_417 = arith.constant 1 : i32
      %get3A_418 = arith.index_cast %get3A_417 : i32 to index
      %get3A_419 = arith.constant 0 : index
      %get3A_420 = tpu.vector_load %arg16[%get3A_418, %get3A_419] {strides = array<i32>} : memref<8x128xf32, #tpu.memory_space<vmem>>, vector<1x16xf32>,
      %get3A_421 = vector.shape_cast %get3A_420 : vector<1x16xf32> to vector<16xf32>
      %get3A_422 = arith.constant 1 : i32
      %get3A_423 = arith.index_cast %get3A_422 : i32 to index
      %get3A_424 = arith.constant 0 : index
      %get3A_425 = tpu.vector_load %arg24[%get3A_423, %get3A_424] {strides = array<i32>} : memref<8x128xi32, #tpu.memory_space<vmem>>, vector<1x16xi32>,
      %get3A_426 = vector.shape_cast %get3A_425 : vector<1x16xi32> to vector<16xi32>
      %gt3A_427 = arith.cmpf ogt, %get3A_421, %select_n3A_415 : vector<16xf32>
      %eq3A_428 = arith.cmpf oeq, %get3A_421, %select_n3A_415 : vector<16xf32>
      %lt3A_429 = arith.cmpi slt, %get3A_426, %select_n3A_416 : vector<16xi32>
      %and3A_430 = arith.andi %eq3A_428, %lt3A_429 : vector<16xi1>
      %or3A_431 = arith.ori %gt3A_427, %and3A_430 : vector<16xi1>
      %select_n3A_432 = arith.select %or3A_431, %get3A_421, %select_n3A_415 : vector<16xi1>, vector<16xf32>
      %select_n3A_433 = arith.select %or3A_431, %get3A_426, %select_n3A_416 : vector<16xi1>, vector<16xi32>
      %get3A_434 = arith.constant 1 : i32
      %get3A_435 = arith.index_cast %get3A_434 : i32 to index
      %get3A_436 = arith.constant 0 : index
      %get3A_437 = tpu.vector_load %arg17[%get3A_435, %get3A_436] {strides = array<i32>} : memref<8x128xf32, #tpu.memory_space<vmem>>, vector<1x16xf32>,
      %get3A_438 = vector.shape_cast %get3A_437 : vector<1x16xf32> to vector<16xf32>
      %get3A_439 = arith.constant 1 : i32
      %get3A_440 = arith.index_cast %get3A_439 : i32 to index
      %get3A_441 = arith.constant 0 : index
      %get3A_442 = tpu.vector_load %arg25[%get3A_440, %get3A_441] {strides = array<i32>} : memref<8x128xi32, #tpu.memory_space<vmem>>, vector<1x16xi32>,
      %get3A_443 = vector.shape_cast %get3A_442 : vector<1x16xi32> to vector<16xi32>
      %gt3A_444 = arith.cmpf ogt, %get3A_438, %select_n3A_432 : vector<16xf32>
      %eq3A_445 = arith.cmpf oeq, %get3A_438, %select_n3A_432 : vector<16xf32>
      %lt3A_446 = arith.cmpi slt, %get3A_443, %select_n3A_433 : vector<16xi32>
      %and3A_447 = arith.andi %eq3A_445, %lt3A_446 : vector<16xi1>
      %or3A_448 = arith.ori %gt3A_444, %and3A_447 : vector<16xi1>
      %select_n3A_449 = arith.select %or3A_448, %get3A_438, %select_n3A_432 : vector<16xi1>, vector<16xf32>
      %select_n3A_450 = arith.select %or3A_448, %get3A_443, %select_n3A_433 : vector<16xi1>, vector<16xi32>
      %xor3A_451 = arith.constant 8 : i32
      %xor3A_452 = vector.broadcast %xor3A_451 : i32 to vector<16xi32>
      %xor3A_453 = arith.xori %iota3A, %xor3A_452 : vector<16xi32>
      %lt3A_454 = arith.constant 0 : i32
      %lt3A_455 = vector.broadcast %lt3A_454 : i32 to vector<16xi32>
      %lt3A_456 = arith.cmpi slt, %xor3A_453, %lt3A_455 : vector<16xi32>
      %add3A_457 = arith.constant 16 : i32
      %add3A_458 = vector.broadcast %add3A_457 : i32 to vector<16xi32>
      %add3A_459 = arith.addi %xor3A_453, %add3A_458 : vector<16xi32>
      %select_n3A_460 = arith.select %lt3A_456, %add3A_459, %xor3A_453 : vector<16xi1>, vector<16xi32>
      %broadcast_in_dim3A_461 = vector.shape_cast %select_n3A_460 : vector<16xi32> to vector<16x1xi32>
      %gather3A_462 = vector.shape_cast %broadcast_in_dim3A_461 : vector<16x1xi32> to vector<16xi32>
      %gather3A_463 = tpu.dynamic_gather %select_n3A_449[%gather3A_462] in [0] : vector<16xf32>, vector<16xi32> -> vector<16xf32>
      %lt3A_464 = arith.constant 0 : i32
      %lt3A_465 = vector.broadcast %lt3A_464 : i32 to vector<16xi32>
      %lt3A_466 = arith.cmpi slt, %xor3A_453, %lt3A_465 : vector<16xi32>
      %add3A_467 = arith.constant 16 : i32
      %add3A_468 = vector.broadcast %add3A_467 : i32 to vector<16xi32>
      %add3A_469 = arith.addi %xor3A_453, %add3A_468 : vector<16xi32>
      %select_n3A_470 = arith.select %lt3A_466, %add3A_469, %xor3A_453 : vector<16xi1>, vector<16xi32>
      %broadcast_in_dim3A_471 = vector.shape_cast %select_n3A_470 : vector<16xi32> to vector<16x1xi32>
      %gather3A_472 = vector.shape_cast %broadcast_in_dim3A_471 : vector<16x1xi32> to vector<16xi32>
      %gather3A_473 = tpu.dynamic_gather %select_n3A_450[%gather3A_472] in [0] : vector<16xi32>, vector<16xi32> -> vector<16xi32>
      %gt3A_474 = arith.cmpf ogt, %gather3A_463, %select_n3A_449 : vector<16xf32>
      %eq3A_475 = arith.cmpf oeq, %gather3A_463, %select_n3A_449 : vector<16xf32>
      %lt3A_476 = arith.cmpi slt, %gather3A_473, %select_n3A_450 : vector<16xi32>
      %and3A_477 = arith.andi %eq3A_475, %lt3A_476 : vector<16xi1>
      %or3A_478 = arith.ori %gt3A_474, %and3A_477 : vector<16xi1>
      %select_n3A_479 = arith.select %or3A_478, %gather3A_463, %select_n3A_449 : vector<16xi1>, vector<16xf32>
      %select_n3A_480 = arith.select %or3A_478, %gather3A_473, %select_n3A_450 : vector<16xi1>, vector<16xi32>
      %xor3A_481 = arith.constant 4 : i32
      %xor3A_482 = vector.broadcast %xor3A_481 : i32 to vector<16xi32>
      %xor3A_483 = arith.xori %iota3A, %xor3A_482 : vector<16xi32>
      %lt3A_484 = arith.constant 0 : i32
      %lt3A_485 = vector.broadcast %lt3A_484 : i32 to vector<16xi32>
      %lt3A_486 = arith.cmpi slt, %xor3A_483, %lt3A_485 : vector<16xi32>
      %add3A_487 = arith.constant 16 : i32
      %add3A_488 = vector.broadcast %add3A_487 : i32 to vector<16xi32>
      %add3A_489 = arith.addi %xor3A_483, %add3A_488 : vector<16xi32>
      %select_n3A_490 = arith.select %lt3A_486, %add3A_489, %xor3A_483 : vector<16xi1>, vector<16xi32>
      %broadcast_in_dim3A_491 = vector.shape_cast %select_n3A_490 : vector<16xi32> to vector<16x1xi32>
      %gather3A_492 = vector.shape_cast %broadcast_in_dim3A_491 : vector<16x1xi32> to vector<16xi32>
      %gather3A_493 = tpu.dynamic_gather %select_n3A_479[%gather3A_492] in [0] : vector<16xf32>, vector<16xi32> -> vector<16xf32>
      %lt3A_494 = arith.constant 0 : i32
      %lt3A_495 = vector.broadcast %lt3A_494 : i32 to vector<16xi32>
      %lt3A_496 = arith.cmpi slt, %xor3A_483, %lt3A_495 : vector<16xi32>
      %add3A_497 = arith.constant 16 : i32
      %add3A_498 = vector.broadcast %add3A_497 : i32 to vector<16xi32>
      %add3A_499 = arith.addi %xor3A_483, %add3A_498 : vector<16xi32>
      %select_n3A_500 = arith.select %lt3A_496, %add3A_499, %xor3A_483 : vector<16xi1>, vector<16xi32>
      %broadcast_in_dim3A_501 = vector.shape_cast %select_n3A_500 : vector<16xi32> to vector<16x1xi32>
      %gather3A_502 = vector.shape_cast %broadcast_in_dim3A_501 : vector<16x1xi32> to vector<16xi32>
      %gather3A_503 = tpu.dynamic_gather %select_n3A_480[%gather3A_502] in [0] : vector<16xi32>, vector<16xi32> -> vector<16xi32>
      %gt3A_504 = arith.cmpf ogt, %gather3A_493, %select_n3A_479 : vector<16xf32>
      %eq3A_505 = arith.cmpf oeq, %gather3A_493, %select_n3A_479 : vector<16xf32>
      %lt3A_506 = arith.cmpi slt, %gather3A_503, %select_n3A_480 : vector<16xi32>
      %and3A_507 = arith.andi %eq3A_505, %lt3A_506 : vector<16xi1>
      %or3A_508 = arith.ori %gt3A_504, %and3A_507 : vector<16xi1>
      %select_n3A_509 = arith.select %or3A_508, %gather3A_493, %select_n3A_479 : vector<16xi1>, vector<16xf32>
      %select_n3A_510 = arith.select %or3A_508, %gather3A_503, %select_n3A_480 : vector<16xi1>, vector<16xi32>
      %xor3A_511 = arith.constant 2 : i32
      %xor3A_512 = vector.broadcast %xor3A_511 : i32 to vector<16xi32>
      %xor3A_513 = arith.xori %iota3A, %xor3A_512 : vector<16xi32>
      %lt3A_514 = arith.constant 0 : i32
      %lt3A_515 = vector.broadcast %lt3A_514 : i32 to vector<16xi32>
      %lt3A_516 = arith.cmpi slt, %xor3A_513, %lt3A_515 : vector<16xi32>
      %add3A_517 = arith.constant 16 : i32
      %add3A_518 = vector.broadcast %add3A_517 : i32 to vector<16xi32>
      %add3A_519 = arith.addi %xor3A_513, %add3A_518 : vector<16xi32>
      %select_n3A_520 = arith.select %lt3A_516, %add3A_519, %xor3A_513 : vector<16xi1>, vector<16xi32>
      %broadcast_in_dim3A_521 = vector.shape_cast %select_n3A_520 : vector<16xi32> to vector<16x1xi32>
      %gather3A_522 = vector.shape_cast %broadcast_in_dim3A_521 : vector<16x1xi32> to vector<16xi32>
      %gather3A_523 = tpu.dynamic_gather %select_n3A_509[%gather3A_522] in [0] : vector<16xf32>, vector<16xi32> -> vector<16xf32>
      %lt3A_524 = arith.constant 0 : i32
      %lt3A_525 = vector.broadcast %lt3A_524 : i32 to vector<16xi32>
      %lt3A_526 = arith.cmpi slt, %xor3A_513, %lt3A_525 : vector<16xi32>
      %add3A_527 = arith.constant 16 : i32
      %add3A_528 = vector.broadcast %add3A_527 : i32 to vector<16xi32>
      %add3A_529 = arith.addi %xor3A_513, %add3A_528 : vector<16xi32>
      %select_n3A_530 = arith.select %lt3A_526, %add3A_529, %xor3A_513 : vector<16xi1>, vector<16xi32>
      %broadcast_in_dim3A_531 = vector.shape_cast %select_n3A_530 : vector<16xi32> to vector<16x1xi32>
      %gather3A_532 = vector.shape_cast %broadcast_in_dim3A_531 : vector<16x1xi32> to vector<16xi32>
      %gather3A_533 = tpu.dynamic_gather %select_n3A_510[%gather3A_532] in [0] : vector<16xi32>, vector<16xi32> -> vector<16xi32>
      %gt3A_534 = arith.cmpf ogt, %gather3A_523, %select_n3A_509 : vector<16xf32>
      %eq3A_535 = arith.cmpf oeq, %gather3A_523, %select_n3A_509 : vector<16xf32>
      %lt3A_536 = arith.cmpi slt, %gather3A_533, %select_n3A_510 : vector<16xi32>
      %and3A_537 = arith.andi %eq3A_535, %lt3A_536 : vector<16xi1>
      %or3A_538 = arith.ori %gt3A_534, %and3A_537 : vector<16xi1>
      %select_n3A_539 = arith.select %or3A_538, %gather3A_523, %select_n3A_509 : vector<16xi1>, vector<16xf32>
      %select_n3A_540 = arith.select %or3A_538, %gather3A_533, %select_n3A_510 : vector<16xi1>, vector<16xi32>
      %xor3A_541 = arith.constant 1 : i32
      %xor3A_542 = vector.broadcast %xor3A_541 : i32 to vector<16xi32>
      %xor3A_543 = arith.xori %iota3A, %xor3A_542 : vector<16xi32>
      %lt3A_544 = arith.constant 0 : i32
      %lt3A_545 = vector.broadcast %lt3A_544 : i32 to vector<16xi32>
      %lt3A_546 = arith.cmpi slt, %xor3A_543, %lt3A_545 : vector<16xi32>
      %add3A_547 = arith.constant 16 : i32
      %add3A_548 = vector.broadcast %add3A_547 : i32 to vector<16xi32>
      %add3A_549 = arith.addi %xor3A_543, %add3A_548 : vector<16xi32>
      %select_n3A_550 = arith.select %lt3A_546, %add3A_549, %xor3A_543 : vector<16xi1>, vector<16xi32>
      %broadcast_in_dim3A_551 = vector.shape_cast %select_n3A_550 : vector<16xi32> to vector<16x1xi32>
      %gather3A_552 = vector.shape_cast %broadcast_in_dim3A_551 : vector<16x1xi32> to vector<16xi32>
      %gather3A_553 = tpu.dynamic_gather %select_n3A_539[%gather3A_552] in [0] : vector<16xf32>, vector<16xi32> -> vector<16xf32>
      %lt3A_554 = arith.constant 0 : i32
      %lt3A_555 = vector.broadcast %lt3A_554 : i32 to vector<16xi32>
      %lt3A_556 = arith.cmpi slt, %xor3A_543, %lt3A_555 : vector<16xi32>
      %add3A_557 = arith.constant 16 : i32
      %add3A_558 = vector.broadcast %add3A_557 : i32 to vector<16xi32>
      %add3A_559 = arith.addi %xor3A_543, %add3A_558 : vector<16xi32>
      %select_n3A_560 = arith.select %lt3A_556, %add3A_559, %xor3A_543 : vector<16xi1>, vector<16xi32>
      %broadcast_in_dim3A_561 = vector.shape_cast %select_n3A_560 : vector<16xi32> to vector<16x1xi32>
      %gather3A_562 = vector.shape_cast %broadcast_in_dim3A_561 : vector<16x1xi32> to vector<16xi32>
      %gather3A_563 = tpu.dynamic_gather %select_n3A_540[%gather3A_562] in [0] : vector<16xi32>, vector<16xi32> -> vector<16xi32>
      %gt3A_564 = arith.cmpf ogt, %gather3A_553, %select_n3A_539 : vector<16xf32>
      %eq3A_565 = arith.cmpf oeq, %gather3A_553, %select_n3A_539 : vector<16xf32>
      %lt3A_566 = arith.cmpi slt, %gather3A_563, %select_n3A_540 : vector<16xi32>
      %and3A_567 = arith.andi %eq3A_565, %lt3A_566 : vector<16xi1>
      %or3A_568 = arith.ori %gt3A_564, %and3A_567 : vector<16xi1>
      %select_n3A_569 = arith.select %or3A_568, %gather3A_553, %select_n3A_539 : vector<16xi1>, vector<16xf32>
      %select_n3A_570 = arith.select %or3A_568, %gather3A_563, %select_n3A_540 : vector<16xi1>, vector<16xi32>
      %swap3A_571 = arith.constant 1 : i32
      %swap3A_572 = arith.index_cast %swap3A_571 : i32 to index
      %swap3A_573 = arith.constant 0 : index
      %swap3A_574 = tpu.vector_load %arg9[%swap3A_572, %swap3A_573] {strides = array<i32>} : memref<8x128xi32, #tpu.memory_space<vmem>>, vector<1x16xi32>,
      %swap3A_575 = vector.shape_cast %swap3A_574 : vector<1x16xi32> to vector<16xi32>
      %swap3A_576 = vector.shape_cast %select_n3A_570 : vector<16xi32> to vector<1x16xi32>
      tpu.vector_store %arg9[%swap3A_572, %swap3A_573], %swap3A_576 {strides = array<i32>} : memref<8x128xi32, #tpu.memory_space<vmem>>, vector<1x16xi32>,
      %get3A_577 = arith.constant 2 : i32
      %get3A_578 = arith.index_cast %get3A_577 : i32 to index
      %get3A_579 = arith.constant 0 : index
      %get3A_580 = tpu.vector_load %arg10[%get3A_578, %get3A_579] {strides = array<i32>} : memref<8x128xf32, #tpu.memory_space<vmem>>, vector<1x16xf32>,
      %get3A_581 = vector.shape_cast %get3A_580 : vector<1x16xf32> to vector<16xf32>
      %get3A_582 = arith.constant 2 : i32
      %get3A_583 = arith.index_cast %get3A_582 : i32 to index
      %get3A_584 = arith.constant 0 : index
      %get3A_585 = tpu.vector_load %arg18[%get3A_583, %get3A_584] {strides = array<i32>} : memref<8x128xi32, #tpu.memory_space<vmem>>, vector<1x16xi32>,
      %get3A_586 = vector.shape_cast %get3A_585 : vector<1x16xi32> to vector<16xi32>
      %get3A_587 = arith.constant 2 : i32
      %get3A_588 = arith.index_cast %get3A_587 : i32 to index
      %get3A_589 = arith.constant 0 : index
      %get3A_590 = tpu.vector_load %arg11[%get3A_588, %get3A_589] {strides = array<i32>} : memref<8x128xf32, #tpu.memory_space<vmem>>, vector<1x16xf32>,
      %get3A_591 = vector.shape_cast %get3A_590 : vector<1x16xf32> to vector<16xf32>
      %get3A_592 = arith.constant 2 : i32
      %get3A_593 = arith.index_cast %get3A_592 : i32 to index
      %get3A_594 = arith.constant 0 : index
      %get3A_595 = tpu.vector_load %arg19[%get3A_593, %get3A_594] {strides = array<i32>} : memref<8x128xi32, #tpu.memory_space<vmem>>, vector<1x16xi32>,
      %get3A_596 = vector.shape_cast %get3A_595 : vector<1x16xi32> to vector<16xi32>
      %gt3A_597 = arith.cmpf ogt, %get3A_591, %get3A_581 : vector<16xf32>
      %eq3A_598 = arith.cmpf oeq, %get3A_591, %get3A_581 : vector<16xf32>
      %lt3A_599 = arith.cmpi slt, %get3A_596, %get3A_586 : vector<16xi32>
      %and3A_600 = arith.andi %eq3A_598, %lt3A_599 : vector<16xi1>
      %or3A_601 = arith.ori %gt3A_597, %and3A_600 : vector<16xi1>
      %select_n3A_602 = arith.select %or3A_601, %get3A_591, %get3A_581 : vector<16xi1>, vector<16xf32>
      %select_n3A_603 = arith.select %or3A_601, %get3A_596, %get3A_586 : vector<16xi1>, vector<16xi32>
      %get3A_604 = arith.constant 2 : i32
      %get3A_605 = arith.index_cast %get3A_604 : i32 to index
      %get3A_606 = arith.constant 0 : index
      %get3A_607 = tpu.vector_load %arg12[%get3A_605, %get3A_606] {strides = array<i32>} : memref<8x128xf32, #tpu.memory_space<vmem>>, vector<1x16xf32>,
      %get3A_608 = vector.shape_cast %get3A_607 : vector<1x16xf32> to vector<16xf32>
      %get3A_609 = arith.constant 2 : i32
      %get3A_610 = arith.index_cast %get3A_609 : i32 to index
      %get3A_611 = arith.constant 0 : index
      %get3A_612 = tpu.vector_load %arg20[%get3A_610, %get3A_611] {strides = array<i32>} : memref<8x128xi32, #tpu.memory_space<vmem>>, vector<1x16xi32>,
      %get3A_613 = vector.shape_cast %get3A_612 : vector<1x16xi32> to vector<16xi32>
      %gt3A_614 = arith.cmpf ogt, %get3A_608, %select_n3A_602 : vector<16xf32>
      %eq3A_615 = arith.cmpf oeq, %get3A_608, %select_n3A_602 : vector<16xf32>
      %lt3A_616 = arith.cmpi slt, %get3A_613, %select_n3A_603 : vector<16xi32>
      %and3A_617 = arith.andi %eq3A_615, %lt3A_616 : vector<16xi1>
      %or3A_618 = arith.ori %gt3A_614, %and3A_617 : vector<16xi1>
      %select_n3A_619 = arith.select %or3A_618, %get3A_608, %select_n3A_602 : vector<16xi1>, vector<16xf32>
      %select_n3A_620 = arith.select %or3A_618, %get3A_613, %select_n3A_603 : vector<16xi1>, vector<16xi32>
      %get3A_621 = arith.constant 2 : i32
      %get3A_622 = arith.index_cast %get3A_621 : i32 to index
      %get3A_623 = arith.constant 0 : index
      %get3A_624 = tpu.vector_load %arg13[%get3A_622, %get3A_623] {strides = array<i32>} : memref<8x128xf32, #tpu.memory_space<vmem>>, vector<1x16xf32>,
      %get3A_625 = vector.shape_cast %get3A_624 : vector<1x16xf32> to vector<16xf32>
      %get3A_626 = arith.constant 2 : i32
      %get3A_627 = arith.index_cast %get3A_626 : i32 to index
      %get3A_628 = arith.constant 0 : index
      %get3A_629 = tpu.vector_load %arg21[%get3A_627, %get3A_628] {strides = array<i32>} : memref<8x128xi32, #tpu.memory_space<vmem>>, vector<1x16xi32>,
      %get3A_630 = vector.shape_cast %get3A_629 : vector<1x16xi32> to vector<16xi32>
      %gt3A_631 = arith.cmpf ogt, %get3A_625, %select_n3A_619 : vector<16xf32>
      %eq3A_632 = arith.cmpf oeq, %get3A_625, %select_n3A_619 : vector<16xf32>
      %lt3A_633 = arith.cmpi slt, %get3A_630, %select_n3A_620 : vector<16xi32>
      %and3A_634 = arith.andi %eq3A_632, %lt3A_633 : vector<16xi1>
      %or3A_635 = arith.ori %gt3A_631, %and3A_634 : vector<16xi1>
      %select_n3A_636 = arith.select %or3A_635, %get3A_625, %select_n3A_619 : vector<16xi1>, vector<16xf32>
      %select_n3A_637 = arith.select %or3A_635, %get3A_630, %select_n3A_620 : vector<16xi1>, vector<16xi32>
      %get3A_638 = arith.constant 2 : i32
      %get3A_639 = arith.index_cast %get3A_638 : i32 to index
      %get3A_640 = arith.constant 0 : index
      %get3A_641 = tpu.vector_load %arg14[%get3A_639, %get3A_640] {strides = array<i32>} : memref<8x128xf32, #tpu.memory_space<vmem>>, vector<1x16xf32>,
      %get3A_642 = vector.shape_cast %get3A_641 : vector<1x16xf32> to vector<16xf32>
      %get3A_643 = arith.constant 2 : i32
      %get3A_644 = arith.index_cast %get3A_643 : i32 to index
      %get3A_645 = arith.constant 0 : index
      %get3A_646 = tpu.vector_load %arg22[%get3A_644, %get3A_645] {strides = array<i32>} : memref<8x128xi32, #tpu.memory_space<vmem>>, vector<1x16xi32>,
      %get3A_647 = vector.shape_cast %get3A_646 : vector<1x16xi32> to vector<16xi32>
      %gt3A_648 = arith.cmpf ogt, %get3A_642, %select_n3A_636 : vector<16xf32>
      %eq3A_649 = arith.cmpf oeq, %get3A_642, %select_n3A_636 : vector<16xf32>
      %lt3A_650 = arith.cmpi slt, %get3A_647, %select_n3A_637 : vector<16xi32>
      %and3A_651 = arith.andi %eq3A_649, %lt3A_650 : vector<16xi1>
      %or3A_652 = arith.ori %gt3A_648, %and3A_651 : vector<16xi1>
      %select_n3A_653 = arith.select %or3A_652, %get3A_642, %select_n3A_636 : vector<16xi1>, vector<16xf32>
      %select_n3A_654 = arith.select %or3A_652, %get3A_647, %select_n3A_637 : vector<16xi1>, vector<16xi32>
      %get3A_655 = arith.constant 2 : i32
      %get3A_656 = arith.index_cast %get3A_655 : i32 to index
      %get3A_657 = arith.constant 0 : index
      %get3A_658 = tpu.vector_load %arg15[%get3A_656, %get3A_657] {strides = array<i32>} : memref<8x128xf32, #tpu.memory_space<vmem>>, vector<1x16xf32>,
      %get3A_659 = vector.shape_cast %get3A_658 : vector<1x16xf32> to vector<16xf32>
      %get3A_660 = arith.constant 2 : i32
      %get3A_661 = arith.index_cast %get3A_660 : i32 to index
      %get3A_662 = arith.constant 0 : index
      %get3A_663 = tpu.vector_load %arg23[%get3A_661, %get3A_662] {strides = array<i32>} : memref<8x128xi32, #tpu.memory_space<vmem>>, vector<1x16xi32>,
      %get3A_664 = vector.shape_cast %get3A_663 : vector<1x16xi32> to vector<16xi32>
      %gt3A_665 = arith.cmpf ogt, %get3A_659, %select_n3A_653 : vector<16xf32>
      %eq3A_666 = arith.cmpf oeq, %get3A_659, %select_n3A_653 : vector<16xf32>
      %lt3A_667 = arith.cmpi slt, %get3A_664, %select_n3A_654 : vector<16xi32>
      %and3A_668 = arith.andi %eq3A_666, %lt3A_667 : vector<16xi1>
      %or3A_669 = arith.ori %gt3A_665, %and3A_668 : vector<16xi1>
      %select_n3A_670 = arith.select %or3A_669, %get3A_659, %select_n3A_653 : vector<16xi1>, vector<16xf32>
      %select_n3A_671 = arith.select %or3A_669, %get3A_664, %select_n3A_654 : vector<16xi1>, vector<16xi32>
      %get3A_672 = arith.constant 2 : i32
      %get3A_673 = arith.index_cast %get3A_672 : i32 to index
      %get3A_674 = arith.constant 0 : index
      %get3A_675 = tpu.vector_load %arg16[%get3A_673, %get3A_674] {strides = array<i32>} : memref<8x128xf32, #tpu.memory_space<vmem>>, vector<1x16xf32>,
      %get3A_676 = vector.shape_cast %get3A_675 : vector<1x16xf32> to vector<16xf32>
      %get3A_677 = arith.constant 2 : i32
      %get3A_678 = arith.index_cast %get3A_677 : i32 to index
      %get3A_679 = arith.constant 0 : index
      %get3A_680 = tpu.vector_load %arg24[%get3A_678, %get3A_679] {strides = array<i32>} : memref<8x128xi32, #tpu.memory_space<vmem>>, vector<1x16xi32>,
      %get3A_681 = vector.shape_cast %get3A_680 : vector<1x16xi32> to vector<16xi32>
      %gt3A_682 = arith.cmpf ogt, %get3A_676, %select_n3A_670 : vector<16xf32>
      %eq3A_683 = arith.cmpf oeq, %get3A_676, %select_n3A_670 : vector<16xf32>
      %lt3A_684 = arith.cmpi slt, %get3A_681, %select_n3A_671 : vector<16xi32>
      %and3A_685 = arith.andi %eq3A_683, %lt3A_684 : vector<16xi1>
      %or3A_686 = arith.ori %gt3A_682, %and3A_685 : vector<16xi1>
      %select_n3A_687 = arith.select %or3A_686, %get3A_676, %select_n3A_670 : vector<16xi1>, vector<16xf32>
      %select_n3A_688 = arith.select %or3A_686, %get3A_681, %select_n3A_671 : vector<16xi1>, vector<16xi32>
      %get3A_689 = arith.constant 2 : i32
      %get3A_690 = arith.index_cast %get3A_689 : i32 to index
      %get3A_691 = arith.constant 0 : index
      %get3A_692 = tpu.vector_load %arg17[%get3A_690, %get3A_691] {strides = array<i32>} : memref<8x128xf32, #tpu.memory_space<vmem>>, vector<1x16xf32>,
      %get3A_693 = vector.shape_cast %get3A_692 : vector<1x16xf32> to vector<16xf32>
      %get3A_694 = arith.constant 2 : i32
      %get3A_695 = arith.index_cast %get3A_694 : i32 to index
      %get3A_696 = arith.constant 0 : index
      %get3A_697 = tpu.vector_load %arg25[%get3A_695, %get3A_696] {strides = array<i32>} : memref<8x128xi32, #tpu.memory_space<vmem>>, vector<1x16xi32>,
      %get3A_698 = vector.shape_cast %get3A_697 : vector<1x16xi32> to vector<16xi32>
      %gt3A_699 = arith.cmpf ogt, %get3A_693, %select_n3A_687 : vector<16xf32>
      %eq3A_700 = arith.cmpf oeq, %get3A_693, %select_n3A_687 : vector<16xf32>
      %lt3A_701 = arith.cmpi slt, %get3A_698, %select_n3A_688 : vector<16xi32>
      %and3A_702 = arith.andi %eq3A_700, %lt3A_701 : vector<16xi1>
      %or3A_703 = arith.ori %gt3A_699, %and3A_702 : vector<16xi1>
      %select_n3A_704 = arith.select %or3A_703, %get3A_693, %select_n3A_687 : vector<16xi1>, vector<16xf32>
      %select_n3A_705 = arith.select %or3A_703, %get3A_698, %select_n3A_688 : vector<16xi1>, vector<16xi32>
      %xor3A_706 = arith.constant 8 : i32
      %xor3A_707 = vector.broadcast %xor3A_706 : i32 to vector<16xi32>
      %xor3A_708 = arith.xori %iota3A, %xor3A_707 : vector<16xi32>
      %lt3A_709 = arith.constant 0 : i32
      %lt3A_710 = vector.broadcast %lt3A_709 : i32 to vector<16xi32>
      %lt3A_711 = arith.cmpi slt, %xor3A_708, %lt3A_710 : vector<16xi32>
      %add3A_712 = arith.constant 16 : i32
      %add3A_713 = vector.broadcast %add3A_712 : i32 to vector<16xi32>
      %add3A_714 = arith.addi %xor3A_708, %add3A_713 : vector<16xi32>
      %select_n3A_715 = arith.select %lt3A_711, %add3A_714, %xor3A_708 : vector<16xi1>, vector<16xi32>
      %broadcast_in_dim3A_716 = vector.shape_cast %select_n3A_715 : vector<16xi32> to vector<16x1xi32>
      %gather3A_717 = vector.shape_cast %broadcast_in_dim3A_716 : vector<16x1xi32> to vector<16xi32>
      %gather3A_718 = tpu.dynamic_gather %select_n3A_704[%gather3A_717] in [0] : vector<16xf32>, vector<16xi32> -> vector<16xf32>
      %lt3A_719 = arith.constant 0 : i32
      %lt3A_720 = vector.broadcast %lt3A_719 : i32 to vector<16xi32>
      %lt3A_721 = arith.cmpi slt, %xor3A_708, %lt3A_720 : vector<16xi32>
      %add3A_722 = arith.constant 16 : i32
      %add3A_723 = vector.broadcast %add3A_722 : i32 to vector<16xi32>
      %add3A_724 = arith.addi %xor3A_708, %add3A_723 : vector<16xi32>
      %select_n3A_725 = arith.select %lt3A_721, %add3A_724, %xor3A_708 : vector<16xi1>, vector<16xi32>
      %broadcast_in_dim3A_726 = vector.shape_cast %select_n3A_725 : vector<16xi32> to vector<16x1xi32>
      %gather3A_727 = vector.shape_cast %broadcast_in_dim3A_726 : vector<16x1xi32> to vector<16xi32>
      %gather3A_728 = tpu.dynamic_gather %select_n3A_705[%gather3A_727] in [0] : vector<16xi32>, vector<16xi32> -> vector<16xi32>
      %gt3A_729 = arith.cmpf ogt, %gather3A_718, %select_n3A_704 : vector<16xf32>
      %eq3A_730 = arith.cmpf oeq, %gather3A_718, %select_n3A_704 : vector<16xf32>
      %lt3A_731 = arith.cmpi slt, %gather3A_728, %select_n3A_705 : vector<16xi32>
      %and3A_732 = arith.andi %eq3A_730, %lt3A_731 : vector<16xi1>
      %or3A_733 = arith.ori %gt3A_729, %and3A_732 : vector<16xi1>
      %select_n3A_734 = arith.select %or3A_733, %gather3A_718, %select_n3A_704 : vector<16xi1>, vector<16xf32>
      %select_n3A_735 = arith.select %or3A_733, %gather3A_728, %select_n3A_705 : vector<16xi1>, vector<16xi32>
      %xor3A_736 = arith.constant 4 : i32
      %xor3A_737 = vector.broadcast %xor3A_736 : i32 to vector<16xi32>
      %xor3A_738 = arith.xori %iota3A, %xor3A_737 : vector<16xi32>
      %lt3A_739 = arith.constant 0 : i32
      %lt3A_740 = vector.broadcast %lt3A_739 : i32 to vector<16xi32>
      %lt3A_741 = arith.cmpi slt, %xor3A_738, %lt3A_740 : vector<16xi32>
      %add3A_742 = arith.constant 16 : i32
      %add3A_743 = vector.broadcast %add3A_742 : i32 to vector<16xi32>
      %add3A_744 = arith.addi %xor3A_738, %add3A_743 : vector<16xi32>
      %select_n3A_745 = arith.select %lt3A_741, %add3A_744, %xor3A_738 : vector<16xi1>, vector<16xi32>
      %broadcast_in_dim3A_746 = vector.shape_cast %select_n3A_745 : vector<16xi32> to vector<16x1xi32>
      %gather3A_747 = vector.shape_cast %broadcast_in_dim3A_746 : vector<16x1xi32> to vector<16xi32>
      %gather3A_748 = tpu.dynamic_gather %select_n3A_734[%gather3A_747] in [0] : vector<16xf32>, vector<16xi32> -> vector<16xf32>
      %lt3A_749 = arith.constant 0 : i32
      %lt3A_750 = vector.broadcast %lt3A_749 : i32 to vector<16xi32>
      %lt3A_751 = arith.cmpi slt, %xor3A_738, %lt3A_750 : vector<16xi32>
      %add3A_752 = arith.constant 16 : i32
      %add3A_753 = vector.broadcast %add3A_752 : i32 to vector<16xi32>
      %add3A_754 = arith.addi %xor3A_738, %add3A_753 : vector<16xi32>
      %select_n3A_755 = arith.select %lt3A_751, %add3A_754, %xor3A_738 : vector<16xi1>, vector<16xi32>
      %broadcast_in_dim3A_756 = vector.shape_cast %select_n3A_755 : vector<16xi32> to vector<16x1xi32>
      %gather3A_757 = vector.shape_cast %broadcast_in_dim3A_756 : vector<16x1xi32> to vector<16xi32>
      %gather3A_758 = tpu.dynamic_gather %select_n3A_735[%gather3A_757] in [0] : vector<16xi32>, vector<16xi32> -> vector<16xi32>
      %gt3A_759 = arith.cmpf ogt, %gather3A_748, %select_n3A_734 : vector<16xf32>
      %eq3A_760 = arith.cmpf oeq, %gather3A_748, %select_n3A_734 : vector<16xf32>
      %lt3A_761 = arith.cmpi slt, %gather3A_758, %select_n3A_735 : vector<16xi32>
      %and3A_762 = arith.andi %eq3A_760, %lt3A_761 : vector<16xi1>
      %or3A_763 = arith.ori %gt3A_759, %and3A_762 : vector<16xi1>
      %select_n3A_764 = arith.select %or3A_763, %gather3A_748, %select_n3A_734 : vector<16xi1>, vector<16xf32>
      %select_n3A_765 = arith.select %or3A_763, %gather3A_758, %select_n3A_735 : vector<16xi1>, vector<16xi32>
      %xor3A_766 = arith.constant 2 : i32
      %xor3A_767 = vector.broadcast %xor3A_766 : i32 to vector<16xi32>
      %xor3A_768 = arith.xori %iota3A, %xor3A_767 : vector<16xi32>
      %lt3A_769 = arith.constant 0 : i32
      %lt3A_770 = vector.broadcast %lt3A_769 : i32 to vector<16xi32>
      %lt3A_771 = arith.cmpi slt, %xor3A_768, %lt3A_770 : vector<16xi32>
      %add3A_772 = arith.constant 16 : i32
      %add3A_773 = vector.broadcast %add3A_772 : i32 to vector<16xi32>
      %add3A_774 = arith.addi %xor3A_768, %add3A_773 : vector<16xi32>
      %select_n3A_775 = arith.select %lt3A_771, %add3A_774, %xor3A_768 : vector<16xi1>, vector<16xi32>
      %broadcast_in_dim3A_776 = vector.shape_cast %select_n3A_775 : vector<16xi32> to vector<16x1xi32>
      %gather3A_777 = vector.shape_cast %broadcast_in_dim3A_776 : vector<16x1xi32> to vector<16xi32>
      %gather3A_778 = tpu.dynamic_gather %select_n3A_764[%gather3A_777] in [0] : vector<16xf32>, vector<16xi32> -> vector<16xf32>
      %lt3A_779 = arith.constant 0 : i32
      %lt3A_780 = vector.broadcast %lt3A_779 : i32 to vector<16xi32>
      %lt3A_781 = arith.cmpi slt, %xor3A_768, %lt3A_780 : vector<16xi32>
      %add3A_782 = arith.constant 16 : i32
      %add3A_783 = vector.broadcast %add3A_782 : i32 to vector<16xi32>
      %add3A_784 = arith.addi %xor3A_768, %add3A_783 : vector<16xi32>
      %select_n3A_785 = arith.select %lt3A_781, %add3A_784, %xor3A_768 : vector<16xi1>, vector<16xi32>
      %broadcast_in_dim3A_786 = vector.shape_cast %select_n3A_785 : vector<16xi32> to vector<16x1xi32>
      %gather3A_787 = vector.shape_cast %broadcast_in_dim3A_786 : vector<16x1xi32> to vector<16xi32>
      %gather3A_788 = tpu.dynamic_gather %select_n3A_765[%gather3A_787] in [0] : vector<16xi32>, vector<16xi32> -> vector<16xi32>
      %gt3A_789 = arith.cmpf ogt, %gather3A_778, %select_n3A_764 : vector<16xf32>
      %eq3A_790 = arith.cmpf oeq, %gather3A_778, %select_n3A_764 : vector<16xf32>
      %lt3A_791 = arith.cmpi slt, %gather3A_788, %select_n3A_765 : vector<16xi32>
      %and3A_792 = arith.andi %eq3A_790, %lt3A_791 : vector<16xi1>
      %or3A_793 = arith.ori %gt3A_789, %and3A_792 : vector<16xi1>
      %select_n3A_794 = arith.select %or3A_793, %gather3A_778, %select_n3A_764 : vector<16xi1>, vector<16xf32>
      %select_n3A_795 = arith.select %or3A_793, %gather3A_788, %select_n3A_765 : vector<16xi1>, vector<16xi32>
      %xor3A_796 = arith.constant 1 : i32
      %xor3A_797 = vector.broadcast %xor3A_796 : i32 to vector<16xi32>
      %xor3A_798 = arith.xori %iota3A, %xor3A_797 : vector<16xi32>
      %lt3A_799 = arith.constant 0 : i32
      %lt3A_800 = vector.broadcast %lt3A_799 : i32 to vector<16xi32>
      %lt3A_801 = arith.cmpi slt, %xor3A_798, %lt3A_800 : vector<16xi32>
      %add3A_802 = arith.constant 16 : i32
      %add3A_803 = vector.broadcast %add3A_802 : i32 to vector<16xi32>
      %add3A_804 = arith.addi %xor3A_798, %add3A_803 : vector<16xi32>
      %select_n3A_805 = arith.select %lt3A_801, %add3A_804, %xor3A_798 : vector<16xi1>, vector<16xi32>
      %broadcast_in_dim3A_806 = vector.shape_cast %select_n3A_805 : vector<16xi32> to vector<16x1xi32>
      %gather3A_807 = vector.shape_cast %broadcast_in_dim3A_806 : vector<16x1xi32> to vector<16xi32>
      %gather3A_808 = tpu.dynamic_gather %select_n3A_794[%gather3A_807] in [0] : vector<16xf32>, vector<16xi32> -> vector<16xf32>
      %lt3A_809 = arith.constant 0 : i32
      %lt3A_810 = vector.broadcast %lt3A_809 : i32 to vector<16xi32>
      %lt3A_811 = arith.cmpi slt, %xor3A_798, %lt3A_810 : vector<16xi32>
      %add3A_812 = arith.constant 16 : i32
      %add3A_813 = vector.broadcast %add3A_812 : i32 to vector<16xi32>
      %add3A_814 = arith.addi %xor3A_798, %add3A_813 : vector<16xi32>
      %select_n3A_815 = arith.select %lt3A_811, %add3A_814, %xor3A_798 : vector<16xi1>, vector<16xi32>
      %broadcast_in_dim3A_816 = vector.shape_cast %select_n3A_815 : vector<16xi32> to vector<16x1xi32>
      %gather3A_817 = vector.shape_cast %broadcast_in_dim3A_816 : vector<16x1xi32> to vector<16xi32>
      %gather3A_818 = tpu.dynamic_gather %select_n3A_795[%gather3A_817] in [0] : vector<16xi32>, vector<16xi32> -> vector<16xi32>
      %gt3A_819 = arith.cmpf ogt, %gather3A_808, %select_n3A_794 : vector<16xf32>
      %eq3A_820 = arith.cmpf oeq, %gather3A_808, %select_n3A_794 : vector<16xf32>
      %lt3A_821 = arith.cmpi slt, %gather3A_818, %select_n3A_795 : vector<16xi32>
      %and3A_822 = arith.andi %eq3A_820, %lt3A_821 : vector<16xi1>
      %or3A_823 = arith.ori %gt3A_819, %and3A_822 : vector<16xi1>
      %select_n3A_824 = arith.select %or3A_823, %gather3A_808, %select_n3A_794 : vector<16xi1>, vector<16xf32>
      %select_n3A_825 = arith.select %or3A_823, %gather3A_818, %select_n3A_795 : vector<16xi1>, vector<16xi32>
      %swap3A_826 = arith.constant 2 : i32
      %swap3A_827 = arith.index_cast %swap3A_826 : i32 to index
      %swap3A_828 = arith.constant 0 : index
      %swap3A_829 = tpu.vector_load %arg9[%swap3A_827, %swap3A_828] {strides = array<i32>} : memref<8x128xi32, #tpu.memory_space<vmem>>, vector<1x16xi32>,
      %swap3A_830 = vector.shape_cast %swap3A_829 : vector<1x16xi32> to vector<16xi32>
      %swap3A_831 = vector.shape_cast %select_n3A_825 : vector<16xi32> to vector<1x16xi32>
      tpu.vector_store %arg9[%swap3A_827, %swap3A_828], %swap3A_831 {strides = array<i32>} : memref<8x128xi32, #tpu.memory_space<vmem>>, vector<1x16xi32>,
      %get3A_832 = arith.constant 3 : i32
      %get3A_833 = arith.index_cast %get3A_832 : i32 to index
      %get3A_834 = arith.constant 0 : index
      %get3A_835 = tpu.vector_load %arg10[%get3A_833, %get3A_834] {strides = array<i32>} : memref<8x128xf32, #tpu.memory_space<vmem>>, vector<1x16xf32>,
      %get3A_836 = vector.shape_cast %get3A_835 : vector<1x16xf32> to vector<16xf32>
      %get3A_837 = arith.constant 3 : i32
      %get3A_838 = arith.index_cast %get3A_837 : i32 to index
      %get3A_839 = arith.constant 0 : index
      %get3A_840 = tpu.vector_load %arg18[%get3A_838, %get3A_839] {strides = array<i32>} : memref<8x128xi32, #tpu.memory_space<vmem>>, vector<1x16xi32>,
      %get3A_841 = vector.shape_cast %get3A_840 : vector<1x16xi32> to vector<16xi32>
      %get3A_842 = arith.constant 3 : i32
      %get3A_843 = arith.index_cast %get3A_842 : i32 to index
      %get3A_844 = arith.constant 0 : index
      %get3A_845 = tpu.vector_load %arg11[%get3A_843, %get3A_844] {strides = array<i32>} : memref<8x128xf32, #tpu.memory_space<vmem>>, vector<1x16xf32>,
      %get3A_846 = vector.shape_cast %get3A_845 : vector<1x16xf32> to vector<16xf32>
      %get3A_847 = arith.constant 3 : i32
      %get3A_848 = arith.index_cast %get3A_847 : i32 to index
      %get3A_849 = arith.constant 0 : index
      %get3A_850 = tpu.vector_load %arg19[%get3A_848, %get3A_849] {strides = array<i32>} : memref<8x128xi32, #tpu.memory_space<vmem>>, vector<1x16xi32>,
      %get3A_851 = vector.shape_cast %get3A_850 : vector<1x16xi32> to vector<16xi32>
      %gt3A_852 = arith.cmpf ogt, %get3A_846, %get3A_836 : vector<16xf32>
      %eq3A_853 = arith.cmpf oeq, %get3A_846, %get3A_836 : vector<16xf32>
      %lt3A_854 = arith.cmpi slt, %get3A_851, %get3A_841 : vector<16xi32>
      %and3A_855 = arith.andi %eq3A_853, %lt3A_854 : vector<16xi1>
      %or3A_856 = arith.ori %gt3A_852, %and3A_855 : vector<16xi1>
      %select_n3A_857 = arith.select %or3A_856, %get3A_846, %get3A_836 : vector<16xi1>, vector<16xf32>
      %select_n3A_858 = arith.select %or3A_856, %get3A_851, %get3A_841 : vector<16xi1>, vector<16xi32>
      %get3A_859 = arith.constant 3 : i32
      %get3A_860 = arith.index_cast %get3A_859 : i32 to index
      %get3A_861 = arith.constant 0 : index
      %get3A_862 = tpu.vector_load %arg12[%get3A_860, %get3A_861] {strides = array<i32>} : memref<8x128xf32, #tpu.memory_space<vmem>>, vector<1x16xf32>,
      %get3A_863 = vector.shape_cast %get3A_862 : vector<1x16xf32> to vector<16xf32>
      %get3A_864 = arith.constant 3 : i32
      %get3A_865 = arith.index_cast %get3A_864 : i32 to index
      %get3A_866 = arith.constant 0 : index
      %get3A_867 = tpu.vector_load %arg20[%get3A_865, %get3A_866] {strides = array<i32>} : memref<8x128xi32, #tpu.memory_space<vmem>>, vector<1x16xi32>,
      %get3A_868 = vector.shape_cast %get3A_867 : vector<1x16xi32> to vector<16xi32>
      %gt3A_869 = arith.cmpf ogt, %get3A_863, %select_n3A_857 : vector<16xf32>
      %eq3A_870 = arith.cmpf oeq, %get3A_863, %select_n3A_857 : vector<16xf32>
      %lt3A_871 = arith.cmpi slt, %get3A_868, %select_n3A_858 : vector<16xi32>
      %and3A_872 = arith.andi %eq3A_870, %lt3A_871 : vector<16xi1>
      %or3A_873 = arith.ori %gt3A_869, %and3A_872 : vector<16xi1>
      %select_n3A_874 = arith.select %or3A_873, %get3A_863, %select_n3A_857 : vector<16xi1>, vector<16xf32>
      %select_n3A_875 = arith.select %or3A_873, %get3A_868, %select_n3A_858 : vector<16xi1>, vector<16xi32>
      %get3A_876 = arith.constant 3 : i32
      %get3A_877 = arith.index_cast %get3A_876 : i32 to index
      %get3A_878 = arith.constant 0 : index
      %get3A_879 = tpu.vector_load %arg13[%get3A_877, %get3A_878] {strides = array<i32>} : memref<8x128xf32, #tpu.memory_space<vmem>>, vector<1x16xf32>,
      %get3A_880 = vector.shape_cast %get3A_879 : vector<1x16xf32> to vector<16xf32>
      %get3A_881 = arith.constant 3 : i32
      %get3A_882 = arith.index_cast %get3A_881 : i32 to index
      %get3A_883 = arith.constant 0 : index
      %get3A_884 = tpu.vector_load %arg21[%get3A_882, %get3A_883] {strides = array<i32>} : memref<8x128xi32, #tpu.memory_space<vmem>>, vector<1x16xi32>,
      %get3A_885 = vector.shape_cast %get3A_884 : vector<1x16xi32> to vector<16xi32>
      %gt3A_886 = arith.cmpf ogt, %get3A_880, %select_n3A_874 : vector<16xf32>
      %eq3A_887 = arith.cmpf oeq, %get3A_880, %select_n3A_874 : vector<16xf32>
      %lt3A_888 = arith.cmpi slt, %get3A_885, %select_n3A_875 : vector<16xi32>
      %and3A_889 = arith.andi %eq3A_887, %lt3A_888 : vector<16xi1>
      %or3A_890 = arith.ori %gt3A_886, %and3A_889 : vector<16xi1>
      %select_n3A_891 = arith.select %or3A_890, %get3A_880, %select_n3A_874 : vector<16xi1>, vector<16xf32>
      %select_n3A_892 = arith.select %or3A_890, %get3A_885, %select_n3A_875 : vector<16xi1>, vector<16xi32>
      %get3A_893 = arith.constant 3 : i32
      %get3A_894 = arith.index_cast %get3A_893 : i32 to index
      %get3A_895 = arith.constant 0 : index
      %get3A_896 = tpu.vector_load %arg14[%get3A_894, %get3A_895] {strides = array<i32>} : memref<8x128xf32, #tpu.memory_space<vmem>>, vector<1x16xf32>,
      %get3A_897 = vector.shape_cast %get3A_896 : vector<1x16xf32> to vector<16xf32>
      %get3A_898 = arith.constant 3 : i32
      %get3A_899 = arith.index_cast %get3A_898 : i32 to index
      %get3A_900 = arith.constant 0 : index
      %get3A_901 = tpu.vector_load %arg22[%get3A_899, %get3A_900] {strides = array<i32>} : memref<8x128xi32, #tpu.memory_space<vmem>>, vector<1x16xi32>,
      %get3A_902 = vector.shape_cast %get3A_901 : vector<1x16xi32> to vector<16xi32>
      %gt3A_903 = arith.cmpf ogt, %get3A_897, %select_n3A_891 : vector<16xf32>
      %eq3A_904 = arith.cmpf oeq, %get3A_897, %select_n3A_891 : vector<16xf32>
      %lt3A_905 = arith.cmpi slt, %get3A_902, %select_n3A_892 : vector<16xi32>
      %and3A_906 = arith.andi %eq3A_904, %lt3A_905 : vector<16xi1>
      %or3A_907 = arith.ori %gt3A_903, %and3A_906 : vector<16xi1>
      %select_n3A_908 = arith.select %or3A_907, %get3A_897, %select_n3A_891 : vector<16xi1>, vector<16xf32>
      %select_n3A_909 = arith.select %or3A_907, %get3A_902, %select_n3A_892 : vector<16xi1>, vector<16xi32>
      %get3A_910 = arith.constant 3 : i32
      %get3A_911 = arith.index_cast %get3A_910 : i32 to index
      %get3A_912 = arith.constant 0 : index
      %get3A_913 = tpu.vector_load %arg15[%get3A_911, %get3A_912] {strides = array<i32>} : memref<8x128xf32, #tpu.memory_space<vmem>>, vector<1x16xf32>,
      %get3A_914 = vector.shape_cast %get3A_913 : vector<1x16xf32> to vector<16xf32>
      %get3A_915 = arith.constant 3 : i32
      %get3A_916 = arith.index_cast %get3A_915 : i32 to index
      %get3A_917 = arith.constant 0 : index
      %get3A_918 = tpu.vector_load %arg23[%get3A_916, %get3A_917] {strides = array<i32>} : memref<8x128xi32, #tpu.memory_space<vmem>>, vector<1x16xi32>,
      %get3A_919 = vector.shape_cast %get3A_918 : vector<1x16xi32> to vector<16xi32>
      %gt3A_920 = arith.cmpf ogt, %get3A_914, %select_n3A_908 : vector<16xf32>
      %eq3A_921 = arith.cmpf oeq, %get3A_914, %select_n3A_908 : vector<16xf32>
      %lt3A_922 = arith.cmpi slt, %get3A_919, %select_n3A_909 : vector<16xi32>
      %and3A_923 = arith.andi %eq3A_921, %lt3A_922 : vector<16xi1>
      %or3A_924 = arith.ori %gt3A_920, %and3A_923 : vector<16xi1>
      %select_n3A_925 = arith.select %or3A_924, %get3A_914, %select_n3A_908 : vector<16xi1>, vector<16xf32>
      %select_n3A_926 = arith.select %or3A_924, %get3A_919, %select_n3A_909 : vector<16xi1>, vector<16xi32>
      %get3A_927 = arith.constant 3 : i32
      %get3A_928 = arith.index_cast %get3A_927 : i32 to index
      %get3A_929 = arith.constant 0 : index
      %get3A_930 = tpu.vector_load %arg16[%get3A_928, %get3A_929] {strides = array<i32>} : memref<8x128xf32, #tpu.memory_space<vmem>>, vector<1x16xf32>,
      %get3A_931 = vector.shape_cast %get3A_930 : vector<1x16xf32> to vector<16xf32>
      %get3A_932 = arith.constant 3 : i32
      %get3A_933 = arith.index_cast %get3A_932 : i32 to index
      %get3A_934 = arith.constant 0 : index
      %get3A_935 = tpu.vector_load %arg24[%get3A_933, %get3A_934] {strides = array<i32>} : memref<8x128xi32, #tpu.memory_space<vmem>>, vector<1x16xi32>,
      %get3A_936 = vector.shape_cast %get3A_935 : vector<1x16xi32> to vector<16xi32>
      %gt3A_937 = arith.cmpf ogt, %get3A_931, %select_n3A_925 : vector<16xf32>
      %eq3A_938 = arith.cmpf oeq, %get3A_931, %select_n3A_925 : vector<16xf32>
      %lt3A_939 = arith.cmpi slt, %get3A_936, %select_n3A_926 : vector<16xi32>
      %and3A_940 = arith.andi %eq3A_938, %lt3A_939 : vector<16xi1>
      %or3A_941 = arith.ori %gt3A_937, %and3A_940 : vector<16xi1>
      %select_n3A_942 = arith.select %or3A_941, %get3A_931, %select_n3A_925 : vector<16xi1>, vector<16xf32>
      %select_n3A_943 = arith.select %or3A_941, %get3A_936, %select_n3A_926 : vector<16xi1>, vector<16xi32>
      %get3A_944 = arith.constant 3 : i32
      %get3A_945 = arith.index_cast %get3A_944 : i32 to index
      %get3A_946 = arith.constant 0 : index
      %get3A_947 = tpu.vector_load %arg17[%get3A_945, %get3A_946] {strides = array<i32>} : memref<8x128xf32, #tpu.memory_space<vmem>>, vector<1x16xf32>,
      %get3A_948 = vector.shape_cast %get3A_947 : vector<1x16xf32> to vector<16xf32>
      %get3A_949 = arith.constant 3 : i32
      %get3A_950 = arith.index_cast %get3A_949 : i32 to index
      %get3A_951 = arith.constant 0 : index
      %get3A_952 = tpu.vector_load %arg25[%get3A_950, %get3A_951] {strides = array<i32>} : memref<8x128xi32, #tpu.memory_space<vmem>>, vector<1x16xi32>,
      %get3A_953 = vector.shape_cast %get3A_952 : vector<1x16xi32> to vector<16xi32>
      %gt3A_954 = arith.cmpf ogt, %get3A_948, %select_n3A_942 : vector<16xf32>
      %eq3A_955 = arith.cmpf oeq, %get3A_948, %select_n3A_942 : vector<16xf32>
      %lt3A_956 = arith.cmpi slt, %get3A_953, %select_n3A_943 : vector<16xi32>
      %and3A_957 = arith.andi %eq3A_955, %lt3A_956 : vector<16xi1>
      %or3A_958 = arith.ori %gt3A_954, %and3A_957 : vector<16xi1>
      %select_n3A_959 = arith.select %or3A_958, %get3A_948, %select_n3A_942 : vector<16xi1>, vector<16xf32>
      %select_n3A_960 = arith.select %or3A_958, %get3A_953, %select_n3A_943 : vector<16xi1>, vector<16xi32>
      %xor3A_961 = arith.constant 8 : i32
      %xor3A_962 = vector.broadcast %xor3A_961 : i32 to vector<16xi32>
      %xor3A_963 = arith.xori %iota3A, %xor3A_962 : vector<16xi32>
      %lt3A_964 = arith.constant 0 : i32
      %lt3A_965 = vector.broadcast %lt3A_964 : i32 to vector<16xi32>
      %lt3A_966 = arith.cmpi slt, %xor3A_963, %lt3A_965 : vector<16xi32>
      %add3A_967 = arith.constant 16 : i32
      %add3A_968 = vector.broadcast %add3A_967 : i32 to vector<16xi32>
      %add3A_969 = arith.addi %xor3A_963, %add3A_968 : vector<16xi32>
      %select_n3A_970 = arith.select %lt3A_966, %add3A_969, %xor3A_963 : vector<16xi1>, vector<16xi32>
      %broadcast_in_dim3A_971 = vector.shape_cast %select_n3A_970 : vector<16xi32> to vector<16x1xi32>
      %gather3A_972 = vector.shape_cast %broadcast_in_dim3A_971 : vector<16x1xi32> to vector<16xi32>
      %gather3A_973 = tpu.dynamic_gather %select_n3A_959[%gather3A_972] in [0] : vector<16xf32>, vector<16xi32> -> vector<16xf32>
      %lt3A_974 = arith.constant 0 : i32
      %lt3A_975 = vector.broadcast %lt3A_974 : i32 to vector<16xi32>
      %lt3A_976 = arith.cmpi slt, %xor3A_963, %lt3A_975 : vector<16xi32>
      %add3A_977 = arith.constant 16 : i32
      %add3A_978 = vector.broadcast %add3A_977 : i32 to vector<16xi32>
      %add3A_979 = arith.addi %xor3A_963, %add3A_978 : vector<16xi32>
      %select_n3A_980 = arith.select %lt3A_976, %add3A_979, %xor3A_963 : vector<16xi1>, vector<16xi32>
      %broadcast_in_dim3A_981 = vector.shape_cast %select_n3A_980 : vector<16xi32> to vector<16x1xi32>
      %gather3A_982 = vector.shape_cast %broadcast_in_dim3A_981 : vector<16x1xi32> to vector<16xi32>
      %gather3A_983 = tpu.dynamic_gather %select_n3A_960[%gather3A_982] in [0] : vector<16xi32>, vector<16xi32> -> vector<16xi32>
      %gt3A_984 = arith.cmpf ogt, %gather3A_973, %select_n3A_959 : vector<16xf32>
      %eq3A_985 = arith.cmpf oeq, %gather3A_973, %select_n3A_959 : vector<16xf32>
      %lt3A_986 = arith.cmpi slt, %gather3A_983, %select_n3A_960 : vector<16xi32>
      %and3A_987 = arith.andi %eq3A_985, %lt3A_986 : vector<16xi1>
      %or3A_988 = arith.ori %gt3A_984, %and3A_987 : vector<16xi1>
      %select_n3A_989 = arith.select %or3A_988, %gather3A_973, %select_n3A_959 : vector<16xi1>, vector<16xf32>
      %select_n3A_990 = arith.select %or3A_988, %gather3A_983, %select_n3A_960 : vector<16xi1>, vector<16xi32>
      %xor3A_991 = arith.constant 4 : i32
      %xor3A_992 = vector.broadcast %xor3A_991 : i32 to vector<16xi32>
      %xor3A_993 = arith.xori %iota3A, %xor3A_992 : vector<16xi32>
      %lt3A_994 = arith.constant 0 : i32
      %lt3A_995 = vector.broadcast %lt3A_994 : i32 to vector<16xi32>
      %lt3A_996 = arith.cmpi slt, %xor3A_993, %lt3A_995 : vector<16xi32>
      %add3A_997 = arith.constant 16 : i32
      %add3A_998 = vector.broadcast %add3A_997 : i32 to vector<16xi32>
      %add3A_999 = arith.addi %xor3A_993, %add3A_998 : vector<16xi32>
      %select_n3A_1000 = arith.select %lt3A_996, %add3A_999, %xor3A_993 : vector<16xi1>, vector<16xi32>
      %broadcast_in_dim3A_1001 = vector.shape_cast %select_n3A_1000 : vector<16xi32> to vector<16x1xi32>
      %gather3A_1002 = vector.shape_cast %broadcast_in_dim3A_1001 : vector<16x1xi32> to vector<16xi32>
      %gather3A_1003 = tpu.dynamic_gather %select_n3A_989[%gather3A_1002] in [0] : vector<16xf32>, vector<16xi32> -> vector<16xf32>
      %lt3A_1004 = arith.constant 0 : i32
      %lt3A_1005 = vector.broadcast %lt3A_1004 : i32 to vector<16xi32>
      %lt3A_1006 = arith.cmpi slt, %xor3A_993, %lt3A_1005 : vector<16xi32>
      %add3A_1007 = arith.constant 16 : i32
      %add3A_1008 = vector.broadcast %add3A_1007 : i32 to vector<16xi32>
      %add3A_1009 = arith.addi %xor3A_993, %add3A_1008 : vector<16xi32>
      %select_n3A_1010 = arith.select %lt3A_1006, %add3A_1009, %xor3A_993 : vector<16xi1>, vector<16xi32>
      %broadcast_in_dim3A_1011 = vector.shape_cast %select_n3A_1010 : vector<16xi32> to vector<16x1xi32>
      %gather3A_1012 = vector.shape_cast %broadcast_in_dim3A_1011 : vector<16x1xi32> to vector<16xi32>
      %gather3A_1013 = tpu.dynamic_gather %select_n3A_990[%gather3A_1012] in [0] : vector<16xi32>, vector<16xi32> -> vector<16xi32>
      %gt3A_1014 = arith.cmpf ogt, %gather3A_1003, %select_n3A_989 : vector<16xf32>
      %eq3A_1015 = arith.cmpf oeq, %gather3A_1003, %select_n3A_989 : vector<16xf32>
      %lt3A_1016 = arith.cmpi slt, %gather3A_1013, %select_n3A_990 : vector<16xi32>
      %and3A_1017 = arith.andi %eq3A_1015, %lt3A_1016 : vector<16xi1>
      %or3A_1018 = arith.ori %gt3A_1014, %and3A_1017 : vector<16xi1>
      %select_n3A_1019 = arith.select %or3A_1018, %gather3A_1003, %select_n3A_989 : vector<16xi1>, vector<16xf32>
      %select_n3A_1020 = arith.select %or3A_1018, %gather3A_1013, %select_n3A_990 : vector<16xi1>, vector<16xi32>
      %xor3A_1021 = arith.constant 2 : i32
      %xor3A_1022 = vector.broadcast %xor3A_1021 : i32 to vector<16xi32>
      %xor3A_1023 = arith.xori %iota3A, %xor3A_1022 : vector<16xi32>
      %lt3A_1024 = arith.constant 0 : i32
      %lt3A_1025 = vector.broadcast %lt3A_1024 : i32 to vector<16xi32>
      %lt3A_1026 = arith.cmpi slt, %xor3A_1023, %lt3A_1025 : vector<16xi32>
      %add3A_1027 = arith.constant 16 : i32
      %add3A_1028 = vector.broadcast %add3A_1027 : i32 to vector<16xi32>
      %add3A_1029 = arith.addi %xor3A_1023, %add3A_1028 : vector<16xi32>
      %select_n3A_1030 = arith.select %lt3A_1026, %add3A_1029, %xor3A_1023 : vector<16xi1>, vector<16xi32>
      %broadcast_in_dim3A_1031 = vector.shape_cast %select_n3A_1030 : vector<16xi32> to vector<16x1xi32>
      %gather3A_1032 = vector.shape_cast %broadcast_in_dim3A_1031 : vector<16x1xi32> to vector<16xi32>
      %gather3A_1033 = tpu.dynamic_gather %select_n3A_1019[%gather3A_1032] in [0] : vector<16xf32>, vector<16xi32> -> vector<16xf32>
      %lt3A_1034 = arith.constant 0 : i32
      %lt3A_1035 = vector.broadcast %lt3A_1034 : i32 to vector<16xi32>
      %lt3A_1036 = arith.cmpi slt, %xor3A_1023, %lt3A_1035 : vector<16xi32>
      %add3A_1037 = arith.constant 16 : i32
      %add3A_1038 = vector.broadcast %add3A_1037 : i32 to vector<16xi32>
      %add3A_1039 = arith.addi %xor3A_1023, %add3A_1038 : vector<16xi32>
      %select_n3A_1040 = arith.select %lt3A_1036, %add3A_1039, %xor3A_1023 : vector<16xi1>, vector<16xi32>
      %broadcast_in_dim3A_1041 = vector.shape_cast %select_n3A_1040 : vector<16xi32> to vector<16x1xi32>
      %gather3A_1042 = vector.shape_cast %broadcast_in_dim3A_1041 : vector<16x1xi32> to vector<16xi32>
      %gather3A_1043 = tpu.dynamic_gather %select_n3A_1020[%gather3A_1042] in [0] : vector<16xi32>, vector<16xi32> -> vector<16xi32>
      %gt3A_1044 = arith.cmpf ogt, %gather3A_1033, %select_n3A_1019 : vector<16xf32>
      %eq3A_1045 = arith.cmpf oeq, %gather3A_1033, %select_n3A_1019 : vector<16xf32>
      %lt3A_1046 = arith.cmpi slt, %gather3A_1043, %select_n3A_1020 : vector<16xi32>
      %and3A_1047 = arith.andi %eq3A_1045, %lt3A_1046 : vector<16xi1>
      %or3A_1048 = arith.ori %gt3A_1044, %and3A_1047 : vector<16xi1>
      %select_n3A_1049 = arith.select %or3A_1048, %gather3A_1033, %select_n3A_1019 : vector<16xi1>, vector<16xf32>
      %select_n3A_1050 = arith.select %or3A_1048, %gather3A_1043, %select_n3A_1020 : vector<16xi1>, vector<16xi32>
      %xor3A_1051 = arith.constant 1 : i32
      %xor3A_1052 = vector.broadcast %xor3A_1051 : i32 to vector<16xi32>
      %xor3A_1053 = arith.xori %iota3A, %xor3A_1052 : vector<16xi32>
      %lt3A_1054 = arith.constant 0 : i32
      %lt3A_1055 = vector.broadcast %lt3A_1054 : i32 to vector<16xi32>
      %lt3A_1056 = arith.cmpi slt, %xor3A_1053, %lt3A_1055 : vector<16xi32>
      %add3A_1057 = arith.constant 16 : i32
      %add3A_1058 = vector.broadcast %add3A_1057 : i32 to vector<16xi32>
      %add3A_1059 = arith.addi %xor3A_1053, %add3A_1058 : vector<16xi32>
      %select_n3A_1060 = arith.select %lt3A_1056, %add3A_1059, %xor3A_1053 : vector<16xi1>, vector<16xi32>
      %broadcast_in_dim3A_1061 = vector.shape_cast %select_n3A_1060 : vector<16xi32> to vector<16x1xi32>
      %gather3A_1062 = vector.shape_cast %broadcast_in_dim3A_1061 : vector<16x1xi32> to vector<16xi32>
      %gather3A_1063 = tpu.dynamic_gather %select_n3A_1049[%gather3A_1062] in [0] : vector<16xf32>, vector<16xi32> -> vector<16xf32>
      %lt3A_1064 = arith.constant 0 : i32
      %lt3A_1065 = vector.broadcast %lt3A_1064 : i32 to vector<16xi32>
      %lt3A_1066 = arith.cmpi slt, %xor3A_1053, %lt3A_1065 : vector<16xi32>
      %add3A_1067 = arith.constant 16 : i32
      %add3A_1068 = vector.broadcast %add3A_1067 : i32 to vector<16xi32>
      %add3A_1069 = arith.addi %xor3A_1053, %add3A_1068 : vector<16xi32>
      %select_n3A_1070 = arith.select %lt3A_1066, %add3A_1069, %xor3A_1053 : vector<16xi1>, vector<16xi32>
      %broadcast_in_dim3A_1071 = vector.shape_cast %select_n3A_1070 : vector<16xi32> to vector<16x1xi32>
      %gather3A_1072 = vector.shape_cast %broadcast_in_dim3A_1071 : vector<16x1xi32> to vector<16xi32>
      %gather3A_1073 = tpu.dynamic_gather %select_n3A_1050[%gather3A_1072] in [0] : vector<16xi32>, vector<16xi32> -> vector<16xi32>
      %gt3A_1074 = arith.cmpf ogt, %gather3A_1063, %select_n3A_1049 : vector<16xf32>
      %eq3A_1075 = arith.cmpf oeq, %gather3A_1063, %select_n3A_1049 : vector<16xf32>
      %lt3A_1076 = arith.cmpi slt, %gather3A_1073, %select_n3A_1050 : vector<16xi32>
      %and3A_1077 = arith.andi %eq3A_1075, %lt3A_1076 : vector<16xi1>
      %or3A_1078 = arith.ori %gt3A_1074, %and3A_1077 : vector<16xi1>
      %select_n3A_1079 = arith.select %or3A_1078, %gather3A_1063, %select_n3A_1049 : vector<16xi1>, vector<16xf32>
      %select_n3A_1080 = arith.select %or3A_1078, %gather3A_1073, %select_n3A_1050 : vector<16xi1>, vector<16xi32>
      %swap3A_1081 = arith.constant 3 : i32
      %swap3A_1082 = arith.index_cast %swap3A_1081 : i32 to index
      %swap3A_1083 = arith.constant 0 : index
      %swap3A_1084 = tpu.vector_load %arg9[%swap3A_1082, %swap3A_1083] {strides = array<i32>} : memref<8x128xi32, #tpu.memory_space<vmem>>, vector<1x16xi32>,
      %swap3A_1085 = vector.shape_cast %swap3A_1084 : vector<1x16xi32> to vector<16xi32>
      %swap3A_1086 = vector.shape_cast %select_n3A_1080 : vector<16xi32> to vector<1x16xi32>
      tpu.vector_store %arg9[%swap3A_1082, %swap3A_1083], %swap3A_1086 {strides = array<i32>} : memref<8x128xi32, #tpu.memory_space<vmem>>, vector<1x16xi32>,
      %get3A_1087 = arith.constant 4 : i32
      %get3A_1088 = arith.index_cast %get3A_1087 : i32 to index
      %get3A_1089 = arith.constant 0 : index
      %get3A_1090 = tpu.vector_load %arg10[%get3A_1088, %get3A_1089] {strides = array<i32>} : memref<8x128xf32, #tpu.memory_space<vmem>>, vector<1x16xf32>,
      %get3A_1091 = vector.shape_cast %get3A_1090 : vector<1x16xf32> to vector<16xf32>
      %get3A_1092 = arith.constant 4 : i32
      %get3A_1093 = arith.index_cast %get3A_1092 : i32 to index
      %get3A_1094 = arith.constant 0 : index
      %get3A_1095 = tpu.vector_load %arg18[%get3A_1093, %get3A_1094] {strides = array<i32>} : memref<8x128xi32, #tpu.memory_space<vmem>>, vector<1x16xi32>,
      %get3A_1096 = vector.shape_cast %get3A_1095 : vector<1x16xi32> to vector<16xi32>
      %get3A_1097 = arith.constant 4 : i32
      %get3A_1098 = arith.index_cast %get3A_1097 : i32 to index
      %get3A_1099 = arith.constant 0 : index
      %get3A_1100 = tpu.vector_load %arg11[%get3A_1098, %get3A_1099] {strides = array<i32>} : memref<8x128xf32, #tpu.memory_space<vmem>>, vector<1x16xf32>,
      %get3A_1101 = vector.shape_cast %get3A_1100 : vector<1x16xf32> to vector<16xf32>
      %get3A_1102 = arith.constant 4 : i32
      %get3A_1103 = arith.index_cast %get3A_1102 : i32 to index
      %get3A_1104 = arith.constant 0 : index
      %get3A_1105 = tpu.vector_load %arg19[%get3A_1103, %get3A_1104] {strides = array<i32>} : memref<8x128xi32, #tpu.memory_space<vmem>>, vector<1x16xi32>,
      %get3A_1106 = vector.shape_cast %get3A_1105 : vector<1x16xi32> to vector<16xi32>
      %gt3A_1107 = arith.cmpf ogt, %get3A_1101, %get3A_1091 : vector<16xf32>
      %eq3A_1108 = arith.cmpf oeq, %get3A_1101, %get3A_1091 : vector<16xf32>
      %lt3A_1109 = arith.cmpi slt, %get3A_1106, %get3A_1096 : vector<16xi32>
      %and3A_1110 = arith.andi %eq3A_1108, %lt3A_1109 : vector<16xi1>
      %or3A_1111 = arith.ori %gt3A_1107, %and3A_1110 : vector<16xi1>
      %select_n3A_1112 = arith.select %or3A_1111, %get3A_1101, %get3A_1091 : vector<16xi1>, vector<16xf32>
      %select_n3A_1113 = arith.select %or3A_1111, %get3A_1106, %get3A_1096 : vector<16xi1>, vector<16xi32>
      %get3A_1114 = arith.constant 4 : i32
      %get3A_1115 = arith.index_cast %get3A_1114 : i32 to index
      %get3A_1116 = arith.constant 0 : index
      %get3A_1117 = tpu.vector_load %arg12[%get3A_1115, %get3A_1116] {strides = array<i32>} : memref<8x128xf32, #tpu.memory_space<vmem>>, vector<1x16xf32>,
      %get3A_1118 = vector.shape_cast %get3A_1117 : vector<1x16xf32> to vector<16xf32>
      %get3A_1119 = arith.constant 4 : i32
      %get3A_1120 = arith.index_cast %get3A_1119 : i32 to index
      %get3A_1121 = arith.constant 0 : index
      %get3A_1122 = tpu.vector_load %arg20[%get3A_1120, %get3A_1121] {strides = array<i32>} : memref<8x128xi32, #tpu.memory_space<vmem>>, vector<1x16xi32>,
      %get3A_1123 = vector.shape_cast %get3A_1122 : vector<1x16xi32> to vector<16xi32>
      %gt3A_1124 = arith.cmpf ogt, %get3A_1118, %select_n3A_1112 : vector<16xf32>
      %eq3A_1125 = arith.cmpf oeq, %get3A_1118, %select_n3A_1112 : vector<16xf32>
      %lt3A_1126 = arith.cmpi slt, %get3A_1123, %select_n3A_1113 : vector<16xi32>
      %and3A_1127 = arith.andi %eq3A_1125, %lt3A_1126 : vector<16xi1>
      %or3A_1128 = arith.ori %gt3A_1124, %and3A_1127 : vector<16xi1>
      %select_n3A_1129 = arith.select %or3A_1128, %get3A_1118, %select_n3A_1112 : vector<16xi1>, vector<16xf32>
      %select_n3A_1130 = arith.select %or3A_1128, %get3A_1123, %select_n3A_1113 : vector<16xi1>, vector<16xi32>
      %get3A_1131 = arith.constant 4 : i32
      %get3A_1132 = arith.index_cast %get3A_1131 : i32 to index
      %get3A_1133 = arith.constant 0 : index
      %get3A_1134 = tpu.vector_load %arg13[%get3A_1132, %get3A_1133] {strides = array<i32>} : memref<8x128xf32, #tpu.memory_space<vmem>>, vector<1x16xf32>,
      %get3A_1135 = vector.shape_cast %get3A_1134 : vector<1x16xf32> to vector<16xf32>
      %get3A_1136 = arith.constant 4 : i32
      %get3A_1137 = arith.index_cast %get3A_1136 : i32 to index
      %get3A_1138 = arith.constant 0 : index
      %get3A_1139 = tpu.vector_load %arg21[%get3A_1137, %get3A_1138] {strides = array<i32>} : memref<8x128xi32, #tpu.memory_space<vmem>>, vector<1x16xi32>,
      %get3A_1140 = vector.shape_cast %get3A_1139 : vector<1x16xi32> to vector<16xi32>
      %gt3A_1141 = arith.cmpf ogt, %get3A_1135, %select_n3A_1129 : vector<16xf32>
      %eq3A_1142 = arith.cmpf oeq, %get3A_1135, %select_n3A_1129 : vector<16xf32>
      %lt3A_1143 = arith.cmpi slt, %get3A_1140, %select_n3A_1130 : vector<16xi32>
      %and3A_1144 = arith.andi %eq3A_1142, %lt3A_1143 : vector<16xi1>
      %or3A_1145 = arith.ori %gt3A_1141, %and3A_1144 : vector<16xi1>
      %select_n3A_1146 = arith.select %or3A_1145, %get3A_1135, %select_n3A_1129 : vector<16xi1>, vector<16xf32>
      %select_n3A_1147 = arith.select %or3A_1145, %get3A_1140, %select_n3A_1130 : vector<16xi1>, vector<16xi32>
      %get3A_1148 = arith.constant 4 : i32
      %get3A_1149 = arith.index_cast %get3A_1148 : i32 to index
      %get3A_1150 = arith.constant 0 : index
      %get3A_1151 = tpu.vector_load %arg14[%get3A_1149, %get3A_1150] {strides = array<i32>} : memref<8x128xf32, #tpu.memory_space<vmem>>, vector<1x16xf32>,
      %get3A_1152 = vector.shape_cast %get3A_1151 : vector<1x16xf32> to vector<16xf32>
      %get3A_1153 = arith.constant 4 : i32
      %get3A_1154 = arith.index_cast %get3A_1153 : i32 to index
      %get3A_1155 = arith.constant 0 : index
      %get3A_1156 = tpu.vector_load %arg22[%get3A_1154, %get3A_1155] {strides = array<i32>} : memref<8x128xi32, #tpu.memory_space<vmem>>, vector<1x16xi32>,
      %get3A_1157 = vector.shape_cast %get3A_1156 : vector<1x16xi32> to vector<16xi32>
      %gt3A_1158 = arith.cmpf ogt, %get3A_1152, %select_n3A_1146 : vector<16xf32>
      %eq3A_1159 = arith.cmpf oeq, %get3A_1152, %select_n3A_1146 : vector<16xf32>
      %lt3A_1160 = arith.cmpi slt, %get3A_1157, %select_n3A_1147 : vector<16xi32>
      %and3A_1161 = arith.andi %eq3A_1159, %lt3A_1160 : vector<16xi1>
      %or3A_1162 = arith.ori %gt3A_1158, %and3A_1161 : vector<16xi1>
      %select_n3A_1163 = arith.select %or3A_1162, %get3A_1152, %select_n3A_1146 : vector<16xi1>, vector<16xf32>
      %select_n3A_1164 = arith.select %or3A_1162, %get3A_1157, %select_n3A_1147 : vector<16xi1>, vector<16xi32>
      %get3A_1165 = arith.constant 4 : i32
      %get3A_1166 = arith.index_cast %get3A_1165 : i32 to index
      %get3A_1167 = arith.constant 0 : index
      %get3A_1168 = tpu.vector_load %arg15[%get3A_1166, %get3A_1167] {strides = array<i32>} : memref<8x128xf32, #tpu.memory_space<vmem>>, vector<1x16xf32>,
      %get3A_1169 = vector.shape_cast %get3A_1168 : vector<1x16xf32> to vector<16xf32>
      %get3A_1170 = arith.constant 4 : i32
      %get3A_1171 = arith.index_cast %get3A_1170 : i32 to index
      %get3A_1172 = arith.constant 0 : index
      %get3A_1173 = tpu.vector_load %arg23[%get3A_1171, %get3A_1172] {strides = array<i32>} : memref<8x128xi32, #tpu.memory_space<vmem>>, vector<1x16xi32>,
      %get3A_1174 = vector.shape_cast %get3A_1173 : vector<1x16xi32> to vector<16xi32>
      %gt3A_1175 = arith.cmpf ogt, %get3A_1169, %select_n3A_1163 : vector<16xf32>
      %eq3A_1176 = arith.cmpf oeq, %get3A_1169, %select_n3A_1163 : vector<16xf32>
      %lt3A_1177 = arith.cmpi slt, %get3A_1174, %select_n3A_1164 : vector<16xi32>
      %and3A_1178 = arith.andi %eq3A_1176, %lt3A_1177 : vector<16xi1>
      %or3A_1179 = arith.ori %gt3A_1175, %and3A_1178 : vector<16xi1>
      %select_n3A_1180 = arith.select %or3A_1179, %get3A_1169, %select_n3A_1163 : vector<16xi1>, vector<16xf32>
      %select_n3A_1181 = arith.select %or3A_1179, %get3A_1174, %select_n3A_1164 : vector<16xi1>, vector<16xi32>
      %get3A_1182 = arith.constant 4 : i32
      %get3A_1183 = arith.index_cast %get3A_1182 : i32 to index
      %get3A_1184 = arith.constant 0 : index
      %get3A_1185 = tpu.vector_load %arg16[%get3A_1183, %get3A_1184] {strides = array<i32>} : memref<8x128xf32, #tpu.memory_space<vmem>>, vector<1x16xf32>,
      %get3A_1186 = vector.shape_cast %get3A_1185 : vector<1x16xf32> to vector<16xf32>
      %get3A_1187 = arith.constant 4 : i32
      %get3A_1188 = arith.index_cast %get3A_1187 : i32 to index
      %get3A_1189 = arith.constant 0 : index
      %get3A_1190 = tpu.vector_load %arg24[%get3A_1188, %get3A_1189] {strides = array<i32>} : memref<8x128xi32, #tpu.memory_space<vmem>>, vector<1x16xi32>,
      %get3A_1191 = vector.shape_cast %get3A_1190 : vector<1x16xi32> to vector<16xi32>
      %gt3A_1192 = arith.cmpf ogt, %get3A_1186, %select_n3A_1180 : vector<16xf32>
      %eq3A_1193 = arith.cmpf oeq, %get3A_1186, %select_n3A_1180 : vector<16xf32>
      %lt3A_1194 = arith.cmpi slt, %get3A_1191, %select_n3A_1181 : vector<16xi32>
      %and3A_1195 = arith.andi %eq3A_1193, %lt3A_1194 : vector<16xi1>
      %or3A_1196 = arith.ori %gt3A_1192, %and3A_1195 : vector<16xi1>
      %select_n3A_1197 = arith.select %or3A_1196, %get3A_1186, %select_n3A_1180 : vector<16xi1>, vector<16xf32>
      %select_n3A_1198 = arith.select %or3A_1196, %get3A_1191, %select_n3A_1181 : vector<16xi1>, vector<16xi32>
      %get3A_1199 = arith.constant 4 : i32
      %get3A_1200 = arith.index_cast %get3A_1199 : i32 to index
      %get3A_1201 = arith.constant 0 : index
      %get3A_1202 = tpu.vector_load %arg17[%get3A_1200, %get3A_1201] {strides = array<i32>} : memref<8x128xf32, #tpu.memory_space<vmem>>, vector<1x16xf32>,
      %get3A_1203 = vector.shape_cast %get3A_1202 : vector<1x16xf32> to vector<16xf32>
      %get3A_1204 = arith.constant 4 : i32
      %get3A_1205 = arith.index_cast %get3A_1204 : i32 to index
      %get3A_1206 = arith.constant 0 : index
      %get3A_1207 = tpu.vector_load %arg25[%get3A_1205, %get3A_1206] {strides = array<i32>} : memref<8x128xi32, #tpu.memory_space<vmem>>, vector<1x16xi32>,
      %get3A_1208 = vector.shape_cast %get3A_1207 : vector<1x16xi32> to vector<16xi32>
      %gt3A_1209 = arith.cmpf ogt, %get3A_1203, %select_n3A_1197 : vector<16xf32>
      %eq3A_1210 = arith.cmpf oeq, %get3A_1203, %select_n3A_1197 : vector<16xf32>
      %lt3A_1211 = arith.cmpi slt, %get3A_1208, %select_n3A_1198 : vector<16xi32>
      %and3A_1212 = arith.andi %eq3A_1210, %lt3A_1211 : vector<16xi1>
      %or3A_1213 = arith.ori %gt3A_1209, %and3A_1212 : vector<16xi1>
      %select_n3A_1214 = arith.select %or3A_1213, %get3A_1203, %select_n3A_1197 : vector<16xi1>, vector<16xf32>
      %select_n3A_1215 = arith.select %or3A_1213, %get3A_1208, %select_n3A_1198 : vector<16xi1>, vector<16xi32>
      %xor3A_1216 = arith.constant 8 : i32
      %xor3A_1217 = vector.broadcast %xor3A_1216 : i32 to vector<16xi32>
      %xor3A_1218 = arith.xori %iota3A, %xor3A_1217 : vector<16xi32>
      %lt3A_1219 = arith.constant 0 : i32
      %lt3A_1220 = vector.broadcast %lt3A_1219 : i32 to vector<16xi32>
      %lt3A_1221 = arith.cmpi slt, %xor3A_1218, %lt3A_1220 : vector<16xi32>
      %add3A_1222 = arith.constant 16 : i32
      %add3A_1223 = vector.broadcast %add3A_1222 : i32 to vector<16xi32>
      %add3A_1224 = arith.addi %xor3A_1218, %add3A_1223 : vector<16xi32>
      %select_n3A_1225 = arith.select %lt3A_1221, %add3A_1224, %xor3A_1218 : vector<16xi1>, vector<16xi32>
      %broadcast_in_dim3A_1226 = vector.shape_cast %select_n3A_1225 : vector<16xi32> to vector<16x1xi32>
      %gather3A_1227 = vector.shape_cast %broadcast_in_dim3A_1226 : vector<16x1xi32> to vector<16xi32>
      %gather3A_1228 = tpu.dynamic_gather %select_n3A_1214[%gather3A_1227] in [0] : vector<16xf32>, vector<16xi32> -> vector<16xf32>
      %lt3A_1229 = arith.constant 0 : i32
      %lt3A_1230 = vector.broadcast %lt3A_1229 : i32 to vector<16xi32>
      %lt3A_1231 = arith.cmpi slt, %xor3A_1218, %lt3A_1230 : vector<16xi32>
      %add3A_1232 = arith.constant 16 : i32
      %add3A_1233 = vector.broadcast %add3A_1232 : i32 to vector<16xi32>
      %add3A_1234 = arith.addi %xor3A_1218, %add3A_1233 : vector<16xi32>
      %select_n3A_1235 = arith.select %lt3A_1231, %add3A_1234, %xor3A_1218 : vector<16xi1>, vector<16xi32>
      %broadcast_in_dim3A_1236 = vector.shape_cast %select_n3A_1235 : vector<16xi32> to vector<16x1xi32>
      %gather3A_1237 = vector.shape_cast %broadcast_in_dim3A_1236 : vector<16x1xi32> to vector<16xi32>
      %gather3A_1238 = tpu.dynamic_gather %select_n3A_1215[%gather3A_1237] in [0] : vector<16xi32>, vector<16xi32> -> vector<16xi32>
      %gt3A_1239 = arith.cmpf ogt, %gather3A_1228, %select_n3A_1214 : vector<16xf32>
      %eq3A_1240 = arith.cmpf oeq, %gather3A_1228, %select_n3A_1214 : vector<16xf32>
      %lt3A_1241 = arith.cmpi slt, %gather3A_1238, %select_n3A_1215 : vector<16xi32>
      %and3A_1242 = arith.andi %eq3A_1240, %lt3A_1241 : vector<16xi1>
      %or3A_1243 = arith.ori %gt3A_1239, %and3A_1242 : vector<16xi1>
      %select_n3A_1244 = arith.select %or3A_1243, %gather3A_1228, %select_n3A_1214 : vector<16xi1>, vector<16xf32>
      %select_n3A_1245 = arith.select %or3A_1243, %gather3A_1238, %select_n3A_1215 : vector<16xi1>, vector<16xi32>
      %xor3A_1246 = arith.constant 4 : i32
      %xor3A_1247 = vector.broadcast %xor3A_1246 : i32 to vector<16xi32>
      %xor3A_1248 = arith.xori %iota3A, %xor3A_1247 : vector<16xi32>
      %lt3A_1249 = arith.constant 0 : i32
      %lt3A_1250 = vector.broadcast %lt3A_1249 : i32 to vector<16xi32>
      %lt3A_1251 = arith.cmpi slt, %xor3A_1248, %lt3A_1250 : vector<16xi32>
      %add3A_1252 = arith.constant 16 : i32
      %add3A_1253 = vector.broadcast %add3A_1252 : i32 to vector<16xi32>
      %add3A_1254 = arith.addi %xor3A_1248, %add3A_1253 : vector<16xi32>
      %select_n3A_1255 = arith.select %lt3A_1251, %add3A_1254, %xor3A_1248 : vector<16xi1>, vector<16xi32>
      %broadcast_in_dim3A_1256 = vector.shape_cast %select_n3A_1255 : vector<16xi32> to vector<16x1xi32>
      %gather3A_1257 = vector.shape_cast %broadcast_in_dim3A_1256 : vector<16x1xi32> to vector<16xi32>
      %gather3A_1258 = tpu.dynamic_gather %select_n3A_1244[%gather3A_1257] in [0] : vector<16xf32>, vector<16xi32> -> vector<16xf32>
      %lt3A_1259 = arith.constant 0 : i32
      %lt3A_1260 = vector.broadcast %lt3A_1259 : i32 to vector<16xi32>
      %lt3A_1261 = arith.cmpi slt, %xor3A_1248, %lt3A_1260 : vector<16xi32>
      %add3A_1262 = arith.constant 16 : i32
      %add3A_1263 = vector.broadcast %add3A_1262 : i32 to vector<16xi32>
      %add3A_1264 = arith.addi %xor3A_1248, %add3A_1263 : vector<16xi32>
      %select_n3A_1265 = arith.select %lt3A_1261, %add3A_1264, %xor3A_1248 : vector<16xi1>, vector<16xi32>
      %broadcast_in_dim3A_1266 = vector.shape_cast %select_n3A_1265 : vector<16xi32> to vector<16x1xi32>
      %gather3A_1267 = vector.shape_cast %broadcast_in_dim3A_1266 : vector<16x1xi32> to vector<16xi32>
      %gather3A_1268 = tpu.dynamic_gather %select_n3A_1245[%gather3A_1267] in [0] : vector<16xi32>, vector<16xi32> -> vector<16xi32>
      %gt3A_1269 = arith.cmpf ogt, %gather3A_1258, %select_n3A_1244 : vector<16xf32>
      %eq3A_1270 = arith.cmpf oeq, %gather3A_1258, %select_n3A_1244 : vector<16xf32>
      %lt3A_1271 = arith.cmpi slt, %gather3A_1268, %select_n3A_1245 : vector<16xi32>
      %and3A_1272 = arith.andi %eq3A_1270, %lt3A_1271 : vector<16xi1>
      %or3A_1273 = arith.ori %gt3A_1269, %and3A_1272 : vector<16xi1>
      %select_n3A_1274 = arith.select %or3A_1273, %gather3A_1258, %select_n3A_1244 : vector<16xi1>, vector<16xf32>
      %select_n3A_1275 = arith.select %or3A_1273, %gather3A_1268, %select_n3A_1245 : vector<16xi1>, vector<16xi32>
      %xor3A_1276 = arith.constant 2 : i32
      %xor3A_1277 = vector.broadcast %xor3A_1276 : i32 to vector<16xi32>
      %xor3A_1278 = arith.xori %iota3A, %xor3A_1277 : vector<16xi32>
      %lt3A_1279 = arith.constant 0 : i32
      %lt3A_1280 = vector.broadcast %lt3A_1279 : i32 to vector<16xi32>
      %lt3A_1281 = arith.cmpi slt, %xor3A_1278, %lt3A_1280 : vector<16xi32>
      %add3A_1282 = arith.constant 16 : i32
      %add3A_1283 = vector.broadcast %add3A_1282 : i32 to vector<16xi32>
      %add3A_1284 = arith.addi %xor3A_1278, %add3A_1283 : vector<16xi32>
      %select_n3A_1285 = arith.select %lt3A_1281, %add3A_1284, %xor3A_1278 : vector<16xi1>, vector<16xi32>
      %broadcast_in_dim3A_1286 = vector.shape_cast %select_n3A_1285 : vector<16xi32> to vector<16x1xi32>
      %gather3A_1287 = vector.shape_cast %broadcast_in_dim3A_1286 : vector<16x1xi32> to vector<16xi32>
      %gather3A_1288 = tpu.dynamic_gather %select_n3A_1274[%gather3A_1287] in [0] : vector<16xf32>, vector<16xi32> -> vector<16xf32>
      %lt3A_1289 = arith.constant 0 : i32
      %lt3A_1290 = vector.broadcast %lt3A_1289 : i32 to vector<16xi32>
      %lt3A_1291 = arith.cmpi slt, %xor3A_1278, %lt3A_1290 : vector<16xi32>
      %add3A_1292 = arith.constant 16 : i32
      %add3A_1293 = vector.broadcast %add3A_1292 : i32 to vector<16xi32>
      %add3A_1294 = arith.addi %xor3A_1278, %add3A_1293 : vector<16xi32>
      %select_n3A_1295 = arith.select %lt3A_1291, %add3A_1294, %xor3A_1278 : vector<16xi1>, vector<16xi32>
      %broadcast_in_dim3A_1296 = vector.shape_cast %select_n3A_1295 : vector<16xi32> to vector<16x1xi32>
      %gather3A_1297 = vector.shape_cast %broadcast_in_dim3A_1296 : vector<16x1xi32> to vector<16xi32>
      %gather3A_1298 = tpu.dynamic_gather %select_n3A_1275[%gather3A_1297] in [0] : vector<16xi32>, vector<16xi32> -> vector<16xi32>
      %gt3A_1299 = arith.cmpf ogt, %gather3A_1288, %select_n3A_1274 : vector<16xf32>
      %eq3A_1300 = arith.cmpf oeq, %gather3A_1288, %select_n3A_1274 : vector<16xf32>
      %lt3A_1301 = arith.cmpi slt, %gather3A_1298, %select_n3A_1275 : vector<16xi32>
      %and3A_1302 = arith.andi %eq3A_1300, %lt3A_1301 : vector<16xi1>
      %or3A_1303 = arith.ori %gt3A_1299, %and3A_1302 : vector<16xi1>
      %select_n3A_1304 = arith.select %or3A_1303, %gather3A_1288, %select_n3A_1274 : vector<16xi1>, vector<16xf32>
      %select_n3A_1305 = arith.select %or3A_1303, %gather3A_1298, %select_n3A_1275 : vector<16xi1>, vector<16xi32>
      %xor3A_1306 = arith.constant 1 : i32
      %xor3A_1307 = vector.broadcast %xor3A_1306 : i32 to vector<16xi32>
      %xor3A_1308 = arith.xori %iota3A, %xor3A_1307 : vector<16xi32>
      %lt3A_1309 = arith.constant 0 : i32
      %lt3A_1310 = vector.broadcast %lt3A_1309 : i32 to vector<16xi32>
      %lt3A_1311 = arith.cmpi slt, %xor3A_1308, %lt3A_1310 : vector<16xi32>
      %add3A_1312 = arith.constant 16 : i32
      %add3A_1313 = vector.broadcast %add3A_1312 : i32 to vector<16xi32>
      %add3A_1314 = arith.addi %xor3A_1308, %add3A_1313 : vector<16xi32>
      %select_n3A_1315 = arith.select %lt3A_1311, %add3A_1314, %xor3A_1308 : vector<16xi1>, vector<16xi32>
      %broadcast_in_dim3A_1316 = vector.shape_cast %select_n3A_1315 : vector<16xi32> to vector<16x1xi32>
      %gather3A_1317 = vector.shape_cast %broadcast_in_dim3A_1316 : vector<16x1xi32> to vector<16xi32>
      %gather3A_1318 = tpu.dynamic_gather %select_n3A_1304[%gather3A_1317] in [0] : vector<16xf32>, vector<16xi32> -> vector<16xf32>
      %lt3A_1319 = arith.constant 0 : i32
      %lt3A_1320 = vector.broadcast %lt3A_1319 : i32 to vector<16xi32>
      %lt3A_1321 = arith.cmpi slt, %xor3A_1308, %lt3A_1320 : vector<16xi32>
      %add3A_1322 = arith.constant 16 : i32
      %add3A_1323 = vector.broadcast %add3A_1322 : i32 to vector<16xi32>
      %add3A_1324 = arith.addi %xor3A_1308, %add3A_1323 : vector<16xi32>
      %select_n3A_1325 = arith.select %lt3A_1321, %add3A_1324, %xor3A_1308 : vector<16xi1>, vector<16xi32>
      %broadcast_in_dim3A_1326 = vector.shape_cast %select_n3A_1325 : vector<16xi32> to vector<16x1xi32>
      %gather3A_1327 = vector.shape_cast %broadcast_in_dim3A_1326 : vector<16x1xi32> to vector<16xi32>
      %gather3A_1328 = tpu.dynamic_gather %select_n3A_1305[%gather3A_1327] in [0] : vector<16xi32>, vector<16xi32> -> vector<16xi32>
      %gt3A_1329 = arith.cmpf ogt, %gather3A_1318, %select_n3A_1304 : vector<16xf32>
      %eq3A_1330 = arith.cmpf oeq, %gather3A_1318, %select_n3A_1304 : vector<16xf32>
      %lt3A_1331 = arith.cmpi slt, %gather3A_1328, %select_n3A_1305 : vector<16xi32>
      %and3A_1332 = arith.andi %eq3A_1330, %lt3A_1331 : vector<16xi1>
      %or3A_1333 = arith.ori %gt3A_1329, %and3A_1332 : vector<16xi1>
      %select_n3A_1334 = arith.select %or3A_1333, %gather3A_1318, %select_n3A_1304 : vector<16xi1>, vector<16xf32>
      %select_n3A_1335 = arith.select %or3A_1333, %gather3A_1328, %select_n3A_1305 : vector<16xi1>, vector<16xi32>
      %swap3A_1336 = arith.constant 4 : i32
      %swap3A_1337 = arith.index_cast %swap3A_1336 : i32 to index
      %swap3A_1338 = arith.constant 0 : index
      %swap3A_1339 = tpu.vector_load %arg9[%swap3A_1337, %swap3A_1338] {strides = array<i32>} : memref<8x128xi32, #tpu.memory_space<vmem>>, vector<1x16xi32>,
      %swap3A_1340 = vector.shape_cast %swap3A_1339 : vector<1x16xi32> to vector<16xi32>
      %swap3A_1341 = vector.shape_cast %select_n3A_1335 : vector<16xi32> to vector<1x16xi32>
      tpu.vector_store %arg9[%swap3A_1337, %swap3A_1338], %swap3A_1341 {strides = array<i32>} : memref<8x128xi32, #tpu.memory_space<vmem>>, vector<1x16xi32>,
      %get3A_1342 = arith.constant 5 : i32
      %get3A_1343 = arith.index_cast %get3A_1342 : i32 to index
      %get3A_1344 = arith.constant 0 : index
      %get3A_1345 = tpu.vector_load %arg10[%get3A_1343, %get3A_1344] {strides = array<i32>} : memref<8x128xf32, #tpu.memory_space<vmem>>, vector<1x16xf32>,
      %get3A_1346 = vector.shape_cast %get3A_1345 : vector<1x16xf32> to vector<16xf32>
      %get3A_1347 = arith.constant 5 : i32
      %get3A_1348 = arith.index_cast %get3A_1347 : i32 to index
      %get3A_1349 = arith.constant 0 : index
      %get3A_1350 = tpu.vector_load %arg18[%get3A_1348, %get3A_1349] {strides = array<i32>} : memref<8x128xi32, #tpu.memory_space<vmem>>, vector<1x16xi32>,
      %get3A_1351 = vector.shape_cast %get3A_1350 : vector<1x16xi32> to vector<16xi32>
      %get3A_1352 = arith.constant 5 : i32
      %get3A_1353 = arith.index_cast %get3A_1352 : i32 to index
      %get3A_1354 = arith.constant 0 : index
      %get3A_1355 = tpu.vector_load %arg11[%get3A_1353, %get3A_1354] {strides = array<i32>} : memref<8x128xf32, #tpu.memory_space<vmem>>, vector<1x16xf32>,
      %get3A_1356 = vector.shape_cast %get3A_1355 : vector<1x16xf32> to vector<16xf32>
      %get3A_1357 = arith.constant 5 : i32
      %get3A_1358 = arith.index_cast %get3A_1357 : i32 to index
      %get3A_1359 = arith.constant 0 : index
      %get3A_1360 = tpu.vector_load %arg19[%get3A_1358, %get3A_1359] {strides = array<i32>} : memref<8x128xi32, #tpu.memory_space<vmem>>, vector<1x16xi32>,
      %get3A_1361 = vector.shape_cast %get3A_1360 : vector<1x16xi32> to vector<16xi32>
      %gt3A_1362 = arith.cmpf ogt, %get3A_1356, %get3A_1346 : vector<16xf32>
      %eq3A_1363 = arith.cmpf oeq, %get3A_1356, %get3A_1346 : vector<16xf32>
      %lt3A_1364 = arith.cmpi slt, %get3A_1361, %get3A_1351 : vector<16xi32>
      %and3A_1365 = arith.andi %eq3A_1363, %lt3A_1364 : vector<16xi1>
      %or3A_1366 = arith.ori %gt3A_1362, %and3A_1365 : vector<16xi1>
      %select_n3A_1367 = arith.select %or3A_1366, %get3A_1356, %get3A_1346 : vector<16xi1>, vector<16xf32>
      %select_n3A_1368 = arith.select %or3A_1366, %get3A_1361, %get3A_1351 : vector<16xi1>, vector<16xi32>
      %get3A_1369 = arith.constant 5 : i32
      %get3A_1370 = arith.index_cast %get3A_1369 : i32 to index
      %get3A_1371 = arith.constant 0 : index
      %get3A_1372 = tpu.vector_load %arg12[%get3A_1370, %get3A_1371] {strides = array<i32>} : memref<8x128xf32, #tpu.memory_space<vmem>>, vector<1x16xf32>,
      %get3A_1373 = vector.shape_cast %get3A_1372 : vector<1x16xf32> to vector<16xf32>
      %get3A_1374 = arith.constant 5 : i32
      %get3A_1375 = arith.index_cast %get3A_1374 : i32 to index
      %get3A_1376 = arith.constant 0 : index
      %get3A_1377 = tpu.vector_load %arg20[%get3A_1375, %get3A_1376] {strides = array<i32>} : memref<8x128xi32, #tpu.memory_space<vmem>>, vector<1x16xi32>,
      %get3A_1378 = vector.shape_cast %get3A_1377 : vector<1x16xi32> to vector<16xi32>
      %gt3A_1379 = arith.cmpf ogt, %get3A_1373, %select_n3A_1367 : vector<16xf32>
      %eq3A_1380 = arith.cmpf oeq, %get3A_1373, %select_n3A_1367 : vector<16xf32>
      %lt3A_1381 = arith.cmpi slt, %get3A_1378, %select_n3A_1368 : vector<16xi32>
      %and3A_1382 = arith.andi %eq3A_1380, %lt3A_1381 : vector<16xi1>
      %or3A_1383 = arith.ori %gt3A_1379, %and3A_1382 : vector<16xi1>
      %select_n3A_1384 = arith.select %or3A_1383, %get3A_1373, %select_n3A_1367 : vector<16xi1>, vector<16xf32>
      %select_n3A_1385 = arith.select %or3A_1383, %get3A_1378, %select_n3A_1368 : vector<16xi1>, vector<16xi32>
      %get3A_1386 = arith.constant 5 : i32
      %get3A_1387 = arith.index_cast %get3A_1386 : i32 to index
      %get3A_1388 = arith.constant 0 : index
      %get3A_1389 = tpu.vector_load %arg13[%get3A_1387, %get3A_1388] {strides = array<i32>} : memref<8x128xf32, #tpu.memory_space<vmem>>, vector<1x16xf32>,
      %get3A_1390 = vector.shape_cast %get3A_1389 : vector<1x16xf32> to vector<16xf32>
      %get3A_1391 = arith.constant 5 : i32
      %get3A_1392 = arith.index_cast %get3A_1391 : i32 to index
      %get3A_1393 = arith.constant 0 : index
      %get3A_1394 = tpu.vector_load %arg21[%get3A_1392, %get3A_1393] {strides = array<i32>} : memref<8x128xi32, #tpu.memory_space<vmem>>, vector<1x16xi32>,
      %get3A_1395 = vector.shape_cast %get3A_1394 : vector<1x16xi32> to vector<16xi32>
      %gt3A_1396 = arith.cmpf ogt, %get3A_1390, %select_n3A_1384 : vector<16xf32>
      %eq3A_1397 = arith.cmpf oeq, %get3A_1390, %select_n3A_1384 : vector<16xf32>
      %lt3A_1398 = arith.cmpi slt, %get3A_1395, %select_n3A_1385 : vector<16xi32>
      %and3A_1399 = arith.andi %eq3A_1397, %lt3A_1398 : vector<16xi1>
      %or3A_1400 = arith.ori %gt3A_1396, %and3A_1399 : vector<16xi1>
      %select_n3A_1401 = arith.select %or3A_1400, %get3A_1390, %select_n3A_1384 : vector<16xi1>, vector<16xf32>
      %select_n3A_1402 = arith.select %or3A_1400, %get3A_1395, %select_n3A_1385 : vector<16xi1>, vector<16xi32>
      %get3A_1403 = arith.constant 5 : i32
      %get3A_1404 = arith.index_cast %get3A_1403 : i32 to index
      %get3A_1405 = arith.constant 0 : index
      %get3A_1406 = tpu.vector_load %arg14[%get3A_1404, %get3A_1405] {strides = array<i32>} : memref<8x128xf32, #tpu.memory_space<vmem>>, vector<1x16xf32>,
      %get3A_1407 = vector.shape_cast %get3A_1406 : vector<1x16xf32> to vector<16xf32>
      %get3A_1408 = arith.constant 5 : i32
      %get3A_1409 = arith.index_cast %get3A_1408 : i32 to index
      %get3A_1410 = arith.constant 0 : index
      %get3A_1411 = tpu.vector_load %arg22[%get3A_1409, %get3A_1410] {strides = array<i32>} : memref<8x128xi32, #tpu.memory_space<vmem>>, vector<1x16xi32>,
      %get3A_1412 = vector.shape_cast %get3A_1411 : vector<1x16xi32> to vector<16xi32>
      %gt3A_1413 = arith.cmpf ogt, %get3A_1407, %select_n3A_1401 : vector<16xf32>
      %eq3A_1414 = arith.cmpf oeq, %get3A_1407, %select_n3A_1401 : vector<16xf32>
      %lt3A_1415 = arith.cmpi slt, %get3A_1412, %select_n3A_1402 : vector<16xi32>
      %and3A_1416 = arith.andi %eq3A_1414, %lt3A_1415 : vector<16xi1>
      %or3A_1417 = arith.ori %gt3A_1413, %and3A_1416 : vector<16xi1>
      %select_n3A_1418 = arith.select %or3A_1417, %get3A_1407, %select_n3A_1401 : vector<16xi1>, vector<16xf32>
      %select_n3A_1419 = arith.select %or3A_1417, %get3A_1412, %select_n3A_1402 : vector<16xi1>, vector<16xi32>
      %get3A_1420 = arith.constant 5 : i32
      %get3A_1421 = arith.index_cast %get3A_1420 : i32 to index
      %get3A_1422 = arith.constant 0 : index
      %get3A_1423 = tpu.vector_load %arg15[%get3A_1421, %get3A_1422] {strides = array<i32>} : memref<8x128xf32, #tpu.memory_space<vmem>>, vector<1x16xf32>,
      %get3A_1424 = vector.shape_cast %get3A_1423 : vector<1x16xf32> to vector<16xf32>
      %get3A_1425 = arith.constant 5 : i32
      %get3A_1426 = arith.index_cast %get3A_1425 : i32 to index
      %get3A_1427 = arith.constant 0 : index
      %get3A_1428 = tpu.vector_load %arg23[%get3A_1426, %get3A_1427] {strides = array<i32>} : memref<8x128xi32, #tpu.memory_space<vmem>>, vector<1x16xi32>,
      %get3A_1429 = vector.shape_cast %get3A_1428 : vector<1x16xi32> to vector<16xi32>
      %gt3A_1430 = arith.cmpf ogt, %get3A_1424, %select_n3A_1418 : vector<16xf32>
      %eq3A_1431 = arith.cmpf oeq, %get3A_1424, %select_n3A_1418 : vector<16xf32>
      %lt3A_1432 = arith.cmpi slt, %get3A_1429, %select_n3A_1419 : vector<16xi32>
      %and3A_1433 = arith.andi %eq3A_1431, %lt3A_1432 : vector<16xi1>
      %or3A_1434 = arith.ori %gt3A_1430, %and3A_1433 : vector<16xi1>
      %select_n3A_1435 = arith.select %or3A_1434, %get3A_1424, %select_n3A_1418 : vector<16xi1>, vector<16xf32>
      %select_n3A_1436 = arith.select %or3A_1434, %get3A_1429, %select_n3A_1419 : vector<16xi1>, vector<16xi32>
      %get3A_1437 = arith.constant 5 : i32
      %get3A_1438 = arith.index_cast %get3A_1437 : i32 to index
      %get3A_1439 = arith.constant 0 : index
      %get3A_1440 = tpu.vector_load %arg16[%get3A_1438, %get3A_1439] {strides = array<i32>} : memref<8x128xf32, #tpu.memory_space<vmem>>, vector<1x16xf32>,
      %get3A_1441 = vector.shape_cast %get3A_1440 : vector<1x16xf32> to vector<16xf32>
      %get3A_1442 = arith.constant 5 : i32
      %get3A_1443 = arith.index_cast %get3A_1442 : i32 to index
      %get3A_1444 = arith.constant 0 : index
      %get3A_1445 = tpu.vector_load %arg24[%get3A_1443, %get3A_1444] {strides = array<i32>} : memref<8x128xi32, #tpu.memory_space<vmem>>, vector<1x16xi32>,
      %get3A_1446 = vector.shape_cast %get3A_1445 : vector<1x16xi32> to vector<16xi32>
      %gt3A_1447 = arith.cmpf ogt, %get3A_1441, %select_n3A_1435 : vector<16xf32>
      %eq3A_1448 = arith.cmpf oeq, %get3A_1441, %select_n3A_1435 : vector<16xf32>
      %lt3A_1449 = arith.cmpi slt, %get3A_1446, %select_n3A_1436 : vector<16xi32>
      %and3A_1450 = arith.andi %eq3A_1448, %lt3A_1449 : vector<16xi1>
      %or3A_1451 = arith.ori %gt3A_1447, %and3A_1450 : vector<16xi1>
      %select_n3A_1452 = arith.select %or3A_1451, %get3A_1441, %select_n3A_1435 : vector<16xi1>, vector<16xf32>
      %select_n3A_1453 = arith.select %or3A_1451, %get3A_1446, %select_n3A_1436 : vector<16xi1>, vector<16xi32>
      %get3A_1454 = arith.constant 5 : i32
      %get3A_1455 = arith.index_cast %get3A_1454 : i32 to index
      %get3A_1456 = arith.constant 0 : index
      %get3A_1457 = tpu.vector_load %arg17[%get3A_1455, %get3A_1456] {strides = array<i32>} : memref<8x128xf32, #tpu.memory_space<vmem>>, vector<1x16xf32>,
      %get3A_1458 = vector.shape_cast %get3A_1457 : vector<1x16xf32> to vector<16xf32>
      %get3A_1459 = arith.constant 5 : i32
      %get3A_1460 = arith.index_cast %get3A_1459 : i32 to index
      %get3A_1461 = arith.constant 0 : index
      %get3A_1462 = tpu.vector_load %arg25[%get3A_1460, %get3A_1461] {strides = array<i32>} : memref<8x128xi32, #tpu.memory_space<vmem>>, vector<1x16xi32>,
      %get3A_1463 = vector.shape_cast %get3A_1462 : vector<1x16xi32> to vector<16xi32>
      %gt3A_1464 = arith.cmpf ogt, %get3A_1458, %select_n3A_1452 : vector<16xf32>
      %eq3A_1465 = arith.cmpf oeq, %get3A_1458, %select_n3A_1452 : vector<16xf32>
      %lt3A_1466 = arith.cmpi slt, %get3A_1463, %select_n3A_1453 : vector<16xi32>
      %and3A_1467 = arith.andi %eq3A_1465, %lt3A_1466 : vector<16xi1>
      %or3A_1468 = arith.ori %gt3A_1464, %and3A_1467 : vector<16xi1>
      %select_n3A_1469 = arith.select %or3A_1468, %get3A_1458, %select_n3A_1452 : vector<16xi1>, vector<16xf32>
      %select_n3A_1470 = arith.select %or3A_1468, %get3A_1463, %select_n3A_1453 : vector<16xi1>, vector<16xi32>
      %xor3A_1471 = arith.constant 8 : i32
      %xor3A_1472 = vector.broadcast %xor3A_1471 : i32 to vector<16xi32>
      %xor3A_1473 = arith.xori %iota3A, %xor3A_1472 : vector<16xi32>
      %lt3A_1474 = arith.constant 0 : i32
      %lt3A_1475 = vector.broadcast %lt3A_1474 : i32 to vector<16xi32>
      %lt3A_1476 = arith.cmpi slt, %xor3A_1473, %lt3A_1475 : vector<16xi32>
      %add3A_1477 = arith.constant 16 : i32
      %add3A_1478 = vector.broadcast %add3A_1477 : i32 to vector<16xi32>
      %add3A_1479 = arith.addi %xor3A_1473, %add3A_1478 : vector<16xi32>
      %select_n3A_1480 = arith.select %lt3A_1476, %add3A_1479, %xor3A_1473 : vector<16xi1>, vector<16xi32>
      %broadcast_in_dim3A_1481 = vector.shape_cast %select_n3A_1480 : vector<16xi32> to vector<16x1xi32>
      %gather3A_1482 = vector.shape_cast %broadcast_in_dim3A_1481 : vector<16x1xi32> to vector<16xi32>
      %gather3A_1483 = tpu.dynamic_gather %select_n3A_1469[%gather3A_1482] in [0] : vector<16xf32>, vector<16xi32> -> vector<16xf32>
      %lt3A_1484 = arith.constant 0 : i32
      %lt3A_1485 = vector.broadcast %lt3A_1484 : i32 to vector<16xi32>
      %lt3A_1486 = arith.cmpi slt, %xor3A_1473, %lt3A_1485 : vector<16xi32>
      %add3A_1487 = arith.constant 16 : i32
      %add3A_1488 = vector.broadcast %add3A_1487 : i32 to vector<16xi32>
      %add3A_1489 = arith.addi %xor3A_1473, %add3A_1488 : vector<16xi32>
      %select_n3A_1490 = arith.select %lt3A_1486, %add3A_1489, %xor3A_1473 : vector<16xi1>, vector<16xi32>
      %broadcast_in_dim3A_1491 = vector.shape_cast %select_n3A_1490 : vector<16xi32> to vector<16x1xi32>
      %gather3A_1492 = vector.shape_cast %broadcast_in_dim3A_1491 : vector<16x1xi32> to vector<16xi32>
      %gather3A_1493 = tpu.dynamic_gather %select_n3A_1470[%gather3A_1492] in [0] : vector<16xi32>, vector<16xi32> -> vector<16xi32>
      %gt3A_1494 = arith.cmpf ogt, %gather3A_1483, %select_n3A_1469 : vector<16xf32>
      %eq3A_1495 = arith.cmpf oeq, %gather3A_1483, %select_n3A_1469 : vector<16xf32>
      %lt3A_1496 = arith.cmpi slt, %gather3A_1493, %select_n3A_1470 : vector<16xi32>
      %and3A_1497 = arith.andi %eq3A_1495, %lt3A_1496 : vector<16xi1>
      %or3A_1498 = arith.ori %gt3A_1494, %and3A_1497 : vector<16xi1>
      %select_n3A_1499 = arith.select %or3A_1498, %gather3A_1483, %select_n3A_1469 : vector<16xi1>, vector<16xf32>
      %select_n3A_1500 = arith.select %or3A_1498, %gather3A_1493, %select_n3A_1470 : vector<16xi1>, vector<16xi32>
      %xor3A_1501 = arith.constant 4 : i32
      %xor3A_1502 = vector.broadcast %xor3A_1501 : i32 to vector<16xi32>
      %xor3A_1503 = arith.xori %iota3A, %xor3A_1502 : vector<16xi32>
      %lt3A_1504 = arith.constant 0 : i32
      %lt3A_1505 = vector.broadcast %lt3A_1504 : i32 to vector<16xi32>
      %lt3A_1506 = arith.cmpi slt, %xor3A_1503, %lt3A_1505 : vector<16xi32>
      %add3A_1507 = arith.constant 16 : i32
      %add3A_1508 = vector.broadcast %add3A_1507 : i32 to vector<16xi32>
      %add3A_1509 = arith.addi %xor3A_1503, %add3A_1508 : vector<16xi32>
      %select_n3A_1510 = arith.select %lt3A_1506, %add3A_1509, %xor3A_1503 : vector<16xi1>, vector<16xi32>
      %broadcast_in_dim3A_1511 = vector.shape_cast %select_n3A_1510 : vector<16xi32> to vector<16x1xi32>
      %gather3A_1512 = vector.shape_cast %broadcast_in_dim3A_1511 : vector<16x1xi32> to vector<16xi32>
      %gather3A_1513 = tpu.dynamic_gather %select_n3A_1499[%gather3A_1512] in [0] : vector<16xf32>, vector<16xi32> -> vector<16xf32>
      %lt3A_1514 = arith.constant 0 : i32
      %lt3A_1515 = vector.broadcast %lt3A_1514 : i32 to vector<16xi32>
      %lt3A_1516 = arith.cmpi slt, %xor3A_1503, %lt3A_1515 : vector<16xi32>
      %add3A_1517 = arith.constant 16 : i32
      %add3A_1518 = vector.broadcast %add3A_1517 : i32 to vector<16xi32>
      %add3A_1519 = arith.addi %xor3A_1503, %add3A_1518 : vector<16xi32>
      %select_n3A_1520 = arith.select %lt3A_1516, %add3A_1519, %xor3A_1503 : vector<16xi1>, vector<16xi32>
      %broadcast_in_dim3A_1521 = vector.shape_cast %select_n3A_1520 : vector<16xi32> to vector<16x1xi32>
      %gather3A_1522 = vector.shape_cast %broadcast_in_dim3A_1521 : vector<16x1xi32> to vector<16xi32>
      %gather3A_1523 = tpu.dynamic_gather %select_n3A_1500[%gather3A_1522] in [0] : vector<16xi32>, vector<16xi32> -> vector<16xi32>
      %gt3A_1524 = arith.cmpf ogt, %gather3A_1513, %select_n3A_1499 : vector<16xf32>
      %eq3A_1525 = arith.cmpf oeq, %gather3A_1513, %select_n3A_1499 : vector<16xf32>
      %lt3A_1526 = arith.cmpi slt, %gather3A_1523, %select_n3A_1500 : vector<16xi32>
      %and3A_1527 = arith.andi %eq3A_1525, %lt3A_1526 : vector<16xi1>
      %or3A_1528 = arith.ori %gt3A_1524, %and3A_1527 : vector<16xi1>
      %select_n3A_1529 = arith.select %or3A_1528, %gather3A_1513, %select_n3A_1499 : vector<16xi1>, vector<16xf32>
      %select_n3A_1530 = arith.select %or3A_1528, %gather3A_1523, %select_n3A_1500 : vector<16xi1>, vector<16xi32>
      %xor3A_1531 = arith.constant 2 : i32
      %xor3A_1532 = vector.broadcast %xor3A_1531 : i32 to vector<16xi32>
      %xor3A_1533 = arith.xori %iota3A, %xor3A_1532 : vector<16xi32>
      %lt3A_1534 = arith.constant 0 : i32
      %lt3A_1535 = vector.broadcast %lt3A_1534 : i32 to vector<16xi32>
      %lt3A_1536 = arith.cmpi slt, %xor3A_1533, %lt3A_1535 : vector<16xi32>
      %add3A_1537 = arith.constant 16 : i32
      %add3A_1538 = vector.broadcast %add3A_1537 : i32 to vector<16xi32>
      %add3A_1539 = arith.addi %xor3A_1533, %add3A_1538 : vector<16xi32>
      %select_n3A_1540 = arith.select %lt3A_1536, %add3A_1539, %xor3A_1533 : vector<16xi1>, vector<16xi32>
      %broadcast_in_dim3A_1541 = vector.shape_cast %select_n3A_1540 : vector<16xi32> to vector<16x1xi32>
      %gather3A_1542 = vector.shape_cast %broadcast_in_dim3A_1541 : vector<16x1xi32> to vector<16xi32>
      %gather3A_1543 = tpu.dynamic_gather %select_n3A_1529[%gather3A_1542] in [0] : vector<16xf32>, vector<16xi32> -> vector<16xf32>
      %lt3A_1544 = arith.constant 0 : i32
      %lt3A_1545 = vector.broadcast %lt3A_1544 : i32 to vector<16xi32>
      %lt3A_1546 = arith.cmpi slt, %xor3A_1533, %lt3A_1545 : vector<16xi32>
      %add3A_1547 = arith.constant 16 : i32
      %add3A_1548 = vector.broadcast %add3A_1547 : i32 to vector<16xi32>
      %add3A_1549 = arith.addi %xor3A_1533, %add3A_1548 : vector<16xi32>
      %select_n3A_1550 = arith.select %lt3A_1546, %add3A_1549, %xor3A_1533 : vector<16xi1>, vector<16xi32>
      %broadcast_in_dim3A_1551 = vector.shape_cast %select_n3A_1550 : vector<16xi32> to vector<16x1xi32>
      %gather3A_1552 = vector.shape_cast %broadcast_in_dim3A_1551 : vector<16x1xi32> to vector<16xi32>
      %gather3A_1553 = tpu.dynamic_gather %select_n3A_1530[%gather3A_1552] in [0] : vector<16xi32>, vector<16xi32> -> vector<16xi32>
      %gt3A_1554 = arith.cmpf ogt, %gather3A_1543, %select_n3A_1529 : vector<16xf32>
      %eq3A_1555 = arith.cmpf oeq, %gather3A_1543, %select_n3A_1529 : vector<16xf32>
      %lt3A_1556 = arith.cmpi slt, %gather3A_1553, %select_n3A_1530 : vector<16xi32>
      %and3A_1557 = arith.andi %eq3A_1555, %lt3A_1556 : vector<16xi1>
      %or3A_1558 = arith.ori %gt3A_1554, %and3A_1557 : vector<16xi1>
      %select_n3A_1559 = arith.select %or3A_1558, %gather3A_1543, %select_n3A_1529 : vector<16xi1>, vector<16xf32>
      %select_n3A_1560 = arith.select %or3A_1558, %gather3A_1553, %select_n3A_1530 : vector<16xi1>, vector<16xi32>
      %xor3A_1561 = arith.constant 1 : i32
      %xor3A_1562 = vector.broadcast %xor3A_1561 : i32 to vector<16xi32>
      %xor3A_1563 = arith.xori %iota3A, %xor3A_1562 : vector<16xi32>
      %lt3A_1564 = arith.constant 0 : i32
      %lt3A_1565 = vector.broadcast %lt3A_1564 : i32 to vector<16xi32>
      %lt3A_1566 = arith.cmpi slt, %xor3A_1563, %lt3A_1565 : vector<16xi32>
      %add3A_1567 = arith.constant 16 : i32
      %add3A_1568 = vector.broadcast %add3A_1567 : i32 to vector<16xi32>
      %add3A_1569 = arith.addi %xor3A_1563, %add3A_1568 : vector<16xi32>
      %select_n3A_1570 = arith.select %lt3A_1566, %add3A_1569, %xor3A_1563 : vector<16xi1>, vector<16xi32>
      %broadcast_in_dim3A_1571 = vector.shape_cast %select_n3A_1570 : vector<16xi32> to vector<16x1xi32>
      %gather3A_1572 = vector.shape_cast %broadcast_in_dim3A_1571 : vector<16x1xi32> to vector<16xi32>
      %gather3A_1573 = tpu.dynamic_gather %select_n3A_1559[%gather3A_1572] in [0] : vector<16xf32>, vector<16xi32> -> vector<16xf32>
      %lt3A_1574 = arith.constant 0 : i32
      %lt3A_1575 = vector.broadcast %lt3A_1574 : i32 to vector<16xi32>
      %lt3A_1576 = arith.cmpi slt, %xor3A_1563, %lt3A_1575 : vector<16xi32>
      %add3A_1577 = arith.constant 16 : i32
      %add3A_1578 = vector.broadcast %add3A_1577 : i32 to vector<16xi32>
      %add3A_1579 = arith.addi %xor3A_1563, %add3A_1578 : vector<16xi32>
      %select_n3A_1580 = arith.select %lt3A_1576, %add3A_1579, %xor3A_1563 : vector<16xi1>, vector<16xi32>
      %broadcast_in_dim3A_1581 = vector.shape_cast %select_n3A_1580 : vector<16xi32> to vector<16x1xi32>
      %gather3A_1582 = vector.shape_cast %broadcast_in_dim3A_1581 : vector<16x1xi32> to vector<16xi32>
      %gather3A_1583 = tpu.dynamic_gather %select_n3A_1560[%gather3A_1582] in [0] : vector<16xi32>, vector<16xi32> -> vector<16xi32>
      %gt3A_1584 = arith.cmpf ogt, %gather3A_1573, %select_n3A_1559 : vector<16xf32>
      %eq3A_1585 = arith.cmpf oeq, %gather3A_1573, %select_n3A_1559 : vector<16xf32>
      %lt3A_1586 = arith.cmpi slt, %gather3A_1583, %select_n3A_1560 : vector<16xi32>
      %and3A_1587 = arith.andi %eq3A_1585, %lt3A_1586 : vector<16xi1>
      %or3A_1588 = arith.ori %gt3A_1584, %and3A_1587 : vector<16xi1>
      %select_n3A_1589 = arith.select %or3A_1588, %gather3A_1573, %select_n3A_1559 : vector<16xi1>, vector<16xf32>
      %select_n3A_1590 = arith.select %or3A_1588, %gather3A_1583, %select_n3A_1560 : vector<16xi1>, vector<16xi32>
      %swap3A_1591 = arith.constant 5 : i32
      %swap3A_1592 = arith.index_cast %swap3A_1591 : i32 to index
      %swap3A_1593 = arith.constant 0 : index
      %swap3A_1594 = tpu.vector_load %arg9[%swap3A_1592, %swap3A_1593] {strides = array<i32>} : memref<8x128xi32, #tpu.memory_space<vmem>>, vector<1x16xi32>,
      %swap3A_1595 = vector.shape_cast %swap3A_1594 : vector<1x16xi32> to vector<16xi32>
      %swap3A_1596 = vector.shape_cast %select_n3A_1590 : vector<16xi32> to vector<1x16xi32>
      tpu.vector_store %arg9[%swap3A_1592, %swap3A_1593], %swap3A_1596 {strides = array<i32>} : memref<8x128xi32, #tpu.memory_space<vmem>>, vector<1x16xi32>,
      %get3A_1597 = arith.constant 6 : i32
      %get3A_1598 = arith.index_cast %get3A_1597 : i32 to index
      %get3A_1599 = arith.constant 0 : index
      %get3A_1600 = tpu.vector_load %arg10[%get3A_1598, %get3A_1599] {strides = array<i32>} : memref<8x128xf32, #tpu.memory_space<vmem>>, vector<1x16xf32>,
      %get3A_1601 = vector.shape_cast %get3A_1600 : vector<1x16xf32> to vector<16xf32>
      %get3A_1602 = arith.constant 6 : i32
      %get3A_1603 = arith.index_cast %get3A_1602 : i32 to index
      %get3A_1604 = arith.constant 0 : index
      %get3A_1605 = tpu.vector_load %arg18[%get3A_1603, %get3A_1604] {strides = array<i32>} : memref<8x128xi32, #tpu.memory_space<vmem>>, vector<1x16xi32>,
      %get3A_1606 = vector.shape_cast %get3A_1605 : vector<1x16xi32> to vector<16xi32>
      %get3A_1607 = arith.constant 6 : i32
      %get3A_1608 = arith.index_cast %get3A_1607 : i32 to index
      %get3A_1609 = arith.constant 0 : index
      %get3A_1610 = tpu.vector_load %arg11[%get3A_1608, %get3A_1609] {strides = array<i32>} : memref<8x128xf32, #tpu.memory_space<vmem>>, vector<1x16xf32>,
      %get3A_1611 = vector.shape_cast %get3A_1610 : vector<1x16xf32> to vector<16xf32>
      %get3A_1612 = arith.constant 6 : i32
      %get3A_1613 = arith.index_cast %get3A_1612 : i32 to index
      %get3A_1614 = arith.constant 0 : index
      %get3A_1615 = tpu.vector_load %arg19[%get3A_1613, %get3A_1614] {strides = array<i32>} : memref<8x128xi32, #tpu.memory_space<vmem>>, vector<1x16xi32>,
      %get3A_1616 = vector.shape_cast %get3A_1615 : vector<1x16xi32> to vector<16xi32>
      %gt3A_1617 = arith.cmpf ogt, %get3A_1611, %get3A_1601 : vector<16xf32>
      %eq3A_1618 = arith.cmpf oeq, %get3A_1611, %get3A_1601 : vector<16xf32>
      %lt3A_1619 = arith.cmpi slt, %get3A_1616, %get3A_1606 : vector<16xi32>
      %and3A_1620 = arith.andi %eq3A_1618, %lt3A_1619 : vector<16xi1>
      %or3A_1621 = arith.ori %gt3A_1617, %and3A_1620 : vector<16xi1>
      %select_n3A_1622 = arith.select %or3A_1621, %get3A_1611, %get3A_1601 : vector<16xi1>, vector<16xf32>
      %select_n3A_1623 = arith.select %or3A_1621, %get3A_1616, %get3A_1606 : vector<16xi1>, vector<16xi32>
      %get3A_1624 = arith.constant 6 : i32
      %get3A_1625 = arith.index_cast %get3A_1624 : i32 to index
      %get3A_1626 = arith.constant 0 : index
      %get3A_1627 = tpu.vector_load %arg12[%get3A_1625, %get3A_1626] {strides = array<i32>} : memref<8x128xf32, #tpu.memory_space<vmem>>, vector<1x16xf32>,
      %get3A_1628 = vector.shape_cast %get3A_1627 : vector<1x16xf32> to vector<16xf32>
      %get3A_1629 = arith.constant 6 : i32
      %get3A_1630 = arith.index_cast %get3A_1629 : i32 to index
      %get3A_1631 = arith.constant 0 : index
      %get3A_1632 = tpu.vector_load %arg20[%get3A_1630, %get3A_1631] {strides = array<i32>} : memref<8x128xi32, #tpu.memory_space<vmem>>, vector<1x16xi32>,
      %get3A_1633 = vector.shape_cast %get3A_1632 : vector<1x16xi32> to vector<16xi32>
      %gt3A_1634 = arith.cmpf ogt, %get3A_1628, %select_n3A_1622 : vector<16xf32>
      %eq3A_1635 = arith.cmpf oeq, %get3A_1628, %select_n3A_1622 : vector<16xf32>
      %lt3A_1636 = arith.cmpi slt, %get3A_1633, %select_n3A_1623 : vector<16xi32>
      %and3A_1637 = arith.andi %eq3A_1635, %lt3A_1636 : vector<16xi1>
      %or3A_1638 = arith.ori %gt3A_1634, %and3A_1637 : vector<16xi1>
      %select_n3A_1639 = arith.select %or3A_1638, %get3A_1628, %select_n3A_1622 : vector<16xi1>, vector<16xf32>
      %select_n3A_1640 = arith.select %or3A_1638, %get3A_1633, %select_n3A_1623 : vector<16xi1>, vector<16xi32>
      %get3A_1641 = arith.constant 6 : i32
      %get3A_1642 = arith.index_cast %get3A_1641 : i32 to index
      %get3A_1643 = arith.constant 0 : index
      %get3A_1644 = tpu.vector_load %arg13[%get3A_1642, %get3A_1643] {strides = array<i32>} : memref<8x128xf32, #tpu.memory_space<vmem>>, vector<1x16xf32>,
      %get3A_1645 = vector.shape_cast %get3A_1644 : vector<1x16xf32> to vector<16xf32>
      %get3A_1646 = arith.constant 6 : i32
      %get3A_1647 = arith.index_cast %get3A_1646 : i32 to index
      %get3A_1648 = arith.constant 0 : index
      %get3A_1649 = tpu.vector_load %arg21[%get3A_1647, %get3A_1648] {strides = array<i32>} : memref<8x128xi32, #tpu.memory_space<vmem>>, vector<1x16xi32>,
      %get3A_1650 = vector.shape_cast %get3A_1649 : vector<1x16xi32> to vector<16xi32>
      %gt3A_1651 = arith.cmpf ogt, %get3A_1645, %select_n3A_1639 : vector<16xf32>
      %eq3A_1652 = arith.cmpf oeq, %get3A_1645, %select_n3A_1639 : vector<16xf32>
      %lt3A_1653 = arith.cmpi slt, %get3A_1650, %select_n3A_1640 : vector<16xi32>
      %and3A_1654 = arith.andi %eq3A_1652, %lt3A_1653 : vector<16xi1>
      %or3A_1655 = arith.ori %gt3A_1651, %and3A_1654 : vector<16xi1>
      %select_n3A_1656 = arith.select %or3A_1655, %get3A_1645, %select_n3A_1639 : vector<16xi1>, vector<16xf32>
      %select_n3A_1657 = arith.select %or3A_1655, %get3A_1650, %select_n3A_1640 : vector<16xi1>, vector<16xi32>
      %get3A_1658 = arith.constant 6 : i32
      %get3A_1659 = arith.index_cast %get3A_1658 : i32 to index
      %get3A_1660 = arith.constant 0 : index
      %get3A_1661 = tpu.vector_load %arg14[%get3A_1659, %get3A_1660] {strides = array<i32>} : memref<8x128xf32, #tpu.memory_space<vmem>>, vector<1x16xf32>,
      %get3A_1662 = vector.shape_cast %get3A_1661 : vector<1x16xf32> to vector<16xf32>
      %get3A_1663 = arith.constant 6 : i32
      %get3A_1664 = arith.index_cast %get3A_1663 : i32 to index
      %get3A_1665 = arith.constant 0 : index
      %get3A_1666 = tpu.vector_load %arg22[%get3A_1664, %get3A_1665] {strides = array<i32>} : memref<8x128xi32, #tpu.memory_space<vmem>>, vector<1x16xi32>,
      %get3A_1667 = vector.shape_cast %get3A_1666 : vector<1x16xi32> to vector<16xi32>
      %gt3A_1668 = arith.cmpf ogt, %get3A_1662, %select_n3A_1656 : vector<16xf32>
      %eq3A_1669 = arith.cmpf oeq, %get3A_1662, %select_n3A_1656 : vector<16xf32>
      %lt3A_1670 = arith.cmpi slt, %get3A_1667, %select_n3A_1657 : vector<16xi32>
      %and3A_1671 = arith.andi %eq3A_1669, %lt3A_1670 : vector<16xi1>
      %or3A_1672 = arith.ori %gt3A_1668, %and3A_1671 : vector<16xi1>
      %select_n3A_1673 = arith.select %or3A_1672, %get3A_1662, %select_n3A_1656 : vector<16xi1>, vector<16xf32>
      %select_n3A_1674 = arith.select %or3A_1672, %get3A_1667, %select_n3A_1657 : vector<16xi1>, vector<16xi32>
      %get3A_1675 = arith.constant 6 : i32
      %get3A_1676 = arith.index_cast %get3A_1675 : i32 to index
      %get3A_1677 = arith.constant 0 : index
      %get3A_1678 = tpu.vector_load %arg15[%get3A_1676, %get3A_1677] {strides = array<i32>} : memref<8x128xf32, #tpu.memory_space<vmem>>, vector<1x16xf32>,
      %get3A_1679 = vector.shape_cast %get3A_1678 : vector<1x16xf32> to vector<16xf32>
      %get3A_1680 = arith.constant 6 : i32
      %get3A_1681 = arith.index_cast %get3A_1680 : i32 to index
      %get3A_1682 = arith.constant 0 : index
      %get3A_1683 = tpu.vector_load %arg23[%get3A_1681, %get3A_1682] {strides = array<i32>} : memref<8x128xi32, #tpu.memory_space<vmem>>, vector<1x16xi32>,
      %get3A_1684 = vector.shape_cast %get3A_1683 : vector<1x16xi32> to vector<16xi32>
      %gt3A_1685 = arith.cmpf ogt, %get3A_1679, %select_n3A_1673 : vector<16xf32>
      %eq3A_1686 = arith.cmpf oeq, %get3A_1679, %select_n3A_1673 : vector<16xf32>
      %lt3A_1687 = arith.cmpi slt, %get3A_1684, %select_n3A_1674 : vector<16xi32>
      %and3A_1688 = arith.andi %eq3A_1686, %lt3A_1687 : vector<16xi1>
      %or3A_1689 = arith.ori %gt3A_1685, %and3A_1688 : vector<16xi1>
      %select_n3A_1690 = arith.select %or3A_1689, %get3A_1679, %select_n3A_1673 : vector<16xi1>, vector<16xf32>
      %select_n3A_1691 = arith.select %or3A_1689, %get3A_1684, %select_n3A_1674 : vector<16xi1>, vector<16xi32>
      %get3A_1692 = arith.constant 6 : i32
      %get3A_1693 = arith.index_cast %get3A_1692 : i32 to index
      %get3A_1694 = arith.constant 0 : index
      %get3A_1695 = tpu.vector_load %arg16[%get3A_1693, %get3A_1694] {strides = array<i32>} : memref<8x128xf32, #tpu.memory_space<vmem>>, vector<1x16xf32>,
      %get3A_1696 = vector.shape_cast %get3A_1695 : vector<1x16xf32> to vector<16xf32>
      %get3A_1697 = arith.constant 6 : i32
      %get3A_1698 = arith.index_cast %get3A_1697 : i32 to index
      %get3A_1699 = arith.constant 0 : index
      %get3A_1700 = tpu.vector_load %arg24[%get3A_1698, %get3A_1699] {strides = array<i32>} : memref<8x128xi32, #tpu.memory_space<vmem>>, vector<1x16xi32>,
      %get3A_1701 = vector.shape_cast %get3A_1700 : vector<1x16xi32> to vector<16xi32>
      %gt3A_1702 = arith.cmpf ogt, %get3A_1696, %select_n3A_1690 : vector<16xf32>
      %eq3A_1703 = arith.cmpf oeq, %get3A_1696, %select_n3A_1690 : vector<16xf32>
      %lt3A_1704 = arith.cmpi slt, %get3A_1701, %select_n3A_1691 : vector<16xi32>
      %and3A_1705 = arith.andi %eq3A_1703, %lt3A_1704 : vector<16xi1>
      %or3A_1706 = arith.ori %gt3A_1702, %and3A_1705 : vector<16xi1>
      %select_n3A_1707 = arith.select %or3A_1706, %get3A_1696, %select_n3A_1690 : vector<16xi1>, vector<16xf32>
      %select_n3A_1708 = arith.select %or3A_1706, %get3A_1701, %select_n3A_1691 : vector<16xi1>, vector<16xi32>
      %get3A_1709 = arith.constant 6 : i32
      %get3A_1710 = arith.index_cast %get3A_1709 : i32 to index
      %get3A_1711 = arith.constant 0 : index
      %get3A_1712 = tpu.vector_load %arg17[%get3A_1710, %get3A_1711] {strides = array<i32>} : memref<8x128xf32, #tpu.memory_space<vmem>>, vector<1x16xf32>,
      %get3A_1713 = vector.shape_cast %get3A_1712 : vector<1x16xf32> to vector<16xf32>
      %get3A_1714 = arith.constant 6 : i32
      %get3A_1715 = arith.index_cast %get3A_1714 : i32 to index
      %get3A_1716 = arith.constant 0 : index
      %get3A_1717 = tpu.vector_load %arg25[%get3A_1715, %get3A_1716] {strides = array<i32>} : memref<8x128xi32, #tpu.memory_space<vmem>>, vector<1x16xi32>,
      %get3A_1718 = vector.shape_cast %get3A_1717 : vector<1x16xi32> to vector<16xi32>
      %gt3A_1719 = arith.cmpf ogt, %get3A_1713, %select_n3A_1707 : vector<16xf32>
      %eq3A_1720 = arith.cmpf oeq, %get3A_1713, %select_n3A_1707 : vector<16xf32>
      %lt3A_1721 = arith.cmpi slt, %get3A_1718, %select_n3A_1708 : vector<16xi32>
      %and3A_1722 = arith.andi %eq3A_1720, %lt3A_1721 : vector<16xi1>
      %or3A_1723 = arith.ori %gt3A_1719, %and3A_1722 : vector<16xi1>
      %select_n3A_1724 = arith.select %or3A_1723, %get3A_1713, %select_n3A_1707 : vector<16xi1>, vector<16xf32>
      %select_n3A_1725 = arith.select %or3A_1723, %get3A_1718, %select_n3A_1708 : vector<16xi1>, vector<16xi32>
      %xor3A_1726 = arith.constant 8 : i32
      %xor3A_1727 = vector.broadcast %xor3A_1726 : i32 to vector<16xi32>
      %xor3A_1728 = arith.xori %iota3A, %xor3A_1727 : vector<16xi32>
      %lt3A_1729 = arith.constant 0 : i32
      %lt3A_1730 = vector.broadcast %lt3A_1729 : i32 to vector<16xi32>
      %lt3A_1731 = arith.cmpi slt, %xor3A_1728, %lt3A_1730 : vector<16xi32>
      %add3A_1732 = arith.constant 16 : i32
      %add3A_1733 = vector.broadcast %add3A_1732 : i32 to vector<16xi32>
      %add3A_1734 = arith.addi %xor3A_1728, %add3A_1733 : vector<16xi32>
      %select_n3A_1735 = arith.select %lt3A_1731, %add3A_1734, %xor3A_1728 : vector<16xi1>, vector<16xi32>
      %broadcast_in_dim3A_1736 = vector.shape_cast %select_n3A_1735 : vector<16xi32> to vector<16x1xi32>
      %gather3A_1737 = vector.shape_cast %broadcast_in_dim3A_1736 : vector<16x1xi32> to vector<16xi32>
      %gather3A_1738 = tpu.dynamic_gather %select_n3A_1724[%gather3A_1737] in [0] : vector<16xf32>, vector<16xi32> -> vector<16xf32>
      %lt3A_1739 = arith.constant 0 : i32
      %lt3A_1740 = vector.broadcast %lt3A_1739 : i32 to vector<16xi32>
      %lt3A_1741 = arith.cmpi slt, %xor3A_1728, %lt3A_1740 : vector<16xi32>
      %add3A_1742 = arith.constant 16 : i32
      %add3A_1743 = vector.broadcast %add3A_1742 : i32 to vector<16xi32>
      %add3A_1744 = arith.addi %xor3A_1728, %add3A_1743 : vector<16xi32>
      %select_n3A_1745 = arith.select %lt3A_1741, %add3A_1744, %xor3A_1728 : vector<16xi1>, vector<16xi32>
      %broadcast_in_dim3A_1746 = vector.shape_cast %select_n3A_1745 : vector<16xi32> to vector<16x1xi32>
      %gather3A_1747 = vector.shape_cast %broadcast_in_dim3A_1746 : vector<16x1xi32> to vector<16xi32>
      %gather3A_1748 = tpu.dynamic_gather %select_n3A_1725[%gather3A_1747] in [0] : vector<16xi32>, vector<16xi32> -> vector<16xi32>
      %gt3A_1749 = arith.cmpf ogt, %gather3A_1738, %select_n3A_1724 : vector<16xf32>
      %eq3A_1750 = arith.cmpf oeq, %gather3A_1738, %select_n3A_1724 : vector<16xf32>
      %lt3A_1751 = arith.cmpi slt, %gather3A_1748, %select_n3A_1725 : vector<16xi32>
      %and3A_1752 = arith.andi %eq3A_1750, %lt3A_1751 : vector<16xi1>
      %or3A_1753 = arith.ori %gt3A_1749, %and3A_1752 : vector<16xi1>
      %select_n3A_1754 = arith.select %or3A_1753, %gather3A_1738, %select_n3A_1724 : vector<16xi1>, vector<16xf32>
      %select_n3A_1755 = arith.select %or3A_1753, %gather3A_1748, %select_n3A_1725 : vector<16xi1>, vector<16xi32>
      %xor3A_1756 = arith.constant 4 : i32
      %xor3A_1757 = vector.broadcast %xor3A_1756 : i32 to vector<16xi32>
      %xor3A_1758 = arith.xori %iota3A, %xor3A_1757 : vector<16xi32>
      %lt3A_1759 = arith.constant 0 : i32
      %lt3A_1760 = vector.broadcast %lt3A_1759 : i32 to vector<16xi32>
      %lt3A_1761 = arith.cmpi slt, %xor3A_1758, %lt3A_1760 : vector<16xi32>
      %add3A_1762 = arith.constant 16 : i32
      %add3A_1763 = vector.broadcast %add3A_1762 : i32 to vector<16xi32>
      %add3A_1764 = arith.addi %xor3A_1758, %add3A_1763 : vector<16xi32>
      %select_n3A_1765 = arith.select %lt3A_1761, %add3A_1764, %xor3A_1758 : vector<16xi1>, vector<16xi32>
      %broadcast_in_dim3A_1766 = vector.shape_cast %select_n3A_1765 : vector<16xi32> to vector<16x1xi32>
      %gather3A_1767 = vector.shape_cast %broadcast_in_dim3A_1766 : vector<16x1xi32> to vector<16xi32>
      %gather3A_1768 = tpu.dynamic_gather %select_n3A_1754[%gather3A_1767] in [0] : vector<16xf32>, vector<16xi32> -> vector<16xf32>
      %lt3A_1769 = arith.constant 0 : i32
      %lt3A_1770 = vector.broadcast %lt3A_1769 : i32 to vector<16xi32>
      %lt3A_1771 = arith.cmpi slt, %xor3A_1758, %lt3A_1770 : vector<16xi32>
      %add3A_1772 = arith.constant 16 : i32
      %add3A_1773 = vector.broadcast %add3A_1772 : i32 to vector<16xi32>
      %add3A_1774 = arith.addi %xor3A_1758, %add3A_1773 : vector<16xi32>
      %select_n3A_1775 = arith.select %lt3A_1771, %add3A_1774, %xor3A_1758 : vector<16xi1>, vector<16xi32>
      %broadcast_in_dim3A_1776 = vector.shape_cast %select_n3A_1775 : vector<16xi32> to vector<16x1xi32>
      %gather3A_1777 = vector.shape_cast %broadcast_in_dim3A_1776 : vector<16x1xi32> to vector<16xi32>
      %gather3A_1778 = tpu.dynamic_gather %select_n3A_1755[%gather3A_1777] in [0] : vector<16xi32>, vector<16xi32> -> vector<16xi32>
      %gt3A_1779 = arith.cmpf ogt, %gather3A_1768, %select_n3A_1754 : vector<16xf32>
      %eq3A_1780 = arith.cmpf oeq, %gather3A_1768, %select_n3A_1754 : vector<16xf32>
      %lt3A_1781 = arith.cmpi slt, %gather3A_1778, %select_n3A_1755 : vector<16xi32>
      %and3A_1782 = arith.andi %eq3A_1780, %lt3A_1781 : vector<16xi1>
      %or3A_1783 = arith.ori %gt3A_1779, %and3A_1782 : vector<16xi1>
      %select_n3A_1784 = arith.select %or3A_1783, %gather3A_1768, %select_n3A_1754 : vector<16xi1>, vector<16xf32>
      %select_n3A_1785 = arith.select %or3A_1783, %gather3A_1778, %select_n3A_1755 : vector<16xi1>, vector<16xi32>
      %xor3A_1786 = arith.constant 2 : i32
      %xor3A_1787 = vector.broadcast %xor3A_1786 : i32 to vector<16xi32>
      %xor3A_1788 = arith.xori %iota3A, %xor3A_1787 : vector<16xi32>
      %lt3A_1789 = arith.constant 0 : i32
      %lt3A_1790 = vector.broadcast %lt3A_1789 : i32 to vector<16xi32>
      %lt3A_1791 = arith.cmpi slt, %xor3A_1788, %lt3A_1790 : vector<16xi32>
      %add3A_1792 = arith.constant 16 : i32
      %add3A_1793 = vector.broadcast %add3A_1792 : i32 to vector<16xi32>
      %add3A_1794 = arith.addi %xor3A_1788, %add3A_1793 : vector<16xi32>
      %select_n3A_1795 = arith.select %lt3A_1791, %add3A_1794, %xor3A_1788 : vector<16xi1>, vector<16xi32>
      %broadcast_in_dim3A_1796 = vector.shape_cast %select_n3A_1795 : vector<16xi32> to vector<16x1xi32>
      %gather3A_1797 = vector.shape_cast %broadcast_in_dim3A_1796 : vector<16x1xi32> to vector<16xi32>
      %gather3A_1798 = tpu.dynamic_gather %select_n3A_1784[%gather3A_1797] in [0] : vector<16xf32>, vector<16xi32> -> vector<16xf32>
      %lt3A_1799 = arith.constant 0 : i32
      %lt3A_1800 = vector.broadcast %lt3A_1799 : i32 to vector<16xi32>
      %lt3A_1801 = arith.cmpi slt, %xor3A_1788, %lt3A_1800 : vector<16xi32>
      %add3A_1802 = arith.constant 16 : i32
      %add3A_1803 = vector.broadcast %add3A_1802 : i32 to vector<16xi32>
      %add3A_1804 = arith.addi %xor3A_1788, %add3A_1803 : vector<16xi32>
      %select_n3A_1805 = arith.select %lt3A_1801, %add3A_1804, %xor3A_1788 : vector<16xi1>, vector<16xi32>
      %broadcast_in_dim3A_1806 = vector.shape_cast %select_n3A_1805 : vector<16xi32> to vector<16x1xi32>
      %gather3A_1807 = vector.shape_cast %broadcast_in_dim3A_1806 : vector<16x1xi32> to vector<16xi32>
      %gather3A_1808 = tpu.dynamic_gather %select_n3A_1785[%gather3A_1807] in [0] : vector<16xi32>, vector<16xi32> -> vector<16xi32>
      %gt3A_1809 = arith.cmpf ogt, %gather3A_1798, %select_n3A_1784 : vector<16xf32>
      %eq3A_1810 = arith.cmpf oeq, %gather3A_1798, %select_n3A_1784 : vector<16xf32>
      %lt3A_1811 = arith.cmpi slt, %gather3A_1808, %select_n3A_1785 : vector<16xi32>
      %and3A_1812 = arith.andi %eq3A_1810, %lt3A_1811 : vector<16xi1>
      %or3A_1813 = arith.ori %gt3A_1809, %and3A_1812 : vector<16xi1>
      %select_n3A_1814 = arith.select %or3A_1813, %gather3A_1798, %select_n3A_1784 : vector<16xi1>, vector<16xf32>
      %select_n3A_1815 = arith.select %or3A_1813, %gather3A_1808, %select_n3A_1785 : vector<16xi1>, vector<16xi32>
      %xor3A_1816 = arith.constant 1 : i32
      %xor3A_1817 = vector.broadcast %xor3A_1816 : i32 to vector<16xi32>
      %xor3A_1818 = arith.xori %iota3A, %xor3A_1817 : vector<16xi32>
      %lt3A_1819 = arith.constant 0 : i32
      %lt3A_1820 = vector.broadcast %lt3A_1819 : i32 to vector<16xi32>
      %lt3A_1821 = arith.cmpi slt, %xor3A_1818, %lt3A_1820 : vector<16xi32>
      %add3A_1822 = arith.constant 16 : i32
      %add3A_1823 = vector.broadcast %add3A_1822 : i32 to vector<16xi32>
      %add3A_1824 = arith.addi %xor3A_1818, %add3A_1823 : vector<16xi32>
      %select_n3A_1825 = arith.select %lt3A_1821, %add3A_1824, %xor3A_1818 : vector<16xi1>, vector<16xi32>
      %broadcast_in_dim3A_1826 = vector.shape_cast %select_n3A_1825 : vector<16xi32> to vector<16x1xi32>
      %gather3A_1827 = vector.shape_cast %broadcast_in_dim3A_1826 : vector<16x1xi32> to vector<16xi32>
      %gather3A_1828 = tpu.dynamic_gather %select_n3A_1814[%gather3A_1827] in [0] : vector<16xf32>, vector<16xi32> -> vector<16xf32>
      %lt3A_1829 = arith.constant 0 : i32
      %lt3A_1830 = vector.broadcast %lt3A_1829 : i32 to vector<16xi32>
      %lt3A_1831 = arith.cmpi slt, %xor3A_1818, %lt3A_1830 : vector<16xi32>
      %add3A_1832 = arith.constant 16 : i32
      %add3A_1833 = vector.broadcast %add3A_1832 : i32 to vector<16xi32>
      %add3A_1834 = arith.addi %xor3A_1818, %add3A_1833 : vector<16xi32>
      %select_n3A_1835 = arith.select %lt3A_1831, %add3A_1834, %xor3A_1818 : vector<16xi1>, vector<16xi32>
      %broadcast_in_dim3A_1836 = vector.shape_cast %select_n3A_1835 : vector<16xi32> to vector<16x1xi32>
      %gather3A_1837 = vector.shape_cast %broadcast_in_dim3A_1836 : vector<16x1xi32> to vector<16xi32>
      %gather3A_1838 = tpu.dynamic_gather %select_n3A_1815[%gather3A_1837] in [0] : vector<16xi32>, vector<16xi32> -> vector<16xi32>
      %gt3A_1839 = arith.cmpf ogt, %gather3A_1828, %select_n3A_1814 : vector<16xf32>
      %eq3A_1840 = arith.cmpf oeq, %gather3A_1828, %select_n3A_1814 : vector<16xf32>
      %lt3A_1841 = arith.cmpi slt, %gather3A_1838, %select_n3A_1815 : vector<16xi32>
      %and3A_1842 = arith.andi %eq3A_1840, %lt3A_1841 : vector<16xi1>
      %or3A_1843 = arith.ori %gt3A_1839, %and3A_1842 : vector<16xi1>
      %select_n3A_1844 = arith.select %or3A_1843, %gather3A_1828, %select_n3A_1814 : vector<16xi1>, vector<16xf32>
      %select_n3A_1845 = arith.select %or3A_1843, %gather3A_1838, %select_n3A_1815 : vector<16xi1>, vector<16xi32>
      %swap3A_1846 = arith.constant 6 : i32
      %swap3A_1847 = arith.index_cast %swap3A_1846 : i32 to index
      %swap3A_1848 = arith.constant 0 : index
      %swap3A_1849 = tpu.vector_load %arg9[%swap3A_1847, %swap3A_1848] {strides = array<i32>} : memref<8x128xi32, #tpu.memory_space<vmem>>, vector<1x16xi32>,
      %swap3A_1850 = vector.shape_cast %swap3A_1849 : vector<1x16xi32> to vector<16xi32>
      %swap3A_1851 = vector.shape_cast %select_n3A_1845 : vector<16xi32> to vector<1x16xi32>
      tpu.vector_store %arg9[%swap3A_1847, %swap3A_1848], %swap3A_1851 {strides = array<i32>} : memref<8x128xi32, #tpu.memory_space<vmem>>, vector<1x16xi32>,
      %get3A_1852 = arith.constant 7 : i32
      %get3A_1853 = arith.index_cast %get3A_1852 : i32 to index
      %get3A_1854 = arith.constant 0 : index
      %get3A_1855 = tpu.vector_load %arg10[%get3A_1853, %get3A_1854] {strides = array<i32>} : memref<8x128xf32, #tpu.memory_space<vmem>>, vector<1x16xf32>,
      %get3A_1856 = vector.shape_cast %get3A_1855 : vector<1x16xf32> to vector<16xf32>
      %get3A_1857 = arith.constant 7 : i32
      %get3A_1858 = arith.index_cast %get3A_1857 : i32 to index
      %get3A_1859 = arith.constant 0 : index
      %get3A_1860 = tpu.vector_load %arg18[%get3A_1858, %get3A_1859] {strides = array<i32>} : memref<8x128xi32, #tpu.memory_space<vmem>>, vector<1x16xi32>,
      %get3A_1861 = vector.shape_cast %get3A_1860 : vector<1x16xi32> to vector<16xi32>
      %get3A_1862 = arith.constant 7 : i32
      %get3A_1863 = arith.index_cast %get3A_1862 : i32 to index
      %get3A_1864 = arith.constant 0 : index
      %get3A_1865 = tpu.vector_load %arg11[%get3A_1863, %get3A_1864] {strides = array<i32>} : memref<8x128xf32, #tpu.memory_space<vmem>>, vector<1x16xf32>,
      %get3A_1866 = vector.shape_cast %get3A_1865 : vector<1x16xf32> to vector<16xf32>
      %get3A_1867 = arith.constant 7 : i32
      %get3A_1868 = arith.index_cast %get3A_1867 : i32 to index
      %get3A_1869 = arith.constant 0 : index
      %get3A_1870 = tpu.vector_load %arg19[%get3A_1868, %get3A_1869] {strides = array<i32>} : memref<8x128xi32, #tpu.memory_space<vmem>>, vector<1x16xi32>,
      %get3A_1871 = vector.shape_cast %get3A_1870 : vector<1x16xi32> to vector<16xi32>
      %gt3A_1872 = arith.cmpf ogt, %get3A_1866, %get3A_1856 : vector<16xf32>
      %eq3A_1873 = arith.cmpf oeq, %get3A_1866, %get3A_1856 : vector<16xf32>
      %lt3A_1874 = arith.cmpi slt, %get3A_1871, %get3A_1861 : vector<16xi32>
      %and3A_1875 = arith.andi %eq3A_1873, %lt3A_1874 : vector<16xi1>
      %or3A_1876 = arith.ori %gt3A_1872, %and3A_1875 : vector<16xi1>
      %select_n3A_1877 = arith.select %or3A_1876, %get3A_1866, %get3A_1856 : vector<16xi1>, vector<16xf32>
      %select_n3A_1878 = arith.select %or3A_1876, %get3A_1871, %get3A_1861 : vector<16xi1>, vector<16xi32>
      %get3A_1879 = arith.constant 7 : i32
      %get3A_1880 = arith.index_cast %get3A_1879 : i32 to index
      %get3A_1881 = arith.constant 0 : index
      %get3A_1882 = tpu.vector_load %arg12[%get3A_1880, %get3A_1881] {strides = array<i32>} : memref<8x128xf32, #tpu.memory_space<vmem>>, vector<1x16xf32>,
      %get3A_1883 = vector.shape_cast %get3A_1882 : vector<1x16xf32> to vector<16xf32>
      %get3A_1884 = arith.constant 7 : i32
      %get3A_1885 = arith.index_cast %get3A_1884 : i32 to index
      %get3A_1886 = arith.constant 0 : index
      %get3A_1887 = tpu.vector_load %arg20[%get3A_1885, %get3A_1886] {strides = array<i32>} : memref<8x128xi32, #tpu.memory_space<vmem>>, vector<1x16xi32>,
      %get3A_1888 = vector.shape_cast %get3A_1887 : vector<1x16xi32> to vector<16xi32>
      %gt3A_1889 = arith.cmpf ogt, %get3A_1883, %select_n3A_1877 : vector<16xf32>
      %eq3A_1890 = arith.cmpf oeq, %get3A_1883, %select_n3A_1877 : vector<16xf32>
      %lt3A_1891 = arith.cmpi slt, %get3A_1888, %select_n3A_1878 : vector<16xi32>
      %and3A_1892 = arith.andi %eq3A_1890, %lt3A_1891 : vector<16xi1>
      %or3A_1893 = arith.ori %gt3A_1889, %and3A_1892 : vector<16xi1>
      %select_n3A_1894 = arith.select %or3A_1893, %get3A_1883, %select_n3A_1877 : vector<16xi1>, vector<16xf32>
      %select_n3A_1895 = arith.select %or3A_1893, %get3A_1888, %select_n3A_1878 : vector<16xi1>, vector<16xi32>
      %get3A_1896 = arith.constant 7 : i32
      %get3A_1897 = arith.index_cast %get3A_1896 : i32 to index
      %get3A_1898 = arith.constant 0 : index
      %get3A_1899 = tpu.vector_load %arg13[%get3A_1897, %get3A_1898] {strides = array<i32>} : memref<8x128xf32, #tpu.memory_space<vmem>>, vector<1x16xf32>,
      %get3A_1900 = vector.shape_cast %get3A_1899 : vector<1x16xf32> to vector<16xf32>
      %get3A_1901 = arith.constant 7 : i32
      %get3A_1902 = arith.index_cast %get3A_1901 : i32 to index
      %get3A_1903 = arith.constant 0 : index
      %get3A_1904 = tpu.vector_load %arg21[%get3A_1902, %get3A_1903] {strides = array<i32>} : memref<8x128xi32, #tpu.memory_space<vmem>>, vector<1x16xi32>,
      %get3A_1905 = vector.shape_cast %get3A_1904 : vector<1x16xi32> to vector<16xi32>
      %gt3A_1906 = arith.cmpf ogt, %get3A_1900, %select_n3A_1894 : vector<16xf32>
      %eq3A_1907 = arith.cmpf oeq, %get3A_1900, %select_n3A_1894 : vector<16xf32>
      %lt3A_1908 = arith.cmpi slt, %get3A_1905, %select_n3A_1895 : vector<16xi32>
      %and3A_1909 = arith.andi %eq3A_1907, %lt3A_1908 : vector<16xi1>
      %or3A_1910 = arith.ori %gt3A_1906, %and3A_1909 : vector<16xi1>
      %select_n3A_1911 = arith.select %or3A_1910, %get3A_1900, %select_n3A_1894 : vector<16xi1>, vector<16xf32>
      %select_n3A_1912 = arith.select %or3A_1910, %get3A_1905, %select_n3A_1895 : vector<16xi1>, vector<16xi32>
      %get3A_1913 = arith.constant 7 : i32
      %get3A_1914 = arith.index_cast %get3A_1913 : i32 to index
      %get3A_1915 = arith.constant 0 : index
      %get3A_1916 = tpu.vector_load %arg14[%get3A_1914, %get3A_1915] {strides = array<i32>} : memref<8x128xf32, #tpu.memory_space<vmem>>, vector<1x16xf32>,
      %get3A_1917 = vector.shape_cast %get3A_1916 : vector<1x16xf32> to vector<16xf32>
      %get3A_1918 = arith.constant 7 : i32
      %get3A_1919 = arith.index_cast %get3A_1918 : i32 to index
      %get3A_1920 = arith.constant 0 : index
      %get3A_1921 = tpu.vector_load %arg22[%get3A_1919, %get3A_1920] {strides = array<i32>} : memref<8x128xi32, #tpu.memory_space<vmem>>, vector<1x16xi32>,
      %get3A_1922 = vector.shape_cast %get3A_1921 : vector<1x16xi32> to vector<16xi32>
      %gt3A_1923 = arith.cmpf ogt, %get3A_1917, %select_n3A_1911 : vector<16xf32>
      %eq3A_1924 = arith.cmpf oeq, %get3A_1917, %select_n3A_1911 : vector<16xf32>
      %lt3A_1925 = arith.cmpi slt, %get3A_1922, %select_n3A_1912 : vector<16xi32>
      %and3A_1926 = arith.andi %eq3A_1924, %lt3A_1925 : vector<16xi1>
      %or3A_1927 = arith.ori %gt3A_1923, %and3A_1926 : vector<16xi1>
      %select_n3A_1928 = arith.select %or3A_1927, %get3A_1917, %select_n3A_1911 : vector<16xi1>, vector<16xf32>
      %select_n3A_1929 = arith.select %or3A_1927, %get3A_1922, %select_n3A_1912 : vector<16xi1>, vector<16xi32>
      %get3A_1930 = arith.constant 7 : i32
      %get3A_1931 = arith.index_cast %get3A_1930 : i32 to index
      %get3A_1932 = arith.constant 0 : index
      %get3A_1933 = tpu.vector_load %arg15[%get3A_1931, %get3A_1932] {strides = array<i32>} : memref<8x128xf32, #tpu.memory_space<vmem>>, vector<1x16xf32>,
      %get3A_1934 = vector.shape_cast %get3A_1933 : vector<1x16xf32> to vector<16xf32>
      %get3A_1935 = arith.constant 7 : i32
      %get3A_1936 = arith.index_cast %get3A_1935 : i32 to index
      %get3A_1937 = arith.constant 0 : index
      %get3A_1938 = tpu.vector_load %arg23[%get3A_1936, %get3A_1937] {strides = array<i32>} : memref<8x128xi32, #tpu.memory_space<vmem>>, vector<1x16xi32>,
      %get3A_1939 = vector.shape_cast %get3A_1938 : vector<1x16xi32> to vector<16xi32>
      %gt3A_1940 = arith.cmpf ogt, %get3A_1934, %select_n3A_1928 : vector<16xf32>
      %eq3A_1941 = arith.cmpf oeq, %get3A_1934, %select_n3A_1928 : vector<16xf32>
      %lt3A_1942 = arith.cmpi slt, %get3A_1939, %select_n3A_1929 : vector<16xi32>
      %and3A_1943 = arith.andi %eq3A_1941, %lt3A_1942 : vector<16xi1>
      %or3A_1944 = arith.ori %gt3A_1940, %and3A_1943 : vector<16xi1>
      %select_n3A_1945 = arith.select %or3A_1944, %get3A_1934, %select_n3A_1928 : vector<16xi1>, vector<16xf32>
      %select_n3A_1946 = arith.select %or3A_1944, %get3A_1939, %select_n3A_1929 : vector<16xi1>, vector<16xi32>
      %get3A_1947 = arith.constant 7 : i32
      %get3A_1948 = arith.index_cast %get3A_1947 : i32 to index
      %get3A_1949 = arith.constant 0 : index
      %get3A_1950 = tpu.vector_load %arg16[%get3A_1948, %get3A_1949] {strides = array<i32>} : memref<8x128xf32, #tpu.memory_space<vmem>>, vector<1x16xf32>,
      %get3A_1951 = vector.shape_cast %get3A_1950 : vector<1x16xf32> to vector<16xf32>
      %get3A_1952 = arith.constant 7 : i32
      %get3A_1953 = arith.index_cast %get3A_1952 : i32 to index
      %get3A_1954 = arith.constant 0 : index
      %get3A_1955 = tpu.vector_load %arg24[%get3A_1953, %get3A_1954] {strides = array<i32>} : memref<8x128xi32, #tpu.memory_space<vmem>>, vector<1x16xi32>,
      %get3A_1956 = vector.shape_cast %get3A_1955 : vector<1x16xi32> to vector<16xi32>
      %gt3A_1957 = arith.cmpf ogt, %get3A_1951, %select_n3A_1945 : vector<16xf32>
      %eq3A_1958 = arith.cmpf oeq, %get3A_1951, %select_n3A_1945 : vector<16xf32>
      %lt3A_1959 = arith.cmpi slt, %get3A_1956, %select_n3A_1946 : vector<16xi32>
      %and3A_1960 = arith.andi %eq3A_1958, %lt3A_1959 : vector<16xi1>
      %or3A_1961 = arith.ori %gt3A_1957, %and3A_1960 : vector<16xi1>
      %select_n3A_1962 = arith.select %or3A_1961, %get3A_1951, %select_n3A_1945 : vector<16xi1>, vector<16xf32>
      %select_n3A_1963 = arith.select %or3A_1961, %get3A_1956, %select_n3A_1946 : vector<16xi1>, vector<16xi32>
      %get3A_1964 = arith.constant 7 : i32
      %get3A_1965 = arith.index_cast %get3A_1964 : i32 to index
      %get3A_1966 = arith.constant 0 : index
      %get3A_1967 = tpu.vector_load %arg17[%get3A_1965, %get3A_1966] {strides = array<i32>} : memref<8x128xf32, #tpu.memory_space<vmem>>, vector<1x16xf32>,
      %get3A_1968 = vector.shape_cast %get3A_1967 : vector<1x16xf32> to vector<16xf32>
      %get3A_1969 = arith.constant 7 : i32
      %get3A_1970 = arith.index_cast %get3A_1969 : i32 to index
      %get3A_1971 = arith.constant 0 : index
      %get3A_1972 = tpu.vector_load %arg25[%get3A_1970, %get3A_1971] {strides = array<i32>} : memref<8x128xi32, #tpu.memory_space<vmem>>, vector<1x16xi32>,
      %get3A_1973 = vector.shape_cast %get3A_1972 : vector<1x16xi32> to vector<16xi32>
      %gt3A_1974 = arith.cmpf ogt, %get3A_1968, %select_n3A_1962 : vector<16xf32>
      %eq3A_1975 = arith.cmpf oeq, %get3A_1968, %select_n3A_1962 : vector<16xf32>
      %lt3A_1976 = arith.cmpi slt, %get3A_1973, %select_n3A_1963 : vector<16xi32>
      %and3A_1977 = arith.andi %eq3A_1975, %lt3A_1976 : vector<16xi1>
      %or3A_1978 = arith.ori %gt3A_1974, %and3A_1977 : vector<16xi1>
      %select_n3A_1979 = arith.select %or3A_1978, %get3A_1968, %select_n3A_1962 : vector<16xi1>, vector<16xf32>
      %select_n3A_1980 = arith.select %or3A_1978, %get3A_1973, %select_n3A_1963 : vector<16xi1>, vector<16xi32>
      %xor3A_1981 = arith.constant 8 : i32
      %xor3A_1982 = vector.broadcast %xor3A_1981 : i32 to vector<16xi32>
      %xor3A_1983 = arith.xori %iota3A, %xor3A_1982 : vector<16xi32>
      %lt3A_1984 = arith.constant 0 : i32
      %lt3A_1985 = vector.broadcast %lt3A_1984 : i32 to vector<16xi32>
      %lt3A_1986 = arith.cmpi slt, %xor3A_1983, %lt3A_1985 : vector<16xi32>
      %add3A_1987 = arith.constant 16 : i32
      %add3A_1988 = vector.broadcast %add3A_1987 : i32 to vector<16xi32>
      %add3A_1989 = arith.addi %xor3A_1983, %add3A_1988 : vector<16xi32>
      %select_n3A_1990 = arith.select %lt3A_1986, %add3A_1989, %xor3A_1983 : vector<16xi1>, vector<16xi32>
      %broadcast_in_dim3A_1991 = vector.shape_cast %select_n3A_1990 : vector<16xi32> to vector<16x1xi32>
      %gather3A_1992 = vector.shape_cast %broadcast_in_dim3A_1991 : vector<16x1xi32> to vector<16xi32>
      %gather3A_1993 = tpu.dynamic_gather %select_n3A_1979[%gather3A_1992] in [0] : vector<16xf32>, vector<16xi32> -> vector<16xf32>
      %lt3A_1994 = arith.constant 0 : i32
      %lt3A_1995 = vector.broadcast %lt3A_1994 : i32 to vector<16xi32>
      %lt3A_1996 = arith.cmpi slt, %xor3A_1983, %lt3A_1995 : vector<16xi32>
      %add3A_1997 = arith.constant 16 : i32
      %add3A_1998 = vector.broadcast %add3A_1997 : i32 to vector<16xi32>
      %add3A_1999 = arith.addi %xor3A_1983, %add3A_1998 : vector<16xi32>
      %select_n3A_2000 = arith.select %lt3A_1996, %add3A_1999, %xor3A_1983 : vector<16xi1>, vector<16xi32>
      %broadcast_in_dim3A_2001 = vector.shape_cast %select_n3A_2000 : vector<16xi32> to vector<16x1xi32>
      %gather3A_2002 = vector.shape_cast %broadcast_in_dim3A_2001 : vector<16x1xi32> to vector<16xi32>
      %gather3A_2003 = tpu.dynamic_gather %select_n3A_1980[%gather3A_2002] in [0] : vector<16xi32>, vector<16xi32> -> vector<16xi32>
      %gt3A_2004 = arith.cmpf ogt, %gather3A_1993, %select_n3A_1979 : vector<16xf32>
      %eq3A_2005 = arith.cmpf oeq, %gather3A_1993, %select_n3A_1979 : vector<16xf32>
      %lt3A_2006 = arith.cmpi slt, %gather3A_2003, %select_n3A_1980 : vector<16xi32>
      %and3A_2007 = arith.andi %eq3A_2005, %lt3A_2006 : vector<16xi1>
      %or3A_2008 = arith.ori %gt3A_2004, %and3A_2007 : vector<16xi1>
      %select_n3A_2009 = arith.select %or3A_2008, %gather3A_1993, %select_n3A_1979 : vector<16xi1>, vector<16xf32>
      %select_n3A_2010 = arith.select %or3A_2008, %gather3A_2003, %select_n3A_1980 : vector<16xi1>, vector<16xi32>
      %xor3A_2011 = arith.constant 4 : i32
      %xor3A_2012 = vector.broadcast %xor3A_2011 : i32 to vector<16xi32>
      %xor3A_2013 = arith.xori %iota3A, %xor3A_2012 : vector<16xi32>
      %lt3A_2014 = arith.constant 0 : i32
      %lt3A_2015 = vector.broadcast %lt3A_2014 : i32 to vector<16xi32>
      %lt3A_2016 = arith.cmpi slt, %xor3A_2013, %lt3A_2015 : vector<16xi32>
      %add3A_2017 = arith.constant 16 : i32
      %add3A_2018 = vector.broadcast %add3A_2017 : i32 to vector<16xi32>
      %add3A_2019 = arith.addi %xor3A_2013, %add3A_2018 : vector<16xi32>
      %select_n3A_2020 = arith.select %lt3A_2016, %add3A_2019, %xor3A_2013 : vector<16xi1>, vector<16xi32>
      %broadcast_in_dim3A_2021 = vector.shape_cast %select_n3A_2020 : vector<16xi32> to vector<16x1xi32>
      %gather3A_2022 = vector.shape_cast %broadcast_in_dim3A_2021 : vector<16x1xi32> to vector<16xi32>
      %gather3A_2023 = tpu.dynamic_gather %select_n3A_2009[%gather3A_2022] in [0] : vector<16xf32>, vector<16xi32> -> vector<16xf32>
      %lt3A_2024 = arith.constant 0 : i32
      %lt3A_2025 = vector.broadcast %lt3A_2024 : i32 to vector<16xi32>
      %lt3A_2026 = arith.cmpi slt, %xor3A_2013, %lt3A_2025 : vector<16xi32>
      %add3A_2027 = arith.constant 16 : i32
      %add3A_2028 = vector.broadcast %add3A_2027 : i32 to vector<16xi32>
      %add3A_2029 = arith.addi %xor3A_2013, %add3A_2028 : vector<16xi32>
      %select_n3A_2030 = arith.select %lt3A_2026, %add3A_2029, %xor3A_2013 : vector<16xi1>, vector<16xi32>
      %broadcast_in_dim3A_2031 = vector.shape_cast %select_n3A_2030 : vector<16xi32> to vector<16x1xi32>
      %gather3A_2032 = vector.shape_cast %broadcast_in_dim3A_2031 : vector<16x1xi32> to vector<16xi32>
      %gather3A_2033 = tpu.dynamic_gather %select_n3A_2010[%gather3A_2032] in [0] : vector<16xi32>, vector<16xi32> -> vector<16xi32>
      %gt3A_2034 = arith.cmpf ogt, %gather3A_2023, %select_n3A_2009 : vector<16xf32>
      %eq3A_2035 = arith.cmpf oeq, %gather3A_2023, %select_n3A_2009 : vector<16xf32>
      %lt3A_2036 = arith.cmpi slt, %gather3A_2033, %select_n3A_2010 : vector<16xi32>
      %and3A_2037 = arith.andi %eq3A_2035, %lt3A_2036 : vector<16xi1>
      %or3A_2038 = arith.ori %gt3A_2034, %and3A_2037 : vector<16xi1>
      %select_n3A_2039 = arith.select %or3A_2038, %gather3A_2023, %select_n3A_2009 : vector<16xi1>, vector<16xf32>
      %select_n3A_2040 = arith.select %or3A_2038, %gather3A_2033, %select_n3A_2010 : vector<16xi1>, vector<16xi32>
      %xor3A_2041 = arith.constant 2 : i32
      %xor3A_2042 = vector.broadcast %xor3A_2041 : i32 to vector<16xi32>
      %xor3A_2043 = arith.xori %iota3A, %xor3A_2042 : vector<16xi32>
      %lt3A_2044 = arith.constant 0 : i32
      %lt3A_2045 = vector.broadcast %lt3A_2044 : i32 to vector<16xi32>
      %lt3A_2046 = arith.cmpi slt, %xor3A_2043, %lt3A_2045 : vector<16xi32>
      %add3A_2047 = arith.constant 16 : i32
      %add3A_2048 = vector.broadcast %add3A_2047 : i32 to vector<16xi32>
      %add3A_2049 = arith.addi %xor3A_2043, %add3A_2048 : vector<16xi32>
      %select_n3A_2050 = arith.select %lt3A_2046, %add3A_2049, %xor3A_2043 : vector<16xi1>, vector<16xi32>
      %broadcast_in_dim3A_2051 = vector.shape_cast %select_n3A_2050 : vector<16xi32> to vector<16x1xi32>
      %gather3A_2052 = vector.shape_cast %broadcast_in_dim3A_2051 : vector<16x1xi32> to vector<16xi32>
      %gather3A_2053 = tpu.dynamic_gather %select_n3A_2039[%gather3A_2052] in [0] : vector<16xf32>, vector<16xi32> -> vector<16xf32>
      %lt3A_2054 = arith.constant 0 : i32
      %lt3A_2055 = vector.broadcast %lt3A_2054 : i32 to vector<16xi32>
      %lt3A_2056 = arith.cmpi slt, %xor3A_2043, %lt3A_2055 : vector<16xi32>
      %add3A_2057 = arith.constant 16 : i32
      %add3A_2058 = vector.broadcast %add3A_2057 : i32 to vector<16xi32>
      %add3A_2059 = arith.addi %xor3A_2043, %add3A_2058 : vector<16xi32>
      %select_n3A_2060 = arith.select %lt3A_2056, %add3A_2059, %xor3A_2043 : vector<16xi1>, vector<16xi32>
      %broadcast_in_dim3A_2061 = vector.shape_cast %select_n3A_2060 : vector<16xi32> to vector<16x1xi32>
      %gather3A_2062 = vector.shape_cast %broadcast_in_dim3A_2061 : vector<16x1xi32> to vector<16xi32>
      %gather3A_2063 = tpu.dynamic_gather %select_n3A_2040[%gather3A_2062] in [0] : vector<16xi32>, vector<16xi32> -> vector<16xi32>
      %gt3A_2064 = arith.cmpf ogt, %gather3A_2053, %select_n3A_2039 : vector<16xf32>
      %eq3A_2065 = arith.cmpf oeq, %gather3A_2053, %select_n3A_2039 : vector<16xf32>
      %lt3A_2066 = arith.cmpi slt, %gather3A_2063, %select_n3A_2040 : vector<16xi32>
      %and3A_2067 = arith.andi %eq3A_2065, %lt3A_2066 : vector<16xi1>
      %or3A_2068 = arith.ori %gt3A_2064, %and3A_2067 : vector<16xi1>
      %select_n3A_2069 = arith.select %or3A_2068, %gather3A_2053, %select_n3A_2039 : vector<16xi1>, vector<16xf32>
      %select_n3A_2070 = arith.select %or3A_2068, %gather3A_2063, %select_n3A_2040 : vector<16xi1>, vector<16xi32>
      %xor3A_2071 = arith.constant 1 : i32
      %xor3A_2072 = vector.broadcast %xor3A_2071 : i32 to vector<16xi32>
      %xor3A_2073 = arith.xori %iota3A, %xor3A_2072 : vector<16xi32>
      %lt3A_2074 = arith.constant 0 : i32
      %lt3A_2075 = vector.broadcast %lt3A_2074 : i32 to vector<16xi32>
      %lt3A_2076 = arith.cmpi slt, %xor3A_2073, %lt3A_2075 : vector<16xi32>
      %add3A_2077 = arith.constant 16 : i32
      %add3A_2078 = vector.broadcast %add3A_2077 : i32 to vector<16xi32>
      %add3A_2079 = arith.addi %xor3A_2073, %add3A_2078 : vector<16xi32>
      %select_n3A_2080 = arith.select %lt3A_2076, %add3A_2079, %xor3A_2073 : vector<16xi1>, vector<16xi32>
      %broadcast_in_dim3A_2081 = vector.shape_cast %select_n3A_2080 : vector<16xi32> to vector<16x1xi32>
      %gather3A_2082 = vector.shape_cast %broadcast_in_dim3A_2081 : vector<16x1xi32> to vector<16xi32>
      %gather3A_2083 = tpu.dynamic_gather %select_n3A_2069[%gather3A_2082] in [0] : vector<16xf32>, vector<16xi32> -> vector<16xf32>
      %lt3A_2084 = arith.constant 0 : i32
      %lt3A_2085 = vector.broadcast %lt3A_2084 : i32 to vector<16xi32>
      %lt3A_2086 = arith.cmpi slt, %xor3A_2073, %lt3A_2085 : vector<16xi32>
      %add3A_2087 = arith.constant 16 : i32
      %add3A_2088 = vector.broadcast %add3A_2087 : i32 to vector<16xi32>
      %add3A_2089 = arith.addi %xor3A_2073, %add3A_2088 : vector<16xi32>
      %select_n3A_2090 = arith.select %lt3A_2086, %add3A_2089, %xor3A_2073 : vector<16xi1>, vector<16xi32>
      %broadcast_in_dim3A_2091 = vector.shape_cast %select_n3A_2090 : vector<16xi32> to vector<16x1xi32>
      %gather3A_2092 = vector.shape_cast %broadcast_in_dim3A_2091 : vector<16x1xi32> to vector<16xi32>
      %gather3A_2093 = tpu.dynamic_gather %select_n3A_2070[%gather3A_2092] in [0] : vector<16xi32>, vector<16xi32> -> vector<16xi32>
      %gt3A_2094 = arith.cmpf ogt, %gather3A_2083, %select_n3A_2069 : vector<16xf32>
      %eq3A_2095 = arith.cmpf oeq, %gather3A_2083, %select_n3A_2069 : vector<16xf32>
      %lt3A_2096 = arith.cmpi slt, %gather3A_2093, %select_n3A_2070 : vector<16xi32>
      %and3A_2097 = arith.andi %eq3A_2095, %lt3A_2096 : vector<16xi1>
      %or3A_2098 = arith.ori %gt3A_2094, %and3A_2097 : vector<16xi1>
      %select_n3A_2099 = arith.select %or3A_2098, %gather3A_2083, %select_n3A_2069 : vector<16xi1>, vector<16xf32>
      %select_n3A_2100 = arith.select %or3A_2098, %gather3A_2093, %select_n3A_2070 : vector<16xi1>, vector<16xi32>
      %swap3A_2101 = arith.constant 7 : i32
      %swap3A_2102 = arith.index_cast %swap3A_2101 : i32 to index
      %swap3A_2103 = arith.constant 0 : index
      %swap3A_2104 = tpu.vector_load %arg9[%swap3A_2102, %swap3A_2103] {strides = array<i32>} : memref<8x128xi32, #tpu.memory_space<vmem>>, vector<1x16xi32>,
      %swap3A_2105 = vector.shape_cast %swap3A_2104 : vector<1x16xi32> to vector<16xi32>
      %swap3A_2106 = vector.shape_cast %select_n3A_2100 : vector<16xi32> to vector<1x16xi32>
      tpu.vector_store %arg9[%swap3A_2102, %swap3A_2103], %swap3A_2106 {strides = array<i32>} : memref<8x128xi32, #tpu.memory_space<vmem>>, vector<1x16xi32>,
      "tpu.region"() ({
        %run_scoped3A = tpu.sem_alloc : memref<!tpu.dma_semaphore, #tpu.memory_space<semaphore_mem>>
        %dma_start3A = arith.constant 0 : i32
        %dma_start3A_2107 = arith.constant 0 : i32
        %dma_start3A_2108 = tpu.memref_slice %arg4[%add3A, %dma_start3A, %dma_start3A_2107] : memref<4x8x128xi32, #tpu.memory_space<hbm>> -> memref<1x8x128xi32, #tpu.memory_space<hbm>>
        %dma_start3A_2109 = tpu.memref_squeeze %dma_start3A_2108 : memref<1x8x128xi32, #tpu.memory_space<hbm>> -> memref<8x128xi32, #tpu.memory_space<hbm>>
        %dma_start3A_2110 = arith.constant 0 : i32
        %dma_start3A_2111 = arith.constant 0 : i32
        %dma_start3A_2112 = tpu.memref_slice %arg4[%add3A, %dma_start3A_2110, %dma_start3A_2111] : memref<4x8x128xi32, #tpu.memory_space<hbm>> -> memref<1x8x128xi32, #tpu.memory_space<hbm>>
        %dma_start3A_2113 = tpu.memref_squeeze %dma_start3A_2112 : memref<1x8x128xi32, #tpu.memory_space<hbm>> -> memref<8x128xi32, #tpu.memory_space<hbm>>
        tpu.enqueue_dma source(%arg9 : memref<8x128xi32, #tpu.memory_space<vmem>>) target(%dma_start3A_2113 : memref<8x128xi32, #tpu.memory_space<hbm>>) target_semaphore(%run_scoped3A : memref<!tpu.dma_semaphore, #tpu.memory_space<semaphore_mem>>)
        %dma_wait3A = arith.constant 0 : i32
        %dma_wait3A_2114 = arith.constant 0 : i32
        %dma_wait3A_2115 = tpu.memref_slice %arg4[%add3A, %dma_wait3A, %dma_wait3A_2114] : memref<4x8x128xi32, #tpu.memory_space<hbm>> -> memref<1x8x128xi32, #tpu.memory_space<hbm>>
        %dma_wait3A_2116 = tpu.memref_squeeze %dma_wait3A_2115 : memref<1x8x128xi32, #tpu.memory_space<hbm>> -> memref<8x128xi32, #tpu.memory_space<hbm>>
        %dma_wait3A_2117 = arith.constant 0 : i32
        %dma_wait3A_2118 = arith.constant 0 : i32
        %dma_wait3A_2119 = tpu.memref_slice %arg4[%add3A, %dma_wait3A_2117, %dma_wait3A_2118] : memref<4x8x128xi32, #tpu.memory_space<hbm>> -> memref<1x8x128xi32, #tpu.memory_space<hbm>>
        %dma_wait3A_2120 = tpu.memref_squeeze %dma_wait3A_2119 : memref<1x8x128xi32, #tpu.memory_space<hbm>> -> memref<8x128xi32, #tpu.memory_space<hbm>>
        tpu.wait_dma2 semaphore(%run_scoped3A : memref<!tpu.dma_semaphore, #tpu.memory_space<semaphore_mem>>) src(%arg9 : memref<8x128xi32, #tpu.memory_space<vmem>>) dst(%dma_wait3A_2120 : memref<8x128xi32, #tpu.memory_space<hbm>>)
        tpu.yield
      }) : () -> ()
    } else {
    }
    return
  }
}

module attributes {stable_mosaic.version = 14 : i64} {
  func.func @_tc_argmax_body(%arg0: i32, %arg1: memref<8x100000xf32, #tpu.memory_space<vmem>>, %arg2: memref<8x1xi32, #tpu.memory_space<vmem>>) attributes {dimension_semantics = [#tpu.dimension_semantics<arbitrary>], iteration_bounds = array<i64: 4>, scalar_prefetch = 0 : i64, scratch_operands = 0 : i64, tpu.core_type = #tpu.core_type<tc>, window_params = [{transform_indices = @transform_0, window_bounds = array<i64: 8, 100000>}, {transform_indices = @transform_1, window_bounds = array<i64: 8, 1>}]} {
    %get3A = arith.constant 0 : index
    %get3A_0 = arith.constant 0 : index
    %get3A_1 = vector.load %arg1[%get3A, %get3A_0] : memref<8x100000xf32, #tpu.memory_space<vmem>>, vector<8x100000xf32>
    %iota3A = tpu.iota {dimensions = array<i32: 1>} : vector<8x100000xi32>
    %reduce_max3A = arith.constant dense<0xFF800000> : vector<8xf32>
    %reduce_max3A_2 = vector.multi_reduction <maximumf>, %get3A_1, %reduce_max3A [1] : vector<8x100000xf32> to vector<8xf32>
    %broadcast_in_dim3A = vector.shape_cast %reduce_max3A_2 : vector<8xf32> to vector<8x1xf32>
    %eq3A = vector.broadcast %broadcast_in_dim3A : vector<8x1xf32> to vector<8x100000xf32>
    %eq3A_3 = arith.cmpf oeq, %get3A_1, %eq3A : vector<8x100000xf32>
    %jit3A = arith.constant 2147483647 : i32
    %broadcast_in_dim3A_4 = vector.broadcast %jit3A : i32 to vector<8x100000xi32>
    %select_n3A = arith.select %eq3A_3, %iota3A, %broadcast_in_dim3A_4 : vector<8x100000xi1>, vector<8x100000xi32>
    %reduce_min3A = arith.constant dense<2147483647> : vector<8xi32>
    %reduce_min3A_5 = vector.multi_reduction <minsi>, %select_n3A, %reduce_min3A [1] : vector<8x100000xi32> to vector<8xi32>
    %broadcast_in_dim3A_6 = vector.shape_cast %reduce_min3A_5 : vector<8xi32> to vector<8x1xi32>
    %swap3A = arith.constant 0 : index
    %swap3A_7 = arith.constant 0 : index
    %swap3A_8 = vector.load %arg2[%swap3A, %swap3A_7] : memref<8x1xi32, #tpu.memory_space<vmem>>, vector<8x1xi32>
    tpu.vector_store %arg2[%swap3A, %swap3A_7], %broadcast_in_dim3A_6 {strides = array<i32>} : memref<8x1xi32, #tpu.memory_space<vmem>>, vector<8x1xi32>,
    return
  }
  func.func @transform_0(%arg0: i32) -> (i32, i32) {
    %add3A = arith.constant 4 : i32
    %add3A_0 = arith.addi %add3A, %arg0 : i32
    %c0_i32 = arith.constant 0 : i32
    %c0_i32_1 = arith.constant 0 : i32
    return %add3A_0, %c0_i32 : i32, i32
  }
  func.func @transform_1(%arg0: i32) -> (i32, i32) {
    %c0_i32 = arith.constant 0 : i32
    %c0_i32_0 = arith.constant 0 : i32
    return %arg0, %c0_i32 : i32, i32
  }
}

</mosaic_0001>

<sc_bundles>
// kernel: kernel.4.cloned.1.call-start
scs
__scs_entry_jumppad:
0x0: {  	(pc) =	sbr.rel $0x88, $3  }
0x1: {  	(tag) =	ssettag $0x0;
	lr =	simm.s32 $0x1  }
0x2: {  	[smem:$0x3FA0] =	sst lr;
	_ =	strace $0xD0000000  }
0x3: {  	_ = 	snop  }
0x4: {  	_ = 	snop  }
0x5: {  	_ = 	snop  }
0x6: {  	_ = 	snop  }
0x7: {  	_ = 	snop  }
__scs_overlays_trampoline_lowered:
0x8: {  	[smem:$0x3FAF] =	sst s0  }
0x9: {  	[smem:$0x3FB0] =	sst s1  }
0xa: {  	[smem:$0x3FB1] =	sst s2  }
0xb: {  	[smem:$0x3FB2] =	sst s3  }
0xc: {  	[smem:$0x3FB3] =	sst s4  }
0xd: {  	[smem:$0x3FB4] =	sst s5  }
0xe: {  	[smem:$0x3FB5] =	sst s6  }
0xf: {  	[smem:$0x3FB6] =	sst s7  }
0x10: {  	[smem:$0x3FB7] =	sst s8  }
0x11: {  	[smem:$0x3FB8] =	sst s9;
	s0 =	simm.s32 @!p0 $0x0  }
0x12: {  	s1 =	sld [smem:$0x3F9E];
	s0 =	simm.s32 @p0 $0x1  }
0x13: {  	[smem:$0x3FB9] =	sst s0;
	s0 =	simm.s32 @!p1 $0x0  }
0x14: {  	s2 =	sld [smem:$0x3F9D];
	s0 =	simm.s32 @p1 $0x1  }
0x15: {  	[smem:$0x3FBA] =	sst s0;
	s0 =	simm.s32 @!p2 $0x0  }
0x16: {  	s3 =	sld [smem:$0x3FDB];
	s0 =	simm.s32 @p2 $0x1  }
0x17: {  	s4 =	simm.s32 $0x1BF5;
	[smem:$0x3FBC] =	sst s0  }
0x18: {  	s0 =	sld [smem:$0x3F9F];
	_ =	swait.ge [sflag:s4], $0x0  }
0x19: {  	s7 =	sld [smem:$0x3FA0]  }
0x1a: {  	s8 =	sadd.s32 $0xFFFFE003, lr  }
0x1b: {  	s9 =	sadd.s32 $0xFFFFFEF7, lr;
	s5 =	simm.s32 $0xFFFFFFFF;
	p2 =	slt.u32 s8, $0xFFFFF086  }
0x1c: {  	p1 =	slt.u32 s9, $0xF7A;
	s5 =	simm.s32 @!p2 $0x0  }
0x1d: {  	s5 =	simm.s32 @p1 $0x1;
	p0 =	seq.s32 s7, s2  }
0x1e: {  	s7 =	smul.u32 @!p0 $0xF7A, s2;
	p2 =	seq.s32 @!p0 s5, $0x0  }
0x1f: {  	s9 =	smul.u32 $0xF7A, s1;
	s8 =	simm.s32 @!p0 $0x1BF5;
	p2 =	por !p2, p0  }
0x20: {  	[sflag:s8] =	ssyncset.s32 @!p0 $0xFFFFF086;
	s6 =	sadd.s32 @!p0 s3, s7;
	s7 =	simm.s32 @!p0 $0x108  }
0x21: {  	s3 =	sadd.s32 s3, s9;
	s6 =	sadd.s32 @!p0 $0x88, s6;
	s7 =	simm.s32 @p2 $0x1082  }
0x22: {  	[simem:s7], [sflag:s8] =	dma.local @!p0 [hbm:s6], $0xF7A  }
0x23: {  	s9 =	sor.u32 $0xD0000000, s2;
	s6 =	simm.s32 $0x108;
	_ =	swait.ge @!p0 [sflag:s8], $0x0  }
0x24: {  	s3 =	sadd.s32 $0x88, s3;
	s6 =	simm.s32 @!p1 $0x1082;
	[sflag:s4] =	ssyncset.s32 $0xFFFFF086  }
0x25: {  	[simem:s6], [sflag:s4] =	dma.local [hbm:s3], $0xF7A  }
0x26: {  	[smem:$0x3FA0] =	sst s1;
	(tag) =	ssettag s2;
	_ =	strace s9  }
0x27: {  	s1 =	sld [smem:$0x3FB0]  }
0x28: {  	s2 =	sld [smem:$0x3FB1]  }
0x29: {  	s4 =	sld [smem:$0x3FB3]  }
0x2a: {  	p0 =	seq.s32 s5, $0x0;
	s5 =	sld [smem:$0x3FB4]  }
0x2b: {  	s6 =	sld [smem:$0x3FB5]  }
0x2c: {  	s7 =	sld [smem:$0x3FB6]  }
0x2d: {  	s3 =	simm.s32 $0x108;
	s8 =	sld [smem:$0x3FB7]  }
0x2e: {  	s3 =	simm.s32 @!p0 $0x1082;
	s9 =	sld [smem:$0x3FB8]  }
0x2f: {  	lr =	sadd.s32 s0, s3;
	s0 =	sld [smem:$0x3FAF]  }
0x30: {  	s3 =	sld [smem:$0x3FB2]  }
0x31: {  	[smem:$0x3FBB] =	sst s10  }
0x32: {  	s10 =	sld [smem:$0x3FB9];
	_ =	sdelay $0x3  }
0x33: {  	p0 =	seq.s32 s10, $0x1;
	s10 =	sld [smem:$0x3FBB];
	_ =	sdelay $0x3  }
0x34: {  	[smem:$0x3FBB] =	sst s10  }
0x35: {  	s10 =	sld [smem:$0x3FBA];
	_ =	sdelay $0x3  }
0x36: {  	p1 =	seq.s32 s10, $0x1;
	s10 =	sld [smem:$0x3FBB];
	_ =	sdelay $0x3  }
0x37: {  	[smem:$0x3FBB] =	sst s10  }
0x38: {  	s10 =	sld [smem:$0x3FBC]  }
0x39: {  	_ = 	snop;
	(pc) =	sbr.ind lr, $3  }
0x3a: {  	_ = 	snop  }
0x3b: {  	_ = 	snop  }
0x3c: {  	p2 =	seq.s32 s10, $0x1;
	s10 =	sld [smem:$0x3FBB]  }
0x3d: {  	_ =	shalt  }
0x3e: {  	_ =	shalt  }
0x3f: {  	_ =	shalt  }
0x40: {  	_ =	shalt  }
0x41: {  	_ =	shalt  }
0x42: {  	_ =	shalt  }
0x43: {  	_ =	shalt  }
0x44: {  	_ =	shalt  }
0x45: {  	_ =	shalt  }
0x46: {  	_ =	shalt  }
0x47: {  	_ =	shalt  }
0x48: {  	_ =	shalt  }
0x49: {  	_ =	shalt  }
0x4a: {  	_ =	shalt  }
0x4b: {  	_ =	shalt  }
0x4c: {  	_ =	shalt  }
0x4d: {  	_ =	shalt  }
0x4e: {  	_ =	shalt  }
0x4f: {  	_ =	shalt  }
0x50: {  	_ =	shalt  }
0x51: {  	_ =	shalt  }
0x52: {  	_ =	shalt  }
0x53: {  	_ =	shalt  }
0x54: {  	_ =	shalt  }
0x55: {  	_ =	shalt  }
0x56: {  	_ =	shalt  }
0x57: {  	_ =	shalt  }
0x58: {  	_ =	shalt  }
0x59: {  	_ =	shalt  }
0x5a: {  	_ =	shalt  }
0x5b: {  	_ =	shalt  }
0x5c: {  	_ =	shalt  }
0x5d: {  	_ =	shalt  }
0x5e: {  	_ =	shalt  }
0x5f: {  	_ =	shalt  }
0x60: {  	_ =	shalt  }
0x61: {  	_ =	shalt  }
0x62: {  	_ =	shalt  }
0x63: {  	_ =	shalt  }
0x64: {  	_ =	shalt  }
0x65: {  	_ =	shalt  }
0x66: {  	_ =	shalt  }
0x67: {  	_ =	shalt  }
0x68: {  	_ =	shalt  }
0x69: {  	_ =	shalt  }
0x6a: {  	_ =	shalt  }
0x6b: {  	_ =	shalt  }
0x6c: {  	_ =	shalt  }
0x6d: {  	_ =	shalt  }
0x6e: {  	_ =	shalt  }
0x6f: {  	_ =	shalt  }
0x70: {  	_ =	shalt  }
0x71: {  	_ =	shalt  }
0x72: {  	_ =	shalt  }
0x73: {  	_ =	shalt  }
0x74: {  	_ =	shalt  }
0x75: {  	_ =	shalt  }
0x76: {  	_ =	shalt  }
0x77: {  	_ =	shalt  }
0x78: {  	_ =	shalt  }
0x79: {  	_ =	shalt  }
0x7a: {  	_ =	shalt  }
0x7b: {  	_ =	shalt  }
0x7c: {  	_ =	shalt  }
0x7d: {  	_ =	shalt  }
0x7e: {  	_ =	shalt  }
0x7f: {  	_ =	shalt  }
0x80: {  	_ =	shalt  }
0x81: {  	_ =	shalt  }
0x82: {  	_ =	shalt  }
0x83: {  	_ =	shalt  }
0x84: {  	_ =	shalt  }
0x85: {  	_ =	shalt  }
0x86: {  	_ =	shalt  }
0x87: {  	_ =	shalt  }
.Lfunc_end0:
.L_simem_size_0:
called_computation_lowered:
.L_overlay_start_0:
0x88: {  	s2 =	sld [smem:$0x3FD9]  }
0x89: {  	s3 =	sld [smem:$0x3FFE];
	_ =	sdelay $0x1  }
0x8a: {  	s1 =	srdreg.scid  }
0x8b: {  	s0 =	sand.u32 $0x1, s1  }
0x8c: {  	s17 =	sshll.u32 s0, $0xA;
	s2 =	sadd.s32 s3, s2  }
0x8d: {  	s2 =	sadd.s32 s2, s17  }
0x8e: {  	[smem:$0x3FC7] =	sst s2  }
0x8f: {  	_ = 	snop  }
0x90: {  	s2 =	sld [smem:$0x3FC9];
	(tm) =	ssettm $0x1  }
0x91: {  	s18 =	sld [smem:$0x3FFB];
	_ =	sdelay $0x3  }
0x92: {  	_ =	strace s18  }
0x93: {  	s3 =	sld [smem:$0x3FFC];
	_ =	sdelay $0x3  }
0x94: {  	_ =	strace s3  }
0x95: {  	s3 =	sld [smem:$0x3FFD];
	_ =	sdelay $0x3  }
0x96: {  	_ =	strace s3  }
0x97: {  	_ =	strace $0x8FFFFFFF  }
0x98: {  	s19 =	sld [smem:$0x3FDB];
	_ =	sdelay $0x1  }
0x99: {  	s4 =	simm.s32 $_scs_section_size  }
0x9a: {  	s5 =	simm.s32 $_size__tile_overlayer_lowered;
	s6 =	simm.s32 $_tile_overlayer_lowered  }
0x9b: {  	s22 =	simm.s32 $0x1BFF;
	s21 =	sshll.u32 s6, $0x1;
	s3 =	sadd.s32 s4, s19  }
0x9c: {  	s7 =	simm.s32 $0x0;
	s20 =	sshll.u32 s5, $0x1;
	s5 =	sadd.s32 s21, s3  }
0x9d: {  	[timem:s7], [sflag:s22] =	dma.local [hbm:s5], s20  }
0x9e: {  	_ =	swait.ge [sflag:s22], s20  }
0x9f: {  	s4 =	ssub.s32 $0x0, s20;
	[sflag:s22] =	ssyncset.done $0x0  }
0xa0: {  	[sflag:s22] =	ssyncadd.s32 s4;
	_ =	sdelay $0x1  }
0xa1: {  	s23 =	simm.s32 $0x1B8B  }
0xa2: {  	_ =	swait.ge [sflag:s23], $0x1  }
0xa3: {  	[sflag:s23] =	ssyncset.done $0x0  }
0xa4: {  	s25 =	simm.s32 $0x1B8E;
	s24 =	sld [smem:$0x3FFE];
	[sflag:s23] =	ssyncadd.s32 $0xFFFFFFFF  }
0xa5: {  	s26 =	simm.s32 $execute0_lowered;
	[smem:$0x3FD2] =	sst s25  }
0xa6: {  	s5 =	sshll.u32 s26, $0x1;
	_ =	strace $0x80000046;
	[dreg:$0x1] =	wrdreg $0xFFFFFFFF  }
0xa7: {  	s28 =	simm.s32 $_size_execute0_lowered;
	s3 =	sadd.s32 s3, s5;
	[dreg:$0x0] =	wrdreg $0x0  }
0xa8: {  	s5 =	sshll.u32 s28, $0x1;
	[dreg:$0x2] =	wrdreg s3  }
0xa9: {  	[dreg:$0x3] =	wrdreg s5  }
0xaa: {  	[dreg:$0x4] =	wrdreg $0xC0  }
0xab: {  	_ =	task [dreg:s7], $0x5FFFF  }
0xac: {  	[dreg:$0x1] =	wrdreg $0xFFFFFFFF  }
0xad: {  	[dreg:$0x0] =	wrdreg $0x60  }
0xae: {  	[dreg:$0x2] =	wrdreg s2  }
0xaf: {  	[dreg:$0x3] =	wrdreg s24  }
0xb0: {  	[dreg:$0x4] =	wrdreg $0x114000  }
0xb1: {  	[dreg:$0x5] =	wrdreg $0x118000  }
0xb2: {  	[dreg:$0x6] =	wrdreg $0x9  }
0xb3: {  	_ =	task.clear_ibuf [dreg:s7], $0x7FFFF;
	_ =	strace $0x90000046  }
0xb4: {  	s29 =	simm.s32 $0x9;
	_ =	strace $0x80000048  }
0xb5: {  	_ =	swait.ge [sflag:s29], $0x1  }
0xb6: {  	[sflag:s29] =	ssyncadd.s32 $0xFFFFFFFF  }
0xb7: {  	_ =	strace $0x90000048  }
0xb8: {  	_ =	sfence  }
0xb9: {  	s30 =	sld [smem:$0x0];
	_ =	sdelay $0x2  }
0xba: {  	s31 =	sshll.u32 s1, $0xD;
	s1 =	sshrl.u32 s1, $0x2  }
0xbb: {  	s3 =	sand.u32 $0x4000, s31;
	s1 =	sadd.s32 s1, s30  }
0xbc: {  	s0 =	sor.u32 s3, s0;
	s1 =	sshll.u32 s1, $0x11  }
0xbd: {  	s0 =	sor.u32 s1, s0  }
0xbe: {  	s0 =	sadd.s32 $0x8F2B, s0  }
0xbf: {  	[sflag:s0] =	ssyncadd.remote.s32 $0x1  }
0xc0: {  	_ =	sfence.sel $0xFFFF  }
0xc1: {  	[dreg:$0x0] =	wrdreg $0xFFFFFFFF;
	(pc) =	sbr.abs _section_cstart, $3  }
0xc2: {  	[dreg:$0x1] =	wrdreg $0xFFFFFFFF  }
0xc3: {  	_ =	task.clear_ibuf [dreg:s7], $0x2FFFF;
	_ =	strace $0x9FFFFFFF  }
0xc4: {  	(tm) =	ssettm $0x7FFFFFFF  }
0xc5: {  	_ =	shalt  }
tec
execute0_lowered:
.L_overlay_start_1:
0x0: {  	(tag) =	ssettag $0x1  }
0x1: {  	s4 =	rddreg [dreg:$0x0]  }
0x2: {  	s2 =	rddreg [dreg:$0x1]  }
0x3: {  	s0 =	srdreg.scid;
	s7 =	rddreg [dreg:$0x2]  }
0x4: {  	s15 =	stileid.u32;
	s10 =	rddreg [dreg:$0x3];
	s28 =	simm.s32 $0x6400  }
0x5: {  	s29 =	simm.s32 $0x1;
	s30 =	simm.s32 $0x2;
	s31 =	simm.s32 $0x3  }
0x6: {  	s0 =	sand.u32 $0x1, s0;
	s3 =	sshrl.u32 s15, $0x3;
	s11 =	sand.u32 $0x7, s15  }
0x7: {  	s18 =	sshll.u32 s15, $0xA;
	s1 =	sshll.u32 s0, $0x1;
	s6 =	smul.u32 $0x6400, s11  }
0x8: {  	s0 =	ssub.s32 $0x2, s0;
	s12 =	smul.u32 $0xC80, s11;
	s26 =	sor.u32 $0x400, s18  }
0x9: {  	s17 =	sor.u32 $0x800, s18;
	s20 =	sor.u32 $0xC00, s18;
	s22 =	sor.u32 $0x1000, s18  }
0xa: {  	p0 =	sne.s32 s11, $0x0;
	s3 =	sor.u32 s3, s1;
	s1 =	simm.s32 $0x0  }
0xb: {  	s8 =	sshrl.u32 s0, $0x1;
	s16 =	sadd.s32 s26, s7;
	s19 =	sadd.s32 s17, s7  }
0xc: {  	s15 =	sadd.s32 s17, s10;
	s21 =	sadd.s32 s20, s7;
	[smem:$0x7FF] =	sst s1  }
0xd: {  	s17 =	sadd.s32 s18, s10;
	s5 =	smul.u32 $0xC3800, s3;
	[dreg:$0x5] =	wrdreg s16  }
0xe: {  	v1 =	vimm.s32 $0xFEDCBA98;
	s3 =	sshll.u32 s3, $0x7;
	s0 =	ssub.s32 s0, s8;
	[dreg:$0x7] =	wrdreg s19  }
0xf: {  	v3 =	vunpack.c.l.s4.s8 v1;
	s24 =	smin.u32 s12, $0x4E00;
	s8 =	sadd.s32 $0xC800, s12;
	[dreg:$0x8] =	wrdreg s15  }
0x10: {  	[dreg:$0x9] =	wrdreg s21;
	s15 =	sadd.s32 s22, s10;
	s21 =	sor.u32 $0x1C00, s18  }
0x11: {  	v3 =	vunpack.c.0.s8.s32 v3;
	s2 =	sadd.s32 s2, s3;
	s9 =	sadd.s32 $0x12C00, s24;
	s25 =	sadd.s32 s4, s8  }
0x12: {  	v0 =	vlaneseq.u32;
	v2 =	vimm.s32 $0x76543210;
	s24 =	sor.u32 $0x1400, s18;
	[dreg:$0xc] =	wrdreg s15;
	s15 =	sadd.s32 $0x6400, s12  }
0x13: {  	v5 =	vimm.s32 $0x32107654;
	v11 =	vand.u32 $0xF, v3;
	v3 =	vor.u32 s8, v0;
	s8 =	simm.s32 $0x0;
	s6 =	sadd.s32 s6, s5;
	s5 =	sshrl.u32 s5, $0x3  }
0x14: {  	v6 =	vimm.s32 $0xDCFE98BA;
	v7 =	vimm.s32 $0x54761032;
	v8 =	vimm.s32 $0xEFCDAB89;
	s14 =	sadd.s32 s4, s9;
	s16 =	sadd.s32 s24, s10;
	s23 =	sshrl.u32 s6, $0x3  }
0x15: {  	v9 =	vimm.s32 $0x67452301;
	v4 =	vunpack.c.l.s4.s8 v2;
	v2 =	vimm.s32 $0xBA98FEDC;
	s13 =	sadd.s32 s4, s5;
	s6 =	sadd.s32 s18, s7;
	s3 =	sadd.s32 s4, s23  }
0x16: {  	v5 =	vunpack.c.l.s4.s8 v5;
	v6 =	vunpack.c.l.s4.s8 v6;
	v7 =	vunpack.c.l.s4.s8 v7;
	s4 =	sadd.s32 s5, s25;
	s5 =	sadd.s32 s5, s14;
	s14 =	sadd.s32 s26, s10  }
0x17: {  	v8 =	vunpack.c.l.s4.s8 v8;
	v9 =	vunpack.c.l.s4.s8 v9;
	v2 =	vunpack.c.l.s4.s8 v2;
	s23 =	sadd.s32 s22, s7;
	s25 =	sadd.s32 s24, s7;
	s26 =	sor.u32 $0x1800, s18  }
0x18: {  	v5 =	vunpack.c.0.s8.s32 v5;
	v6 =	vunpack.c.0.s8.s32 v6;
	v7 =	vunpack.c.0.s8.s32 v7;
	s22 =	sadd.s32 s21, s10;
	s24 =	smax.u32 s0, $0x1;
	[dreg:$0x6] =	wrdreg s14  }
.Ltmp0:
0x19: {  	v8 =	vunpack.c.0.s8.s32 v8;
	v9 =	vunpack.c.0.s8.s32 v9;
	v10 =	vunpack.c.0.s8.s32 v2;
	s0 =	simm.s32 $0x4;
	[dreg:$0xb] =	wrdreg s23;
	(pc) =	sbr.rel .LBB2_1-.Ltmp0, $4  }
0x1a: {  	v1 =	vor.u32 s12, v0;
	v7 =	vcombine.low v7, v6;
	s14 =	sadd.s32 s20, s10;
	[dreg:$0xd] =	wrdreg s25;
	s18 =	sadd.s32 s26, s7  }
0x1b: {  	v8 =	vcombine.low v9, v8;
	v10 =	vcombine.low v5, v10;
	v5 =	vunpack.c.0.s8.s32 v4;
	s19 =	sadd.s32 s26, s10;
	s20 =	sadd.s32 s21, s7;
	s23 =	sadd.s32 s15, s13  }
0x1c: {  	v2 =	vor.u32 s15, v0;
	v4 =	vor.u32 s9, v0;
	v7 =	vand.u32 $0xF, v7;
	s25 =	sadd.s32 $0x400, s2;
	s26 =	simm.s32 $0xC800;
	[dreg:$0xa] =	wrdreg s14  }
0x1d: {  	v8 =	vand.u32 $0xF, v8;
	v5 =	vcombine.low v11, v5;
	v6 =	vand.u32 $0xF, v10;
	s21 =	simm.s32 $0xCC00;
	s7 =	simm.s32 $0xD000;
	_ =	strace $0x80000047  }
.LBB2_13:
0x1e: {  	s8 =	sadd.s32 $0x1, s8  }
0x1f: {  	p1 =	sne.s32 s8, s24  }
.Ltmp1:
0x20: {  	_ = 	snop;
	(pc) =	sbr.rel @!p1 .LBB2_14-.Ltmp1, $1  }
0x21: {  	_ =	sdelay $0x3  }
.LBB2_1:
0x22: {  	[tilespmem:s26], [sflag:$0x3] =	stream.linear.gather [hbm4b:s2+s1], $0x400, $0x38;
	[tilespmem:$0x11C00] =	vst v63  }
0x23: {  	_ = 	snop  }
0x24: {  	[tilespmem:s1], [sflag:$0x1] =	stream.linear.gather [hbm4b:s3+s1], $0x6400, $0x38;
	[tilespmem:$0x11C00] =	vst v63  }
0x25: {  	_ = 	snop  }
0x26: {  	[tilespmem:s28], [sflag:$0x2] =	stream.linear.gather [hbm4b:s23+s1], $0x6400, $0x38;
	[tilespmem:$0x11C00] =	vst v63  }
0x27: {  	_ =	swait.ge [sflag:s29], $0x6400  }
0x28: {  	s9 =	sand.u32 $0x70, s1;
	s10 =	sand.u32 $0x7C00, s1;
	[sflag:s29] =	ssyncset.done $0x0  }
0x29: {  	s9 =	sor.u32 s9, s10;
	[sflag:s29] =	ssyncadd.s32 $0xFFFF9C00  }
0x2a: {  	v9 =	vld [tilespmem:s9+$0x0]  }
0x2b: {  	v11 =	vld [tilespmem:s9+$0x80]  }
0x2c: {  	s14 =	sand.u32 $0x7, s1;
	v13 =	vld [tilespmem:s9+$0x100]  }
0x2d: {  	s10 =	sshll.u32 s14, $0x4;
	v19 =	vld [tilespmem:s9+$0x200]  }
0x2e: {  	s10 =	sadd.s32 $0x0, s10;
	v20 =	vld [tilespmem:s9+$0x280]  }
0x2f: {  	v17 =	vimm.f32 $-Inf;
	s15 =	sor.u32 $0x380, s10;
	v22 =	vld [tilespmem:s9+$0x300]  }
0x30: {  	v16 =	vimm.s32 $0x0;
	v15 =	vadd.s32 s1, v1;
	v30 =	vimm.f32 $-Inf;
	v24 =	vld [tilespmem:s15+$0x0]  }
0x31: {  	v25 =	vimm.f32 $-Inf;
	v31 =	vimm.s32 $0x0;
	v26 =	vimm.s32 $0x0;
	s10 =	simm.s32 $0x80;
	v14 =	vld [tilespmem:s9+$0x180];
	s9 =	simm.s32 $0x10  }
0x32: {  	v27 =	vimm.s32 $0x0;
	v32 =	vimm.s32 $0x0;
	v28 =	vimm.s32 $0x0;
	s12 =	sand.u32 $0x7C00, s10;
	s11 =	sand.u32 $0x70, s9  }
0x33: {  	v29 =	vimm.s32 $0x0;
	s11 =	sor.u32 s11, s12;
	vm1 =	vgt.f32 v9, v17;
	vm0 =	vgt.f32 v11, v17  }
0x34: {  	v18 =	vld [tilespmem:s11+$0x0];
	vm3 =	vgt.f32 v13, v17;
	vm2 =	vgt.f32 v19, v17;
	vm5 =	vgt.f32 v20, v17  }
0x35: {  	v21 =	vld [tilespmem:s11+$0x80];
	vm4 =	vgt.f32 v22, v17;
	vm6 =	vgt.f32 v24, v17;
	v10 =	vsel vm1, v9, v17  }
0x36: {  	s12 =	simm.s32 $0x1;
	v23 =	vld [tilespmem:s11+$0x180];
	v9 =	vsel vm1, v15, v16;
	v12 =	vsel vm0, v11, v17;
	vm1 =	vgt.f32 v14, v17  }
0x37: {  	s13 =	simm.s32 $0x20;
	s14 =	sand.u32 $0x7, s12;
	v13 =	vsel vm3, v13, v17;
	v11 =	vsel vm1, v14, v17;
	v14 =	vsel vm2, v19, v17;
	v19 =	vld [tilespmem:s11+$0x100]  }
.LBB2_2:
0x38: {  	p1 =	sne.s32 s13, $0xC70;
	s14 =	sshll.u32 s14, $0x4;
	v33 =	vld [tilespmem:s11+$0x200];
	v17 =	vsel vm5, v20, v17;
	v30 =	vsel vm4, v22, v30;
	v25 =	vsel vm6, v24, v25  }
0x39: {  	v16 =	vsel vm0, v15, v16;
	v31 =	vsel vm3, v15, v31;
	v26 =	vsel vm6, v15, v26;
	s14 =	sadd.s32 s14, s10;
	v20 =	vld [tilespmem:s11+$0x280]  }
0x3a: {  	v27 =	vsel vm1, v15, v27;
	v32 =	vsel vm2, v15, v32;
	v28 =	vsel vm5, v15, v28;
	s10 =	sadd.s32 $0x80, s10;
	v22 =	vld [tilespmem:s11+$0x300];
	s11 =	sor.u32 $0x380, s14  }
0x3b: {  	v29 =	vsel vm4, v15, v29;
	s14 =	sand.u32 $0x70, s13;
	s15 =	sand.u32 $0x7C00, s10;
	v24 =	vld [tilespmem:s11+$0x0]  }
.Ltmp2:
0x3c: {  	v15 =	vadd.s32 s9, v1;
	s9 =	smov.u32 s13;
	vm1 =	vgt.f32 v18, v10;
	vm0 =	vgt.f32 v21, v12;
	s11 =	sor.u32 s14, s15;
	(pc) =	sbr.rel @p1 .LBB2_2-.Ltmp2, $4  }
0x3d: {  	v10 =	vsel vm1, v18, v10;
	v9 =	vsel vm1, v15, v9;
	v12 =	vsel vm0, v21, v12;
	v18 =	vld [tilespmem:s11+$0x0]  }
0x3e: {  	vm3 =	vgt.f32 v19, v13;
	vm1 =	vgt.f32 v23, v11;
	vm2 =	vgt.f32 v33, v14;
	v21 =	vld [tilespmem:s11+$0x80]  }
0x3f: {  	s12 =	sadd.s32 $0x1, s12;
	v13 =	vsel vm3, v19, v13;
	v11 =	vsel vm1, v23, v11;
	v14 =	vsel vm2, v33, v14;
	v19 =	vld [tilespmem:s11+$0x100]  }
0x40: {  	s13 =	sadd.s32 $0x10, s13;
	s14 =	sand.u32 $0x7, s12;
	vm5 =	vgt.f32 v20, v17;
	vm4 =	vgt.f32 v22, v30;
	v23 =	vld [tilespmem:s11+$0x180];
	vm6 =	vgt.f32 v24, v25  }
0x41: {  	s12 =	sshll.u32 s14, $0x4;
	v33 =	vld [tilespmem:s11+$0x200]  }
0x42: {  	v34 =	vld [tilespmem:s11+$0x280];
	s10 =	sadd.s32 s12, s10  }
0x43: {  	v35 =	vld [tilespmem:s11+$0x300];
	s12 =	simm.s32 $0x0;
	s10 =	sor.u32 $0x380, s10  }
0x44: {  	v36 =	vld [tilespmem:s10+$0x0];
	[tilespmem:s12], [sflag:$0x1] =	stream.linear.gather [hbm4b:s4+s12], $0x6400, $0x38  }
0x45: {  	v17 =	vsel vm5, v20, v17;
	v20 =	vsel vm4, v22, v30;
	_ =	swait.ge [sflag:s30], $0x6400  }
0x46: {  	v22 =	vsel vm6, v24, v25;
	v16 =	vsel vm0, v15, v16;
	v24 =	vsel vm3, v15, v31;
	s14 =	sand.u32 $0x70, s12;
	s15 =	sand.u32 $0x7C00, s12;
	[sflag:s30] =	ssyncset.done $0x0  }
0x47: {  	v25 =	vsel vm6, v15, v26;
	v26 =	vsel vm1, v15, v27;
	v27 =	vsel vm2, v15, v32;
	s10 =	sor.u32 s14, s15;
	[sflag:s30] =	ssyncadd.s32 $0xFFFF9C00  }
0x48: {  	v28 =	vsel vm5, v15, v28;
	v30 =	vsel vm4, v15, v29;
	vm0 =	vgt.f32 v18, v10;
	v37 =	vld [tilespmem:s10+$0x6400]  }
0x49: {  	v62 =	vadd.s32 s9, v1;
	vm1 =	vgt.f32 v21, v12;
	v18 =	vsel vm0, v18, v10;
	v39 =	vld [tilespmem:s10+$0x6480]  }
0x4a: {  	v38 =	vsel vm0, v62, v9;
	s13 =	sand.u32 $0x7, s12;
	v21 =	vsel vm1, v21, v12;
	vm0 =	vgt.f32 v19, v13;
	v41 =	vld [tilespmem:s10+$0x6500]  }
0x4b: {  	s9 =	sshll.u32 s13, $0x4;
	vm2 =	vgt.f32 v23, v11;
	v40 =	vsel vm0, v19, v13;
	v15 =	vsel vm0, v62, v24;
	v63 =	vld [tilespmem:s10+$0x6600]  }
0x4c: {  	s14 =	sadd.s32 $0x0, s9;
	vm3 =	vgt.f32 v33, v14;
	v42 =	vsel vm2, v23, v11;
	vm4 =	vgt.f32 v34, v17;
	v29 =	vld [tilespmem:s10+$0x6680]  }
0x4d: {  	vm5 =	vgt.f32 v35, v20;
	v11 =	vsel vm1, v62, v16;
	s11 =	sor.u32 $0x380, s14;
	v33 =	vsel vm3, v33, v14;
	v31 =	vld [tilespmem:s10+$0x6700]  }
0x4e: {  	v9 =	vsel vm4, v34, v17;
	v12 =	vsel vm5, v35, v20;
	v14 =	vsel vm2, v62, v26;
	v32 =	vld [tilespmem:s11+$0x6400]  }
0x4f: {  	s9 =	simm.s32 $0x10;
	v16 =	vsel vm4, v62, v28;
	v17 =	vsel vm5, v62, v30;
	v43 =	vld [tilespmem:s10+$0x6580];
	s10 =	simm.s32 $0x80;
	vm6 =	vgt.f32 v36, v22  }
0x50: {  	s13 =	sand.u32 $0x70, s9;
	v28 =	vadd.s32 s12, v2;
	s15 =	sand.u32 $0x7C00, s10;
	v10 =	vsel vm6, v36, v22;
	v13 =	vsel vm6, v62, v25  }
0x51: {  	v22 =	vsel vm3, v62, v27;
	s11 =	sor.u32 s13, s15;
	vm1 =	vgt.f32 v37, v18;
	vm0 =	vgt.f32 v39, v21  }
0x52: {  	v23 =	vld [tilespmem:s11+$0x6400];
	vm3 =	vgt.f32 v41, v40;
	vm2 =	vgt.f32 v63, v33;
	vm5 =	vgt.f32 v29, v9  }
0x53: {  	v27 =	vld [tilespmem:s11+$0x6480];
	vm4 =	vgt.f32 v31, v12;
	vm6 =	vgt.f32 v32, v10;
	v24 =	vsel vm1, v37, v18  }
0x54: {  	s12 =	simm.s32 $0x1;
	v25 =	vld [tilespmem:s11+$0x6500];
	v19 =	vsel vm1, v28, v38;
	v18 =	vsel vm0, v39, v21;
	vm1 =	vgt.f32 v43, v42  }
0x55: {  	s14 =	sand.u32 $0x7, s12;
	s13 =	simm.s32 $0x20;
	v30 =	vld [tilespmem:s11+$0x6580];
	v26 =	vsel vm3, v41, v40;
	v21 =	vsel vm2, v63, v33;
	v20 =	vsel vm1, v43, v42  }
.LBB2_4:
0x56: {  	p1 =	sne.s32 s13, $0xC70;
	s14 =	sshll.u32 s14, $0x4;
	v33 =	vld [tilespmem:s11+$0x6600];
	v9 =	vsel vm5, v29, v9;
	v12 =	vsel vm4, v31, v12;
	v10 =	vsel vm6, v32, v10  }
0x57: {  	v11 =	vsel vm0, v28, v11;
	v15 =	vsel vm3, v28, v15;
	v13 =	vsel vm6, v28, v13;
	s14 =	sadd.s32 s14, s10;
	v29 =	vld [tilespmem:s11+$0x6680]  }
0x58: {  	v14 =	vsel vm1, v28, v14;
	v22 =	vsel vm2, v28, v22;
	v16 =	vsel vm5, v28, v16;
	s10 =	sadd.s32 $0x80, s10;
	v31 =	vld [tilespmem:s11+$0x6700];
	s11 =	sor.u32 $0x380, s14  }
0x59: {  	v17 =	vsel vm4, v28, v17;
	s14 =	sand.u32 $0x70, s13;
	s15 =	sand.u32 $0x7C00, s10;
	v32 =	vld [tilespmem:s11+$0x6400]  }
.Ltmp3:
0x5a: {  	v28 =	vadd.s32 s9, v2;
	s9 =	smov.u32 s13;
	vm1 =	vgt.f32 v23, v24;
	vm0 =	vgt.f32 v27, v18;
	s11 =	sor.u32 s14, s15;
	(pc) =	sbr.rel @p1 .LBB2_4-.Ltmp3, $4  }
0x5b: {  	v24 =	vsel vm1, v23, v24;
	v19 =	vsel vm1, v28, v19;
	v18 =	vsel vm0, v27, v18;
	v23 =	vld [tilespmem:s11+$0x6400]  }
0x5c: {  	vm3 =	vgt.f32 v25, v26;
	vm1 =	vgt.f32 v30, v20;
	vm2 =	vgt.f32 v33, v21;
	v27 =	vld [tilespmem:s11+$0x6480]  }
0x5d: {  	s12 =	sadd.s32 $0x1, s12;
	v26 =	vsel vm3, v25, v26;
	v20 =	vsel vm1, v30, v20;
	v21 =	vsel vm2, v33, v21;
	v25 =	vld [tilespmem:s11+$0x6500]  }
0x5e: {  	s13 =	sadd.s32 $0x10, s13;
	s14 =	sand.u32 $0x7, s12;
	vm5 =	vgt.f32 v29, v9;
	vm4 =	vgt.f32 v31, v12;
	v30 =	vld [tilespmem:s11+$0x6580];
	vm6 =	vgt.f32 v32, v10  }
0x5f: {  	s12 =	sshll.u32 s14, $0x4;
	v33 =	vld [tilespmem:s11+$0x6600]  }
0x60: {  	v34 =	vld [tilespmem:s11+$0x6680];
	s10 =	sadd.s32 s12, s10  }
0x61: {  	v35 =	vld [tilespmem:s11+$0x6700];
	s12 =	simm.s32 $0x0;
	s10 =	sor.u32 $0x380, s10  }
0x62: {  	v36 =	vld [tilespmem:s10+$0x6400];
	[tilespmem:s28], [sflag:$0x2] =	stream.linear.gather [hbm4b:s5+s12], $0x6400, $0x38  }
0x63: {  	v9 =	vsel vm5, v29, v9;
	v12 =	vsel vm4, v31, v12;
	_ =	swait.ge [sflag:s29], $0x6400  }
0x64: {  	v10 =	vsel vm6, v32, v10;
	v11 =	vsel vm0, v28, v11;
	v15 =	vsel vm3, v28, v15;
	s14 =	sand.u32 $0x70, s12;
	s15 =	sand.u32 $0x7C00, s12;
	[sflag:s29] =	ssyncset.done $0x0  }
0x65: {  	v13 =	vsel vm6, v28, v13;
	v31 =	vsel vm1, v28, v14;
	v22 =	vsel vm2, v28, v22;
	s10 =	sor.u32 s14, s15;
	[sflag:s29] =	ssyncadd.s32 $0xFFFF9C00  }
0x66: {  	v16 =	vsel vm5, v28, v16;
	v28 =	vsel vm4, v28, v17;
	vm1 =	vgt.f32 v27, v18;
	v37 =	vld [tilespmem:s10+$0x0]  }
0x67: {  	v62 =	vadd.s32 s9, v2;
	vm0 =	vgt.f32 v23, v24;
	v18 =	vsel vm1, v27, v18;
	v27 =	vld [tilespmem:s10+$0x80]  }
0x68: {  	v24 =	vsel vm0, v23, v24;
	v19 =	vsel vm0, v62, v19;
	s13 =	sand.u32 $0x7, s12;
	vm2 =	vgt.f32 v30, v20;
	v38 =	vld [tilespmem:s10+$0x100]  }
0x69: {  	vm0 =	vgt.f32 v25, v26;
	s9 =	sshll.u32 s13, $0x4;
	v11 =	vsel vm1, v62, v11;
	v20 =	vsel vm2, v30, v20;
	v30 =	vld [tilespmem:s10+$0x180]  }
0x6a: {  	v26 =	vsel vm0, v25, v26;
	s14 =	sadd.s32 $0x0, s9;
	v17 =	vsel vm0, v62, v15;
	vm3 =	vgt.f32 v33, v21;
	v63 =	vld [tilespmem:s10+$0x200]  }
0x6b: {  	vm4 =	vgt.f32 v34, v9;
	vm5 =	vgt.f32 v35, v12;
	s11 =	sor.u32 $0x380, s14;
	v21 =	vsel vm3, v33, v21;
	v29 =	vld [tilespmem:s10+$0x280]  }
0x6c: {  	v9 =	vsel vm4, v34, v9;
	v14 =	vsel vm5, v35, v12;
	v32 =	vld [tilespmem:s11+$0x0];
	vm6 =	vgt.f32 v36, v10  }
0x6d: {  	s9 =	simm.s32 $0x10;
	v22 =	vsel vm3, v62, v22;
	v12 =	vsel vm6, v62, v13;
	v13 =	vsel vm2, v62, v31;
	v31 =	vld [tilespmem:s10+$0x300];
	s10 =	simm.s32 $0x80  }
0x6e: {  	s13 =	sand.u32 $0x70, s9;
	v15 =	vsel vm4, v62, v16;
	v16 =	vsel vm5, v62, v28;
	v28 =	vadd.s32 s12, v3;
	s15 =	sand.u32 $0x7C00, s10  }
0x6f: {  	v10 =	vsel vm6, v36, v10;
	s11 =	sor.u32 s13, s15;
	vm1 =	vgt.f32 v37, v24;
	vm0 =	vgt.f32 v27, v18  }
0x70: {  	v23 =	vld [tilespmem:s11+$0x0];
	vm3 =	vgt.f32 v38, v26;
	vm2 =	vgt.f32 v63, v21;
	vm5 =	vgt.f32 v29, v9  }
0x71: {  	v25 =	vld [tilespmem:s11+$0x100];
	vm6 =	vgt.f32 v32, v10;
	v24 =	vsel vm1, v37, v24;
	v19 =	vsel vm1, v28, v19  }
0x72: {  	s12 =	simm.s32 $0x1;
	v18 =	vsel vm0, v27, v18;
	v27 =	vld [tilespmem:s11+$0x80];
	vm1 =	vgt.f32 v30, v20;
	v26 =	vsel vm3, v38, v26  }
0x73: {  	s14 =	sand.u32 $0x7, s12;
	s13 =	simm.s32 $0x20;
	v21 =	vsel vm2, v63, v21;
	v20 =	vsel vm1, v30, v20;
	v30 =	vld [tilespmem:s11+$0x180];
	vm4 =	vgt.f32 v31, v14  }
.LBB2_6:
0x74: {  	p1 =	sne.s32 s13, $0xC70;
	s14 =	sshll.u32 s14, $0x4;
	v33 =	vld [tilespmem:s11+$0x200];
	v9 =	vsel vm5, v29, v9;
	v14 =	vsel vm4, v31, v14;
	v10 =	vsel vm6, v32, v10  }
0x75: {  	v11 =	vsel vm0, v28, v11;
	v17 =	vsel vm3, v28, v17;
	v12 =	vsel vm6, v28, v12;
	s14 =	sadd.s32 s14, s10;
	v29 =	vld [tilespmem:s11+$0x280]  }
0x76: {  	v13 =	vsel vm1, v28, v13;
	v22 =	vsel vm2, v28, v22;
	v15 =	vsel vm5, v28, v15;
	s10 =	sadd.s32 $0x80, s10;
	v31 =	vld [tilespmem:s11+$0x300];
	s11 =	sor.u32 $0x380, s14  }
0x77: {  	v16 =	vsel vm4, v28, v16;
	s14 =	sand.u32 $0x70, s13;
	s15 =	sand.u32 $0x7C00, s10;
	v32 =	vld [tilespmem:s11+$0x0]  }
.Ltmp4:
0x78: {  	v28 =	vadd.s32 s9, v3;
	s9 =	smov.u32 s13;
	vm1 =	vgt.f32 v23, v24;
	vm0 =	vgt.f32 v27, v18;
	s11 =	sor.u32 s14, s15;
	(pc) =	sbr.rel @p1 .LBB2_6-.Ltmp4, $4  }
0x79: {  	v24 =	vsel vm1, v23, v24;
	v19 =	vsel vm1, v28, v19;
	v18 =	vsel vm0, v27, v18;
	v23 =	vld [tilespmem:s11+$0x0]  }
0x7a: {  	vm3 =	vgt.f32 v25, v26;
	vm1 =	vgt.f32 v30, v20;
	vm2 =	vgt.f32 v33, v21;
	v27 =	vld [tilespmem:s11+$0x80]  }
0x7b: {  	s12 =	sadd.s32 $0x1, s12;
	v26 =	vsel vm3, v25, v26;
	v20 =	vsel vm1, v30, v20;
	v21 =	vsel vm2, v33, v21;
	v25 =	vld [tilespmem:s11+$0x100]  }
0x7c: {  	s13 =	sadd.s32 $0x10, s13;
	s14 =	sand.u32 $0x7, s12;
	vm5 =	vgt.f32 v29, v9;
	vm4 =	vgt.f32 v31, v14;
	v30 =	vld [tilespmem:s11+$0x180];
	vm6 =	vgt.f32 v32, v10  }
0x7d: {  	s12 =	sshll.u32 s14, $0x4;
	v33 =	vld [tilespmem:s11+$0x200]  }
0x7e: {  	v34 =	vld [tilespmem:s11+$0x280];
	s10 =	sadd.s32 s12, s10  }
0x7f: {  	v35 =	vld [tilespmem:s11+$0x300];
	s10 =	sor.u32 $0x380, s10  }
0x80: {  	v9 =	vsel vm5, v29, v9;
	v14 =	vsel vm4, v31, v14;
	s12 =	simm.s32 $0x0;
	v29 =	vld [tilespmem:s10+$0x0];
	_ =	swait.ge [sflag:s30], $0x6400  }
0x81: {  	v10 =	vsel vm6, v32, v10;
	v31 =	vsel vm0, v28, v11;
	v17 =	vsel vm3, v28, v17;
	s14 =	sand.u32 $0x70, s12;
	s15 =	sand.u32 $0x7C00, s12;
	[sflag:s30] =	ssyncset.done $0x0  }
0x82: {  	v61 =	vsel vm6, v28, v12;
	v13 =	vsel vm1, v28, v13;
	vm0 =	vgt.f32 v23, v24;
	s10 =	sor.u32 s14, s15;
	[sflag:s30] =	ssyncadd.s32 $0xFFFF9C00  }
0x83: {  	v22 =	vsel vm2, v28, v22;
	v37 =	vadd.s32 s9, v3;
	v23 =	vsel vm0, v23, v24;
	v24 =	vld [tilespmem:s10+$0x6400]  }
0x84: {  	v36 =	vsel vm5, v28, v15;
	v19 =	vsel vm0, v37, v19;
	vm0 =	vgt.f32 v25, v26;
	v38 =	vld [tilespmem:s10+$0x6480]  }
0x85: {  	v16 =	vsel vm4, v28, v16;
	vm1 =	vgt.f32 v27, v18;
	s13 =	sand.u32 $0x7, s12;
	v25 =	vsel vm0, v25, v26;
	v26 =	vld [tilespmem:s10+$0x6500]  }
0x86: {  	v27 =	vsel vm1, v27, v18;
	s9 =	sshll.u32 s13, $0x4;
	vm2 =	vgt.f32 v30, v20;
	vm3 =	vgt.f32 v33, v21;
	v62 =	vld [tilespmem:s10+$0x6580]  }
0x87: {  	s14 =	sadd.s32 $0x0, s9;
	v20 =	vsel vm2, v30, v20;
	vm4 =	vgt.f32 v34, v9;
	vm5 =	vgt.f32 v35, v14;
	v63 =	vld [tilespmem:s10+$0x6600]  }
0x88: {  	v13 =	vsel vm2, v37, v13;
	s11 =	sor.u32 $0x380, s14;
	v30 =	vsel vm3, v33, v21;
	v9 =	vsel vm4, v34, v9;
	v28 =	vld [tilespmem:s10+$0x6680]  }
0x89: {  	v11 =	vsel vm5, v35, v14;
	v14 =	vsel vm0, v37, v17;
	v32 =	vld [tilespmem:s11+$0x6400];
	vm6 =	vgt.f32 v29, v10  }
0x8a: {  	s9 =	simm.s32 $0x10;
	v17 =	vsel vm3, v37, v22;
	v12 =	vsel vm6, v29, v10;
	v10 =	vsel vm1, v37, v31;
	v31 =	vld [tilespmem:s10+$0x6700];
	s10 =	simm.s32 $0x80  }
0x8b: {  	s13 =	sand.u32 $0x70, s9;
	v18 =	vsel vm4, v37, v36;
	v16 =	vsel vm5, v37, v16;
	v15 =	vsel vm6, v37, v61;
	s15 =	sand.u32 $0x7C00, s10  }
0x8c: {  	v29 =	vadd.s32 s12, v4;
	s11 =	sor.u32 s13, s15;
	vm1 =	vgt.f32 v24, v23;
	vm0 =	vgt.f32 v38, v27  }
0x8d: {  	vm3 =	vgt.f32 v26, v25;
	vm2 =	vgt.f32 v63, v30;
	vm5 =	vgt.f32 v28, v9;
	v21 =	vld [tilespmem:s11+$0x6400]  }
0x8e: {  	v22 =	vsel vm1, v24, v23;
	v23 =	vsel vm1, v29, v19;
	v19 =	vsel vm0, v38, v27;
	v27 =	vld [tilespmem:s11+$0x6480]  }
0x8f: {  	s12 =	simm.s32 $0x1;
	vm6 =	vgt.f32 v32, v12;
	vm1 =	vgt.f32 v62, v20;
	v24 =	vld [tilespmem:s11+$0x6500];
	v25 =	vsel vm3, v26, v25  }
0x90: {  	s14 =	sand.u32 $0x7, s12;
	s13 =	simm.s32 $0x20;
	v26 =	vsel vm1, v62, v20;
	v20 =	vsel vm2, v63, v30;
	v30 =	vld [tilespmem:s11+$0x6580];
	vm4 =	vgt.f32 v31, v11  }
.LBB2_8:
0x91: {  	p1 =	sne.s32 s13, $0xC70;
	s14 =	sshll.u32 s14, $0x4;
	v33 =	vld [tilespmem:s11+$0x6600];
	v9 =	vsel vm5, v28, v9;
	v11 =	vsel vm4, v31, v11;
	v12 =	vsel vm6, v32, v12  }
0x92: {  	v10 =	vsel vm0, v29, v10;
	v14 =	vsel vm3, v29, v14;
	v15 =	vsel vm6, v29, v15;
	s14 =	sadd.s32 s14, s10;
	v28 =	vld [tilespmem:s11+$0x6680]  }
0x93: {  	v13 =	vsel vm1, v29, v13;
	v17 =	vsel vm2, v29, v17;
	v18 =	vsel vm5, v29, v18;
	s10 =	sadd.s32 $0x80, s10;
	v31 =	vld [tilespmem:s11+$0x6700];
	s11 =	sor.u32 $0x380, s14  }
0x94: {  	v16 =	vsel vm4, v29, v16;
	s14 =	sand.u32 $0x70, s13;
	s15 =	sand.u32 $0x7C00, s10;
	v32 =	vld [tilespmem:s11+$0x6400]  }
.Ltmp5:
0x95: {  	v29 =	vadd.s32 s9, v4;
	s9 =	smov.u32 s13;
	vm1 =	vgt.f32 v21, v22;
	vm0 =	vgt.f32 v27, v19;
	s11 =	sor.u32 s14, s15;
	(pc) =	sbr.rel @p1 .LBB2_8-.Ltmp5, $4  }
0x96: {  	v22 =	vsel vm1, v21, v22;
	v23 =	vsel vm1, v29, v23;
	v19 =	vsel vm0, v27, v19;
	v21 =	vld [tilespmem:s11+$0x6400]  }
0x97: {  	vm3 =	vgt.f32 v24, v25;
	vm1 =	vgt.f32 v30, v26;
	vm2 =	vgt.f32 v33, v20;
	v27 =	vld [tilespmem:s11+$0x6480]  }
0x98: {  	s12 =	sadd.s32 $0x1, s12;
	v25 =	vsel vm3, v24, v25;
	v26 =	vsel vm1, v30, v26;
	v20 =	vsel vm2, v33, v20;
	v24 =	vld [tilespmem:s11+$0x6500]  }
0x99: {  	s13 =	sadd.s32 $0x10, s13;
	s14 =	sand.u32 $0x7, s12;
	vm5 =	vgt.f32 v28, v9;
	vm4 =	vgt.f32 v31, v11;
	v30 =	vld [tilespmem:s11+$0x6580];
	vm6 =	vgt.f32 v32, v12  }
0x9a: {  	s12 =	sshll.u32 s14, $0x4;
	v33 =	vld [tilespmem:s11+$0x6600]  }
0x9b: {  	v34 =	vld [tilespmem:s11+$0x6680];
	s10 =	sadd.s32 s12, s10  }
0x9c: {  	v35 =	vld [tilespmem:s11+$0x6700];
	v9 =	vsel vm5, v28, v9;
	v11 =	vsel vm4, v31, v11;
	v31 =	vsel vm6, v32, v12;
	s10 =	sor.u32 $0x380, s10  }
0x9d: {  	v10 =	vsel vm0, v29, v10;
	v36 =	vsel vm3, v29, v14;
	v15 =	vsel vm6, v29, v15;
	v63 =	vld [tilespmem:s10+$0x6400];
	_ =	swait.ge [sflag:s31], $0x400  }
0x9e: {  	v37 =	vsel vm1, v29, v13;
	v38 =	vsel vm2, v29, v17;
	v39 =	vsel vm5, v29, v18;
	[sflag:s31] =	ssyncset.done $0x0  }
0x9f: {  	v40 =	vsel vm4, v29, v16;
	v41 =	vadd.s32 s9, v4;
	s9 =	simm.s32 $0xCA00;
	vm8 =	vgt.f32 v21, v22;
	[sflag:s31] =	ssyncadd.s32 $0xFFFFFC00  }
0xa0: {  	vm9 =	vgt.f32 v27, v19;
	v21 =	vsel vm8, v21, v22;
	v17 =	vsel vm8, v41, v23;
	v23 =	vld [tilespmem:s9+$0xFFFFFE00]  }
0xa1: {  	v16 =	vsel vm9, v27, v19;
	vm10 =	vgt.f32 v24, v25;
	v32 =	vsel vm9, v41, v10;
	v27 =	vld [tilespmem:s9+$0xFFFFFE80]  }
0xa2: {  	vm11 =	vgt.f32 v30, v26;
	v18 =	vsel vm10, v24, v25;
	vm12 =	vgt.f32 v33, v20;
	v22 =	vld [tilespmem:s9+$0xFFFFFF00]  }
0xa3: {  	v14 =	vsel vm11, v30, v26;
	vm13 =	vgt.f32 v34, v9;
	vm14 =	vgt.f32 v35, v11;
	v24 =	vld [tilespmem:s9+$0xFFFFFF80]  }
0xa4: {  	v29 =	vsel vm11, v41, v37;
	v12 =	vsel vm12, v33, v20;
	v13 =	vsel vm13, v34, v9;
	v28 =	vld [tilespmem:s9+$0x0]  }
0xa5: {  	v11 =	vsel vm14, v35, v11;
	v20 =	vld [tilespmem:s9+$0x80];
	v25 =	vsel vm12, v41, v38;
	vm15 =	vgt.f32 v63, v31  }
0xa6: {  	v26 =	vld [tilespmem:s9+$0x100];
	v19 =	vsel vm13, v41, v39;
	v33 =	vor.u32 $0x18680, v0;
	v9 =	vsel vm15, v63, v31  }
0xa7: {  	s11 =	simm.s32 $0x10;
	s10 =	simm.s32 $0x0;
	v30 =	vld [tilespmem:s9+$0x180];
	v31 =	vsel vm10, v41, v36;
	v10 =	vsel vm15, v41, v15;
	v15 =	vsel vm14, v41, v40  }
.LBB2_10:
0xa8: {  	p1 =	sne.s32 s11, $0x70;
	v34 =	vor.u32 s10, v33;
	vm0 =	vgt.f32 v23, v21;
	vm1 =	vgt.f32 v27, v16;
	s9 =	sadd.s32 $0x10, s9;
	s10 =	smov.u32 s11  }
0xa9: {  	v21 =	vsel vm0, v23, v21;
	v23 =	vld [tilespmem:s9+$0xFFFFFE00];
	v17 =	vsel vm0, v34, v17;
	v16 =	vsel vm1, v27, v16  }
0xaa: {  	vm2 =	vgt.f32 v24, v14;
	vm0 =	vgt.f32 v22, v18;
	vm3 =	vgt.f32 v28, v12;
	v27 =	vld [tilespmem:s9+$0xFFFFFE80]  }
0xab: {  	v14 =	vsel vm2, v24, v14;
	v18 =	vsel vm0, v22, v18;
	v12 =	vsel vm3, v28, v12;
	v22 =	vld [tilespmem:s9+$0xFFFFFF00]  }
.Ltmp6:
0xac: {  	vm4 =	vgt.f32 v20, v13;
	vm5 =	vgt.f32 v26, v11;
	v24 =	vld [tilespmem:s9+$0xFFFFFF80];
	vm6 =	vgt.f32 v30, v9;
	(pc) =	sbr.rel @p1 .LBB2_10-.Ltmp6, $4  }
0xad: {  	v13 =	vsel vm4, v20, v13;
	v11 =	vsel vm5, v26, v11;
	v28 =	vld [tilespmem:s9+$0x0];
	v9 =	vsel vm6, v30, v9  }
0xae: {  	v32 =	vsel vm1, v34, v32;
	v29 =	vsel vm2, v34, v29;
	v31 =	vsel vm0, v34, v31;
	v20 =	vld [tilespmem:s9+$0x80]  }
0xaf: {  	v25 =	vsel vm3, v34, v25;
	v19 =	vsel vm4, v34, v19;
	v15 =	vsel vm5, v34, v15;
	v26 =	vld [tilespmem:s9+$0x100]  }
0xb0: {  	s11 =	sadd.s32 $0x10, s11;
	v10 =	vsel vm6, v34, v10;
	v30 =	vld [tilespmem:s9+$0x180]  }
0xb1: {  	vm0 =	vgt.f32 v23, v21  }
0xb2: {  	v33 =	vor.u32 s10, v33;
	v21 =	vsel vm0, v23, v21  }
0xb3: {  	vm1 =	vgt.f32 v27, v16;
	v17 =	vsel vm0, v33, v17;
	[tilespmem:$0xCC00] =	vst v21  }
0xb4: {  	v16 =	vsel vm1, v27, v16;
	[tilespmem:$0xD000] =	vst v17  }
0xb5: {  	vm10 =	vgt.f32 v22, v18;
	v56 =	vsel vm1, v33, v32;
	[tilespmem:$0xCC80] =	vst v16  }
0xb6: {  	v57 =	vsel vm10, v22, v18;
	[tilespmem:$0xD080] =	vst v56  }
0xb7: {  	vm11 =	vgt.f32 v24, v14;
	v58 =	vsel vm10, v33, v31;
	[tilespmem:$0xCD00] =	vst v57  }
0xb8: {  	v14 =	vsel vm11, v24, v14;
	[tilespmem:$0xD100] =	vst v58  }
0xb9: {  	vm12 =	vgt.f32 v28, v12;
	v59 =	vsel vm11, v33, v29;
	[tilespmem:$0xCD80] =	vst v14  }
0xba: {  	v12 =	vsel vm12, v28, v12;
	[tilespmem:$0xD180] =	vst v59  }
0xbb: {  	vm13 =	vgt.f32 v20, v13;
	v60 =	vsel vm12, v33, v25;
	[tilespmem:$0xCE00] =	vst v12  }
0xbc: {  	v61 =	vsel vm13, v20, v13;
	[tilespmem:$0xD200] =	vst v60  }
0xbd: {  	vm14 =	vgt.f32 v26, v11;
	v62 =	vsel vm13, v33, v19;
	[tilespmem:$0xCE80] =	vst v61  }
0xbe: {  	v11 =	vsel vm14, v26, v11;
	[tilespmem:$0xD280] =	vst v62  }
0xbf: {  	vm15 =	vgt.f32 v30, v9;
	v63 =	vsel vm14, v33, v15;
	[tilespmem:$0xCF00] =	vst v11  }
0xc0: {  	v9 =	vsel vm15, v30, v9;
	[tilespmem:$0xD300] =	vst v63  }
0xc1: {  	v10 =	vsel vm15, v33, v10;
	[tilespmem:$0xCF80] =	vst v9  }
0xc2: {  	[tilespmem:$0xD380] =	vst v10  }
0xc3: {  	[spmem:s6] =	stream.linear.scatter [tilespmem:s21], [sflag:$0x4], $0x400, $0x38;
	[tilespmem:$0x11C00] =	vst v63  }
0xc4: {  	_ =	swait.ge [sflag:s0], $0x400  }
0xc5: {  	[sflag:s0] =	ssyncset.done $0x0  }
0xc6: {  	[sflag:s0] =	ssyncadd.s32 $0xFFFFFC00  }
0xc7: {  	[spmem:s17] =	stream.linear.scatter [tilespmem:s7], [sflag:$0x4], $0x400, $0x38;
	[tilespmem:$0x11C00] =	vst v63  }
.Ltmp7:
0xc8: {  	_ =	swait.ge [sflag:s0], $0x400;
	(pc) =	sbr.rel @p0 .LBB2_13-.Ltmp7, $3  }
0xc9: {  	[sflag:s0] =	ssyncset.done $0x0  }
0xca: {  	[sflag:s0] =	ssyncadd.s32 $0xFFFFFC00  }
0xcb: {  	[bflag:$0x0] =	sbarrier.arrive $0xFFFF;
	_ =	sdelay $0x1  }
0xcc: {  	s9 =	simm.s32 $0xD400  }
0xcd: {  	[tilespmem:s9], [sflag:$0x4] =	stream.linear.gather [spmem:s6], $0x400, $0x38;
	[tilespmem:$0x11C00] =	vst v63  }
0xce: {  	_ =	swait.ge [sflag:s0], $0x400  }
0xcf: {  	[sflag:s0] =	ssyncset.done $0x0  }
0xd0: {  	s10 =	simm.s32 $0xF400;
	[sflag:s0] =	ssyncadd.s32 $0xFFFFFC00  }
0xd1: {  	[tilespmem:s10], [sflag:$0x4] =	stream.linear.gather [spmem:s17], $0x400, $0x38;
	[tilespmem:$0x11C00] =	vst v63  }
0xd2: {  	_ =	swait.ge [sflag:s0], $0x400  }
0xd3: {  	[sflag:s0] =	ssyncset.done $0x0  }
0xd4: {  	s10 =	simm.s32 $0xD800;
	s11 =	rddreg [dreg:$0x5];
	[sflag:s0] =	ssyncadd.s32 $0xFFFFFC00  }
0xd5: {  	[tilespmem:s10], [sflag:$0x4] =	stream.linear.gather [spmem:s11], $0x400, $0x38;
	[tilespmem:$0x11C00] =	vst v63  }
0xd6: {  	_ =	swait.ge [sflag:s0], $0x400  }
0xd7: {  	[sflag:s0] =	ssyncset.done $0x0  }
0xd8: {  	s13 =	simm.s32 $0xF800;
	s12 =	rddreg [dreg:$0x6];
	[sflag:s0] =	ssyncadd.s32 $0xFFFFFC00  }
0xd9: {  	[tilespmem:s13], [sflag:$0x4] =	stream.linear.gather [spmem:s12], $0x400, $0x38;
	[tilespmem:$0x11C00] =	vst v63  }
0xda: {  	_ =	swait.ge [sflag:s0], $0x400  }
0xdb: {  	[sflag:s0] =	ssyncset.done $0x0  }
0xdc: {  	s15 =	simm.s32 $0xDC00;
	s14 =	rddreg [dreg:$0x7];
	[sflag:s0] =	ssyncadd.s32 $0xFFFFFC00  }
0xdd: {  	[tilespmem:s15], [sflag:$0x4] =	stream.linear.gather [spmem:s14], $0x400, $0x38;
	[tilespmem:$0x11C00] =	vst v63  }
0xde: {  	_ =	swait.ge [sflag:s0], $0x400  }
0xdf: {  	[sflag:s0] =	ssyncset.done $0x0  }
0xe0: {  	s11 =	simm.s32 $0xFC00;
	s10 =	rddreg [dreg:$0x8];
	[sflag:s0] =	ssyncadd.s32 $0xFFFFFC00  }
0xe1: {  	[tilespmem:s11], [sflag:$0x4] =	stream.linear.gather [spmem:s10], $0x400, $0x38;
	[tilespmem:$0x11C00] =	vst v63  }
0xe2: {  	_ =	swait.ge [sflag:s0], $0x400  }
0xe3: {  	[sflag:s0] =	ssyncset.done $0x0  }
0xe4: {  	s13 =	simm.s32 $0xE000;
	s12 =	rddreg [dreg:$0x9];
	[sflag:s0] =	ssyncadd.s32 $0xFFFFFC00  }
0xe5: {  	[tilespmem:s13], [sflag:$0x4] =	stream.linear.gather [spmem:s12], $0x400, $0x38;
	[tilespmem:$0x11C00] =	vst v63  }
0xe6: {  	_ =	swait.ge [sflag:s0], $0x400  }
0xe7: {  	[sflag:s0] =	ssyncset.done $0x0  }
0xe8: {  	s15 =	simm.s32 $0x10000;
	s14 =	rddreg [dreg:$0xa];
	[sflag:s0] =	ssyncadd.s32 $0xFFFFFC00  }
0xe9: {  	[tilespmem:s15], [sflag:$0x4] =	stream.linear.gather [spmem:s14], $0x400, $0x38;
	[tilespmem:$0x11C00] =	vst v63  }
0xea: {  	_ =	swait.ge [sflag:s0], $0x400  }
0xeb: {  	[sflag:s0] =	ssyncset.done $0x0  }
0xec: {  	s11 =	simm.s32 $0xE400;
	s10 =	rddreg [dreg:$0xb];
	[sflag:s0] =	ssyncadd.s32 $0xFFFFFC00  }
0xed: {  	[tilespmem:s11], [sflag:$0x4] =	stream.linear.gather [spmem:s10], $0x400, $0x38;
	[tilespmem:$0x11C00] =	vst v63  }
0xee: {  	_ =	swait.ge [sflag:s0], $0x400  }
0xef: {  	[sflag:s0] =	ssyncset.done $0x0  }
0xf0: {  	s13 =	simm.s32 $0x10400;
	s12 =	rddreg [dreg:$0xc];
	[sflag:s0] =	ssyncadd.s32 $0xFFFFFC00  }
0xf1: {  	[tilespmem:s13], [sflag:$0x4] =	stream.linear.gather [spmem:s12], $0x400, $0x38;
	[tilespmem:$0x11C00] =	vst v63  }
0xf2: {  	_ =	swait.ge [sflag:s0], $0x400  }
0xf3: {  	[sflag:s0] =	ssyncset.done $0x0  }
0xf4: {  	s15 =	simm.s32 $0xE800;
	s14 =	rddreg [dreg:$0xd];
	[sflag:s0] =	ssyncadd.s32 $0xFFFFFC00  }
0xf5: {  	[tilespmem:s15], [sflag:$0x4] =	stream.linear.gather [spmem:s14], $0x400, $0x38;
	[tilespmem:$0x11C00] =	vst v63  }
0xf6: {  	_ =	swait.ge [sflag:s0], $0x400  }
0xf7: {  	[sflag:s0] =	ssyncset.done $0x0  }
0xf8: {  	s11 =	simm.s32 $0x10800;
	[sflag:s0] =	ssyncadd.s32 $0xFFFFFC00  }
0xf9: {  	[tilespmem:s11], [sflag:$0x4] =	stream.linear.gather [spmem:s16], $0x400, $0x38;
	[tilespmem:$0x11C00] =	vst v63  }
0xfa: {  	_ =	swait.ge [sflag:s0], $0x400  }
0xfb: {  	[sflag:s0] =	ssyncset.done $0x0  }
0xfc: {  	s12 =	simm.s32 $0xEC00;
	[sflag:s0] =	ssyncadd.s32 $0xFFFFFC00  }
0xfd: {  	[tilespmem:s12], [sflag:$0x4] =	stream.linear.gather [spmem:s18], $0x400, $0x38;
	[tilespmem:$0x11C00] =	vst v63  }
0xfe: {  	_ =	swait.ge [sflag:s0], $0x400  }
0xff: {  	[sflag:s0] =	ssyncset.done $0x0  }
0x100: {  	s13 =	simm.s32 $0x10C00;
	[sflag:s0] =	ssyncadd.s32 $0xFFFFFC00  }
0x101: {  	[tilespmem:s13], [sflag:$0x4] =	stream.linear.gather [spmem:s19], $0x400, $0x38;
	[tilespmem:$0x11C00] =	vst v63  }
0x102: {  	_ =	swait.ge [sflag:s0], $0x400  }
0x103: {  	[sflag:s0] =	ssyncset.done $0x0  }
0x104: {  	s14 =	simm.s32 $0xF000;
	[sflag:s0] =	ssyncadd.s32 $0xFFFFFC00  }
0x105: {  	[tilespmem:s14], [sflag:$0x4] =	stream.linear.gather [spmem:s20], $0x400, $0x38;
	[tilespmem:$0x11C00] =	vst v63  }
0x106: {  	_ =	swait.ge [sflag:s0], $0x400  }
0x107: {  	[sflag:s0] =	ssyncset.done $0x0  }
0x108: {  	s15 =	simm.s32 $0x11000;
	[sflag:s0] =	ssyncadd.s32 $0xFFFFFC00  }
0x109: {  	[tilespmem:s15], [sflag:$0x4] =	stream.linear.gather [spmem:s22], $0x400, $0x38;
	[tilespmem:$0x11C00] =	vst v63  }
0x10a: {  	_ =	swait.ge [sflag:s0], $0x400  }
0x10b: {  	[sflag:s0] =	ssyncset.done $0x0  }
0x10c: {  	[sflag:s0] =	ssyncadd.s32 $0xFFFFFC00  }
0x10d: {  	v9 =	vld [tilespmem:$0xD400]  }
0x10e: {  	v10 =	vld [tilespmem:$0xF400]  }
0x10f: {  	v11 =	vld [tilespmem:$0xD800]  }
0x110: {  	v12 =	vld [tilespmem:$0xF800];
	_ =	sdelay $0x2  }
0x111: {  	v13 =	vld [tilespmem:$0xDC00]  }
0x112: {  	v14 =	vld [tilespmem:$0xFC00]  }
0x113: {  	vm0 =	veq.f32 v11, v9;
	vm1 =	vlt.s32 v12, v10  }
0x114: {  	vm2 =	vgt.f32 v11, v9;
	vm0 =	vmand vm0, vm1  }
0x115: {  	v15 =	vld [tilespmem:$0xE000];
	vm0 =	vmor vm2, vm0  }
0x116: {  	v9 =	vsel vm0, v11, v9;
	v10 =	vsel vm0, v12, v10;
	v11 =	vld [tilespmem:$0x10000]  }
0x117: {  	vm5 =	veq.f32 v13, v9;
	vm6 =	vlt.s32 v14, v10  }
0x118: {  	vm7 =	vgt.f32 v13, v9;
	vm0 =	vmand vm5, vm6  }
0x119: {  	v33 =	vld [tilespmem:$0xE400];
	vm0 =	vmor vm7, vm0  }
0x11a: {  	v34 =	vld [tilespmem:$0x10400];
	v9 =	vsel vm0, v13, v9;
	v10 =	vsel vm0, v14, v10  }
0x11b: {  	vm8 =	veq.f32 v15, v9;
	vm9 =	vlt.s32 v11, v10  }
0x11c: {  	vm10 =	vgt.f32 v15, v9;
	vm0 =	vmand vm8, vm9  }
0x11d: {  	v35 =	vld [tilespmem:$0xE800];
	vm0 =	vmor vm10, vm0  }
0x11e: {  	v9 =	vsel vm0, v15, v9;
	v10 =	vsel vm0, v11, v10;
	v11 =	vld [tilespmem:$0x10800]  }
0x11f: {  	vm11 =	veq.f32 v33, v9;
	vm12 =	vlt.s32 v34, v10  }
0x120: {  	v36 =	vld [tilespmem:$0xEC00];
	vm13 =	vgt.f32 v33, v9;
	vm0 =	vmand vm11, vm12  }
0x121: {  	v16 =	vld [tilespmem:$0x10C00];
	vm0 =	vmor vm13, vm0  }
0x122: {  	v37 =	vld [tilespmem:$0xF000];
	v9 =	vsel vm0, v33, v9;
	v10 =	vsel vm0, v34, v10  }
0x123: {  	v38 =	vld [tilespmem:$0x11000];
	vm14 =	veq.f32 v35, v9;
	vm15 =	vlt.s32 v11, v10  }
0x124: {  	v17 =	vld [tilespmem:$0xD480];
	vm4 =	vgt.f32 v35, v9;
	vm0 =	vmand vm14, vm15  }
0x125: {  	v18 =	vld [tilespmem:$0xF480];
	vm0 =	vmor vm4, vm0  }
0x126: {  	v39 =	vld [tilespmem:$0xF880];
	v9 =	vsel vm0, v35, v9;
	v10 =	vsel vm0, v11, v10  }
0x127: {  	v11 =	vld [tilespmem:$0xD880];
	vm5 =	veq.f32 v36, v9;
	vm6 =	vlt.s32 v16, v10  }
0x128: {  	vm7 =	vgt.f32 v36, v9;
	vm0 =	vmand vm5, vm6  }
0x129: {  	vm0 =	vmor vm7, vm0  }
0x12a: {  	v40 =	vld [tilespmem:$0xDC80];
	v9 =	vsel vm0, v36, v9;
	v10 =	vsel vm0, v16, v10  }
0x12b: {  	v41 =	vld [tilespmem:$0xFC80];
	vm3 =	vlt.s32 v39, v18;
	vm9 =	veq.f32 v37, v9;
	vm10 =	vlt.s32 v38, v10  }
0x12c: {  	vm8 =	vgt.f32 v37, v9;
	vm11 =	veq.f32 v11, v17;
	vm1 =	vmand vm9, vm10  }
0x12d: {  	vm12 =	vgt.f32 v11, v17;
	vm2 =	vmand vm11, vm3;
	vm0 =	vmor vm8, vm1  }
0x12e: {  	v42 =	vld [tilespmem:$0xE080];
	vm1 =	vmor vm12, vm2;
	v9 =	vsel vm0, v37, v9  }
0x12f: {  	v44 =	vld [tilespmem:$0x10080];
	v10 =	vsel vm0, v38, v10;
	v11 =	vsel vm1, v11, v17;
	v43 =	vsel vm1, v39, v18  }
0x130: {  	v45 =	vperm.xlane v9, v5;
	vm13 =	veq.f32 v40, v11;
	vm1 =	vlt.s32 v41, v43  }
0x131: {  	v46 =	vperm.xlane v10, v5;
	vm14 =	vgt.f32 v40, v11;
	vm0 =	vmand vm13, vm1  }
0x132: {  	v19 =	vld [tilespmem:$0xE480];
	vm15 =	vgt.f32 v45, v9;
	vm6 =	veq.f32 v45, v9;
	vm0 =	vmor vm14, vm0  }
0x133: {  	v47 =	vld [tilespmem:$0x10480];
	vm7 =	vlt.s32 v46, v10;
	v11 =	vsel vm0, v40, v11;
	v13 =	vsel vm0, v41, v43  }
0x134: {  	v48 =	vld [tilespmem:$0xE880];
	vm8 =	vmand vm6, vm7;
	vm9 =	veq.f32 v42, v11;
	vm10 =	vlt.s32 v44, v13  }
0x135: {  	v50 =	vld [tilespmem:$0x10880];
	vm0 =	vmor vm15, vm8;
	vm11 =	vgt.f32 v42, v11;
	vm2 =	vmand vm9, vm10  }
0x136: {  	v60 =	vld [tilespmem:$0xF500];
	v9 =	vsel vm0, v45, v9;
	v10 =	vsel vm0, v46, v10;
	vm1 =	vmor vm11, vm2  }
0x137: {  	v63 =	vld [tilespmem:$0xF900];
	v51 =	vperm.xlane v9, v6;
	v11 =	vsel vm1, v42, v11;
	v49 =	vsel vm1, v44, v13  }
0x138: {  	v52 =	vperm.xlane v10, v6;
	vm12 =	veq.f32 v19, v11;
	vm1 =	vlt.s32 v47, v49  }
0x139: {  	vm13 =	vgt.f32 v19, v11;
	vm14 =	vgt.f32 v51, v9;
	vm0 =	vmand vm12, vm1  }
0x13a: {  	v53 =	vld [tilespmem:$0xEC80];
	vm15 =	veq.f32 v51, v9;
	vm6 =	vlt.s32 v52, v10;
	vm0 =	vmor vm13, vm0  }
0x13b: {  	v54 =	vld [tilespmem:$0x10C80];
	vm7 =	vmand vm15, vm6;
	v11 =	vsel vm0, v19, v11;
	v12 =	vsel vm0, v47, v49  }
0x13c: {  	vm6 =	vlt.s32 v63, v60;
	vm8 =	veq.f32 v48, v11;
	vm9 =	vlt.s32 v50, v12  }
0x13d: {  	vm0 =	vmor vm14, vm7;
	vm10 =	vgt.f32 v48, v11;
	vm2 =	vmand vm8, vm9  }
0x13e: {  	v55 =	vld [tilespmem:$0xF080];
	v9 =	vsel vm0, v51, v9;
	v10 =	vsel vm0, v52, v10;
	vm11 =	vmor vm10, vm2  }
0x13f: {  	v57 =	vld [tilespmem:$0x11080];
	v56 =	vperm.xlane v9, v7;
	v11 =	vsel vm11, v48, v11;
	v12 =	vsel vm11, v50, v12  }
0x140: {  	v58 =	vperm.xlane v10, v7;
	vm12 =	veq.f32 v53, v11;
	vm13 =	vlt.s32 v54, v12  }
0x141: {  	vm14 =	vgt.f32 v56, v9;
	vm15 =	vgt.f32 v53, v11;
	vm0 =	vmand vm12, vm13  }
0x142: {  	vm8 =	veq.f32 v56, v9;
	vm4 =	vlt.s32 v58, v10;
	vm0 =	vmor vm15, vm0  }
0x143: {  	v59 =	vld [tilespmem:$0xD500];
	vm1 =	vmand vm8, vm4;
	v11 =	vsel vm0, v53, v11;
	v12 =	vsel vm0, v54, v12  }
0x144: {  	v61 =	vld [tilespmem:$0xD900];
	vm9 =	vmor vm14, vm1;
	vm10 =	veq.f32 v55, v11;
	vm11 =	vlt.s32 v57, v12  }
0x145: {  	v9 =	vsel vm9, v56, v9;
	vm12 =	vgt.f32 v55, v11;
	vm1 =	vmand vm10, vm11  }
0x146: {  	v10 =	vsel vm9, v58, v10;
	v62 =	vperm.xlane v9, v8;
	vm13 =	vmor vm12, vm1  }
0x147: {  	v20 =	vperm.xlane v10, v8;
	v11 =	vsel vm13, v55, v11;
	v12 =	vsel vm13, v57, v12  }
0x148: {  	vm0 =	vgt.f32 v62, v9;
	v22 =	vperm.xlane v11, v5;
	v23 =	vperm.xlane v12, v5  }
0x149: {  	v24 =	vld [tilespmem:$0xFD00];
	vm14 =	veq.f32 v62, v9;
	vm15 =	vlt.s32 v20, v10;
	vm11 =	veq.f32 v61, v59  }
0x14a: {  	v9 =	vld [tilespmem:$0xDD00];
	vm12 =	vgt.f32 v61, v59;
	vm10 =	veq.f32 v22, v11;
	vm5 =	vlt.s32 v23, v12  }
0x14b: {  	vm1 =	vmand vm14, vm15;
	vm9 =	vgt.f32 v22, v11;
	vm4 =	vmand vm10, vm5  }
0x14c: {  	vm0 =	vmor vm0, vm1;
	vm5 =	vmand vm11, vm6;
	vm3 =	vmor vm9, vm4  }
0x14d: {  	v25 =	vld [tilespmem:$0xE100];
	vm13 =	vmor vm12, vm5;
	v11 =	vsel vm3, v22, v11;
	v12 =	vsel vm3, v23, v12  }
0x14e: {  	v28 =	vld [tilespmem:$0x10100];
	v26 =	vsel vm13, v61, v59;
	v27 =	vsel vm13, v63, v60;
	v29 =	vperm.xlane v11, v6  }
0x14f: {  	vm14 =	veq.f32 v9, v26;
	vm15 =	vlt.s32 v24, v27;
	v30 =	vperm.xlane v12, v6  }
0x150: {  	vm8 =	vgt.f32 v9, v26;
	vm2 =	vmand vm14, vm15;
	vm9 =	vgt.f32 v29, v11  }
0x151: {  	v21 =	vld [tilespmem:$0xE500];
	vm10 =	veq.f32 v29, v11;
	vm2 =	vmor vm8, vm2;
	vm11 =	vlt.s32 v30, v12  }
0x152: {  	v32 =	vld [tilespmem:$0x10500];
	v9 =	vsel vm2, v9, v26;
	v31 =	vsel vm2, v24, v27;
	vm12 =	vmand vm10, vm11  }
0x153: {  	vm13 =	veq.f32 v25, v9;
	vm14 =	vlt.s32 v28, v31;
	vm2 =	vmor vm9, vm12  }
0x154: {  	vm15 =	vgt.f32 v25, v9;
	vm4 =	vmand vm13, vm14;
	v11 =	vsel vm2, v29, v11  }
0x155: {  	v33 =	vld [tilespmem:$0xE900];
	v12 =	vsel vm2, v30, v12;
	vm7 =	vmor vm15, vm4;
	v36 =	vperm.xlane v11, v7  }
0x156: {  	v35 =	vld [tilespmem:$0x10900];
	v37 =	vperm.xlane v12, v7;
	v9 =	vsel vm7, v25, v9;
	v34 =	vsel vm7, v28, v31  }
0x157: {  	vm8 =	veq.f32 v21, v9;
	vm9 =	vlt.s32 v32, v34;
	vm10 =	vgt.f32 v21, v9  }
0x158: {  	v38 =	vld [tilespmem:$0xED00];
	vm12 =	veq.f32 v36, v11;
	vm13 =	vlt.s32 v37, v12;
	vm1 =	vmand vm8, vm9  }
0x159: {  	v42 =	vld [tilespmem:$0xD980];
	vm11 =	vgt.f32 v36, v11;
	vm14 =	vmand vm12, vm13;
	vm1 =	vmor vm10, vm1  }
0x15a: {  	v44 =	vld [tilespmem:$0xF980];
	v21 =	vsel vm1, v21, v9;
	v13 =	vsel vm1, v32, v34;
	vm1 =	vmor vm11, vm14  }
0x15b: {  	v22 =	vld [tilespmem:$0x10D00];
	v9 =	vsel vm0, v20, v10;
	vm15 =	veq.f32 v33, v21;
	vm8 =	vlt.s32 v35, v13  }
0x15c: {  	v24 =	vld [tilespmem:$0xD580];
	vm9 =	vgt.f32 v33, v21;
	v10 =	vsel vm1, v36, v11;
	vm3 =	vmand vm15, vm8  }
0x15d: {  	v11 =	vld [tilespmem:$0xF580];
	v40 =	vsel vm1, v37, v12;
	v43 =	vperm.xlane v10, v8;
	vm10 =	vmor vm9, vm3  }
0x15e: {  	v45 =	vperm.xlane v40, v8;
	v41 =	vsel vm10, v33, v21  }
0x15f: {  	v39 =	vld [tilespmem:$0xF100];
	v13 =	vsel vm10, v35, v13;
	vm0 =	vgt.f32 v43, v10;
	vm3 =	veq.f32 v43, v10  }
0x160: {  	v23 =	vld [tilespmem:$0x11100];
	vm14 =	vlt.s32 v45, v40;
	vm11 =	veq.f32 v38, v41;
	vm12 =	vlt.s32 v22, v13  }
0x161: {  	v48 =	vld [tilespmem:$0xFD80];
	vm13 =	vgt.f32 v38, v41;
	vm2 =	vmand vm3, vm14;
	vm1 =	vmand vm11, vm12  }
0x162: {  	v47 =	vld [tilespmem:$0xDD80];
	vm11 =	veq.f32 v42, v24;
	vm12 =	vlt.s32 v44, v11;
	vm1 =	vmor vm13, vm1  }
0x163: {  	vm13 =	vgt.f32 v42, v24;
	vm5 =	vmand vm11, vm12;
	v10 =	vsel vm1, v38, v41  }
0x164: {  	v46 =	vsel vm1, v22, v13;
	vm14 =	vmor vm13, vm5;
	vm15 =	vgt.f32 v39, v10  }
0x165: {  	vm9 =	veq.f32 v39, v10;
	vm10 =	vlt.s32 v23, v46;
	v11 =	vsel vm14, v44, v11  }
0x166: {  	v49 =	vld [tilespmem:$0xE180];
	v14 =	vsel vm14, v42, v24;
	vm4 =	vmand vm9, vm10;
	vm3 =	vlt.s32 v48, v11  }
0x167: {  	v50 =	vld [tilespmem:$0x10180];
	vm8 =	vgt.f32 v47, v14;
	vm1 =	vmor vm15, vm4;
	vm15 =	veq.f32 v47, v14  }
0x168: {  	v10 =	vsel vm1, v39, v10;
	v12 =	vsel vm1, v23, v46;
	vm1 =	vmand vm15, vm3  }
0x169: {  	v51 =	vperm.xlane v10, v5;
	v52 =	vperm.xlane v12, v5;
	vm1 =	vmor vm8, vm1  }
0x16a: {  	v53 =	vld [tilespmem:$0xE580];
	vm0 =	vmor vm0, vm2;
	v13 =	vsel vm1, v47, v14;
	v11 =	vsel vm1, v48, v11  }
0x16b: {  	v54 =	vld [tilespmem:$0x10580];
	vm9 =	vgt.f32 v51, v10;
	vm10 =	veq.f32 v51, v10;
	vm11 =	vlt.s32 v52, v12  }
0x16c: {  	vm13 =	veq.f32 v49, v13;
	vm14 =	vlt.s32 v50, v11;
	vm12 =	vmand vm10, vm11  }
0x16d: {  	vm15 =	vgt.f32 v49, v13;
	vm4 =	vmand vm13, vm14;
	vm1 =	vmor vm9, vm12  }
0x16e: {  	v56 =	vld [tilespmem:$0x10980];
	vm7 =	vmor vm15, vm4;
	v10 =	vsel vm1, v51, v10;
	v12 =	vsel vm1, v52, v12  }
0x16f: {  	v55 =	vld [tilespmem:$0xE980];
	v13 =	vsel vm7, v49, v13;
	v11 =	vsel vm7, v50, v11;
	v57 =	vperm.xlane v10, v6  }
0x170: {  	vm8 =	veq.f32 v53, v13;
	vm2 =	vlt.s32 v54, v11;
	v58 =	vperm.xlane v12, v6  }
0x171: {  	vm9 =	vgt.f32 v53, v13;
	vm1 =	vmand vm8, vm2;
	vm10 =	vgt.f32 v57, v10  }
0x172: {  	v59 =	vld [tilespmem:$0xED80];
	vm11 =	veq.f32 v57, v10;
	vm1 =	vmor vm9, vm1;
	vm12 =	vlt.s32 v58, v12  }
0x173: {  	v60 =	vld [tilespmem:$0x10D80];
	v13 =	vsel vm1, v53, v13;
	v11 =	vsel vm1, v54, v11;
	vm13 =	vmand vm11, vm12  }
0x174: {  	vm14 =	veq.f32 v55, v13;
	vm15 =	vlt.s32 v56, v11;
	vm1 =	vmor vm10, vm13  }
0x175: {  	vm8 =	vgt.f32 v55, v13;
	vm3 =	vmand vm14, vm15;
	v10 =	vsel vm1, v57, v10  }
0x176: {  	v61 =	vld [tilespmem:$0xF180];
	v12 =	vsel vm1, v58, v12;
	vm9 =	vmor vm8, vm3;
	v62 =	vperm.xlane v10, v7  }
0x177: {  	v63 =	vld [tilespmem:$0x11180];
	v27 =	vperm.xlane v12, v7;
	v13 =	vsel vm9, v55, v13;
	v11 =	vsel vm9, v56, v11  }
0x178: {  	v30 =	vld [tilespmem:$0xDA00];
	vm10 =	veq.f32 v59, v13;
	vm11 =	vlt.s32 v60, v11;
	vm13 =	vgt.f32 v59, v13  }
0x179: {  	v28 =	vld [tilespmem:$0xD600];
	vm14 =	veq.f32 v62, v10;
	vm15 =	vlt.s32 v27, v12;
	vm1 =	vmand vm10, vm11  }
0x17a: {  	v29 =	vld [tilespmem:$0xF600];
	vm12 =	vgt.f32 v62, v10;
	vm2 =	vmand vm14, vm15;
	vm1 =	vmor vm13, vm1  }
0x17b: {  	v32 =	vld [tilespmem:$0xFA00];
	vm8 =	vmor vm12, vm2;
	v13 =	vsel vm1, v59, v13;
	v14 =	vsel vm1, v60, v11  }
0x17c: {  	v19 =	vsel vm8, v62, v10;
	v11 =	vsel vm8, v27, v12;
	vm9 =	veq.f32 v61, v13  }
0x17d: {  	vm10 =	vlt.s32 v63, v14;
	v31 =	vperm.xlane v19, v8;
	v12 =	vperm.xlane v11, v8  }
0x17e: {  	vm11 =	vgt.f32 v61, v13;
	vm2 =	vmand vm9, vm10;
	vm10 =	veq.f32 v30, v28  }
0x17f: {  	vm12 =	vmor vm11, vm2;
	vm13 =	veq.f32 v31, v19;
	vm14 =	vlt.s32 v12, v11  }
0x180: {  	v35 =	vld [tilespmem:$0xDE00];
	vm11 =	vlt.s32 v32, v29;
	v13 =	vsel vm12, v61, v13;
	v14 =	vsel vm12, v63, v14  }
0x181: {  	v36 =	vld [tilespmem:$0xFE00];
	vm12 =	vgt.f32 v30, v28;
	vm5 =	vmand vm10, vm11;
	vm1 =	vmand vm13, vm14  }
0x182: {  	v33 =	vperm.xlane v13, v5;
	v34 =	vperm.xlane v14, v5;
	vm13 =	vmor vm12, vm5  }
0x183: {  	v10 =	vsel vm0, v45, v40;
	v38 =	vsel vm13, v30, v28  }
0x184: {  	v39 =	vsel vm13, v32, v29;
	vm8 =	veq.f32 v33, v13;
	vm9 =	vlt.s32 v34, v14  }
0x185: {  	v37 =	vld [tilespmem:$0xE200];
	vm15 =	vgt.f32 v33, v13;
	vm14 =	veq.f32 v35, v38;
	vm4 =	vmand vm8, vm9  }
0x186: {  	v40 =	vld [tilespmem:$0x10200];
	vm8 =	vgt.f32 v35, v38;
	vm3 =	vmor vm15, vm4;
	vm15 =	vlt.s32 v36, v39  }
0x187: {  	v13 =	vsel vm3, v33, v13;
	v14 =	vsel vm3, v34, v14;
	vm2 =	vmand vm14, vm15  }
0x188: {  	v26 =	vld [tilespmem:$0xDA80];
	v41 =	vperm.xlane v13, v6;
	v42 =	vperm.xlane v14, v6;
	vm2 =	vmor vm8, vm2  }
0x189: {  	v43 =	vld [tilespmem:$0xE600];
	vm0 =	vgt.f32 v31, v19;
	v16 =	vsel vm2, v35, v38;
	v44 =	vsel vm2, v36, v39  }
0x18a: {  	v45 =	vld [tilespmem:$0x10600];
	vm9 =	vgt.f32 v41, v13;
	vm10 =	veq.f32 v41, v13;
	vm11 =	vlt.s32 v42, v14  }
0x18b: {  	v25 =	vld [tilespmem:$0xF680];
	vm13 =	veq.f32 v37, v16;
	vm14 =	vlt.s32 v40, v44;
	vm12 =	vmand vm10, vm11  }
0x18c: {  	v46 =	vld [tilespmem:$0xEA00];
	vm15 =	vgt.f32 v37, v16;
	vm4 =	vmand vm13, vm14;
	vm2 =	vmor vm9, vm12  }
0x18d: {  	v51 =	vld [tilespmem:$0xD680];
	vm0 =	vmor vm0, vm1;
	vm7 =	vmor vm15, vm4;
	v13 =	vsel vm2, v41, v13  }
0x18e: {  	v53 =	vld [tilespmem:$0xFA80];
	v14 =	vsel vm2, v42, v14;
	v15 =	vsel vm7, v37, v16;
	v48 =	vsel vm7, v40, v44  }
0x18f: {  	v47 =	vld [tilespmem:$0x10A00];
	v50 =	vperm.xlane v13, v7;
	vm8 =	veq.f32 v43, v15;
	vm9 =	vlt.s32 v45, v48  }
0x190: {  	v52 =	vperm.xlane v14, v7;
	vm10 =	vgt.f32 v43, v15;
	vm1 =	vmand vm8, vm9  }
0x191: {  	vm11 =	vgt.f32 v50, v13;
	vm12 =	veq.f32 v50, v13;
	vm1 =	vmor vm10, vm1  }
0x192: {  	vm13 =	vlt.s32 v52, v14;
	v15 =	vsel vm1, v43, v15;
	v16 =	vsel vm1, v45, v48  }
0x193: {  	v49 =	vld [tilespmem:$0xEE00];
	vm14 =	vmand vm12, vm13;
	vm12 =	veq.f32 v26, v51;
	vm13 =	vlt.s32 v53, v25  }
0x194: {  	v54 =	vld [tilespmem:$0x10E00];
	vm15 =	veq.f32 v46, v15;
	vm8 =	vlt.s32 v47, v16;
	vm1 =	vmor vm11, vm14  }
0x195: {  	v56 =	vld [tilespmem:$0xDE80];
	vm9 =	vgt.f32 v46, v15;
	vm2 =	vmand vm12, vm13;
	vm3 =	vmand vm15, vm8  }
0x196: {  	v58 =	vld [tilespmem:$0xFE80];
	v20 =	vsel vm1, v50, v13;
	v55 =	vsel vm1, v52, v14;
	vm15 =	vgt.f32 v26, v51  }
0x197: {  	v59 =	vld [tilespmem:$0xF200];
	vm10 =	vmor vm9, vm3;
	v57 =	vperm.xlane v20, v8;
	vm2 =	vmor vm15, vm2  }
0x198: {  	v27 =	vld [tilespmem:$0x11200];
	v15 =	vsel vm10, v46, v15;
	v16 =	vsel vm10, v47, v16;
	v22 =	vsel vm2, v26, v51  }
0x199: {  	v60 =	vld [tilespmem:$0x10280];
	v18 =	vsel vm2, v53, v25;
	vm11 =	veq.f32 v49, v15;
	vm14 =	vlt.s32 v54, v16  }
0x19a: {  	v28 =	vld [tilespmem:$0xE280];
	vm7 =	vgt.f32 v49, v15;
	vm8 =	veq.f32 v56, v22;
	vm1 =	vmand vm11, vm14  }
0x19b: {  	vm9 =	vlt.s32 v58, v18;
	vm10 =	vgt.f32 v56, v22;
	vm1 =	vmor vm7, vm1  }
0x19c: {  	vm2 =	vmand vm8, vm9;
	v15 =	vsel vm1, v49, v15;
	v16 =	vsel vm1, v54, v16  }
0x19d: {  	v62 =	vld [tilespmem:$0x10680];
	vm1 =	vmor vm10, vm2;
	vm11 =	vgt.f32 v59, v15;
	vm12 =	veq.f32 v59, v15  }
0x19e: {  	v61 =	vld [tilespmem:$0xE680];
	vm13 =	vlt.s32 v27, v16;
	v14 =	vsel vm1, v56, v22;
	v18 =	vsel vm1, v58, v18  }
0x19f: {  	vm14 =	vmand vm12, vm13;
	vm15 =	veq.f32 v28, v14;
	vm8 =	vlt.s32 v60, v18  }
0x1a0: {  	vm9 =	vgt.f32 v28, v14;
	vm1 =	vmor vm11, vm14;
	vm2 =	vmand vm15, vm8  }
0x1a1: {  	v15 =	vsel vm1, v59, v15;
	vm2 =	vmor vm9, vm2;
	v16 =	vsel vm1, v27, v16  }
0x1a2: {  	v30 =	vld [tilespmem:$0xEA80];
	v14 =	vsel vm2, v28, v14;
	v18 =	vsel vm2, v60, v18;
	v32 =	vperm.xlane v15, v5  }
0x1a3: {  	v31 =	vld [tilespmem:$0x10A80];
	v33 =	vperm.xlane v16, v5;
	vm10 =	veq.f32 v61, v14;
	vm2 =	vlt.s32 v62, v18  }
0x1a4: {  	v63 =	vperm.xlane v55, v8;
	vm11 =	vgt.f32 v61, v14;
	vm1 =	vmand vm10, vm2  }
0x1a5: {  	vm13 =	veq.f32 v32, v15;
	vm14 =	vlt.s32 v33, v16;
	vm1 =	vmor vm11, vm1  }
0x1a6: {  	v34 =	vld [tilespmem:$0xEE80];
	vm12 =	vgt.f32 v32, v15;
	vm15 =	vmand vm13, vm14;
	v14 =	vsel vm1, v61, v14  }
0x1a7: {  	v36 =	vld [tilespmem:$0x10E80];
	v35 =	vsel vm1, v62, v18;
	vm2 =	vmor vm12, vm15;
	vm8 =	veq.f32 v30, v14  }
0x1a8: {  	vm9 =	vlt.s32 v31, v35;
	vm10 =	vgt.f32 v30, v14;
	v15 =	vsel vm2, v32, v15  }
0x1a9: {  	v16 =	vsel vm2, v33, v16;
	vm3 =	vmand vm8, vm9;
	v39 =	vperm.xlane v15, v6  }
0x1aa: {  	v38 =	vld [tilespmem:$0x11280];
	vm1 =	veq.f32 v57, v20;
	v40 =	vperm.xlane v16, v6;
	vm3 =	vmor vm10, vm3  }
0x1ab: {  	v37 =	vld [tilespmem:$0xF280];
	v14 =	vsel vm3, v30, v14;
	v17 =	vsel vm3, v31, v35;
	vm13 =	vgt.f32 v39, v15  }
0x1ac: {  	vm14 =	veq.f32 v39, v15;
	vm11 =	veq.f32 v34, v14;
	vm3 =	vlt.s32 v36, v17  }
0x1ad: {  	vm15 =	vlt.s32 v40, v16;
	vm12 =	vgt.f32 v34, v14;
	vm2 =	vmand vm11, vm3  }
0x1ae: {  	vm8 =	vmand vm14, vm15;
	vm2 =	vmor vm12, vm2;
	vm12 =	vlt.s32 v63, v55  }
0x1af: {  	v14 =	vsel vm2, v34, v14;
	v17 =	vsel vm2, v36, v17;
	vm2 =	vmor vm13, vm8  }
0x1b0: {  	vm13 =	vgt.f32 v57, v20;
	vm9 =	veq.f32 v37, v14;
	vm10 =	vlt.s32 v38, v17  }
0x1b1: {  	vm1 =	vmand vm1, vm12;
	vm11 =	vgt.f32 v37, v14;
	vm4 =	vmand vm9, vm10  }
0x1b2: {  	v15 =	vsel vm2, v39, v15;
	v16 =	vsel vm2, v40, v16;
	vm3 =	vmor vm11, vm4  }
0x1b3: {  	v44 =	vld [tilespmem:$0xF700];
	v41 =	vperm.xlane v15, v7;
	v14 =	vsel vm3, v37, v14;
	v17 =	vsel vm3, v38, v17  }
0x1b4: {  	v46 =	vld [tilespmem:$0xFB00];
	vm1 =	vmor vm13, vm1;
	v19 =	vperm.xlane v14, v5;
	v21 =	vperm.xlane v17, v5  }
0x1b5: {  	v12 =	vsel vm0, v12, v11;
	v43 =	vld [tilespmem:$0xD700];
	v42 =	vperm.xlane v16, v7;
	v11 =	vsel vm1, v63, v55  }
0x1b6: {  	v45 =	vld [tilespmem:$0xDB00];
	vm14 =	veq.f32 v41, v15;
	vm15 =	veq.f32 v19, v14;
	vm9 =	vlt.s32 v21, v17  }
0x1b7: {  	vm10 =	vlt.s32 v42, v16;
	vm11 =	vgt.f32 v19, v14;
	vm4 =	vmand vm15, vm9  }
0x1b8: {  	vm12 =	vmand vm14, vm10;
	vm14 =	vgt.f32 v41, v15;
	vm13 =	vmor vm11, vm4  }
0x1b9: {  	v48 =	vld [tilespmem:$0xFF00];
	vm10 =	vlt.s32 v46, v44;
	v14 =	vsel vm13, v19, v14;
	v17 =	vsel vm13, v21, v17  }
0x1ba: {  	v50 =	vld [tilespmem:$0x10300];
	vm2 =	vmor vm14, vm12;
	v19 =	vperm.xlane v14, v6;
	v21 =	vperm.xlane v17, v6  }
0x1bb: {  	v47 =	vld [tilespmem:$0xDF00];
	v18 =	vsel vm2, v41, v15;
	v13 =	vsel vm2, v42, v16;
	vm9 =	veq.f32 v45, v43  }
0x1bc: {  	v58 =	vld [tilespmem:$0xDB80];
	v30 =	vperm.xlane v18, v8;
	vm8 =	veq.f32 v19, v14;
	vm3 =	vlt.s32 v21, v17  }
0x1bd: {  	v55 =	vld [tilespmem:$0xD780];
	v39 =	vperm.xlane v13, v8;
	vm15 =	vgt.f32 v19, v14;
	vm1 =	vmand vm8, vm3  }
0x1be: {  	v49 =	vld [tilespmem:$0xE300];
	vm11 =	vgt.f32 v45, v43;
	vm3 =	vmand vm9, vm10;
	vm0 =	vmor vm15, vm1  }
0x1bf: {  	v59 =	vld [tilespmem:$0xFB80];
	vm1 =	vmor vm11, vm3;
	v14 =	vsel vm0, v19, v14;
	v17 =	vsel vm0, v21, v17  }
0x1c0: {  	v57 =	vld [tilespmem:$0xF780];
	v51 =	vsel vm1, v45, v43;
	v52 =	vsel vm1, v46, v44;
	v54 =	vperm.xlane v14, v7  }
0x1c1: {  	vm12 =	veq.f32 v47, v51;
	vm1 =	vlt.s32 v48, v52;
	v56 =	vperm.xlane v17, v7  }
0x1c2: {  	vm13 =	vgt.f32 v47, v51;
	vm0 =	vmand vm12, vm1;
	vm12 =	veq.f32 v58, v55  }
0x1c3: {  	vm14 =	vgt.f32 v54, v14;
	vm15 =	veq.f32 v54, v14;
	vm0 =	vmor vm13, vm0  }
0x1c4: {  	v53 =	vld [tilespmem:$0xE700];
	vm6 =	vlt.s32 v56, v17;
	v19 =	vsel vm0, v47, v51;
	v20 =	vsel vm0, v48, v52  }
0x1c5: {  	v29 =	vld [tilespmem:$0x10700];
	vm13 =	vlt.s32 v59, v57;
	vm8 =	veq.f32 v49, v19;
	vm9 =	vlt.s32 v50, v20  }
0x1c6: {  	vm7 =	vmand vm15, vm6;
	vm10 =	vgt.f32 v49, v19;
	vm2 =	vmand vm8, vm9  }
0x1c7: {  	v61 =	vld [tilespmem:$0xDF80];
	vm15 =	vgt.f32 v58, v55;
	vm0 =	vmor vm14, vm7;
	vm1 =	vmor vm10, vm2  }
0x1c8: {  	v63 =	vld [tilespmem:$0xFF80];
	v60 =	vsel vm0, v54, v14;
	v14 =	vsel vm0, v56, v17;
	v62 =	vsel vm1, v49, v19  }
0x1c9: {  	v16 =	vsel vm1, v50, v20;
	vm1 =	vmand vm12, vm13;
	vm11 =	veq.f32 v53, v62  }
0x1ca: {  	v32 =	vld [tilespmem:$0xEB00];
	vm14 =	vlt.s32 v29, v16;
	vm5 =	vgt.f32 v53, v62;
	vm1 =	vmor vm15, vm1  }
0x1cb: {  	v33 =	vld [tilespmem:$0x10B00];
	vm0 =	vmand vm11, vm14;
	v24 =	vsel vm1, v58, v55;
	v22 =	vsel vm1, v59, v57  }
0x1cc: {  	v35 =	vld [tilespmem:$0x10380];
	vm14 =	veq.f32 v30, v18;
	v58 =	vperm.xlane v14, v8;
	vm0 =	vmor vm5, vm0  }
0x1cd: {  	v34 =	vld [tilespmem:$0xE380];
	vm6 =	veq.f32 v61, v24;
	vm7 =	vlt.s32 v63, v22;
	vm8 =	vgt.f32 v61, v24  }
0x1ce: {  	v17 =	vsel vm0, v53, v62;
	v36 =	vsel vm0, v29, v16;
	vm1 =	vmand vm6, vm7  }
0x1cf: {  	v37 =	vld [tilespmem:$0xEF00];
	vm7 =	vlt.s32 v39, v13;
	v53 =	vperm.xlane v60, v8;
	vm9 =	veq.f32 v32, v17  }
0x1d0: {  	v41 =	vld [tilespmem:$0x10F00];
	vm10 =	vlt.s32 v33, v36;
	vm0 =	vmor vm8, vm1;
	vm11 =	vgt.f32 v32, v17  }
0x1d1: {  	v40 =	vld [tilespmem:$0x10780];
	vm2 =	vmand vm9, vm10;
	v23 =	vsel vm0, v61, v24;
	v19 =	vsel vm0, v63, v22  }
0x1d2: {  	v38 =	vld [tilespmem:$0xE780];
	vm1 =	vmor vm11, vm2;
	vm12 =	veq.f32 v34, v23;
	vm13 =	vlt.s32 v35, v19  }
0x1d3: {  	vm15 =	vgt.f32 v34, v23;
	v17 =	vsel vm1, v32, v17;
	vm0 =	vmand vm12, vm13  }
0x1d4: {  	v42 =	vld [tilespmem:$0xEB80];
	v25 =	vsel vm1, v33, v36;
	vm1 =	vmand vm14, vm7;
	vm13 =	vgt.f32 v30, v18  }
0x1d5: {  	v43 =	vld [tilespmem:$0x10B80];
	vm0 =	vmor vm15, vm0;
	vm8 =	veq.f32 v37, v17;
	vm11 =	vlt.s32 v41, v25  }
0x1d6: {  	v44 =	vld [tilespmem:$0xF300];
	vm14 =	vgt.f32 v37, v17;
	v23 =	vsel vm0, v34, v23;
	v19 =	vsel vm0, v35, v19  }
0x1d7: {  	v45 =	vld [tilespmem:$0x11300];
	vm0 =	vmand vm8, vm11;
	vm9 =	veq.f32 v38, v23;
	vm10 =	vlt.s32 v40, v19  }
0x1d8: {  	vm12 =	vgt.f32 v38, v23;
	vm0 =	vmor vm14, vm0;
	vm2 =	vmand vm9, vm10  }
0x1d9: {  	v46 =	vld [tilespmem:$0xEF80];
	v17 =	vsel vm0, v37, v17;
	v20 =	vsel vm0, v41, v25;
	vm2 =	vmor vm12, vm2  }
0x1da: {  	v47 =	vld [tilespmem:$0x10F80];
	vm0 =	vmor vm13, vm1;
	v23 =	vsel vm2, v38, v23;
	v19 =	vsel vm2, v40, v19  }
0x1db: {  	vm9 =	veq.f32 v44, v17;
	vm15 =	veq.f32 v42, v23;
	vm6 =	vlt.s32 v43, v19  }
0x1dc: {  	vm10 =	vlt.s32 v45, v20;
	vm7 =	vgt.f32 v42, v23;
	vm2 =	vmand vm15, vm6  }
0x1dd: {  	v48 =	vld [tilespmem:$0xF380];
	vm11 =	vgt.f32 v44, v17;
	v62 =	vsel vm0, v39, v13;
	vm8 =	vmor vm7, vm2  }
0x1de: {  	v49 =	vld [tilespmem:$0x11380];
	vm2 =	vmand vm9, vm10;
	v23 =	vsel vm8, v42, v23;
	v19 =	vsel vm8, v43, v19  }
0x1df: {  	vm12 =	vmor vm11, vm2;
	vm13 =	veq.f32 v46, v23;
	vm14 =	vlt.s32 v47, v19  }
0x1e0: {  	v17 =	vsel vm12, v44, v17;
	vm15 =	vgt.f32 v46, v23;
	vm2 =	vmand vm13, vm14  }
0x1e1: {  	v18 =	vsel vm12, v45, v20;
	v50 =	vperm.xlane v17, v5;
	vm7 =	vmor vm15, vm2  }
0x1e2: {  	v51 =	vperm.xlane v18, v5;
	v22 =	vsel vm7, v46, v23;
	v19 =	vsel vm7, v47, v19  }
0x1e3: {  	vm8 =	veq.f32 v50, v17;
	vm9 =	veq.f32 v48, v22;
	vm10 =	vlt.s32 v49, v19  }
0x1e4: {  	vm11 =	vlt.s32 v51, v18;
	vm12 =	vgt.f32 v48, v22;
	vm2 =	vmand vm9, vm10  }
0x1e5: {  	vm13 =	vgt.f32 v50, v17;
	vm1 =	vmand vm8, vm11;
	vm2 =	vmor vm12, vm2  }
0x1e6: {  	vm1 =	vmor vm13, vm1;
	v22 =	vsel vm2, v48, v22;
	v19 =	vsel vm2, v49, v19  }
0x1e7: {  	v17 =	vsel vm1, v50, v17;
	v52 =	vperm.xlane v22, v5;
	v21 =	vperm.xlane v19, v5  }
0x1e8: {  	v18 =	vsel vm1, v51, v18;
	vm12 =	veq.f32 v53, v60;
	v54 =	vperm.xlane v17, v6  }
0x1e9: {  	v55 =	vperm.xlane v18, v6;
	vm14 =	veq.f32 v52, v22;
	vm2 =	vlt.s32 v21, v19  }
0x1ea: {  	vm15 =	vgt.f32 v54, v17;
	vm8 =	vgt.f32 v52, v22;
	vm1 =	vmand vm14, vm2  }
0x1eb: {  	vm9 =	veq.f32 v54, v17;
	vm10 =	vlt.s32 v55, v18;
	vm1 =	vmor vm8, vm1  }
0x1ec: {  	vm2 =	vmand vm9, vm10;
	v20 =	vsel vm1, v52, v22;
	v19 =	vsel vm1, v21, v19  }
0x1ed: {  	vm11 =	vmor vm15, vm2;
	v56 =	vperm.xlane v20, v6;
	v57 =	vperm.xlane v19, v6  }
0x1ee: {  	vm8 =	vlt.s32 v58, v14;
	v17 =	vsel vm11, v54, v17;
	v18 =	vsel vm11, v55, v18  }
0x1ef: {  	v24 =	vperm.xlane v17, v7;
	vm13 =	veq.f32 v56, v20;
	vm14 =	vlt.s32 v57, v19  }
0x1f0: {  	v25 =	vperm.xlane v18, v7;
	vm15 =	vgt.f32 v56, v20;
	vm1 =	vmand vm13, vm14  }
0x1f1: {  	vm2 =	vmand vm12, vm8;
	vm9 =	veq.f32 v24, v17;
	vm1 =	vmor vm15, vm1  }
0x1f2: {  	vm10 =	vlt.s32 v25, v18;
	v20 =	vsel vm1, v56, v20;
	v19 =	vsel vm1, v57, v19  }
0x1f3: {  	vm15 =	vgt.f32 v53, v60;
	v21 =	vperm.xlane v20, v7;
	v22 =	vperm.xlane v19, v7  }
0x1f4: {  	vm11 =	vgt.f32 v24, v17;
	vm1 =	vmand vm9, vm10;
	vm8 =	vmor vm15, vm2  }
0x1f5: {  	vm1 =	vmor vm11, vm1;
	vm12 =	veq.f32 v21, v20;
	vm13 =	vlt.s32 v22, v19  }
0x1f6: {  	v17 =	vsel vm1, v24, v17;
	vm14 =	vgt.f32 v21, v20;
	vm3 =	vmand vm12, vm13  }
0x1f7: {  	v18 =	vsel vm1, v25, v18;
	v59 =	vperm.xlane v17, v8;
	vm3 =	vmor vm14, vm3  }
0x1f8: {  	[tilespmem:$0xD000] =	vst v9;
	v60 =	vperm.xlane v18, v8;
	v20 =	vsel vm3, v21, v20;
	v9 =	vsel vm3, v22, v19  }
0x1f9: {  	[tilespmem:$0xD080] =	vst v10;
	v63 =	vsel vm8, v58, v14;
	v10 =	vperm.xlane v20, v8;
	v61 =	vperm.xlane v9, v8  }
0x1fa: {  	[tilespmem:$0xD100] =	vst v12;
	vm9 =	vgt.f32 v59, v17;
	vm10 =	veq.f32 v59, v17;
	vm11 =	vlt.s32 v60, v18  }
0x1fb: {  	[tilespmem:$0xD180] =	vst v11;
	vm0 =	vmand vm10, vm11;
	vm12 =	veq.f32 v10, v20;
	vm13 =	vlt.s32 v61, v9  }
0x1fc: {  	[tilespmem:$0xD200] =	vst v62;
	vm0 =	vmor vm9, vm0;
	vm14 =	vgt.f32 v10, v20;
	vm1 =	vmand vm12, vm13  }
0x1fd: {  	[tilespmem:$0xD280] =	vst v63;
	v10 =	vsel vm0, v60, v18;
	vm15 =	vmor vm14, vm1  }
0x1fe: {  	[tilespmem:$0xD300] =	vst v10;
	v9 =	vsel vm15, v61, v9  }
.Ltmp8:
0x1ff: {  	[tilespmem:$0xD380] =	vst v9;
	(pc) =	sbr.rel .LBB2_13-.Ltmp8, $4  }
0x200: {  	[hbm4b:s25+s1] =	stream.linear.scatter [tilespmem:s7], [sflag:$0x4], $0x400, $0x38;
	[tilespmem:$0x11C00] =	vst v63  }
0x201: {  	_ =	swait.ge [sflag:s0], $0x400  }
0x202: {  	[sflag:s0] =	ssyncset.done $0x0  }
0x203: {  	[sflag:s0] =	ssyncadd.s32 $0xFFFFFC00  }
.LBB2_14:
0x204: {  	_ =	sfence.sel $0x180000  }
0x205: {  	[bflag:$0x0] =	sbarrier.arrive $0xFFFF  }
0x206: {  	_ =	strace $0x90000047  }
0x207: {  	s0 =	stileid.u32;
	[bflag:$0x2] =	sbarrier.arrive $0xFFFF  }
0x208: {  	p0 =	sne.s32 s0, $0x0;
	s0 =	rddreg [dreg:$0x4]  }
0x209: {  	s0 =	sadd.s32 @!p0 $0x100000, s0  }
0x20a: {  	[sflag:s0] =	ssyncadd.tile.s32 @!p0 $0x1;
	_ =	shalt  }
.Lfunc_end2:
_tile_overlayer_lowered:
.L_overlay_start_2:
0x20b: {  	(tag) =	ssettag $0x2  }
0x20c: {  	s0 =	rddreg [dreg:$0x0];
	s2 =	stileid.u32  }
0x20d: {  	s1 =	rddreg [dreg:$0x1];
	p0 =	sne.s32 s2, $0x0  }
0x20e: {  	s3 =	rddreg [dreg:$0x2];
	[bflag:$0x3] =	sbarrier.arrive $0xFFFF;
	s2 =	simm.s32 @!p0 $0x1C04  }
0x20f: {  	[timem:s3], [sflag:s2] =	dma.local @!p0 [hbm:s0], s1  }
0x210: {  	s0 =	simm.s32 @!p0 $0x4  }
0x211: {  	_ =	swait.ge @!p0 [sflag:s0], s1  }
0x212: {  	s1 =	ssub.s32 @!p0 $0x0, s1;
	[sflag:s0] =	ssyncset.done @!p0 $0x0  }
0x213: {  	[sflag:s0] =	ssyncadd.s32 @!p0 s1  }
0x214: {  	[bflag:$0x3] =	sbarrier.arrive $0xFFFF  }
0x215: {  	_ =	shalt  }

</sc_bundles>
